<compile_context>
chip_gen: v7x
topology: tpu7x:2x2x1
jax: 0.10.2.dev20260603
libtpu: 0.0.44.dev20260713+nightly
codegen_flags: <defaults>
</compile_context>

<pallas_src>
import jax
import jax.numpy as jnp
from jax import lax
from jax.experimental import pallas as pl
from jax.experimental.pallas import tpu as pltpu
from jax.experimental.pallas import tpu_sc as plsc

BATCH = 16384
D = 64
NC = 2
NS = 16
NW = NC * NS
B_PER_W = BATCH // NW
CHUNK = 128
N_CHUNKS = B_PER_W // CHUNK
LANES = 16
GROUPS = CHUNK // LANES
PAIR_ROWS = CHUNK // 2


def _body_small(cat_i, col_i, fab_i,
                cat_t, col_t, fab_t,
                p_out,
                icat, icol, ifab,
                bcat, bcol, bfab,
                pacc, sem):
  w = lax.axis_index("s") * NC + lax.axis_index("c")

  pltpu.sync_copy(cat_i.at[w], icat)
  pltpu.sync_copy(col_i.at[w], icol)
  pltpu.sync_copy(fab_i.at[w], ifab)

  for j in range(N_CHUNKS):
    d1 = pltpu.async_copy(cat_t.at[icat.at[j]], bcat, sem)
    d2 = pltpu.async_copy(col_t.at[icol.at[j]], bcol, sem)
    d3 = pltpu.async_copy(fab_t.at[ifab.at[j]], bfab, sem)
    d1.wait()
    d2.wait()
    d3.wait()

    def pair(p, _):
      for half in range(2):
        i = 2 * p + half
        for c in range(D // LANES):
          s = pl.ds(c * LANES, LANES)
          pacc[p, pl.ds(half * D + c * LANES, LANES)] = (
              bcat[i, s] + bcol[i, s] + bfab[i, s])
      return 0

    lax.fori_loop(0, PAIR_ROWS, pair, 0)
    pbase = pl.multiple_of((w * B_PER_W + j * CHUNK) // 2, PAIR_ROWS)
    pltpu.sync_copy(pacc, p_out.at[pl.ds(pbase, PAIR_ROWS)])


def _body_store(store_i, store_t, p_in, out,
                isto, bsto, pacc, acc, sem):
  w = lax.axis_index("s") * NC + lax.axis_index("c")
  base = pl.multiple_of(w * B_PER_W, B_PER_W)

  pltpu.sync_copy(store_i.at[pl.ds(base, B_PER_W)], isto)

  for j in range(N_CHUNKS):
    def grp(g, _):
      vec = isto[pl.ds(j * CHUNK + g * LANES, LANES)]
      for u in range(LANES):
        pltpu.async_copy(store_t.at[vec[u]], bsto.at[g * LANES + u], sem)
      return 0

    lax.fori_loop(0, GROUPS, grp, 0)
    pbase = pl.multiple_of((base + j * CHUNK) // 2, PAIR_ROWS)
    dp = pltpu.async_copy(p_in.at[pl.ds(pbase, PAIR_ROWS)], pacc, sem)
    dp.wait()
    pltpu.make_async_copy(store_t.at[pl.ds(0, CHUNK)], bsto, sem).wait()

    def pair(p, _):
      for half in range(2):
        i = 2 * p + half
        for c in range(D // LANES):
          s = pl.ds(c * LANES, LANES)
          acc[i, s] = bsto[i, s] + pacc[p, pl.ds(half * D + c * LANES, LANES)]
      return 0

    lax.fori_loop(0, PAIR_ROWS, pair, 0)
    pltpu.sync_copy(acc, out.at[pl.ds(base + j * CHUNK, CHUNK)])


@jax.jit
def kernel(cat, col, fab, store, cat_table, col_table, fab_table, store_table):
  mesh = plsc.VectorSubcoreMesh(core_axis_name="c", subcore_axis_name="s")

  kb = pl.kernel(
      _body_small,
      out_type=jax.ShapeDtypeStruct((BATCH // 2, 2 * D), jnp.float32),
      mesh=mesh,
      compiler_params=pltpu.CompilerParams(use_tc_tiling_on_sc=False),
      scratch_types=[
          pltpu.VMEM((N_CHUNKS, CHUNK), jnp.int32),
          pltpu.VMEM((N_CHUNKS, CHUNK), jnp.int32),
          pltpu.VMEM((N_CHUNKS, CHUNK), jnp.int32),
          pltpu.VMEM((CHUNK, D), jnp.float32),
          pltpu.VMEM((CHUNK, D), jnp.float32),
          pltpu.VMEM((CHUNK, D), jnp.float32),
          pltpu.VMEM((PAIR_ROWS, 2 * D), jnp.float32),
          pltpu.SemaphoreType.DMA,
      ],
  )
  shape3 = (NW, N_CHUNKS, CHUNK)
  p = kb(cat.reshape(shape3), col.reshape(shape3), fab.reshape(shape3),
         cat_table, col_table, fab_table)

  ka = pl.kernel(
      _body_store,
      out_type=jax.ShapeDtypeStruct((BATCH, D), jnp.float32),
      mesh=mesh,
      scratch_types=[
          pltpu.VMEM((B_PER_W,), jnp.int32),
          pltpu.VMEM((CHUNK, D), jnp.float32),
          pltpu.VMEM((PAIR_ROWS, 2 * D), jnp.float32),
          pltpu.VMEM((CHUNK, D), jnp.float32),
          pltpu.SemaphoreType.DMA,
      ],
  )
  return ka(store, store_table, p)

# --- scband reference (transcript-rebuilt; emitter-appended) ---
"""Pipeline reference for scband-attribute-encoder-12953621365260 (READ-ONLY COPY).

The authoritative reference and input builder live on the scoring server;
editing this copy changes nothing except your own understanding.
"""

import jax, jax.numpy as jnp
import numpy as np

BATCH = 16384
EMBED_DIM = 64
NUM_CAT = 1000
NUM_COL = 1000
NUM_FAB = 1000
NUM_STORE = 1000000


def setup_inputs(seed: int = 0) -> dict:
    key = jax.random.key(seed)
    ks = jax.random.split(key, 8)
    cat = jax.random.randint(ks[0], (BATCH,), 0, NUM_CAT, dtype=jnp.int32)
    col = jax.random.randint(ks[1], (BATCH,), 0, NUM_COL, dtype=jnp.int32)
    fab = jax.random.randint(ks[2], (BATCH,), 0, NUM_FAB, dtype=jnp.int32)
    store = jax.random.randint(ks[3], (BATCH,), 0, NUM_STORE, dtype=jnp.int32)
    cat_table = jax.random.normal(ks[4], (NUM_CAT, EMBED_DIM), dtype=jnp.float32)
    col_table = jax.random.normal(ks[5], (NUM_COL, EMBED_DIM), dtype=jnp.float32)
    fab_table = jax.random.normal(ks[6], (NUM_FAB, EMBED_DIM), dtype=jnp.float32)
    store_table = jax.random.normal(ks[7], (NUM_STORE, EMBED_DIM), dtype=jnp.float32)
    return {
        "cat": cat,
        "col": col,
        "fab": fab,
        "store": store,
        "cat_table": cat_table,
        "col_table": col_table,
        "fab_table": fab_table,
        "store_table": store_table,
    }


def reference(cat, col, fab, store, cat_table, col_table, fab_table, store_table):
    # nn.Embedding lookups; dropout is identity in eval/inference mode.
    cat_emb = jnp.take(cat_table, cat, axis=0)
    col_emb = jnp.take(col_table, col, axis=0)
    fab_emb = jnp.take(fab_table, fab, axis=0)
    store_emb = jnp.take(store_table, store, axis=0)
    attribute_embeddings = cat_emb + col_emb + fab_emb + store_emb
    return attribute_embeddings

if __name__ == "__main__":
    import jax
    _d = setup_inputs()
    print(jax.jit(kernel)(*tuple(_d.values())))

</pallas_src>

<mosaic_0001>
#map = affine_map<(d0, d1) -> (0, 0, 0)>
#map1 = affine_map<(d0, d1) -> (0, 0)>
module attributes {stable_mosaic.version = 14 : i64} {
  func.func @_body_small(%arg0: i32, %arg1: i32, %arg2: memref<32x4x128xi32, #tpu.memory_space<hbm>>, %arg3: memref<32x4x128xi32, #tpu.memory_space<hbm>>, %arg4: memref<32x4x128xi32, #tpu.memory_space<hbm>>, %arg5: memref<1000x64xf32, #tpu.memory_space<hbm>>, %arg6: memref<1000x64xf32, #tpu.memory_space<hbm>>, %arg7: memref<1000x64xf32, #tpu.memory_space<hbm>>, %arg8: memref<8192x128xf32, #tpu.memory_space<hbm>>, %arg9: memref<4x128xi32, #tpu.memory_space<vmem>>, %arg10: memref<4x128xi32, #tpu.memory_space<vmem>>, %arg11: memref<4x128xi32, #tpu.memory_space<vmem>>, %arg12: memref<128x64xf32, #tpu.memory_space<vmem>>, %arg13: memref<128x64xf32, #tpu.memory_space<vmem>>, %arg14: memref<128x64xf32, #tpu.memory_space<vmem>>, %arg15: memref<64x128xf32, #tpu.memory_space<vmem>>, %arg16: memref<!tpu.dma_semaphore, #tpu.memory_space<semaphore_mem>>) attributes {dimension_semantics = [#tpu.dimension_semantics<core_parallel>, #tpu.dimension_semantics<subcore_parallel>], iteration_bounds = array<i64: 2, 16>, scalar_prefetch = 0 : i64, scratch_operands = 8 : i64, tpu.core_type = #tpu.core_type<sc_vector_subcore>, window_params = [{transform_indices = #map}, {transform_indices = #map}, {transform_indices = #map}, {transform_indices = #map1}, {transform_indices = #map1}, {transform_indices = #map1}, {transform_indices = #map1}]} {
    %mul3A = arith.constant 2 : i32
    %mul3A_0 = arith.muli %arg1, %mul3A : i32
    %add3A = arith.addi %mul3A_0, %arg0 : i32
    "tpu.region"() ({
      %run_scoped3A = tpu.sem_alloc : memref<!tpu.dma_semaphore, #tpu.memory_space<semaphore_mem>>
      %dma_start3A_301 = arith.constant 0 : i32
      %dma_start3A_302 = arith.constant 0 : i32
      %dma_start3A_303 = tpu.memref_slice %arg2[%add3A, %dma_start3A_301, %dma_start3A_302] : memref<32x4x128xi32, #tpu.memory_space<hbm>> -> memref<1x4x128xi32, #tpu.memory_space<hbm>>
      %dma_start3A_304 = tpu.memref_squeeze %dma_start3A_303 : memref<1x4x128xi32, #tpu.memory_space<hbm>> -> memref<4x128xi32, #tpu.memory_space<hbm>>
      %dma_start3A_305 = arith.constant 0 : i32
      %dma_start3A_306 = arith.constant 0 : i32
      %dma_start3A_307 = tpu.memref_slice %arg2[%add3A, %dma_start3A_305, %dma_start3A_306] : memref<32x4x128xi32, #tpu.memory_space<hbm>> -> memref<1x4x128xi32, #tpu.memory_space<hbm>>
      %dma_start3A_308 = tpu.memref_squeeze %dma_start3A_307 : memref<1x4x128xi32, #tpu.memory_space<hbm>> -> memref<4x128xi32, #tpu.memory_space<hbm>>
      tpu.enqueue_dma source(%dma_start3A_308 : memref<4x128xi32, #tpu.memory_space<hbm>>) target(%arg9 : memref<4x128xi32, #tpu.memory_space<vmem>>) target_semaphore(%run_scoped3A : memref<!tpu.dma_semaphore, #tpu.memory_space<semaphore_mem>>)
      %dma_wait3A_309 = arith.constant 0 : i32
      %dma_wait3A_310 = arith.constant 0 : i32
      %dma_wait3A_311 = tpu.memref_slice %arg2[%add3A, %dma_wait3A_309, %dma_wait3A_310] : memref<32x4x128xi32, #tpu.memory_space<hbm>> -> memref<1x4x128xi32, #tpu.memory_space<hbm>>
      %dma_wait3A_312 = tpu.memref_squeeze %dma_wait3A_311 : memref<1x4x128xi32, #tpu.memory_space<hbm>> -> memref<4x128xi32, #tpu.memory_space<hbm>>
      %dma_wait3A_313 = arith.constant 0 : i32
      %dma_wait3A_314 = arith.constant 0 : i32
      %dma_wait3A_315 = tpu.memref_slice %arg2[%add3A, %dma_wait3A_313, %dma_wait3A_314] : memref<32x4x128xi32, #tpu.memory_space<hbm>> -> memref<1x4x128xi32, #tpu.memory_space<hbm>>
      %dma_wait3A_316 = tpu.memref_squeeze %dma_wait3A_315 : memref<1x4x128xi32, #tpu.memory_space<hbm>> -> memref<4x128xi32, #tpu.memory_space<hbm>>
      tpu.wait_dma2 semaphore(%run_scoped3A : memref<!tpu.dma_semaphore, #tpu.memory_space<semaphore_mem>>) src(%dma_wait3A_316 : memref<4x128xi32, #tpu.memory_space<hbm>>) dst(%arg9 : memref<4x128xi32, #tpu.memory_space<vmem>>)
      tpu.yield
    }) : () -> ()
    "tpu.region"() ({
      %run_scoped3A = tpu.sem_alloc : memref<!tpu.dma_semaphore, #tpu.memory_space<semaphore_mem>>
      %dma_start3A_301 = arith.constant 0 : i32
      %dma_start3A_302 = arith.constant 0 : i32
      %dma_start3A_303 = tpu.memref_slice %arg3[%add3A, %dma_start3A_301, %dma_start3A_302] : memref<32x4x128xi32, #tpu.memory_space<hbm>> -> memref<1x4x128xi32, #tpu.memory_space<hbm>>
      %dma_start3A_304 = tpu.memref_squeeze %dma_start3A_303 : memref<1x4x128xi32, #tpu.memory_space<hbm>> -> memref<4x128xi32, #tpu.memory_space<hbm>>
      %dma_start3A_305 = arith.constant 0 : i32
      %dma_start3A_306 = arith.constant 0 : i32
      %dma_start3A_307 = tpu.memref_slice %arg3[%add3A, %dma_start3A_305, %dma_start3A_306] : memref<32x4x128xi32, #tpu.memory_space<hbm>> -> memref<1x4x128xi32, #tpu.memory_space<hbm>>
      %dma_start3A_308 = tpu.memref_squeeze %dma_start3A_307 : memref<1x4x128xi32, #tpu.memory_space<hbm>> -> memref<4x128xi32, #tpu.memory_space<hbm>>
      tpu.enqueue_dma source(%dma_start3A_308 : memref<4x128xi32, #tpu.memory_space<hbm>>) target(%arg10 : memref<4x128xi32, #tpu.memory_space<vmem>>) target_semaphore(%run_scoped3A : memref<!tpu.dma_semaphore, #tpu.memory_space<semaphore_mem>>)
      %dma_wait3A_309 = arith.constant 0 : i32
      %dma_wait3A_310 = arith.constant 0 : i32
      %dma_wait3A_311 = tpu.memref_slice %arg3[%add3A, %dma_wait3A_309, %dma_wait3A_310] : memref<32x4x128xi32, #tpu.memory_space<hbm>> -> memref<1x4x128xi32, #tpu.memory_space<hbm>>
      %dma_wait3A_312 = tpu.memref_squeeze %dma_wait3A_311 : memref<1x4x128xi32, #tpu.memory_space<hbm>> -> memref<4x128xi32, #tpu.memory_space<hbm>>
      %dma_wait3A_313 = arith.constant 0 : i32
      %dma_wait3A_314 = arith.constant 0 : i32
      %dma_wait3A_315 = tpu.memref_slice %arg3[%add3A, %dma_wait3A_313, %dma_wait3A_314] : memref<32x4x128xi32, #tpu.memory_space<hbm>> -> memref<1x4x128xi32, #tpu.memory_space<hbm>>
      %dma_wait3A_316 = tpu.memref_squeeze %dma_wait3A_315 : memref<1x4x128xi32, #tpu.memory_space<hbm>> -> memref<4x128xi32, #tpu.memory_space<hbm>>
      tpu.wait_dma2 semaphore(%run_scoped3A : memref<!tpu.dma_semaphore, #tpu.memory_space<semaphore_mem>>) src(%dma_wait3A_316 : memref<4x128xi32, #tpu.memory_space<hbm>>) dst(%arg10 : memref<4x128xi32, #tpu.memory_space<vmem>>)
      tpu.yield
    }) : () -> ()
    "tpu.region"() ({
      %run_scoped3A = tpu.sem_alloc : memref<!tpu.dma_semaphore, #tpu.memory_space<semaphore_mem>>
      %dma_start3A_301 = arith.constant 0 : i32
      %dma_start3A_302 = arith.constant 0 : i32
      %dma_start3A_303 = tpu.memref_slice %arg4[%add3A, %dma_start3A_301, %dma_start3A_302] : memref<32x4x128xi32, #tpu.memory_space<hbm>> -> memref<1x4x128xi32, #tpu.memory_space<hbm>>
      %dma_start3A_304 = tpu.memref_squeeze %dma_start3A_303 : memref<1x4x128xi32, #tpu.memory_space<hbm>> -> memref<4x128xi32, #tpu.memory_space<hbm>>
      %dma_start3A_305 = arith.constant 0 : i32
      %dma_start3A_306 = arith.constant 0 : i32
      %dma_start3A_307 = tpu.memref_slice %arg4[%add3A, %dma_start3A_305, %dma_start3A_306] : memref<32x4x128xi32, #tpu.memory_space<hbm>> -> memref<1x4x128xi32, #tpu.memory_space<hbm>>
      %dma_start3A_308 = tpu.memref_squeeze %dma_start3A_307 : memref<1x4x128xi32, #tpu.memory_space<hbm>> -> memref<4x128xi32, #tpu.memory_space<hbm>>
      tpu.enqueue_dma source(%dma_start3A_308 : memref<4x128xi32, #tpu.memory_space<hbm>>) target(%arg11 : memref<4x128xi32, #tpu.memory_space<vmem>>) target_semaphore(%run_scoped3A : memref<!tpu.dma_semaphore, #tpu.memory_space<semaphore_mem>>)
      %dma_wait3A_309 = arith.constant 0 : i32
      %dma_wait3A_310 = arith.constant 0 : i32
      %dma_wait3A_311 = tpu.memref_slice %arg4[%add3A, %dma_wait3A_309, %dma_wait3A_310] : memref<32x4x128xi32, #tpu.memory_space<hbm>> -> memref<1x4x128xi32, #tpu.memory_space<hbm>>
      %dma_wait3A_312 = tpu.memref_squeeze %dma_wait3A_311 : memref<1x4x128xi32, #tpu.memory_space<hbm>> -> memref<4x128xi32, #tpu.memory_space<hbm>>
      %dma_wait3A_313 = arith.constant 0 : i32
      %dma_wait3A_314 = arith.constant 0 : i32
      %dma_wait3A_315 = tpu.memref_slice %arg4[%add3A, %dma_wait3A_313, %dma_wait3A_314] : memref<32x4x128xi32, #tpu.memory_space<hbm>> -> memref<1x4x128xi32, #tpu.memory_space<hbm>>
      %dma_wait3A_316 = tpu.memref_squeeze %dma_wait3A_315 : memref<1x4x128xi32, #tpu.memory_space<hbm>> -> memref<4x128xi32, #tpu.memory_space<hbm>>
      tpu.wait_dma2 semaphore(%run_scoped3A : memref<!tpu.dma_semaphore, #tpu.memory_space<semaphore_mem>>) src(%dma_wait3A_316 : memref<4x128xi32, #tpu.memory_space<hbm>>) dst(%arg11 : memref<4x128xi32, #tpu.memory_space<vmem>>)
      tpu.yield
    }) : () -> ()
    %dma_start3A = arith.constant 0 : i32
    %dma_start3A_1 = arith.constant 0 : i32
    %dma_start3A_2 = tpu.memref_slice %arg9[%dma_start3A, %dma_start3A_1] : memref<4x128xi32, #tpu.memory_space<vmem>> -> memref<1x128xi32, #tpu.memory_space<vmem>>
    %dma_start3A_3 = tpu.memref_squeeze %dma_start3A_2 : memref<1x128xi32, #tpu.memory_space<vmem>> -> memref<128xi32, #tpu.memory_space<vmem>>
    %dma_start3A_4 = arith.constant 0 : i32
    %dma_start3A_5 = arith.constant 0 : i32
    %dma_start3A_6 = tpu.memref_slice %arg5[%dma_start3A_4, %dma_start3A_5] : memref<1000x64xf32, #tpu.memory_space<hbm>> -> memref<1000x64xf32, #tpu.memory_space<hbm>>
    tpu.enqueue_indirect_dma source(%dma_start3A_6 : memref<1000x64xf32, #tpu.memory_space<hbm>>) target(%arg12 : memref<128x64xf32, #tpu.memory_space<vmem>>) offsets(%dma_start3A_3 : memref<128xi32, #tpu.memory_space<vmem>>) semaphore(%arg16 : memref<!tpu.dma_semaphore, #tpu.memory_space<semaphore_mem>>)
    %dma_start3A_7 = arith.constant 0 : i32
    %dma_start3A_8 = arith.constant 0 : i32
    %dma_start3A_9 = tpu.memref_slice %arg10[%dma_start3A_7, %dma_start3A_8] : memref<4x128xi32, #tpu.memory_space<vmem>> -> memref<1x128xi32, #tpu.memory_space<vmem>>
    %dma_start3A_10 = tpu.memref_squeeze %dma_start3A_9 : memref<1x128xi32, #tpu.memory_space<vmem>> -> memref<128xi32, #tpu.memory_space<vmem>>
    %dma_start3A_11 = arith.constant 0 : i32
    %dma_start3A_12 = arith.constant 0 : i32
    %dma_start3A_13 = tpu.memref_slice %arg6[%dma_start3A_11, %dma_start3A_12] : memref<1000x64xf32, #tpu.memory_space<hbm>> -> memref<1000x64xf32, #tpu.memory_space<hbm>>
    tpu.enqueue_indirect_dma source(%dma_start3A_13 : memref<1000x64xf32, #tpu.memory_space<hbm>>) target(%arg13 : memref<128x64xf32, #tpu.memory_space<vmem>>) offsets(%dma_start3A_10 : memref<128xi32, #tpu.memory_space<vmem>>) semaphore(%arg16 : memref<!tpu.dma_semaphore, #tpu.memory_space<semaphore_mem>>)
    %dma_start3A_14 = arith.constant 0 : i32
    %dma_start3A_15 = arith.constant 0 : i32
    %dma_start3A_16 = tpu.memref_slice %arg11[%dma_start3A_14, %dma_start3A_15] : memref<4x128xi32, #tpu.memory_space<vmem>> -> memref<1x128xi32, #tpu.memory_space<vmem>>
    %dma_start3A_17 = tpu.memref_squeeze %dma_start3A_16 : memref<1x128xi32, #tpu.memory_space<vmem>> -> memref<128xi32, #tpu.memory_space<vmem>>
    %dma_start3A_18 = arith.constant 0 : i32
    %dma_start3A_19 = arith.constant 0 : i32
    %dma_start3A_20 = tpu.memref_slice %arg7[%dma_start3A_18, %dma_start3A_19] : memref<1000x64xf32, #tpu.memory_space<hbm>> -> memref<1000x64xf32, #tpu.memory_space<hbm>>
    tpu.enqueue_indirect_dma source(%dma_start3A_20 : memref<1000x64xf32, #tpu.memory_space<hbm>>) target(%arg14 : memref<128x64xf32, #tpu.memory_space<vmem>>) offsets(%dma_start3A_17 : memref<128xi32, #tpu.memory_space<vmem>>) semaphore(%arg16 : memref<!tpu.dma_semaphore, #tpu.memory_space<semaphore_mem>>)
    %dma_wait3A = arith.constant 0 : i32
    %dma_wait3A_21 = arith.constant 0 : i32
    %dma_wait3A_22 = tpu.memref_slice %arg9[%dma_wait3A, %dma_wait3A_21] : memref<4x128xi32, #tpu.memory_space<vmem>> -> memref<1x128xi32, #tpu.memory_space<vmem>>
    %dma_wait3A_23 = tpu.memref_squeeze %dma_wait3A_22 : memref<1x128xi32, #tpu.memory_space<vmem>> -> memref<128xi32, #tpu.memory_space<vmem>>
    %dma_wait3A_24 = arith.constant 0 : i32
    %dma_wait3A_25 = arith.constant 0 : i32
    %dma_wait3A_26 = tpu.memref_slice %arg5[%dma_wait3A_24, %dma_wait3A_25] : memref<1000x64xf32, #tpu.memory_space<hbm>> -> memref<1000x64xf32, #tpu.memory_space<hbm>>
    tpu.wait_indirect_dma semaphore(%arg16 : memref<!tpu.dma_semaphore, #tpu.memory_space<semaphore_mem>>) src(%dma_wait3A_26 : memref<1000x64xf32, #tpu.memory_space<hbm>>) dst(%arg12 : memref<128x64xf32, #tpu.memory_space<vmem>>)
    %dma_wait3A_27 = arith.constant 0 : i32
    %dma_wait3A_28 = arith.constant 0 : i32
    %dma_wait3A_29 = tpu.memref_slice %arg10[%dma_wait3A_27, %dma_wait3A_28] : memref<4x128xi32, #tpu.memory_space<vmem>> -> memref<1x128xi32, #tpu.memory_space<vmem>>
    %dma_wait3A_30 = tpu.memref_squeeze %dma_wait3A_29 : memref<1x128xi32, #tpu.memory_space<vmem>> -> memref<128xi32, #tpu.memory_space<vmem>>
    %dma_wait3A_31 = arith.constant 0 : i32
    %dma_wait3A_32 = arith.constant 0 : i32
    %dma_wait3A_33 = tpu.memref_slice %arg6[%dma_wait3A_31, %dma_wait3A_32] : memref<1000x64xf32, #tpu.memory_space<hbm>> -> memref<1000x64xf32, #tpu.memory_space<hbm>>
    tpu.wait_indirect_dma semaphore(%arg16 : memref<!tpu.dma_semaphore, #tpu.memory_space<semaphore_mem>>) src(%dma_wait3A_33 : memref<1000x64xf32, #tpu.memory_space<hbm>>) dst(%arg13 : memref<128x64xf32, #tpu.memory_space<vmem>>)
    %dma_wait3A_34 = arith.constant 0 : i32
    %dma_wait3A_35 = arith.constant 0 : i32
    %dma_wait3A_36 = tpu.memref_slice %arg11[%dma_wait3A_34, %dma_wait3A_35] : memref<4x128xi32, #tpu.memory_space<vmem>> -> memref<1x128xi32, #tpu.memory_space<vmem>>
    %dma_wait3A_37 = tpu.memref_squeeze %dma_wait3A_36 : memref<1x128xi32, #tpu.memory_space<vmem>> -> memref<128xi32, #tpu.memory_space<vmem>>
    %dma_wait3A_38 = arith.constant 0 : i32
    %dma_wait3A_39 = arith.constant 0 : i32
    %dma_wait3A_40 = tpu.memref_slice %arg7[%dma_wait3A_38, %dma_wait3A_39] : memref<1000x64xf32, #tpu.memory_space<hbm>> -> memref<1000x64xf32, #tpu.memory_space<hbm>>
    tpu.wait_indirect_dma semaphore(%arg16 : memref<!tpu.dma_semaphore, #tpu.memory_space<semaphore_mem>>) src(%dma_wait3A_40 : memref<1000x64xf32, #tpu.memory_space<hbm>>) dst(%arg14 : memref<128x64xf32, #tpu.memory_space<vmem>>)
    %scan3A = arith.constant 0 : i32
    %scan3A_41 = arith.constant 0 : i32
    %scan3A_42 = arith.constant 64 : i32
    %scan3A_43 = arith.addi %scan3A_41, %scan3A_42 : i32
    %scan3A_44 = arith.constant 1 : i32
    %scan3A_45 = scf.for %scan3A_301 = %scan3A_41 to %scan3A_43 step %scan3A_44 iter_args(%scan3A_302 = %scan3A) -> (i32)  : i32 {
      %mul3A_303 = arith.constant 2 : i32
      %mul3A_304 = arith.muli %mul3A_303, %scan3A_301 : i32
      %add3A_305 = arith.constant 0 : i32
      %add3A_306 = arith.addi %mul3A_304, %add3A_305 : i32
      %get3A = arith.index_cast %add3A_306 : i32 to index
      %get3A_307 = arith.constant 0 : index
      %get3A_308 = tpu.vector_load %arg12[%get3A, %get3A_307] {strides = array<i32>} : memref<128x64xf32, #tpu.memory_space<vmem>>, vector<1x16xf32>,
      %get3A_309 = vector.shape_cast %get3A_308 : vector<1x16xf32> to vector<16xf32>
      %get3A_310 = arith.index_cast %add3A_306 : i32 to index
      %get3A_311 = arith.constant 0 : index
      %get3A_312 = tpu.vector_load %arg13[%get3A_310, %get3A_311] {strides = array<i32>} : memref<128x64xf32, #tpu.memory_space<vmem>>, vector<1x16xf32>,
      %get3A_313 = vector.shape_cast %get3A_312 : vector<1x16xf32> to vector<16xf32>
      %add3A_314 = arith.addf %get3A_309, %get3A_313 : vector<16xf32>
      %get3A_315 = arith.index_cast %add3A_306 : i32 to index
      %get3A_316 = arith.constant 0 : index
      %get3A_317 = tpu.vector_load %arg14[%get3A_315, %get3A_316] {strides = array<i32>} : memref<128x64xf32, #tpu.memory_space<vmem>>, vector<1x16xf32>,
      %get3A_318 = vector.shape_cast %get3A_317 : vector<1x16xf32> to vector<16xf32>
      %add3A_319 = arith.addf %add3A_314, %get3A_318 : vector<16xf32>
      %swap3A = arith.index_cast %scan3A_301 : i32 to index
      %swap3A_320 = arith.constant 0 : index
      %swap3A_321 = tpu.vector_load %arg15[%swap3A, %swap3A_320] {strides = array<i32>} : memref<64x128xf32, #tpu.memory_space<vmem>>, vector<1x16xf32>,
      %swap3A_322 = vector.shape_cast %swap3A_321 : vector<1x16xf32> to vector<16xf32>
      %swap3A_323 = vector.shape_cast %add3A_319 : vector<16xf32> to vector<1x16xf32>
      tpu.vector_store %arg15[%swap3A, %swap3A_320], %swap3A_323 {strides = array<i32>} : memref<64x128xf32, #tpu.memory_space<vmem>>, vector<1x16xf32>,
      %get3A_324 = arith.index_cast %add3A_306 : i32 to index
      %get3A_325 = arith.constant 16 : index
      %get3A_326 = tpu.vector_load %arg12[%get3A_324, %get3A_325] {strides = array<i32>} : memref<128x64xf32, #tpu.memory_space<vmem>>, vector<1x16xf32>,
      %get3A_327 = vector.shape_cast %get3A_326 : vector<1x16xf32> to vector<16xf32>
      %get3A_328 = arith.index_cast %add3A_306 : i32 to index
      %get3A_329 = arith.constant 16 : index
      %get3A_330 = tpu.vector_load %arg13[%get3A_328, %get3A_329] {strides = array<i32>} : memref<128x64xf32, #tpu.memory_space<vmem>>, vector<1x16xf32>,
      %get3A_331 = vector.shape_cast %get3A_330 : vector<1x16xf32> to vector<16xf32>
      %add3A_332 = arith.addf %get3A_327, %get3A_331 : vector<16xf32>
      %get3A_333 = arith.index_cast %add3A_306 : i32 to index
      %get3A_334 = arith.constant 16 : index
      %get3A_335 = tpu.vector_load %arg14[%get3A_333, %get3A_334] {strides = array<i32>} : memref<128x64xf32, #tpu.memory_space<vmem>>, vector<1x16xf32>,
      %get3A_336 = vector.shape_cast %get3A_335 : vector<1x16xf32> to vector<16xf32>
      %add3A_337 = arith.addf %add3A_332, %get3A_336 : vector<16xf32>
      %swap3A_338 = arith.index_cast %scan3A_301 : i32 to index
      %swap3A_339 = arith.constant 16 : index
      %swap3A_340 = tpu.vector_load %arg15[%swap3A_338, %swap3A_339] {strides = array<i32>} : memref<64x128xf32, #tpu.memory_space<vmem>>, vector<1x16xf32>,
      %swap3A_341 = vector.shape_cast %swap3A_340 : vector<1x16xf32> to vector<16xf32>
      %swap3A_342 = vector.shape_cast %add3A_337 : vector<16xf32> to vector<1x16xf32>
      tpu.vector_store %arg15[%swap3A_338, %swap3A_339], %swap3A_342 {strides = array<i32>} : memref<64x128xf32, #tpu.memory_space<vmem>>, vector<1x16xf32>,
      %get3A_343 = arith.index_cast %add3A_306 : i32 to index
      %get3A_344 = arith.constant 32 : index
      %get3A_345 = tpu.vector_load %arg12[%get3A_343, %get3A_344] {strides = array<i32>} : memref<128x64xf32, #tpu.memory_space<vmem>>, vector<1x16xf32>,
      %get3A_346 = vector.shape_cast %get3A_345 : vector<1x16xf32> to vector<16xf32>
      %get3A_347 = arith.index_cast %add3A_306 : i32 to index
      %get3A_348 = arith.constant 32 : index
      %get3A_349 = tpu.vector_load %arg13[%get3A_347, %get3A_348] {strides = array<i32>} : memref<128x64xf32, #tpu.memory_space<vmem>>, vector<1x16xf32>,
      %get3A_350 = vector.shape_cast %get3A_349 : vector<1x16xf32> to vector<16xf32>
      %add3A_351 = arith.addf %get3A_346, %get3A_350 : vector<16xf32>
      %get3A_352 = arith.index_cast %add3A_306 : i32 to index
      %get3A_353 = arith.constant 32 : index
      %get3A_354 = tpu.vector_load %arg14[%get3A_352, %get3A_353] {strides = array<i32>} : memref<128x64xf32, #tpu.memory_space<vmem>>, vector<1x16xf32>,
      %get3A_355 = vector.shape_cast %get3A_354 : vector<1x16xf32> to vector<16xf32>
      %add3A_356 = arith.addf %add3A_351, %get3A_355 : vector<16xf32>
      %swap3A_357 = arith.index_cast %scan3A_301 : i32 to index
      %swap3A_358 = arith.constant 32 : index
      %swap3A_359 = tpu.vector_load %arg15[%swap3A_357, %swap3A_358] {strides = array<i32>} : memref<64x128xf32, #tpu.memory_space<vmem>>, vector<1x16xf32>,
      %swap3A_360 = vector.shape_cast %swap3A_359 : vector<1x16xf32> to vector<16xf32>
      %swap3A_361 = vector.shape_cast %add3A_356 : vector<16xf32> to vector<1x16xf32>
      tpu.vector_store %arg15[%swap3A_357, %swap3A_358], %swap3A_361 {strides = array<i32>} : memref<64x128xf32, #tpu.memory_space<vmem>>, vector<1x16xf32>,
      %get3A_362 = arith.index_cast %add3A_306 : i32 to index
      %get3A_363 = arith.constant 48 : index
      %get3A_364 = tpu.vector_load %arg12[%get3A_362, %get3A_363] {strides = array<i32>} : memref<128x64xf32, #tpu.memory_space<vmem>>, vector<1x16xf32>,
      %get3A_365 = vector.shape_cast %get3A_364 : vector<1x16xf32> to vector<16xf32>
      %get3A_366 = arith.index_cast %add3A_306 : i32 to index
      %get3A_367 = arith.constant 48 : index
      %get3A_368 = tpu.vector_load %arg13[%get3A_366, %get3A_367] {strides = array<i32>} : memref<128x64xf32, #tpu.memory_space<vmem>>, vector<1x16xf32>,
      %get3A_369 = vector.shape_cast %get3A_368 : vector<1x16xf32> to vector<16xf32>
      %add3A_370 = arith.addf %get3A_365, %get3A_369 : vector<16xf32>
      %get3A_371 = arith.index_cast %add3A_306 : i32 to index
      %get3A_372 = arith.constant 48 : index
      %get3A_373 = tpu.vector_load %arg14[%get3A_371, %get3A_372] {strides = array<i32>} : memref<128x64xf32, #tpu.memory_space<vmem>>, vector<1x16xf32>,
      %get3A_374 = vector.shape_cast %get3A_373 : vector<1x16xf32> to vector<16xf32>
      %add3A_375 = arith.addf %add3A_370, %get3A_374 : vector<16xf32>
      %swap3A_376 = arith.index_cast %scan3A_301 : i32 to index
      %swap3A_377 = arith.constant 48 : index
      %swap3A_378 = tpu.vector_load %arg15[%swap3A_376, %swap3A_377] {strides = array<i32>} : memref<64x128xf32, #tpu.memory_space<vmem>>, vector<1x16xf32>,
      %swap3A_379 = vector.shape_cast %swap3A_378 : vector<1x16xf32> to vector<16xf32>
      %swap3A_380 = vector.shape_cast %add3A_375 : vector<16xf32> to vector<1x16xf32>
      tpu.vector_store %arg15[%swap3A_376, %swap3A_377], %swap3A_380 {strides = array<i32>} : memref<64x128xf32, #tpu.memory_space<vmem>>, vector<1x16xf32>,
      %mul3A_381 = arith.constant 2 : i32
      %mul3A_382 = arith.muli %mul3A_381, %scan3A_301 : i32
      %add3A_383 = arith.constant 1 : i32
      %add3A_384 = arith.addi %mul3A_382, %add3A_383 : i32
      %get3A_385 = arith.index_cast %add3A_384 : i32 to index
      %get3A_386 = arith.constant 0 : index
      %get3A_387 = tpu.vector_load %arg12[%get3A_385, %get3A_386] {strides = array<i32>} : memref<128x64xf32, #tpu.memory_space<vmem>>, vector<1x16xf32>,
      %get3A_388 = vector.shape_cast %get3A_387 : vector<1x16xf32> to vector<16xf32>
      %get3A_389 = arith.index_cast %add3A_384 : i32 to index
      %get3A_390 = arith.constant 0 : index
      %get3A_391 = tpu.vector_load %arg13[%get3A_389, %get3A_390] {strides = array<i32>} : memref<128x64xf32, #tpu.memory_space<vmem>>, vector<1x16xf32>,
      %get3A_392 = vector.shape_cast %get3A_391 : vector<1x16xf32> to vector<16xf32>
      %add3A_393 = arith.addf %get3A_388, %get3A_392 : vector<16xf32>
      %get3A_394 = arith.index_cast %add3A_384 : i32 to index
      %get3A_395 = arith.constant 0 : index
      %get3A_396 = tpu.vector_load %arg14[%get3A_394, %get3A_395] {strides = array<i32>} : memref<128x64xf32, #tpu.memory_space<vmem>>, vector<1x16xf32>,
      %get3A_397 = vector.shape_cast %get3A_396 : vector<1x16xf32> to vector<16xf32>
      %add3A_398 = arith.addf %add3A_393, %get3A_397 : vector<16xf32>
      %swap3A_399 = arith.index_cast %scan3A_301 : i32 to index
      %swap3A_400 = arith.constant 64 : index
      %swap3A_401 = tpu.vector_load %arg15[%swap3A_399, %swap3A_400] {strides = array<i32>} : memref<64x128xf32, #tpu.memory_space<vmem>>, vector<1x16xf32>,
      %swap3A_402 = vector.shape_cast %swap3A_401 : vector<1x16xf32> to vector<16xf32>
      %swap3A_403 = vector.shape_cast %add3A_398 : vector<16xf32> to vector<1x16xf32>
      tpu.vector_store %arg15[%swap3A_399, %swap3A_400], %swap3A_403 {strides = array<i32>} : memref<64x128xf32, #tpu.memory_space<vmem>>, vector<1x16xf32>,
      %get3A_404 = arith.index_cast %add3A_384 : i32 to index
      %get3A_405 = arith.constant 16 : index
      %get3A_406 = tpu.vector_load %arg12[%get3A_404, %get3A_405] {strides = array<i32>} : memref<128x64xf32, #tpu.memory_space<vmem>>, vector<1x16xf32>,
      %get3A_407 = vector.shape_cast %get3A_406 : vector<1x16xf32> to vector<16xf32>
      %get3A_408 = arith.index_cast %add3A_384 : i32 to index
      %get3A_409 = arith.constant 16 : index
      %get3A_410 = tpu.vector_load %arg13[%get3A_408, %get3A_409] {strides = array<i32>} : memref<128x64xf32, #tpu.memory_space<vmem>>, vector<1x16xf32>,
      %get3A_411 = vector.shape_cast %get3A_410 : vector<1x16xf32> to vector<16xf32>
      %add3A_412 = arith.addf %get3A_407, %get3A_411 : vector<16xf32>
      %get3A_413 = arith.index_cast %add3A_384 : i32 to index
      %get3A_414 = arith.constant 16 : index
      %get3A_415 = tpu.vector_load %arg14[%get3A_413, %get3A_414] {strides = array<i32>} : memref<128x64xf32, #tpu.memory_space<vmem>>, vector<1x16xf32>,
      %get3A_416 = vector.shape_cast %get3A_415 : vector<1x16xf32> to vector<16xf32>
      %add3A_417 = arith.addf %add3A_412, %get3A_416 : vector<16xf32>
      %swap3A_418 = arith.index_cast %scan3A_301 : i32 to index
      %swap3A_419 = arith.constant 80 : index
      %swap3A_420 = tpu.vector_load %arg15[%swap3A_418, %swap3A_419] {strides = array<i32>} : memref<64x128xf32, #tpu.memory_space<vmem>>, vector<1x16xf32>,
      %swap3A_421 = vector.shape_cast %swap3A_420 : vector<1x16xf32> to vector<16xf32>
      %swap3A_422 = vector.shape_cast %add3A_417 : vector<16xf32> to vector<1x16xf32>
      tpu.vector_store %arg15[%swap3A_418, %swap3A_419], %swap3A_422 {strides = array<i32>} : memref<64x128xf32, #tpu.memory_space<vmem>>, vector<1x16xf32>,
      %get3A_423 = arith.index_cast %add3A_384 : i32 to index
      %get3A_424 = arith.constant 32 : index
      %get3A_425 = tpu.vector_load %arg12[%get3A_423, %get3A_424] {strides = array<i32>} : memref<128x64xf32, #tpu.memory_space<vmem>>, vector<1x16xf32>,
      %get3A_426 = vector.shape_cast %get3A_425 : vector<1x16xf32> to vector<16xf32>
      %get3A_427 = arith.index_cast %add3A_384 : i32 to index
      %get3A_428 = arith.constant 32 : index
      %get3A_429 = tpu.vector_load %arg13[%get3A_427, %get3A_428] {strides = array<i32>} : memref<128x64xf32, #tpu.memory_space<vmem>>, vector<1x16xf32>,
      %get3A_430 = vector.shape_cast %get3A_429 : vector<1x16xf32> to vector<16xf32>
      %add3A_431 = arith.addf %get3A_426, %get3A_430 : vector<16xf32>
      %get3A_432 = arith.index_cast %add3A_384 : i32 to index
      %get3A_433 = arith.constant 32 : index
      %get3A_434 = tpu.vector_load %arg14[%get3A_432, %get3A_433] {strides = array<i32>} : memref<128x64xf32, #tpu.memory_space<vmem>>, vector<1x16xf32>,
      %get3A_435 = vector.shape_cast %get3A_434 : vector<1x16xf32> to vector<16xf32>
      %add3A_436 = arith.addf %add3A_431, %get3A_435 : vector<16xf32>
      %swap3A_437 = arith.index_cast %scan3A_301 : i32 to index
      %swap3A_438 = arith.constant 96 : index
      %swap3A_439 = tpu.vector_load %arg15[%swap3A_437, %swap3A_438] {strides = array<i32>} : memref<64x128xf32, #tpu.memory_space<vmem>>, vector<1x16xf32>,
      %swap3A_440 = vector.shape_cast %swap3A_439 : vector<1x16xf32> to vector<16xf32>
      %swap3A_441 = vector.shape_cast %add3A_436 : vector<16xf32> to vector<1x16xf32>
      tpu.vector_store %arg15[%swap3A_437, %swap3A_438], %swap3A_441 {strides = array<i32>} : memref<64x128xf32, #tpu.memory_space<vmem>>, vector<1x16xf32>,
      %get3A_442 = arith.index_cast %add3A_384 : i32 to index
      %get3A_443 = arith.constant 48 : index
      %get3A_444 = tpu.vector_load %arg12[%get3A_442, %get3A_443] {strides = array<i32>} : memref<128x64xf32, #tpu.memory_space<vmem>>, vector<1x16xf32>,
      %get3A_445 = vector.shape_cast %get3A_444 : vector<1x16xf32> to vector<16xf32>
      %get3A_446 = arith.index_cast %add3A_384 : i32 to index
      %get3A_447 = arith.constant 48 : index
      %get3A_448 = tpu.vector_load %arg13[%get3A_446, %get3A_447] {strides = array<i32>} : memref<128x64xf32, #tpu.memory_space<vmem>>, vector<1x16xf32>,
      %get3A_449 = vector.shape_cast %get3A_448 : vector<1x16xf32> to vector<16xf32>
      %add3A_450 = arith.addf %get3A_445, %get3A_449 : vector<16xf32>
      %get3A_451 = arith.index_cast %add3A_384 : i32 to index
      %get3A_452 = arith.constant 48 : index
      %get3A_453 = tpu.vector_load %arg14[%get3A_451, %get3A_452] {strides = array<i32>} : memref<128x64xf32, #tpu.memory_space<vmem>>, vector<1x16xf32>,
      %get3A_454 = vector.shape_cast %get3A_453 : vector<1x16xf32> to vector<16xf32>
      %add3A_455 = arith.addf %add3A_450, %get3A_454 : vector<16xf32>
      %swap3A_456 = arith.index_cast %scan3A_301 : i32 to index
      %swap3A_457 = arith.constant 112 : index
      %swap3A_458 = tpu.vector_load %arg15[%swap3A_456, %swap3A_457] {strides = array<i32>} : memref<64x128xf32, #tpu.memory_space<vmem>>, vector<1x16xf32>,
      %swap3A_459 = vector.shape_cast %swap3A_458 : vector<1x16xf32> to vector<16xf32>
      %swap3A_460 = vector.shape_cast %add3A_455 : vector<16xf32> to vector<1x16xf32>
      tpu.vector_store %arg15[%swap3A_456, %swap3A_457], %swap3A_460 {strides = array<i32>} : memref<64x128xf32, #tpu.memory_space<vmem>>, vector<1x16xf32>,
      %scan3A_461 = arith.constant 0 : i32
      scf.yield %scan3A_461 : i32
    }
    %scan3A_46 = arith.constant 64 : i32
    %mul3A_47 = arith.constant 512 : i32
    %mul3A_48 = arith.muli %add3A, %mul3A_47 : i32
    %add3A_49 = arith.constant 0 : i32
    %add3A_50 = arith.addi %mul3A_48, %add3A_49 : i32
    %jit3A = arith.constant 2 : i32
    %div3A = arith.divsi %add3A_50, %jit3A : i32
    %sign3A = arith.constant 0 : i32
    %sign3A_51 = arith.cmpi sgt, %add3A_50, %sign3A : i32
    %sign3A_52 = arith.extui %sign3A_51 : i1 to i32
    %sign3A_53 = arith.constant 0 : i32
    %sign3A_54 = arith.cmpi slt, %add3A_50, %sign3A_53 : i32
    %sign3A_55 = arith.extui %sign3A_54 : i1 to i32
    %sign3A_56 = arith.subi %sign3A_52, %sign3A_55 : i32
    %sign3A_57 = arith.constant 0 : i32
    %sign3A_58 = arith.cmpi sgt, %jit3A, %sign3A_57 : i32
    %sign3A_59 = arith.extui %sign3A_58 : i1 to i32
    %sign3A_60 = arith.constant 0 : i32
    %sign3A_61 = arith.cmpi slt, %jit3A, %sign3A_60 : i32
    %sign3A_62 = arith.extui %sign3A_61 : i1 to i32
    %sign3A_63 = arith.subi %sign3A_59, %sign3A_62 : i32
    %ne3A = arith.cmpi ne, %sign3A_56, %sign3A_63 : i32
    %rem3A = arith.remsi %add3A_50, %jit3A : i32
    %ne3A_64 = arith.constant 0 : i32
    %ne3A_65 = arith.cmpi ne, %rem3A, %ne3A_64 : i32
    %and3A = arith.andi %ne3A, %ne3A_65 : i1
    %sub3A = arith.constant 1 : i32
    %sub3A_66 = arith.subi %div3A, %sub3A : i32
    %select_n3A = arith.select %and3A, %sub3A_66, %div3A : i32
    %multiple_of3A = tpu.assume_multiple %select_n3A, 64 : i32
    "tpu.region"() ({
      %run_scoped3A = tpu.sem_alloc : memref<!tpu.dma_semaphore, #tpu.memory_space<semaphore_mem>>
      %dma_start3A_301 = arith.constant 0 : i32
      %dma_start3A_302 = tpu.memref_slice %arg8[%multiple_of3A, %dma_start3A_301] : memref<8192x128xf32, #tpu.memory_space<hbm>> -> memref<64x128xf32, #tpu.memory_space<hbm>>
      %dma_start3A_303 = arith.constant 0 : i32
      %dma_start3A_304 = tpu.memref_slice %arg8[%multiple_of3A, %dma_start3A_303] : memref<8192x128xf32, #tpu.memory_space<hbm>> -> memref<64x128xf32, #tpu.memory_space<hbm>>
      tpu.enqueue_dma source(%arg15 : memref<64x128xf32, #tpu.memory_space<vmem>>) target(%dma_start3A_304 : memref<64x128xf32, #tpu.memory_space<hbm>>) target_semaphore(%run_scoped3A : memref<!tpu.dma_semaphore, #tpu.memory_space<semaphore_mem>>)
      %dma_wait3A_305 = arith.constant 0 : i32
      %dma_wait3A_306 = tpu.memref_slice %arg8[%multiple_of3A, %dma_wait3A_305] : memref<8192x128xf32, #tpu.memory_space<hbm>> -> memref<64x128xf32, #tpu.memory_space<hbm>>
      %dma_wait3A_307 = arith.constant 0 : i32
      %dma_wait3A_308 = tpu.memref_slice %arg8[%multiple_of3A, %dma_wait3A_307] : memref<8192x128xf32, #tpu.memory_space<hbm>> -> memref<64x128xf32, #tpu.memory_space<hbm>>
      tpu.wait_dma2 semaphore(%run_scoped3A : memref<!tpu.dma_semaphore, #tpu.memory_space<semaphore_mem>>) src(%arg15 : memref<64x128xf32, #tpu.memory_space<vmem>>) dst(%dma_wait3A_308 : memref<64x128xf32, #tpu.memory_space<hbm>>)
      tpu.yield
    }) : () -> ()
    %dma_start3A_67 = arith.constant 1 : i32
    %dma_start3A_68 = arith.constant 0 : i32
    %dma_start3A_69 = tpu.memref_slice %arg9[%dma_start3A_67, %dma_start3A_68] : memref<4x128xi32, #tpu.memory_space<vmem>> -> memref<1x128xi32, #tpu.memory_space<vmem>>
    %dma_start3A_70 = tpu.memref_squeeze %dma_start3A_69 : memref<1x128xi32, #tpu.memory_space<vmem>> -> memref<128xi32, #tpu.memory_space<vmem>>
    %dma_start3A_71 = arith.constant 0 : i32
    %dma_start3A_72 = arith.constant 0 : i32
    %dma_start3A_73 = tpu.memref_slice %arg5[%dma_start3A_71, %dma_start3A_72] : memref<1000x64xf32, #tpu.memory_space<hbm>> -> memref<1000x64xf32, #tpu.memory_space<hbm>>
    tpu.enqueue_indirect_dma source(%dma_start3A_73 : memref<1000x64xf32, #tpu.memory_space<hbm>>) target(%arg12 : memref<128x64xf32, #tpu.memory_space<vmem>>) offsets(%dma_start3A_70 : memref<128xi32, #tpu.memory_space<vmem>>) semaphore(%arg16 : memref<!tpu.dma_semaphore, #tpu.memory_space<semaphore_mem>>)
    %dma_start3A_74 = arith.constant 1 : i32
    %dma_start3A_75 = arith.constant 0 : i32
    %dma_start3A_76 = tpu.memref_slice %arg10[%dma_start3A_74, %dma_start3A_75] : memref<4x128xi32, #tpu.memory_space<vmem>> -> memref<1x128xi32, #tpu.memory_space<vmem>>
    %dma_start3A_77 = tpu.memref_squeeze %dma_start3A_76 : memref<1x128xi32, #tpu.memory_space<vmem>> -> memref<128xi32, #tpu.memory_space<vmem>>
    %dma_start3A_78 = arith.constant 0 : i32
    %dma_start3A_79 = arith.constant 0 : i32
    %dma_start3A_80 = tpu.memref_slice %arg6[%dma_start3A_78, %dma_start3A_79] : memref<1000x64xf32, #tpu.memory_space<hbm>> -> memref<1000x64xf32, #tpu.memory_space<hbm>>
    tpu.enqueue_indirect_dma source(%dma_start3A_80 : memref<1000x64xf32, #tpu.memory_space<hbm>>) target(%arg13 : memref<128x64xf32, #tpu.memory_space<vmem>>) offsets(%dma_start3A_77 : memref<128xi32, #tpu.memory_space<vmem>>) semaphore(%arg16 : memref<!tpu.dma_semaphore, #tpu.memory_space<semaphore_mem>>)
    %dma_start3A_81 = arith.constant 1 : i32
    %dma_start3A_82 = arith.constant 0 : i32
    %dma_start3A_83 = tpu.memref_slice %arg11[%dma_start3A_81, %dma_start3A_82] : memref<4x128xi32, #tpu.memory_space<vmem>> -> memref<1x128xi32, #tpu.memory_space<vmem>>
    %dma_start3A_84 = tpu.memref_squeeze %dma_start3A_83 : memref<1x128xi32, #tpu.memory_space<vmem>> -> memref<128xi32, #tpu.memory_space<vmem>>
    %dma_start3A_85 = arith.constant 0 : i32
    %dma_start3A_86 = arith.constant 0 : i32
    %dma_start3A_87 = tpu.memref_slice %arg7[%dma_start3A_85, %dma_start3A_86] : memref<1000x64xf32, #tpu.memory_space<hbm>> -> memref<1000x64xf32, #tpu.memory_space<hbm>>
    tpu.enqueue_indirect_dma source(%dma_start3A_87 : memref<1000x64xf32, #tpu.memory_space<hbm>>) target(%arg14 : memref<128x64xf32, #tpu.memory_space<vmem>>) offsets(%dma_start3A_84 : memref<128xi32, #tpu.memory_space<vmem>>) semaphore(%arg16 : memref<!tpu.dma_semaphore, #tpu.memory_space<semaphore_mem>>)
    %dma_wait3A_88 = arith.constant 1 : i32
    %dma_wait3A_89 = arith.constant 0 : i32
    %dma_wait3A_90 = tpu.memref_slice %arg9[%dma_wait3A_88, %dma_wait3A_89] : memref<4x128xi32, #tpu.memory_space<vmem>> -> memref<1x128xi32, #tpu.memory_space<vmem>>
    %dma_wait3A_91 = tpu.memref_squeeze %dma_wait3A_90 : memref<1x128xi32, #tpu.memory_space<vmem>> -> memref<128xi32, #tpu.memory_space<vmem>>
    %dma_wait3A_92 = arith.constant 0 : i32
    %dma_wait3A_93 = arith.constant 0 : i32
    %dma_wait3A_94 = tpu.memref_slice %arg5[%dma_wait3A_92, %dma_wait3A_93] : memref<1000x64xf32, #tpu.memory_space<hbm>> -> memref<1000x64xf32, #tpu.memory_space<hbm>>
    tpu.wait_indirect_dma semaphore(%arg16 : memref<!tpu.dma_semaphore, #tpu.memory_space<semaphore_mem>>) src(%dma_wait3A_94 : memref<1000x64xf32, #tpu.memory_space<hbm>>) dst(%arg12 : memref<128x64xf32, #tpu.memory_space<vmem>>)
    %dma_wait3A_95 = arith.constant 1 : i32
    %dma_wait3A_96 = arith.constant 0 : i32
    %dma_wait3A_97 = tpu.memref_slice %arg10[%dma_wait3A_95, %dma_wait3A_96] : memref<4x128xi32, #tpu.memory_space<vmem>> -> memref<1x128xi32, #tpu.memory_space<vmem>>
    %dma_wait3A_98 = tpu.memref_squeeze %dma_wait3A_97 : memref<1x128xi32, #tpu.memory_space<vmem>> -> memref<128xi32, #tpu.memory_space<vmem>>
    %dma_wait3A_99 = arith.constant 0 : i32
    %dma_wait3A_100 = arith.constant 0 : i32
    %dma_wait3A_101 = tpu.memref_slice %arg6[%dma_wait3A_99, %dma_wait3A_100] : memref<1000x64xf32, #tpu.memory_space<hbm>> -> memref<1000x64xf32, #tpu.memory_space<hbm>>
    tpu.wait_indirect_dma semaphore(%arg16 : memref<!tpu.dma_semaphore, #tpu.memory_space<semaphore_mem>>) src(%dma_wait3A_101 : memref<1000x64xf32, #tpu.memory_space<hbm>>) dst(%arg13 : memref<128x64xf32, #tpu.memory_space<vmem>>)
    %dma_wait3A_102 = arith.constant 1 : i32
    %dma_wait3A_103 = arith.constant 0 : i32
    %dma_wait3A_104 = tpu.memref_slice %arg11[%dma_wait3A_102, %dma_wait3A_103] : memref<4x128xi32, #tpu.memory_space<vmem>> -> memref<1x128xi32, #tpu.memory_space<vmem>>
    %dma_wait3A_105 = tpu.memref_squeeze %dma_wait3A_104 : memref<1x128xi32, #tpu.memory_space<vmem>> -> memref<128xi32, #tpu.memory_space<vmem>>
    %dma_wait3A_106 = arith.constant 0 : i32
    %dma_wait3A_107 = arith.constant 0 : i32
    %dma_wait3A_108 = tpu.memref_slice %arg7[%dma_wait3A_106, %dma_wait3A_107] : memref<1000x64xf32, #tpu.memory_space<hbm>> -> memref<1000x64xf32, #tpu.memory_space<hbm>>
    tpu.wait_indirect_dma semaphore(%arg16 : memref<!tpu.dma_semaphore, #tpu.memory_space<semaphore_mem>>) src(%dma_wait3A_108 : memref<1000x64xf32, #tpu.memory_space<hbm>>) dst(%arg14 : memref<128x64xf32, #tpu.memory_space<vmem>>)
    %scan3A_109 = arith.constant 0 : i32
    %scan3A_110 = arith.constant 0 : i32
    %scan3A_111 = arith.constant 64 : i32
    %scan3A_112 = arith.addi %scan3A_110, %scan3A_111 : i32
    %scan3A_113 = arith.constant 1 : i32
    %scan3A_114 = scf.for %scan3A_301 = %scan3A_110 to %scan3A_112 step %scan3A_113 iter_args(%scan3A_302 = %scan3A_109) -> (i32)  : i32 {
      %mul3A_303 = arith.constant 2 : i32
      %mul3A_304 = arith.muli %mul3A_303, %scan3A_301 : i32
      %add3A_305 = arith.constant 0 : i32
      %add3A_306 = arith.addi %mul3A_304, %add3A_305 : i32
      %get3A = arith.index_cast %add3A_306 : i32 to index
      %get3A_307 = arith.constant 0 : index
      %get3A_308 = tpu.vector_load %arg12[%get3A, %get3A_307] {strides = array<i32>} : memref<128x64xf32, #tpu.memory_space<vmem>>, vector<1x16xf32>,
      %get3A_309 = vector.shape_cast %get3A_308 : vector<1x16xf32> to vector<16xf32>
      %get3A_310 = arith.index_cast %add3A_306 : i32 to index
      %get3A_311 = arith.constant 0 : index
      %get3A_312 = tpu.vector_load %arg13[%get3A_310, %get3A_311] {strides = array<i32>} : memref<128x64xf32, #tpu.memory_space<vmem>>, vector<1x16xf32>,
      %get3A_313 = vector.shape_cast %get3A_312 : vector<1x16xf32> to vector<16xf32>
      %add3A_314 = arith.addf %get3A_309, %get3A_313 : vector<16xf32>
      %get3A_315 = arith.index_cast %add3A_306 : i32 to index
      %get3A_316 = arith.constant 0 : index
      %get3A_317 = tpu.vector_load %arg14[%get3A_315, %get3A_316] {strides = array<i32>} : memref<128x64xf32, #tpu.memory_space<vmem>>, vector<1x16xf32>,
      %get3A_318 = vector.shape_cast %get3A_317 : vector<1x16xf32> to vector<16xf32>
      %add3A_319 = arith.addf %add3A_314, %get3A_318 : vector<16xf32>
      %swap3A = arith.index_cast %scan3A_301 : i32 to index
      %swap3A_320 = arith.constant 0 : index
      %swap3A_321 = tpu.vector_load %arg15[%swap3A, %swap3A_320] {strides = array<i32>} : memref<64x128xf32, #tpu.memory_space<vmem>>, vector<1x16xf32>,
      %swap3A_322 = vector.shape_cast %swap3A_321 : vector<1x16xf32> to vector<16xf32>
      %swap3A_323 = vector.shape_cast %add3A_319 : vector<16xf32> to vector<1x16xf32>
      tpu.vector_store %arg15[%swap3A, %swap3A_320], %swap3A_323 {strides = array<i32>} : memref<64x128xf32, #tpu.memory_space<vmem>>, vector<1x16xf32>,
      %get3A_324 = arith.index_cast %add3A_306 : i32 to index
      %get3A_325 = arith.constant 16 : index
      %get3A_326 = tpu.vector_load %arg12[%get3A_324, %get3A_325] {strides = array<i32>} : memref<128x64xf32, #tpu.memory_space<vmem>>, vector<1x16xf32>,
      %get3A_327 = vector.shape_cast %get3A_326 : vector<1x16xf32> to vector<16xf32>
      %get3A_328 = arith.index_cast %add3A_306 : i32 to index
      %get3A_329 = arith.constant 16 : index
      %get3A_330 = tpu.vector_load %arg13[%get3A_328, %get3A_329] {strides = array<i32>} : memref<128x64xf32, #tpu.memory_space<vmem>>, vector<1x16xf32>,
      %get3A_331 = vector.shape_cast %get3A_330 : vector<1x16xf32> to vector<16xf32>
      %add3A_332 = arith.addf %get3A_327, %get3A_331 : vector<16xf32>
      %get3A_333 = arith.index_cast %add3A_306 : i32 to index
      %get3A_334 = arith.constant 16 : index
      %get3A_335 = tpu.vector_load %arg14[%get3A_333, %get3A_334] {strides = array<i32>} : memref<128x64xf32, #tpu.memory_space<vmem>>, vector<1x16xf32>,
      %get3A_336 = vector.shape_cast %get3A_335 : vector<1x16xf32> to vector<16xf32>
      %add3A_337 = arith.addf %add3A_332, %get3A_336 : vector<16xf32>
      %swap3A_338 = arith.index_cast %scan3A_301 : i32 to index
      %swap3A_339 = arith.constant 16 : index
      %swap3A_340 = tpu.vector_load %arg15[%swap3A_338, %swap3A_339] {strides = array<i32>} : memref<64x128xf32, #tpu.memory_space<vmem>>, vector<1x16xf32>,
      %swap3A_341 = vector.shape_cast %swap3A_340 : vector<1x16xf32> to vector<16xf32>
      %swap3A_342 = vector.shape_cast %add3A_337 : vector<16xf32> to vector<1x16xf32>
      tpu.vector_store %arg15[%swap3A_338, %swap3A_339], %swap3A_342 {strides = array<i32>} : memref<64x128xf32, #tpu.memory_space<vmem>>, vector<1x16xf32>,
      %get3A_343 = arith.index_cast %add3A_306 : i32 to index
      %get3A_344 = arith.constant 32 : index
      %get3A_345 = tpu.vector_load %arg12[%get3A_343, %get3A_344] {strides = array<i32>} : memref<128x64xf32, #tpu.memory_space<vmem>>, vector<1x16xf32>,
      %get3A_346 = vector.shape_cast %get3A_345 : vector<1x16xf32> to vector<16xf32>
      %get3A_347 = arith.index_cast %add3A_306 : i32 to index
      %get3A_348 = arith.constant 32 : index
      %get3A_349 = tpu.vector_load %arg13[%get3A_347, %get3A_348] {strides = array<i32>} : memref<128x64xf32, #tpu.memory_space<vmem>>, vector<1x16xf32>,
      %get3A_350 = vector.shape_cast %get3A_349 : vector<1x16xf32> to vector<16xf32>
      %add3A_351 = arith.addf %get3A_346, %get3A_350 : vector<16xf32>
      %get3A_352 = arith.index_cast %add3A_306 : i32 to index
      %get3A_353 = arith.constant 32 : index
      %get3A_354 = tpu.vector_load %arg14[%get3A_352, %get3A_353] {strides = array<i32>} : memref<128x64xf32, #tpu.memory_space<vmem>>, vector<1x16xf32>,
      %get3A_355 = vector.shape_cast %get3A_354 : vector<1x16xf32> to vector<16xf32>
      %add3A_356 = arith.addf %add3A_351, %get3A_355 : vector<16xf32>
      %swap3A_357 = arith.index_cast %scan3A_301 : i32 to index
      %swap3A_358 = arith.constant 32 : index
      %swap3A_359 = tpu.vector_load %arg15[%swap3A_357, %swap3A_358] {strides = array<i32>} : memref<64x128xf32, #tpu.memory_space<vmem>>, vector<1x16xf32>,
      %swap3A_360 = vector.shape_cast %swap3A_359 : vector<1x16xf32> to vector<16xf32>
      %swap3A_361 = vector.shape_cast %add3A_356 : vector<16xf32> to vector<1x16xf32>
      tpu.vector_store %arg15[%swap3A_357, %swap3A_358], %swap3A_361 {strides = array<i32>} : memref<64x128xf32, #tpu.memory_space<vmem>>, vector<1x16xf32>,
      %get3A_362 = arith.index_cast %add3A_306 : i32 to index
      %get3A_363 = arith.constant 48 : index
      %get3A_364 = tpu.vector_load %arg12[%get3A_362, %get3A_363] {strides = array<i32>} : memref<128x64xf32, #tpu.memory_space<vmem>>, vector<1x16xf32>,
      %get3A_365 = vector.shape_cast %get3A_364 : vector<1x16xf32> to vector<16xf32>
      %get3A_366 = arith.index_cast %add3A_306 : i32 to index
      %get3A_367 = arith.constant 48 : index
      %get3A_368 = tpu.vector_load %arg13[%get3A_366, %get3A_367] {strides = array<i32>} : memref<128x64xf32, #tpu.memory_space<vmem>>, vector<1x16xf32>,
      %get3A_369 = vector.shape_cast %get3A_368 : vector<1x16xf32> to vector<16xf32>
      %add3A_370 = arith.addf %get3A_365, %get3A_369 : vector<16xf32>
      %get3A_371 = arith.index_cast %add3A_306 : i32 to index
      %get3A_372 = arith.constant 48 : index
      %get3A_373 = tpu.vector_load %arg14[%get3A_371, %get3A_372] {strides = array<i32>} : memref<128x64xf32, #tpu.memory_space<vmem>>, vector<1x16xf32>,
      %get3A_374 = vector.shape_cast %get3A_373 : vector<1x16xf32> to vector<16xf32>
      %add3A_375 = arith.addf %add3A_370, %get3A_374 : vector<16xf32>
      %swap3A_376 = arith.index_cast %scan3A_301 : i32 to index
      %swap3A_377 = arith.constant 48 : index
      %swap3A_378 = tpu.vector_load %arg15[%swap3A_376, %swap3A_377] {strides = array<i32>} : memref<64x128xf32, #tpu.memory_space<vmem>>, vector<1x16xf32>,
      %swap3A_379 = vector.shape_cast %swap3A_378 : vector<1x16xf32> to vector<16xf32>
      %swap3A_380 = vector.shape_cast %add3A_375 : vector<16xf32> to vector<1x16xf32>
      tpu.vector_store %arg15[%swap3A_376, %swap3A_377], %swap3A_380 {strides = array<i32>} : memref<64x128xf32, #tpu.memory_space<vmem>>, vector<1x16xf32>,
      %mul3A_381 = arith.constant 2 : i32
      %mul3A_382 = arith.muli %mul3A_381, %scan3A_301 : i32
      %add3A_383 = arith.constant 1 : i32
      %add3A_384 = arith.addi %mul3A_382, %add3A_383 : i32
      %get3A_385 = arith.index_cast %add3A_384 : i32 to index
      %get3A_386 = arith.constant 0 : index
      %get3A_387 = tpu.vector_load %arg12[%get3A_385, %get3A_386] {strides = array<i32>} : memref<128x64xf32, #tpu.memory_space<vmem>>, vector<1x16xf32>,
      %get3A_388 = vector.shape_cast %get3A_387 : vector<1x16xf32> to vector<16xf32>
      %get3A_389 = arith.index_cast %add3A_384 : i32 to index
      %get3A_390 = arith.constant 0 : index
      %get3A_391 = tpu.vector_load %arg13[%get3A_389, %get3A_390] {strides = array<i32>} : memref<128x64xf32, #tpu.memory_space<vmem>>, vector<1x16xf32>,
      %get3A_392 = vector.shape_cast %get3A_391 : vector<1x16xf32> to vector<16xf32>
      %add3A_393 = arith.addf %get3A_388, %get3A_392 : vector<16xf32>
      %get3A_394 = arith.index_cast %add3A_384 : i32 to index
      %get3A_395 = arith.constant 0 : index
      %get3A_396 = tpu.vector_load %arg14[%get3A_394, %get3A_395] {strides = array<i32>} : memref<128x64xf32, #tpu.memory_space<vmem>>, vector<1x16xf32>,
      %get3A_397 = vector.shape_cast %get3A_396 : vector<1x16xf32> to vector<16xf32>
      %add3A_398 = arith.addf %add3A_393, %get3A_397 : vector<16xf32>
      %swap3A_399 = arith.index_cast %scan3A_301 : i32 to index
      %swap3A_400 = arith.constant 64 : index
      %swap3A_401 = tpu.vector_load %arg15[%swap3A_399, %swap3A_400] {strides = array<i32>} : memref<64x128xf32, #tpu.memory_space<vmem>>, vector<1x16xf32>,
      %swap3A_402 = vector.shape_cast %swap3A_401 : vector<1x16xf32> to vector<16xf32>
      %swap3A_403 = vector.shape_cast %add3A_398 : vector<16xf32> to vector<1x16xf32>
      tpu.vector_store %arg15[%swap3A_399, %swap3A_400], %swap3A_403 {strides = array<i32>} : memref<64x128xf32, #tpu.memory_space<vmem>>, vector<1x16xf32>,
      %get3A_404 = arith.index_cast %add3A_384 : i32 to index
      %get3A_405 = arith.constant 16 : index
      %get3A_406 = tpu.vector_load %arg12[%get3A_404, %get3A_405] {strides = array<i32>} : memref<128x64xf32, #tpu.memory_space<vmem>>, vector<1x16xf32>,
      %get3A_407 = vector.shape_cast %get3A_406 : vector<1x16xf32> to vector<16xf32>
      %get3A_408 = arith.index_cast %add3A_384 : i32 to index
      %get3A_409 = arith.constant 16 : index
      %get3A_410 = tpu.vector_load %arg13[%get3A_408, %get3A_409] {strides = array<i32>} : memref<128x64xf32, #tpu.memory_space<vmem>>, vector<1x16xf32>,
      %get3A_411 = vector.shape_cast %get3A_410 : vector<1x16xf32> to vector<16xf32>
      %add3A_412 = arith.addf %get3A_407, %get3A_411 : vector<16xf32>
      %get3A_413 = arith.index_cast %add3A_384 : i32 to index
      %get3A_414 = arith.constant 16 : index
      %get3A_415 = tpu.vector_load %arg14[%get3A_413, %get3A_414] {strides = array<i32>} : memref<128x64xf32, #tpu.memory_space<vmem>>, vector<1x16xf32>,
      %get3A_416 = vector.shape_cast %get3A_415 : vector<1x16xf32> to vector<16xf32>
      %add3A_417 = arith.addf %add3A_412, %get3A_416 : vector<16xf32>
      %swap3A_418 = arith.index_cast %scan3A_301 : i32 to index
      %swap3A_419 = arith.constant 80 : index
      %swap3A_420 = tpu.vector_load %arg15[%swap3A_418, %swap3A_419] {strides = array<i32>} : memref<64x128xf32, #tpu.memory_space<vmem>>, vector<1x16xf32>,
      %swap3A_421 = vector.shape_cast %swap3A_420 : vector<1x16xf32> to vector<16xf32>
      %swap3A_422 = vector.shape_cast %add3A_417 : vector<16xf32> to vector<1x16xf32>
      tpu.vector_store %arg15[%swap3A_418, %swap3A_419], %swap3A_422 {strides = array<i32>} : memref<64x128xf32, #tpu.memory_space<vmem>>, vector<1x16xf32>,
      %get3A_423 = arith.index_cast %add3A_384 : i32 to index
      %get3A_424 = arith.constant 32 : index
      %get3A_425 = tpu.vector_load %arg12[%get3A_423, %get3A_424] {strides = array<i32>} : memref<128x64xf32, #tpu.memory_space<vmem>>, vector<1x16xf32>,
      %get3A_426 = vector.shape_cast %get3A_425 : vector<1x16xf32> to vector<16xf32>
      %get3A_427 = arith.index_cast %add3A_384 : i32 to index
      %get3A_428 = arith.constant 32 : index
      %get3A_429 = tpu.vector_load %arg13[%get3A_427, %get3A_428] {strides = array<i32>} : memref<128x64xf32, #tpu.memory_space<vmem>>, vector<1x16xf32>,
      %get3A_430 = vector.shape_cast %get3A_429 : vector<1x16xf32> to vector<16xf32>
      %add3A_431 = arith.addf %get3A_426, %get3A_430 : vector<16xf32>
      %get3A_432 = arith.index_cast %add3A_384 : i32 to index
      %get3A_433 = arith.constant 32 : index
      %get3A_434 = tpu.vector_load %arg14[%get3A_432, %get3A_433] {strides = array<i32>} : memref<128x64xf32, #tpu.memory_space<vmem>>, vector<1x16xf32>,
      %get3A_435 = vector.shape_cast %get3A_434 : vector<1x16xf32> to vector<16xf32>
      %add3A_436 = arith.addf %add3A_431, %get3A_435 : vector<16xf32>
      %swap3A_437 = arith.index_cast %scan3A_301 : i32 to index
      %swap3A_438 = arith.constant 96 : index
      %swap3A_439 = tpu.vector_load %arg15[%swap3A_437, %swap3A_438] {strides = array<i32>} : memref<64x128xf32, #tpu.memory_space<vmem>>, vector<1x16xf32>,
      %swap3A_440 = vector.shape_cast %swap3A_439 : vector<1x16xf32> to vector<16xf32>
      %swap3A_441 = vector.shape_cast %add3A_436 : vector<16xf32> to vector<1x16xf32>
      tpu.vector_store %arg15[%swap3A_437, %swap3A_438], %swap3A_441 {strides = array<i32>} : memref<64x128xf32, #tpu.memory_space<vmem>>, vector<1x16xf32>,
      %get3A_442 = arith.index_cast %add3A_384 : i32 to index
      %get3A_443 = arith.constant 48 : index
      %get3A_444 = tpu.vector_load %arg12[%get3A_442, %get3A_443] {strides = array<i32>} : memref<128x64xf32, #tpu.memory_space<vmem>>, vector<1x16xf32>,
      %get3A_445 = vector.shape_cast %get3A_444 : vector<1x16xf32> to vector<16xf32>
      %get3A_446 = arith.index_cast %add3A_384 : i32 to index
      %get3A_447 = arith.constant 48 : index
      %get3A_448 = tpu.vector_load %arg13[%get3A_446, %get3A_447] {strides = array<i32>} : memref<128x64xf32, #tpu.memory_space<vmem>>, vector<1x16xf32>,
      %get3A_449 = vector.shape_cast %get3A_448 : vector<1x16xf32> to vector<16xf32>
      %add3A_450 = arith.addf %get3A_445, %get3A_449 : vector<16xf32>
      %get3A_451 = arith.index_cast %add3A_384 : i32 to index
      %get3A_452 = arith.constant 48 : index
      %get3A_453 = tpu.vector_load %arg14[%get3A_451, %get3A_452] {strides = array<i32>} : memref<128x64xf32, #tpu.memory_space<vmem>>, vector<1x16xf32>,
      %get3A_454 = vector.shape_cast %get3A_453 : vector<1x16xf32> to vector<16xf32>
      %add3A_455 = arith.addf %add3A_450, %get3A_454 : vector<16xf32>
      %swap3A_456 = arith.index_cast %scan3A_301 : i32 to index
      %swap3A_457 = arith.constant 112 : index
      %swap3A_458 = tpu.vector_load %arg15[%swap3A_456, %swap3A_457] {strides = array<i32>} : memref<64x128xf32, #tpu.memory_space<vmem>>, vector<1x16xf32>,
      %swap3A_459 = vector.shape_cast %swap3A_458 : vector<1x16xf32> to vector<16xf32>
      %swap3A_460 = vector.shape_cast %add3A_455 : vector<16xf32> to vector<1x16xf32>
      tpu.vector_store %arg15[%swap3A_456, %swap3A_457], %swap3A_460 {strides = array<i32>} : memref<64x128xf32, #tpu.memory_space<vmem>>, vector<1x16xf32>,
      %scan3A_461 = arith.constant 0 : i32
      scf.yield %scan3A_461 : i32
    }
    %scan3A_115 = arith.constant 64 : i32
    %mul3A_116 = arith.constant 512 : i32
    %mul3A_117 = arith.muli %add3A, %mul3A_116 : i32
    %add3A_118 = arith.constant 128 : i32
    %add3A_119 = arith.addi %mul3A_117, %add3A_118 : i32
    %jit3A_120 = arith.constant 2 : i32
    %div3A_121 = arith.divsi %add3A_119, %jit3A_120 : i32
    %sign3A_122 = arith.constant 0 : i32
    %sign3A_123 = arith.cmpi sgt, %add3A_119, %sign3A_122 : i32
    %sign3A_124 = arith.extui %sign3A_123 : i1 to i32
    %sign3A_125 = arith.constant 0 : i32
    %sign3A_126 = arith.cmpi slt, %add3A_119, %sign3A_125 : i32
    %sign3A_127 = arith.extui %sign3A_126 : i1 to i32
    %sign3A_128 = arith.subi %sign3A_124, %sign3A_127 : i32
    %sign3A_129 = arith.constant 0 : i32
    %sign3A_130 = arith.cmpi sgt, %jit3A_120, %sign3A_129 : i32
    %sign3A_131 = arith.extui %sign3A_130 : i1 to i32
    %sign3A_132 = arith.constant 0 : i32
    %sign3A_133 = arith.cmpi slt, %jit3A_120, %sign3A_132 : i32
    %sign3A_134 = arith.extui %sign3A_133 : i1 to i32
    %sign3A_135 = arith.subi %sign3A_131, %sign3A_134 : i32
    %ne3A_136 = arith.cmpi ne, %sign3A_128, %sign3A_135 : i32
    %rem3A_137 = arith.remsi %add3A_119, %jit3A_120 : i32
    %ne3A_138 = arith.constant 0 : i32
    %ne3A_139 = arith.cmpi ne, %rem3A_137, %ne3A_138 : i32
    %and3A_140 = arith.andi %ne3A_136, %ne3A_139 : i1
    %sub3A_141 = arith.constant 1 : i32
    %sub3A_142 = arith.subi %div3A_121, %sub3A_141 : i32
    %select_n3A_143 = arith.select %and3A_140, %sub3A_142, %div3A_121 : i32
    %multiple_of3A_144 = tpu.assume_multiple %select_n3A_143, 64 : i32
    "tpu.region"() ({
      %run_scoped3A = tpu.sem_alloc : memref<!tpu.dma_semaphore, #tpu.memory_space<semaphore_mem>>
      %dma_start3A_301 = arith.constant 0 : i32
      %dma_start3A_302 = tpu.memref_slice %arg8[%multiple_of3A_144, %dma_start3A_301] : memref<8192x128xf32, #tpu.memory_space<hbm>> -> memref<64x128xf32, #tpu.memory_space<hbm>>
      %dma_start3A_303 = arith.constant 0 : i32
      %dma_start3A_304 = tpu.memref_slice %arg8[%multiple_of3A_144, %dma_start3A_303] : memref<8192x128xf32, #tpu.memory_space<hbm>> -> memref<64x128xf32, #tpu.memory_space<hbm>>
      tpu.enqueue_dma source(%arg15 : memref<64x128xf32, #tpu.memory_space<vmem>>) target(%dma_start3A_304 : memref<64x128xf32, #tpu.memory_space<hbm>>) target_semaphore(%run_scoped3A : memref<!tpu.dma_semaphore, #tpu.memory_space<semaphore_mem>>)
      %dma_wait3A_305 = arith.constant 0 : i32
      %dma_wait3A_306 = tpu.memref_slice %arg8[%multiple_of3A_144, %dma_wait3A_305] : memref<8192x128xf32, #tpu.memory_space<hbm>> -> memref<64x128xf32, #tpu.memory_space<hbm>>
      %dma_wait3A_307 = arith.constant 0 : i32
      %dma_wait3A_308 = tpu.memref_slice %arg8[%multiple_of3A_144, %dma_wait3A_307] : memref<8192x128xf32, #tpu.memory_space<hbm>> -> memref<64x128xf32, #tpu.memory_space<hbm>>
      tpu.wait_dma2 semaphore(%run_scoped3A : memref<!tpu.dma_semaphore, #tpu.memory_space<semaphore_mem>>) src(%arg15 : memref<64x128xf32, #tpu.memory_space<vmem>>) dst(%dma_wait3A_308 : memref<64x128xf32, #tpu.memory_space<hbm>>)
      tpu.yield
    }) : () -> ()
    %dma_start3A_145 = arith.constant 2 : i32
    %dma_start3A_146 = arith.constant 0 : i32
    %dma_start3A_147 = tpu.memref_slice %arg9[%dma_start3A_145, %dma_start3A_146] : memref<4x128xi32, #tpu.memory_space<vmem>> -> memref<1x128xi32, #tpu.memory_space<vmem>>
    %dma_start3A_148 = tpu.memref_squeeze %dma_start3A_147 : memref<1x128xi32, #tpu.memory_space<vmem>> -> memref<128xi32, #tpu.memory_space<vmem>>
    %dma_start3A_149 = arith.constant 0 : i32
    %dma_start3A_150 = arith.constant 0 : i32
    %dma_start3A_151 = tpu.memref_slice %arg5[%dma_start3A_149, %dma_start3A_150] : memref<1000x64xf32, #tpu.memory_space<hbm>> -> memref<1000x64xf32, #tpu.memory_space<hbm>>
    tpu.enqueue_indirect_dma source(%dma_start3A_151 : memref<1000x64xf32, #tpu.memory_space<hbm>>) target(%arg12 : memref<128x64xf32, #tpu.memory_space<vmem>>) offsets(%dma_start3A_148 : memref<128xi32, #tpu.memory_space<vmem>>) semaphore(%arg16 : memref<!tpu.dma_semaphore, #tpu.memory_space<semaphore_mem>>)
    %dma_start3A_152 = arith.constant 2 : i32
    %dma_start3A_153 = arith.constant 0 : i32
    %dma_start3A_154 = tpu.memref_slice %arg10[%dma_start3A_152, %dma_start3A_153] : memref<4x128xi32, #tpu.memory_space<vmem>> -> memref<1x128xi32, #tpu.memory_space<vmem>>
    %dma_start3A_155 = tpu.memref_squeeze %dma_start3A_154 : memref<1x128xi32, #tpu.memory_space<vmem>> -> memref<128xi32, #tpu.memory_space<vmem>>
    %dma_start3A_156 = arith.constant 0 : i32
    %dma_start3A_157 = arith.constant 0 : i32
    %dma_start3A_158 = tpu.memref_slice %arg6[%dma_start3A_156, %dma_start3A_157] : memref<1000x64xf32, #tpu.memory_space<hbm>> -> memref<1000x64xf32, #tpu.memory_space<hbm>>
    tpu.enqueue_indirect_dma source(%dma_start3A_158 : memref<1000x64xf32, #tpu.memory_space<hbm>>) target(%arg13 : memref<128x64xf32, #tpu.memory_space<vmem>>) offsets(%dma_start3A_155 : memref<128xi32, #tpu.memory_space<vmem>>) semaphore(%arg16 : memref<!tpu.dma_semaphore, #tpu.memory_space<semaphore_mem>>)
    %dma_start3A_159 = arith.constant 2 : i32
    %dma_start3A_160 = arith.constant 0 : i32
    %dma_start3A_161 = tpu.memref_slice %arg11[%dma_start3A_159, %dma_start3A_160] : memref<4x128xi32, #tpu.memory_space<vmem>> -> memref<1x128xi32, #tpu.memory_space<vmem>>
    %dma_start3A_162 = tpu.memref_squeeze %dma_start3A_161 : memref<1x128xi32, #tpu.memory_space<vmem>> -> memref<128xi32, #tpu.memory_space<vmem>>
    %dma_start3A_163 = arith.constant 0 : i32
    %dma_start3A_164 = arith.constant 0 : i32
    %dma_start3A_165 = tpu.memref_slice %arg7[%dma_start3A_163, %dma_start3A_164] : memref<1000x64xf32, #tpu.memory_space<hbm>> -> memref<1000x64xf32, #tpu.memory_space<hbm>>
    tpu.enqueue_indirect_dma source(%dma_start3A_165 : memref<1000x64xf32, #tpu.memory_space<hbm>>) target(%arg14 : memref<128x64xf32, #tpu.memory_space<vmem>>) offsets(%dma_start3A_162 : memref<128xi32, #tpu.memory_space<vmem>>) semaphore(%arg16 : memref<!tpu.dma_semaphore, #tpu.memory_space<semaphore_mem>>)
    %dma_wait3A_166 = arith.constant 2 : i32
    %dma_wait3A_167 = arith.constant 0 : i32
    %dma_wait3A_168 = tpu.memref_slice %arg9[%dma_wait3A_166, %dma_wait3A_167] : memref<4x128xi32, #tpu.memory_space<vmem>> -> memref<1x128xi32, #tpu.memory_space<vmem>>
    %dma_wait3A_169 = tpu.memref_squeeze %dma_wait3A_168 : memref<1x128xi32, #tpu.memory_space<vmem>> -> memref<128xi32, #tpu.memory_space<vmem>>
    %dma_wait3A_170 = arith.constant 0 : i32
    %dma_wait3A_171 = arith.constant 0 : i32
    %dma_wait3A_172 = tpu.memref_slice %arg5[%dma_wait3A_170, %dma_wait3A_171] : memref<1000x64xf32, #tpu.memory_space<hbm>> -> memref<1000x64xf32, #tpu.memory_space<hbm>>
    tpu.wait_indirect_dma semaphore(%arg16 : memref<!tpu.dma_semaphore, #tpu.memory_space<semaphore_mem>>) src(%dma_wait3A_172 : memref<1000x64xf32, #tpu.memory_space<hbm>>) dst(%arg12 : memref<128x64xf32, #tpu.memory_space<vmem>>)
    %dma_wait3A_173 = arith.constant 2 : i32
    %dma_wait3A_174 = arith.constant 0 : i32
    %dma_wait3A_175 = tpu.memref_slice %arg10[%dma_wait3A_173, %dma_wait3A_174] : memref<4x128xi32, #tpu.memory_space<vmem>> -> memref<1x128xi32, #tpu.memory_space<vmem>>
    %dma_wait3A_176 = tpu.memref_squeeze %dma_wait3A_175 : memref<1x128xi32, #tpu.memory_space<vmem>> -> memref<128xi32, #tpu.memory_space<vmem>>
    %dma_wait3A_177 = arith.constant 0 : i32
    %dma_wait3A_178 = arith.constant 0 : i32
    %dma_wait3A_179 = tpu.memref_slice %arg6[%dma_wait3A_177, %dma_wait3A_178] : memref<1000x64xf32, #tpu.memory_space<hbm>> -> memref<1000x64xf32, #tpu.memory_space<hbm>>
    tpu.wait_indirect_dma semaphore(%arg16 : memref<!tpu.dma_semaphore, #tpu.memory_space<semaphore_mem>>) src(%dma_wait3A_179 : memref<1000x64xf32, #tpu.memory_space<hbm>>) dst(%arg13 : memref<128x64xf32, #tpu.memory_space<vmem>>)
    %dma_wait3A_180 = arith.constant 2 : i32
    %dma_wait3A_181 = arith.constant 0 : i32
    %dma_wait3A_182 = tpu.memref_slice %arg11[%dma_wait3A_180, %dma_wait3A_181] : memref<4x128xi32, #tpu.memory_space<vmem>> -> memref<1x128xi32, #tpu.memory_space<vmem>>
    %dma_wait3A_183 = tpu.memref_squeeze %dma_wait3A_182 : memref<1x128xi32, #tpu.memory_space<vmem>> -> memref<128xi32, #tpu.memory_space<vmem>>
    %dma_wait3A_184 = arith.constant 0 : i32
    %dma_wait3A_185 = arith.constant 0 : i32
    %dma_wait3A_186 = tpu.memref_slice %arg7[%dma_wait3A_184, %dma_wait3A_185] : memref<1000x64xf32, #tpu.memory_space<hbm>> -> memref<1000x64xf32, #tpu.memory_space<hbm>>
    tpu.wait_indirect_dma semaphore(%arg16 : memref<!tpu.dma_semaphore, #tpu.memory_space<semaphore_mem>>) src(%dma_wait3A_186 : memref<1000x64xf32, #tpu.memory_space<hbm>>) dst(%arg14 : memref<128x64xf32, #tpu.memory_space<vmem>>)
    %scan3A_187 = arith.constant 0 : i32
    %scan3A_188 = arith.constant 0 : i32
    %scan3A_189 = arith.constant 64 : i32
    %scan3A_190 = arith.addi %scan3A_188, %scan3A_189 : i32
    %scan3A_191 = arith.constant 1 : i32
    %scan3A_192 = scf.for %scan3A_301 = %scan3A_188 to %scan3A_190 step %scan3A_191 iter_args(%scan3A_302 = %scan3A_187) -> (i32)  : i32 {
      %mul3A_303 = arith.constant 2 : i32
      %mul3A_304 = arith.muli %mul3A_303, %scan3A_301 : i32
      %add3A_305 = arith.constant 0 : i32
      %add3A_306 = arith.addi %mul3A_304, %add3A_305 : i32
      %get3A = arith.index_cast %add3A_306 : i32 to index
      %get3A_307 = arith.constant 0 : index
      %get3A_308 = tpu.vector_load %arg12[%get3A, %get3A_307] {strides = array<i32>} : memref<128x64xf32, #tpu.memory_space<vmem>>, vector<1x16xf32>,
      %get3A_309 = vector.shape_cast %get3A_308 : vector<1x16xf32> to vector<16xf32>
      %get3A_310 = arith.index_cast %add3A_306 : i32 to index
      %get3A_311 = arith.constant 0 : index
      %get3A_312 = tpu.vector_load %arg13[%get3A_310, %get3A_311] {strides = array<i32>} : memref<128x64xf32, #tpu.memory_space<vmem>>, vector<1x16xf32>,
      %get3A_313 = vector.shape_cast %get3A_312 : vector<1x16xf32> to vector<16xf32>
      %add3A_314 = arith.addf %get3A_309, %get3A_313 : vector<16xf32>
      %get3A_315 = arith.index_cast %add3A_306 : i32 to index
      %get3A_316 = arith.constant 0 : index
      %get3A_317 = tpu.vector_load %arg14[%get3A_315, %get3A_316] {strides = array<i32>} : memref<128x64xf32, #tpu.memory_space<vmem>>, vector<1x16xf32>,
      %get3A_318 = vector.shape_cast %get3A_317 : vector<1x16xf32> to vector<16xf32>
      %add3A_319 = arith.addf %add3A_314, %get3A_318 : vector<16xf32>
      %swap3A = arith.index_cast %scan3A_301 : i32 to index
      %swap3A_320 = arith.constant 0 : index
      %swap3A_321 = tpu.vector_load %arg15[%swap3A, %swap3A_320] {strides = array<i32>} : memref<64x128xf32, #tpu.memory_space<vmem>>, vector<1x16xf32>,
      %swap3A_322 = vector.shape_cast %swap3A_321 : vector<1x16xf32> to vector<16xf32>
      %swap3A_323 = vector.shape_cast %add3A_319 : vector<16xf32> to vector<1x16xf32>
      tpu.vector_store %arg15[%swap3A, %swap3A_320], %swap3A_323 {strides = array<i32>} : memref<64x128xf32, #tpu.memory_space<vmem>>, vector<1x16xf32>,
      %get3A_324 = arith.index_cast %add3A_306 : i32 to index
      %get3A_325 = arith.constant 16 : index
      %get3A_326 = tpu.vector_load %arg12[%get3A_324, %get3A_325] {strides = array<i32>} : memref<128x64xf32, #tpu.memory_space<vmem>>, vector<1x16xf32>,
      %get3A_327 = vector.shape_cast %get3A_326 : vector<1x16xf32> to vector<16xf32>
      %get3A_328 = arith.index_cast %add3A_306 : i32 to index
      %get3A_329 = arith.constant 16 : index
      %get3A_330 = tpu.vector_load %arg13[%get3A_328, %get3A_329] {strides = array<i32>} : memref<128x64xf32, #tpu.memory_space<vmem>>, vector<1x16xf32>,
      %get3A_331 = vector.shape_cast %get3A_330 : vector<1x16xf32> to vector<16xf32>
      %add3A_332 = arith.addf %get3A_327, %get3A_331 : vector<16xf32>
      %get3A_333 = arith.index_cast %add3A_306 : i32 to index
      %get3A_334 = arith.constant 16 : index
      %get3A_335 = tpu.vector_load %arg14[%get3A_333, %get3A_334] {strides = array<i32>} : memref<128x64xf32, #tpu.memory_space<vmem>>, vector<1x16xf32>,
      %get3A_336 = vector.shape_cast %get3A_335 : vector<1x16xf32> to vector<16xf32>
      %add3A_337 = arith.addf %add3A_332, %get3A_336 : vector<16xf32>
      %swap3A_338 = arith.index_cast %scan3A_301 : i32 to index
      %swap3A_339 = arith.constant 16 : index
      %swap3A_340 = tpu.vector_load %arg15[%swap3A_338, %swap3A_339] {strides = array<i32>} : memref<64x128xf32, #tpu.memory_space<vmem>>, vector<1x16xf32>,
      %swap3A_341 = vector.shape_cast %swap3A_340 : vector<1x16xf32> to vector<16xf32>
      %swap3A_342 = vector.shape_cast %add3A_337 : vector<16xf32> to vector<1x16xf32>
      tpu.vector_store %arg15[%swap3A_338, %swap3A_339], %swap3A_342 {strides = array<i32>} : memref<64x128xf32, #tpu.memory_space<vmem>>, vector<1x16xf32>,
      %get3A_343 = arith.index_cast %add3A_306 : i32 to index
      %get3A_344 = arith.constant 32 : index
      %get3A_345 = tpu.vector_load %arg12[%get3A_343, %get3A_344] {strides = array<i32>} : memref<128x64xf32, #tpu.memory_space<vmem>>, vector<1x16xf32>,
      %get3A_346 = vector.shape_cast %get3A_345 : vector<1x16xf32> to vector<16xf32>
      %get3A_347 = arith.index_cast %add3A_306 : i32 to index
      %get3A_348 = arith.constant 32 : index
      %get3A_349 = tpu.vector_load %arg13[%get3A_347, %get3A_348] {strides = array<i32>} : memref<128x64xf32, #tpu.memory_space<vmem>>, vector<1x16xf32>,
      %get3A_350 = vector.shape_cast %get3A_349 : vector<1x16xf32> to vector<16xf32>
      %add3A_351 = arith.addf %get3A_346, %get3A_350 : vector<16xf32>
      %get3A_352 = arith.index_cast %add3A_306 : i32 to index
      %get3A_353 = arith.constant 32 : index
      %get3A_354 = tpu.vector_load %arg14[%get3A_352, %get3A_353] {strides = array<i32>} : memref<128x64xf32, #tpu.memory_space<vmem>>, vector<1x16xf32>,
      %get3A_355 = vector.shape_cast %get3A_354 : vector<1x16xf32> to vector<16xf32>
      %add3A_356 = arith.addf %add3A_351, %get3A_355 : vector<16xf32>
      %swap3A_357 = arith.index_cast %scan3A_301 : i32 to index
      %swap3A_358 = arith.constant 32 : index
      %swap3A_359 = tpu.vector_load %arg15[%swap3A_357, %swap3A_358] {strides = array<i32>} : memref<64x128xf32, #tpu.memory_space<vmem>>, vector<1x16xf32>,
      %swap3A_360 = vector.shape_cast %swap3A_359 : vector<1x16xf32> to vector<16xf32>
      %swap3A_361 = vector.shape_cast %add3A_356 : vector<16xf32> to vector<1x16xf32>
      tpu.vector_store %arg15[%swap3A_357, %swap3A_358], %swap3A_361 {strides = array<i32>} : memref<64x128xf32, #tpu.memory_space<vmem>>, vector<1x16xf32>,
      %get3A_362 = arith.index_cast %add3A_306 : i32 to index
      %get3A_363 = arith.constant 48 : index
      %get3A_364 = tpu.vector_load %arg12[%get3A_362, %get3A_363] {strides = array<i32>} : memref<128x64xf32, #tpu.memory_space<vmem>>, vector<1x16xf32>,
      %get3A_365 = vector.shape_cast %get3A_364 : vector<1x16xf32> to vector<16xf32>
      %get3A_366 = arith.index_cast %add3A_306 : i32 to index
      %get3A_367 = arith.constant 48 : index
      %get3A_368 = tpu.vector_load %arg13[%get3A_366, %get3A_367] {strides = array<i32>} : memref<128x64xf32, #tpu.memory_space<vmem>>, vector<1x16xf32>,
      %get3A_369 = vector.shape_cast %get3A_368 : vector<1x16xf32> to vector<16xf32>
      %add3A_370 = arith.addf %get3A_365, %get3A_369 : vector<16xf32>
      %get3A_371 = arith.index_cast %add3A_306 : i32 to index
      %get3A_372 = arith.constant 48 : index
      %get3A_373 = tpu.vector_load %arg14[%get3A_371, %get3A_372] {strides = array<i32>} : memref<128x64xf32, #tpu.memory_space<vmem>>, vector<1x16xf32>,
      %get3A_374 = vector.shape_cast %get3A_373 : vector<1x16xf32> to vector<16xf32>
      %add3A_375 = arith.addf %add3A_370, %get3A_374 : vector<16xf32>
      %swap3A_376 = arith.index_cast %scan3A_301 : i32 to index
      %swap3A_377 = arith.constant 48 : index
      %swap3A_378 = tpu.vector_load %arg15[%swap3A_376, %swap3A_377] {strides = array<i32>} : memref<64x128xf32, #tpu.memory_space<vmem>>, vector<1x16xf32>,
      %swap3A_379 = vector.shape_cast %swap3A_378 : vector<1x16xf32> to vector<16xf32>
      %swap3A_380 = vector.shape_cast %add3A_375 : vector<16xf32> to vector<1x16xf32>
      tpu.vector_store %arg15[%swap3A_376, %swap3A_377], %swap3A_380 {strides = array<i32>} : memref<64x128xf32, #tpu.memory_space<vmem>>, vector<1x16xf32>,
      %mul3A_381 = arith.constant 2 : i32
      %mul3A_382 = arith.muli %mul3A_381, %scan3A_301 : i32
      %add3A_383 = arith.constant 1 : i32
      %add3A_384 = arith.addi %mul3A_382, %add3A_383 : i32
      %get3A_385 = arith.index_cast %add3A_384 : i32 to index
      %get3A_386 = arith.constant 0 : index
      %get3A_387 = tpu.vector_load %arg12[%get3A_385, %get3A_386] {strides = array<i32>} : memref<128x64xf32, #tpu.memory_space<vmem>>, vector<1x16xf32>,
      %get3A_388 = vector.shape_cast %get3A_387 : vector<1x16xf32> to vector<16xf32>
      %get3A_389 = arith.index_cast %add3A_384 : i32 to index
      %get3A_390 = arith.constant 0 : index
      %get3A_391 = tpu.vector_load %arg13[%get3A_389, %get3A_390] {strides = array<i32>} : memref<128x64xf32, #tpu.memory_space<vmem>>, vector<1x16xf32>,
      %get3A_392 = vector.shape_cast %get3A_391 : vector<1x16xf32> to vector<16xf32>
      %add3A_393 = arith.addf %get3A_388, %get3A_392 : vector<16xf32>
      %get3A_394 = arith.index_cast %add3A_384 : i32 to index
      %get3A_395 = arith.constant 0 : index
      %get3A_396 = tpu.vector_load %arg14[%get3A_394, %get3A_395] {strides = array<i32>} : memref<128x64xf32, #tpu.memory_space<vmem>>, vector<1x16xf32>,
      %get3A_397 = vector.shape_cast %get3A_396 : vector<1x16xf32> to vector<16xf32>
      %add3A_398 = arith.addf %add3A_393, %get3A_397 : vector<16xf32>
      %swap3A_399 = arith.index_cast %scan3A_301 : i32 to index
      %swap3A_400 = arith.constant 64 : index
      %swap3A_401 = tpu.vector_load %arg15[%swap3A_399, %swap3A_400] {strides = array<i32>} : memref<64x128xf32, #tpu.memory_space<vmem>>, vector<1x16xf32>,
      %swap3A_402 = vector.shape_cast %swap3A_401 : vector<1x16xf32> to vector<16xf32>
      %swap3A_403 = vector.shape_cast %add3A_398 : vector<16xf32> to vector<1x16xf32>
      tpu.vector_store %arg15[%swap3A_399, %swap3A_400], %swap3A_403 {strides = array<i32>} : memref<64x128xf32, #tpu.memory_space<vmem>>, vector<1x16xf32>,
      %get3A_404 = arith.index_cast %add3A_384 : i32 to index
      %get3A_405 = arith.constant 16 : index
      %get3A_406 = tpu.vector_load %arg12[%get3A_404, %get3A_405] {strides = array<i32>} : memref<128x64xf32, #tpu.memory_space<vmem>>, vector<1x16xf32>,
      %get3A_407 = vector.shape_cast %get3A_406 : vector<1x16xf32> to vector<16xf32>
      %get3A_408 = arith.index_cast %add3A_384 : i32 to index
      %get3A_409 = arith.constant 16 : index
      %get3A_410 = tpu.vector_load %arg13[%get3A_408, %get3A_409] {strides = array<i32>} : memref<128x64xf32, #tpu.memory_space<vmem>>, vector<1x16xf32>,
      %get3A_411 = vector.shape_cast %get3A_410 : vector<1x16xf32> to vector<16xf32>
      %add3A_412 = arith.addf %get3A_407, %get3A_411 : vector<16xf32>
      %get3A_413 = arith.index_cast %add3A_384 : i32 to index
      %get3A_414 = arith.constant 16 : index
      %get3A_415 = tpu.vector_load %arg14[%get3A_413, %get3A_414] {strides = array<i32>} : memref<128x64xf32, #tpu.memory_space<vmem>>, vector<1x16xf32>,
      %get3A_416 = vector.shape_cast %get3A_415 : vector<1x16xf32> to vector<16xf32>
      %add3A_417 = arith.addf %add3A_412, %get3A_416 : vector<16xf32>
      %swap3A_418 = arith.index_cast %scan3A_301 : i32 to index
      %swap3A_419 = arith.constant 80 : index
      %swap3A_420 = tpu.vector_load %arg15[%swap3A_418, %swap3A_419] {strides = array<i32>} : memref<64x128xf32, #tpu.memory_space<vmem>>, vector<1x16xf32>,
      %swap3A_421 = vector.shape_cast %swap3A_420 : vector<1x16xf32> to vector<16xf32>
      %swap3A_422 = vector.shape_cast %add3A_417 : vector<16xf32> to vector<1x16xf32>
      tpu.vector_store %arg15[%swap3A_418, %swap3A_419], %swap3A_422 {strides = array<i32>} : memref<64x128xf32, #tpu.memory_space<vmem>>, vector<1x16xf32>,
      %get3A_423 = arith.index_cast %add3A_384 : i32 to index
      %get3A_424 = arith.constant 32 : index
      %get3A_425 = tpu.vector_load %arg12[%get3A_423, %get3A_424] {strides = array<i32>} : memref<128x64xf32, #tpu.memory_space<vmem>>, vector<1x16xf32>,
      %get3A_426 = vector.shape_cast %get3A_425 : vector<1x16xf32> to vector<16xf32>
      %get3A_427 = arith.index_cast %add3A_384 : i32 to index
      %get3A_428 = arith.constant 32 : index
      %get3A_429 = tpu.vector_load %arg13[%get3A_427, %get3A_428] {strides = array<i32>} : memref<128x64xf32, #tpu.memory_space<vmem>>, vector<1x16xf32>,
      %get3A_430 = vector.shape_cast %get3A_429 : vector<1x16xf32> to vector<16xf32>
      %add3A_431 = arith.addf %get3A_426, %get3A_430 : vector<16xf32>
      %get3A_432 = arith.index_cast %add3A_384 : i32 to index
      %get3A_433 = arith.constant 32 : index
      %get3A_434 = tpu.vector_load %arg14[%get3A_432, %get3A_433] {strides = array<i32>} : memref<128x64xf32, #tpu.memory_space<vmem>>, vector<1x16xf32>,
      %get3A_435 = vector.shape_cast %get3A_434 : vector<1x16xf32> to vector<16xf32>
      %add3A_436 = arith.addf %add3A_431, %get3A_435 : vector<16xf32>
      %swap3A_437 = arith.index_cast %scan3A_301 : i32 to index
      %swap3A_438 = arith.constant 96 : index
      %swap3A_439 = tpu.vector_load %arg15[%swap3A_437, %swap3A_438] {strides = array<i32>} : memref<64x128xf32, #tpu.memory_space<vmem>>, vector<1x16xf32>,
      %swap3A_440 = vector.shape_cast %swap3A_439 : vector<1x16xf32> to vector<16xf32>
      %swap3A_441 = vector.shape_cast %add3A_436 : vector<16xf32> to vector<1x16xf32>
      tpu.vector_store %arg15[%swap3A_437, %swap3A_438], %swap3A_441 {strides = array<i32>} : memref<64x128xf32, #tpu.memory_space<vmem>>, vector<1x16xf32>,
      %get3A_442 = arith.index_cast %add3A_384 : i32 to index
      %get3A_443 = arith.constant 48 : index
      %get3A_444 = tpu.vector_load %arg12[%get3A_442, %get3A_443] {strides = array<i32>} : memref<128x64xf32, #tpu.memory_space<vmem>>, vector<1x16xf32>,
      %get3A_445 = vector.shape_cast %get3A_444 : vector<1x16xf32> to vector<16xf32>
      %get3A_446 = arith.index_cast %add3A_384 : i32 to index
      %get3A_447 = arith.constant 48 : index
      %get3A_448 = tpu.vector_load %arg13[%get3A_446, %get3A_447] {strides = array<i32>} : memref<128x64xf32, #tpu.memory_space<vmem>>, vector<1x16xf32>,
      %get3A_449 = vector.shape_cast %get3A_448 : vector<1x16xf32> to vector<16xf32>
      %add3A_450 = arith.addf %get3A_445, %get3A_449 : vector<16xf32>
      %get3A_451 = arith.index_cast %add3A_384 : i32 to index
      %get3A_452 = arith.constant 48 : index
      %get3A_453 = tpu.vector_load %arg14[%get3A_451, %get3A_452] {strides = array<i32>} : memref<128x64xf32, #tpu.memory_space<vmem>>, vector<1x16xf32>,
      %get3A_454 = vector.shape_cast %get3A_453 : vector<1x16xf32> to vector<16xf32>
      %add3A_455 = arith.addf %add3A_450, %get3A_454 : vector<16xf32>
      %swap3A_456 = arith.index_cast %scan3A_301 : i32 to index
      %swap3A_457 = arith.constant 112 : index
      %swap3A_458 = tpu.vector_load %arg15[%swap3A_456, %swap3A_457] {strides = array<i32>} : memref<64x128xf32, #tpu.memory_space<vmem>>, vector<1x16xf32>,
      %swap3A_459 = vector.shape_cast %swap3A_458 : vector<1x16xf32> to vector<16xf32>
      %swap3A_460 = vector.shape_cast %add3A_455 : vector<16xf32> to vector<1x16xf32>
      tpu.vector_store %arg15[%swap3A_456, %swap3A_457], %swap3A_460 {strides = array<i32>} : memref<64x128xf32, #tpu.memory_space<vmem>>, vector<1x16xf32>,
      %scan3A_461 = arith.constant 0 : i32
      scf.yield %scan3A_461 : i32
    }
    %scan3A_193 = arith.constant 64 : i32
    %mul3A_194 = arith.constant 512 : i32
    %mul3A_195 = arith.muli %add3A, %mul3A_194 : i32
    %add3A_196 = arith.constant 256 : i32
    %add3A_197 = arith.addi %mul3A_195, %add3A_196 : i32
    %jit3A_198 = arith.constant 2 : i32
    %div3A_199 = arith.divsi %add3A_197, %jit3A_198 : i32
    %sign3A_200 = arith.constant 0 : i32
    %sign3A_201 = arith.cmpi sgt, %add3A_197, %sign3A_200 : i32
    %sign3A_202 = arith.extui %sign3A_201 : i1 to i32
    %sign3A_203 = arith.constant 0 : i32
    %sign3A_204 = arith.cmpi slt, %add3A_197, %sign3A_203 : i32
    %sign3A_205 = arith.extui %sign3A_204 : i1 to i32
    %sign3A_206 = arith.subi %sign3A_202, %sign3A_205 : i32
    %sign3A_207 = arith.constant 0 : i32
    %sign3A_208 = arith.cmpi sgt, %jit3A_198, %sign3A_207 : i32
    %sign3A_209 = arith.extui %sign3A_208 : i1 to i32
    %sign3A_210 = arith.constant 0 : i32
    %sign3A_211 = arith.cmpi slt, %jit3A_198, %sign3A_210 : i32
    %sign3A_212 = arith.extui %sign3A_211 : i1 to i32
    %sign3A_213 = arith.subi %sign3A_209, %sign3A_212 : i32
    %ne3A_214 = arith.cmpi ne, %sign3A_206, %sign3A_213 : i32
    %rem3A_215 = arith.remsi %add3A_197, %jit3A_198 : i32
    %ne3A_216 = arith.constant 0 : i32
    %ne3A_217 = arith.cmpi ne, %rem3A_215, %ne3A_216 : i32
    %and3A_218 = arith.andi %ne3A_214, %ne3A_217 : i1
    %sub3A_219 = arith.constant 1 : i32
    %sub3A_220 = arith.subi %div3A_199, %sub3A_219 : i32
    %select_n3A_221 = arith.select %and3A_218, %sub3A_220, %div3A_199 : i32
    %multiple_of3A_222 = tpu.assume_multiple %select_n3A_221, 64 : i32
    "tpu.region"() ({
      %run_scoped3A = tpu.sem_alloc : memref<!tpu.dma_semaphore, #tpu.memory_space<semaphore_mem>>
      %dma_start3A_301 = arith.constant 0 : i32
      %dma_start3A_302 = tpu.memref_slice %arg8[%multiple_of3A_222, %dma_start3A_301] : memref<8192x128xf32, #tpu.memory_space<hbm>> -> memref<64x128xf32, #tpu.memory_space<hbm>>
      %dma_start3A_303 = arith.constant 0 : i32
      %dma_start3A_304 = tpu.memref_slice %arg8[%multiple_of3A_222, %dma_start3A_303] : memref<8192x128xf32, #tpu.memory_space<hbm>> -> memref<64x128xf32, #tpu.memory_space<hbm>>
      tpu.enqueue_dma source(%arg15 : memref<64x128xf32, #tpu.memory_space<vmem>>) target(%dma_start3A_304 : memref<64x128xf32, #tpu.memory_space<hbm>>) target_semaphore(%run_scoped3A : memref<!tpu.dma_semaphore, #tpu.memory_space<semaphore_mem>>)
      %dma_wait3A_305 = arith.constant 0 : i32
      %dma_wait3A_306 = tpu.memref_slice %arg8[%multiple_of3A_222, %dma_wait3A_305] : memref<8192x128xf32, #tpu.memory_space<hbm>> -> memref<64x128xf32, #tpu.memory_space<hbm>>
      %dma_wait3A_307 = arith.constant 0 : i32
      %dma_wait3A_308 = tpu.memref_slice %arg8[%multiple_of3A_222, %dma_wait3A_307] : memref<8192x128xf32, #tpu.memory_space<hbm>> -> memref<64x128xf32, #tpu.memory_space<hbm>>
      tpu.wait_dma2 semaphore(%run_scoped3A : memref<!tpu.dma_semaphore, #tpu.memory_space<semaphore_mem>>) src(%arg15 : memref<64x128xf32, #tpu.memory_space<vmem>>) dst(%dma_wait3A_308 : memref<64x128xf32, #tpu.memory_space<hbm>>)
      tpu.yield
    }) : () -> ()
    %dma_start3A_223 = arith.constant 3 : i32
    %dma_start3A_224 = arith.constant 0 : i32
    %dma_start3A_225 = tpu.memref_slice %arg9[%dma_start3A_223, %dma_start3A_224] : memref<4x128xi32, #tpu.memory_space<vmem>> -> memref<1x128xi32, #tpu.memory_space<vmem>>
    %dma_start3A_226 = tpu.memref_squeeze %dma_start3A_225 : memref<1x128xi32, #tpu.memory_space<vmem>> -> memref<128xi32, #tpu.memory_space<vmem>>
    %dma_start3A_227 = arith.constant 0 : i32
    %dma_start3A_228 = arith.constant 0 : i32
    %dma_start3A_229 = tpu.memref_slice %arg5[%dma_start3A_227, %dma_start3A_228] : memref<1000x64xf32, #tpu.memory_space<hbm>> -> memref<1000x64xf32, #tpu.memory_space<hbm>>
    tpu.enqueue_indirect_dma source(%dma_start3A_229 : memref<1000x64xf32, #tpu.memory_space<hbm>>) target(%arg12 : memref<128x64xf32, #tpu.memory_space<vmem>>) offsets(%dma_start3A_226 : memref<128xi32, #tpu.memory_space<vmem>>) semaphore(%arg16 : memref<!tpu.dma_semaphore, #tpu.memory_space<semaphore_mem>>)
    %dma_start3A_230 = arith.constant 3 : i32
    %dma_start3A_231 = arith.constant 0 : i32
    %dma_start3A_232 = tpu.memref_slice %arg10[%dma_start3A_230, %dma_start3A_231] : memref<4x128xi32, #tpu.memory_space<vmem>> -> memref<1x128xi32, #tpu.memory_space<vmem>>
    %dma_start3A_233 = tpu.memref_squeeze %dma_start3A_232 : memref<1x128xi32, #tpu.memory_space<vmem>> -> memref<128xi32, #tpu.memory_space<vmem>>
    %dma_start3A_234 = arith.constant 0 : i32
    %dma_start3A_235 = arith.constant 0 : i32
    %dma_start3A_236 = tpu.memref_slice %arg6[%dma_start3A_234, %dma_start3A_235] : memref<1000x64xf32, #tpu.memory_space<hbm>> -> memref<1000x64xf32, #tpu.memory_space<hbm>>
    tpu.enqueue_indirect_dma source(%dma_start3A_236 : memref<1000x64xf32, #tpu.memory_space<hbm>>) target(%arg13 : memref<128x64xf32, #tpu.memory_space<vmem>>) offsets(%dma_start3A_233 : memref<128xi32, #tpu.memory_space<vmem>>) semaphore(%arg16 : memref<!tpu.dma_semaphore, #tpu.memory_space<semaphore_mem>>)
    %dma_start3A_237 = arith.constant 3 : i32
    %dma_start3A_238 = arith.constant 0 : i32
    %dma_start3A_239 = tpu.memref_slice %arg11[%dma_start3A_237, %dma_start3A_238] : memref<4x128xi32, #tpu.memory_space<vmem>> -> memref<1x128xi32, #tpu.memory_space<vmem>>
    %dma_start3A_240 = tpu.memref_squeeze %dma_start3A_239 : memref<1x128xi32, #tpu.memory_space<vmem>> -> memref<128xi32, #tpu.memory_space<vmem>>
    %dma_start3A_241 = arith.constant 0 : i32
    %dma_start3A_242 = arith.constant 0 : i32
    %dma_start3A_243 = tpu.memref_slice %arg7[%dma_start3A_241, %dma_start3A_242] : memref<1000x64xf32, #tpu.memory_space<hbm>> -> memref<1000x64xf32, #tpu.memory_space<hbm>>
    tpu.enqueue_indirect_dma source(%dma_start3A_243 : memref<1000x64xf32, #tpu.memory_space<hbm>>) target(%arg14 : memref<128x64xf32, #tpu.memory_space<vmem>>) offsets(%dma_start3A_240 : memref<128xi32, #tpu.memory_space<vmem>>) semaphore(%arg16 : memref<!tpu.dma_semaphore, #tpu.memory_space<semaphore_mem>>)
    %dma_wait3A_244 = arith.constant 3 : i32
    %dma_wait3A_245 = arith.constant 0 : i32
    %dma_wait3A_246 = tpu.memref_slice %arg9[%dma_wait3A_244, %dma_wait3A_245] : memref<4x128xi32, #tpu.memory_space<vmem>> -> memref<1x128xi32, #tpu.memory_space<vmem>>
    %dma_wait3A_247 = tpu.memref_squeeze %dma_wait3A_246 : memref<1x128xi32, #tpu.memory_space<vmem>> -> memref<128xi32, #tpu.memory_space<vmem>>
    %dma_wait3A_248 = arith.constant 0 : i32
    %dma_wait3A_249 = arith.constant 0 : i32
    %dma_wait3A_250 = tpu.memref_slice %arg5[%dma_wait3A_248, %dma_wait3A_249] : memref<1000x64xf32, #tpu.memory_space<hbm>> -> memref<1000x64xf32, #tpu.memory_space<hbm>>
    tpu.wait_indirect_dma semaphore(%arg16 : memref<!tpu.dma_semaphore, #tpu.memory_space<semaphore_mem>>) src(%dma_wait3A_250 : memref<1000x64xf32, #tpu.memory_space<hbm>>) dst(%arg12 : memref<128x64xf32, #tpu.memory_space<vmem>>)
    %dma_wait3A_251 = arith.constant 3 : i32
    %dma_wait3A_252 = arith.constant 0 : i32
    %dma_wait3A_253 = tpu.memref_slice %arg10[%dma_wait3A_251, %dma_wait3A_252] : memref<4x128xi32, #tpu.memory_space<vmem>> -> memref<1x128xi32, #tpu.memory_space<vmem>>
    %dma_wait3A_254 = tpu.memref_squeeze %dma_wait3A_253 : memref<1x128xi32, #tpu.memory_space<vmem>> -> memref<128xi32, #tpu.memory_space<vmem>>
    %dma_wait3A_255 = arith.constant 0 : i32
    %dma_wait3A_256 = arith.constant 0 : i32
    %dma_wait3A_257 = tpu.memref_slice %arg6[%dma_wait3A_255, %dma_wait3A_256] : memref<1000x64xf32, #tpu.memory_space<hbm>> -> memref<1000x64xf32, #tpu.memory_space<hbm>>
    tpu.wait_indirect_dma semaphore(%arg16 : memref<!tpu.dma_semaphore, #tpu.memory_space<semaphore_mem>>) src(%dma_wait3A_257 : memref<1000x64xf32, #tpu.memory_space<hbm>>) dst(%arg13 : memref<128x64xf32, #tpu.memory_space<vmem>>)
    %dma_wait3A_258 = arith.constant 3 : i32
    %dma_wait3A_259 = arith.constant 0 : i32
    %dma_wait3A_260 = tpu.memref_slice %arg11[%dma_wait3A_258, %dma_wait3A_259] : memref<4x128xi32, #tpu.memory_space<vmem>> -> memref<1x128xi32, #tpu.memory_space<vmem>>
    %dma_wait3A_261 = tpu.memref_squeeze %dma_wait3A_260 : memref<1x128xi32, #tpu.memory_space<vmem>> -> memref<128xi32, #tpu.memory_space<vmem>>
    %dma_wait3A_262 = arith.constant 0 : i32
    %dma_wait3A_263 = arith.constant 0 : i32
    %dma_wait3A_264 = tpu.memref_slice %arg7[%dma_wait3A_262, %dma_wait3A_263] : memref<1000x64xf32, #tpu.memory_space<hbm>> -> memref<1000x64xf32, #tpu.memory_space<hbm>>
    tpu.wait_indirect_dma semaphore(%arg16 : memref<!tpu.dma_semaphore, #tpu.memory_space<semaphore_mem>>) src(%dma_wait3A_264 : memref<1000x64xf32, #tpu.memory_space<hbm>>) dst(%arg14 : memref<128x64xf32, #tpu.memory_space<vmem>>)
    %scan3A_265 = arith.constant 0 : i32
    %scan3A_266 = arith.constant 0 : i32
    %scan3A_267 = arith.constant 64 : i32
    %scan3A_268 = arith.addi %scan3A_266, %scan3A_267 : i32
    %scan3A_269 = arith.constant 1 : i32
    %scan3A_270 = scf.for %scan3A_301 = %scan3A_266 to %scan3A_268 step %scan3A_269 iter_args(%scan3A_302 = %scan3A_265) -> (i32)  : i32 {
      %mul3A_303 = arith.constant 2 : i32
      %mul3A_304 = arith.muli %mul3A_303, %scan3A_301 : i32
      %add3A_305 = arith.constant 0 : i32
      %add3A_306 = arith.addi %mul3A_304, %add3A_305 : i32
      %get3A = arith.index_cast %add3A_306 : i32 to index
      %get3A_307 = arith.constant 0 : index
      %get3A_308 = tpu.vector_load %arg12[%get3A, %get3A_307] {strides = array<i32>} : memref<128x64xf32, #tpu.memory_space<vmem>>, vector<1x16xf32>,
      %get3A_309 = vector.shape_cast %get3A_308 : vector<1x16xf32> to vector<16xf32>
      %get3A_310 = arith.index_cast %add3A_306 : i32 to index
      %get3A_311 = arith.constant 0 : index
      %get3A_312 = tpu.vector_load %arg13[%get3A_310, %get3A_311] {strides = array<i32>} : memref<128x64xf32, #tpu.memory_space<vmem>>, vector<1x16xf32>,
      %get3A_313 = vector.shape_cast %get3A_312 : vector<1x16xf32> to vector<16xf32>
      %add3A_314 = arith.addf %get3A_309, %get3A_313 : vector<16xf32>
      %get3A_315 = arith.index_cast %add3A_306 : i32 to index
      %get3A_316 = arith.constant 0 : index
      %get3A_317 = tpu.vector_load %arg14[%get3A_315, %get3A_316] {strides = array<i32>} : memref<128x64xf32, #tpu.memory_space<vmem>>, vector<1x16xf32>,
      %get3A_318 = vector.shape_cast %get3A_317 : vector<1x16xf32> to vector<16xf32>
      %add3A_319 = arith.addf %add3A_314, %get3A_318 : vector<16xf32>
      %swap3A = arith.index_cast %scan3A_301 : i32 to index
      %swap3A_320 = arith.constant 0 : index
      %swap3A_321 = tpu.vector_load %arg15[%swap3A, %swap3A_320] {strides = array<i32>} : memref<64x128xf32, #tpu.memory_space<vmem>>, vector<1x16xf32>,
      %swap3A_322 = vector.shape_cast %swap3A_321 : vector<1x16xf32> to vector<16xf32>
      %swap3A_323 = vector.shape_cast %add3A_319 : vector<16xf32> to vector<1x16xf32>
      tpu.vector_store %arg15[%swap3A, %swap3A_320], %swap3A_323 {strides = array<i32>} : memref<64x128xf32, #tpu.memory_space<vmem>>, vector<1x16xf32>,
      %get3A_324 = arith.index_cast %add3A_306 : i32 to index
      %get3A_325 = arith.constant 16 : index
      %get3A_326 = tpu.vector_load %arg12[%get3A_324, %get3A_325] {strides = array<i32>} : memref<128x64xf32, #tpu.memory_space<vmem>>, vector<1x16xf32>,
      %get3A_327 = vector.shape_cast %get3A_326 : vector<1x16xf32> to vector<16xf32>
      %get3A_328 = arith.index_cast %add3A_306 : i32 to index
      %get3A_329 = arith.constant 16 : index
      %get3A_330 = tpu.vector_load %arg13[%get3A_328, %get3A_329] {strides = array<i32>} : memref<128x64xf32, #tpu.memory_space<vmem>>, vector<1x16xf32>,
      %get3A_331 = vector.shape_cast %get3A_330 : vector<1x16xf32> to vector<16xf32>
      %add3A_332 = arith.addf %get3A_327, %get3A_331 : vector<16xf32>
      %get3A_333 = arith.index_cast %add3A_306 : i32 to index
      %get3A_334 = arith.constant 16 : index
      %get3A_335 = tpu.vector_load %arg14[%get3A_333, %get3A_334] {strides = array<i32>} : memref<128x64xf32, #tpu.memory_space<vmem>>, vector<1x16xf32>,
      %get3A_336 = vector.shape_cast %get3A_335 : vector<1x16xf32> to vector<16xf32>
      %add3A_337 = arith.addf %add3A_332, %get3A_336 : vector<16xf32>
      %swap3A_338 = arith.index_cast %scan3A_301 : i32 to index
      %swap3A_339 = arith.constant 16 : index
      %swap3A_340 = tpu.vector_load %arg15[%swap3A_338, %swap3A_339] {strides = array<i32>} : memref<64x128xf32, #tpu.memory_space<vmem>>, vector<1x16xf32>,
      %swap3A_341 = vector.shape_cast %swap3A_340 : vector<1x16xf32> to vector<16xf32>
      %swap3A_342 = vector.shape_cast %add3A_337 : vector<16xf32> to vector<1x16xf32>
      tpu.vector_store %arg15[%swap3A_338, %swap3A_339], %swap3A_342 {strides = array<i32>} : memref<64x128xf32, #tpu.memory_space<vmem>>, vector<1x16xf32>,
      %get3A_343 = arith.index_cast %add3A_306 : i32 to index
      %get3A_344 = arith.constant 32 : index
      %get3A_345 = tpu.vector_load %arg12[%get3A_343, %get3A_344] {strides = array<i32>} : memref<128x64xf32, #tpu.memory_space<vmem>>, vector<1x16xf32>,
      %get3A_346 = vector.shape_cast %get3A_345 : vector<1x16xf32> to vector<16xf32>
      %get3A_347 = arith.index_cast %add3A_306 : i32 to index
      %get3A_348 = arith.constant 32 : index
      %get3A_349 = tpu.vector_load %arg13[%get3A_347, %get3A_348] {strides = array<i32>} : memref<128x64xf32, #tpu.memory_space<vmem>>, vector<1x16xf32>,
      %get3A_350 = vector.shape_cast %get3A_349 : vector<1x16xf32> to vector<16xf32>
      %add3A_351 = arith.addf %get3A_346, %get3A_350 : vector<16xf32>
      %get3A_352 = arith.index_cast %add3A_306 : i32 to index
      %get3A_353 = arith.constant 32 : index
      %get3A_354 = tpu.vector_load %arg14[%get3A_352, %get3A_353] {strides = array<i32>} : memref<128x64xf32, #tpu.memory_space<vmem>>, vector<1x16xf32>,
      %get3A_355 = vector.shape_cast %get3A_354 : vector<1x16xf32> to vector<16xf32>
      %add3A_356 = arith.addf %add3A_351, %get3A_355 : vector<16xf32>
      %swap3A_357 = arith.index_cast %scan3A_301 : i32 to index
      %swap3A_358 = arith.constant 32 : index
      %swap3A_359 = tpu.vector_load %arg15[%swap3A_357, %swap3A_358] {strides = array<i32>} : memref<64x128xf32, #tpu.memory_space<vmem>>, vector<1x16xf32>,
      %swap3A_360 = vector.shape_cast %swap3A_359 : vector<1x16xf32> to vector<16xf32>
      %swap3A_361 = vector.shape_cast %add3A_356 : vector<16xf32> to vector<1x16xf32>
      tpu.vector_store %arg15[%swap3A_357, %swap3A_358], %swap3A_361 {strides = array<i32>} : memref<64x128xf32, #tpu.memory_space<vmem>>, vector<1x16xf32>,
      %get3A_362 = arith.index_cast %add3A_306 : i32 to index
      %get3A_363 = arith.constant 48 : index
      %get3A_364 = tpu.vector_load %arg12[%get3A_362, %get3A_363] {strides = array<i32>} : memref<128x64xf32, #tpu.memory_space<vmem>>, vector<1x16xf32>,
      %get3A_365 = vector.shape_cast %get3A_364 : vector<1x16xf32> to vector<16xf32>
      %get3A_366 = arith.index_cast %add3A_306 : i32 to index
      %get3A_367 = arith.constant 48 : index
      %get3A_368 = tpu.vector_load %arg13[%get3A_366, %get3A_367] {strides = array<i32>} : memref<128x64xf32, #tpu.memory_space<vmem>>, vector<1x16xf32>,
      %get3A_369 = vector.shape_cast %get3A_368 : vector<1x16xf32> to vector<16xf32>
      %add3A_370 = arith.addf %get3A_365, %get3A_369 : vector<16xf32>
      %get3A_371 = arith.index_cast %add3A_306 : i32 to index
      %get3A_372 = arith.constant 48 : index
      %get3A_373 = tpu.vector_load %arg14[%get3A_371, %get3A_372] {strides = array<i32>} : memref<128x64xf32, #tpu.memory_space<vmem>>, vector<1x16xf32>,
      %get3A_374 = vector.shape_cast %get3A_373 : vector<1x16xf32> to vector<16xf32>
      %add3A_375 = arith.addf %add3A_370, %get3A_374 : vector<16xf32>
      %swap3A_376 = arith.index_cast %scan3A_301 : i32 to index
      %swap3A_377 = arith.constant 48 : index
      %swap3A_378 = tpu.vector_load %arg15[%swap3A_376, %swap3A_377] {strides = array<i32>} : memref<64x128xf32, #tpu.memory_space<vmem>>, vector<1x16xf32>,
      %swap3A_379 = vector.shape_cast %swap3A_378 : vector<1x16xf32> to vector<16xf32>
      %swap3A_380 = vector.shape_cast %add3A_375 : vector<16xf32> to vector<1x16xf32>
      tpu.vector_store %arg15[%swap3A_376, %swap3A_377], %swap3A_380 {strides = array<i32>} : memref<64x128xf32, #tpu.memory_space<vmem>>, vector<1x16xf32>,
      %mul3A_381 = arith.constant 2 : i32
      %mul3A_382 = arith.muli %mul3A_381, %scan3A_301 : i32
      %add3A_383 = arith.constant 1 : i32
      %add3A_384 = arith.addi %mul3A_382, %add3A_383 : i32
      %get3A_385 = arith.index_cast %add3A_384 : i32 to index
      %get3A_386 = arith.constant 0 : index
      %get3A_387 = tpu.vector_load %arg12[%get3A_385, %get3A_386] {strides = array<i32>} : memref<128x64xf32, #tpu.memory_space<vmem>>, vector<1x16xf32>,
      %get3A_388 = vector.shape_cast %get3A_387 : vector<1x16xf32> to vector<16xf32>
      %get3A_389 = arith.index_cast %add3A_384 : i32 to index
      %get3A_390 = arith.constant 0 : index
      %get3A_391 = tpu.vector_load %arg13[%get3A_389, %get3A_390] {strides = array<i32>} : memref<128x64xf32, #tpu.memory_space<vmem>>, vector<1x16xf32>,
      %get3A_392 = vector.shape_cast %get3A_391 : vector<1x16xf32> to vector<16xf32>
      %add3A_393 = arith.addf %get3A_388, %get3A_392 : vector<16xf32>
      %get3A_394 = arith.index_cast %add3A_384 : i32 to index
      %get3A_395 = arith.constant 0 : index
      %get3A_396 = tpu.vector_load %arg14[%get3A_394, %get3A_395] {strides = array<i32>} : memref<128x64xf32, #tpu.memory_space<vmem>>, vector<1x16xf32>,
      %get3A_397 = vector.shape_cast %get3A_396 : vector<1x16xf32> to vector<16xf32>
      %add3A_398 = arith.addf %add3A_393, %get3A_397 : vector<16xf32>
      %swap3A_399 = arith.index_cast %scan3A_301 : i32 to index
      %swap3A_400 = arith.constant 64 : index
      %swap3A_401 = tpu.vector_load %arg15[%swap3A_399, %swap3A_400] {strides = array<i32>} : memref<64x128xf32, #tpu.memory_space<vmem>>, vector<1x16xf32>,
      %swap3A_402 = vector.shape_cast %swap3A_401 : vector<1x16xf32> to vector<16xf32>
      %swap3A_403 = vector.shape_cast %add3A_398 : vector<16xf32> to vector<1x16xf32>
      tpu.vector_store %arg15[%swap3A_399, %swap3A_400], %swap3A_403 {strides = array<i32>} : memref<64x128xf32, #tpu.memory_space<vmem>>, vector<1x16xf32>,
      %get3A_404 = arith.index_cast %add3A_384 : i32 to index
      %get3A_405 = arith.constant 16 : index
      %get3A_406 = tpu.vector_load %arg12[%get3A_404, %get3A_405] {strides = array<i32>} : memref<128x64xf32, #tpu.memory_space<vmem>>, vector<1x16xf32>,
      %get3A_407 = vector.shape_cast %get3A_406 : vector<1x16xf32> to vector<16xf32>
      %get3A_408 = arith.index_cast %add3A_384 : i32 to index
      %get3A_409 = arith.constant 16 : index
      %get3A_410 = tpu.vector_load %arg13[%get3A_408, %get3A_409] {strides = array<i32>} : memref<128x64xf32, #tpu.memory_space<vmem>>, vector<1x16xf32>,
      %get3A_411 = vector.shape_cast %get3A_410 : vector<1x16xf32> to vector<16xf32>
      %add3A_412 = arith.addf %get3A_407, %get3A_411 : vector<16xf32>
      %get3A_413 = arith.index_cast %add3A_384 : i32 to index
      %get3A_414 = arith.constant 16 : index
      %get3A_415 = tpu.vector_load %arg14[%get3A_413, %get3A_414] {strides = array<i32>} : memref<128x64xf32, #tpu.memory_space<vmem>>, vector<1x16xf32>,
      %get3A_416 = vector.shape_cast %get3A_415 : vector<1x16xf32> to vector<16xf32>
      %add3A_417 = arith.addf %add3A_412, %get3A_416 : vector<16xf32>
      %swap3A_418 = arith.index_cast %scan3A_301 : i32 to index
      %swap3A_419 = arith.constant 80 : index
      %swap3A_420 = tpu.vector_load %arg15[%swap3A_418, %swap3A_419] {strides = array<i32>} : memref<64x128xf32, #tpu.memory_space<vmem>>, vector<1x16xf32>,
      %swap3A_421 = vector.shape_cast %swap3A_420 : vector<1x16xf32> to vector<16xf32>
      %swap3A_422 = vector.shape_cast %add3A_417 : vector<16xf32> to vector<1x16xf32>
      tpu.vector_store %arg15[%swap3A_418, %swap3A_419], %swap3A_422 {strides = array<i32>} : memref<64x128xf32, #tpu.memory_space<vmem>>, vector<1x16xf32>,
      %get3A_423 = arith.index_cast %add3A_384 : i32 to index
      %get3A_424 = arith.constant 32 : index
      %get3A_425 = tpu.vector_load %arg12[%get3A_423, %get3A_424] {strides = array<i32>} : memref<128x64xf32, #tpu.memory_space<vmem>>, vector<1x16xf32>,
      %get3A_426 = vector.shape_cast %get3A_425 : vector<1x16xf32> to vector<16xf32>
      %get3A_427 = arith.index_cast %add3A_384 : i32 to index
      %get3A_428 = arith.constant 32 : index
      %get3A_429 = tpu.vector_load %arg13[%get3A_427, %get3A_428] {strides = array<i32>} : memref<128x64xf32, #tpu.memory_space<vmem>>, vector<1x16xf32>,
      %get3A_430 = vector.shape_cast %get3A_429 : vector<1x16xf32> to vector<16xf32>
      %add3A_431 = arith.addf %get3A_426, %get3A_430 : vector<16xf32>
      %get3A_432 = arith.index_cast %add3A_384 : i32 to index
      %get3A_433 = arith.constant 32 : index
      %get3A_434 = tpu.vector_load %arg14[%get3A_432, %get3A_433] {strides = array<i32>} : memref<128x64xf32, #tpu.memory_space<vmem>>, vector<1x16xf32>,
      %get3A_435 = vector.shape_cast %get3A_434 : vector<1x16xf32> to vector<16xf32>
      %add3A_436 = arith.addf %add3A_431, %get3A_435 : vector<16xf32>
      %swap3A_437 = arith.index_cast %scan3A_301 : i32 to index
      %swap3A_438 = arith.constant 96 : index
      %swap3A_439 = tpu.vector_load %arg15[%swap3A_437, %swap3A_438] {strides = array<i32>} : memref<64x128xf32, #tpu.memory_space<vmem>>, vector<1x16xf32>,
      %swap3A_440 = vector.shape_cast %swap3A_439 : vector<1x16xf32> to vector<16xf32>
      %swap3A_441 = vector.shape_cast %add3A_436 : vector<16xf32> to vector<1x16xf32>
      tpu.vector_store %arg15[%swap3A_437, %swap3A_438], %swap3A_441 {strides = array<i32>} : memref<64x128xf32, #tpu.memory_space<vmem>>, vector<1x16xf32>,
      %get3A_442 = arith.index_cast %add3A_384 : i32 to index
      %get3A_443 = arith.constant 48 : index
      %get3A_444 = tpu.vector_load %arg12[%get3A_442, %get3A_443] {strides = array<i32>} : memref<128x64xf32, #tpu.memory_space<vmem>>, vector<1x16xf32>,
      %get3A_445 = vector.shape_cast %get3A_444 : vector<1x16xf32> to vector<16xf32>
      %get3A_446 = arith.index_cast %add3A_384 : i32 to index
      %get3A_447 = arith.constant 48 : index
      %get3A_448 = tpu.vector_load %arg13[%get3A_446, %get3A_447] {strides = array<i32>} : memref<128x64xf32, #tpu.memory_space<vmem>>, vector<1x16xf32>,
      %get3A_449 = vector.shape_cast %get3A_448 : vector<1x16xf32> to vector<16xf32>
      %add3A_450 = arith.addf %get3A_445, %get3A_449 : vector<16xf32>
      %get3A_451 = arith.index_cast %add3A_384 : i32 to index
      %get3A_452 = arith.constant 48 : index
      %get3A_453 = tpu.vector_load %arg14[%get3A_451, %get3A_452] {strides = array<i32>} : memref<128x64xf32, #tpu.memory_space<vmem>>, vector<1x16xf32>,
      %get3A_454 = vector.shape_cast %get3A_453 : vector<1x16xf32> to vector<16xf32>
      %add3A_455 = arith.addf %add3A_450, %get3A_454 : vector<16xf32>
      %swap3A_456 = arith.index_cast %scan3A_301 : i32 to index
      %swap3A_457 = arith.constant 112 : index
      %swap3A_458 = tpu.vector_load %arg15[%swap3A_456, %swap3A_457] {strides = array<i32>} : memref<64x128xf32, #tpu.memory_space<vmem>>, vector<1x16xf32>,
      %swap3A_459 = vector.shape_cast %swap3A_458 : vector<1x16xf32> to vector<16xf32>
      %swap3A_460 = vector.shape_cast %add3A_455 : vector<16xf32> to vector<1x16xf32>
      tpu.vector_store %arg15[%swap3A_456, %swap3A_457], %swap3A_460 {strides = array<i32>} : memref<64x128xf32, #tpu.memory_space<vmem>>, vector<1x16xf32>,
      %scan3A_461 = arith.constant 0 : i32
      scf.yield %scan3A_461 : i32
    }
    %scan3A_271 = arith.constant 64 : i32
    %mul3A_272 = arith.constant 512 : i32
    %mul3A_273 = arith.muli %add3A, %mul3A_272 : i32
    %add3A_274 = arith.constant 384 : i32
    %add3A_275 = arith.addi %mul3A_273, %add3A_274 : i32
    %jit3A_276 = arith.constant 2 : i32
    %div3A_277 = arith.divsi %add3A_275, %jit3A_276 : i32
    %sign3A_278 = arith.constant 0 : i32
    %sign3A_279 = arith.cmpi sgt, %add3A_275, %sign3A_278 : i32
    %sign3A_280 = arith.extui %sign3A_279 : i1 to i32
    %sign3A_281 = arith.constant 0 : i32
    %sign3A_282 = arith.cmpi slt, %add3A_275, %sign3A_281 : i32
    %sign3A_283 = arith.extui %sign3A_282 : i1 to i32
    %sign3A_284 = arith.subi %sign3A_280, %sign3A_283 : i32
    %sign3A_285 = arith.constant 0 : i32
    %sign3A_286 = arith.cmpi sgt, %jit3A_276, %sign3A_285 : i32
    %sign3A_287 = arith.extui %sign3A_286 : i1 to i32
    %sign3A_288 = arith.constant 0 : i32
    %sign3A_289 = arith.cmpi slt, %jit3A_276, %sign3A_288 : i32
    %sign3A_290 = arith.extui %sign3A_289 : i1 to i32
    %sign3A_291 = arith.subi %sign3A_287, %sign3A_290 : i32
    %ne3A_292 = arith.cmpi ne, %sign3A_284, %sign3A_291 : i32
    %rem3A_293 = arith.remsi %add3A_275, %jit3A_276 : i32
    %ne3A_294 = arith.constant 0 : i32
    %ne3A_295 = arith.cmpi ne, %rem3A_293, %ne3A_294 : i32
    %and3A_296 = arith.andi %ne3A_292, %ne3A_295 : i1
    %sub3A_297 = arith.constant 1 : i32
    %sub3A_298 = arith.subi %div3A_277, %sub3A_297 : i32
    %select_n3A_299 = arith.select %and3A_296, %sub3A_298, %div3A_277 : i32
    %multiple_of3A_300 = tpu.assume_multiple %select_n3A_299, 64 : i32
    "tpu.region"() ({
      %run_scoped3A = tpu.sem_alloc : memref<!tpu.dma_semaphore, #tpu.memory_space<semaphore_mem>>
      %dma_start3A_301 = arith.constant 0 : i32
      %dma_start3A_302 = tpu.memref_slice %arg8[%multiple_of3A_300, %dma_start3A_301] : memref<8192x128xf32, #tpu.memory_space<hbm>> -> memref<64x128xf32, #tpu.memory_space<hbm>>
      %dma_start3A_303 = arith.constant 0 : i32
      %dma_start3A_304 = tpu.memref_slice %arg8[%multiple_of3A_300, %dma_start3A_303] : memref<8192x128xf32, #tpu.memory_space<hbm>> -> memref<64x128xf32, #tpu.memory_space<hbm>>
      tpu.enqueue_dma source(%arg15 : memref<64x128xf32, #tpu.memory_space<vmem>>) target(%dma_start3A_304 : memref<64x128xf32, #tpu.memory_space<hbm>>) target_semaphore(%run_scoped3A : memref<!tpu.dma_semaphore, #tpu.memory_space<semaphore_mem>>)
      %dma_wait3A_305 = arith.constant 0 : i32
      %dma_wait3A_306 = tpu.memref_slice %arg8[%multiple_of3A_300, %dma_wait3A_305] : memref<8192x128xf32, #tpu.memory_space<hbm>> -> memref<64x128xf32, #tpu.memory_space<hbm>>
      %dma_wait3A_307 = arith.constant 0 : i32
      %dma_wait3A_308 = tpu.memref_slice %arg8[%multiple_of3A_300, %dma_wait3A_307] : memref<8192x128xf32, #tpu.memory_space<hbm>> -> memref<64x128xf32, #tpu.memory_space<hbm>>
      tpu.wait_dma2 semaphore(%run_scoped3A : memref<!tpu.dma_semaphore, #tpu.memory_space<semaphore_mem>>) src(%arg15 : memref<64x128xf32, #tpu.memory_space<vmem>>) dst(%dma_wait3A_308 : memref<64x128xf32, #tpu.memory_space<hbm>>)
      tpu.yield
    }) : () -> ()
    return
  }
}

#map = affine_map<(d0, d1) -> (0)>
#map1 = affine_map<(d0, d1) -> (0, 0)>
module attributes {stable_mosaic.version = 14 : i64} {
  func.func @_body_store(%arg0: i32, %arg1: i32, %arg2: memref<16384xi32, #tpu.memory_space<hbm>>, %arg3: memref<1000000x64xf32, #tpu.memory_space<hbm>>, %arg4: memref<8192x128xf32, #tpu.memory_space<hbm>>, %arg5: memref<16384x64xf32, #tpu.memory_space<hbm>>, %arg6: memref<512xi32, #tpu.memory_space<vmem>>, %arg7: memref<128x64xf32, #tpu.memory_space<vmem>>, %arg8: memref<64x128xf32, #tpu.memory_space<vmem>>, %arg9: memref<128x64xf32, #tpu.memory_space<vmem>>, %arg10: memref<!tpu.dma_semaphore, #tpu.memory_space<semaphore_mem>>) attributes {dimension_semantics = [#tpu.dimension_semantics<core_parallel>, #tpu.dimension_semantics<subcore_parallel>], iteration_bounds = array<i64: 2, 16>, scalar_prefetch = 0 : i64, scratch_operands = 5 : i64, tpu.core_type = #tpu.core_type<sc_vector_subcore>, window_params = [{transform_indices = #map}, {transform_indices = #map1}, {transform_indices = #map1}, {transform_indices = #map1}]} {
    %mul3A = arith.constant 2 : i32
    %mul3A_0 = arith.muli %arg1, %mul3A : i32
    %add3A = arith.addi %mul3A_0, %arg0 : i32
    %mul3A_1 = arith.constant 512 : i32
    %mul3A_2 = arith.muli %add3A, %mul3A_1 : i32
    %multiple_of3A = tpu.assume_multiple %mul3A_2, 512 : i32
    "tpu.region"() ({
      %run_scoped3A = tpu.sem_alloc : memref<!tpu.dma_semaphore, #tpu.memory_space<semaphore_mem>>
      %dma_start3A_220 = tpu.memref_slice %arg2[%multiple_of3A] : memref<16384xi32, #tpu.memory_space<hbm>> -> memref<512xi32, #tpu.memory_space<hbm>>
      %dma_start3A_221 = tpu.memref_slice %arg2[%multiple_of3A] : memref<16384xi32, #tpu.memory_space<hbm>> -> memref<512xi32, #tpu.memory_space<hbm>>
      tpu.enqueue_dma source(%dma_start3A_221 : memref<512xi32, #tpu.memory_space<hbm>>) target(%arg6 : memref<512xi32, #tpu.memory_space<vmem>>) target_semaphore(%run_scoped3A : memref<!tpu.dma_semaphore, #tpu.memory_space<semaphore_mem>>)
      %dma_wait3A_222 = tpu.memref_slice %arg2[%multiple_of3A] : memref<16384xi32, #tpu.memory_space<hbm>> -> memref<512xi32, #tpu.memory_space<hbm>>
      %dma_wait3A_223 = tpu.memref_slice %arg2[%multiple_of3A] : memref<16384xi32, #tpu.memory_space<hbm>> -> memref<512xi32, #tpu.memory_space<hbm>>
      tpu.wait_dma2 semaphore(%run_scoped3A : memref<!tpu.dma_semaphore, #tpu.memory_space<semaphore_mem>>) src(%dma_wait3A_223 : memref<512xi32, #tpu.memory_space<hbm>>) dst(%arg6 : memref<512xi32, #tpu.memory_space<vmem>>)
      tpu.yield
    }) : () -> ()
    %scan3A = arith.constant 0 : i32
    %scan3A_3 = arith.constant 0 : i32
    %scan3A_4 = arith.constant 8 : i32
    %scan3A_5 = arith.addi %scan3A_3, %scan3A_4 : i32
    %scan3A_6 = arith.constant 1 : i32
    %scan3A_7 = scf.for %scan3A_220 = %scan3A_3 to %scan3A_5 step %scan3A_6 iter_args(%scan3A_221 = %scan3A) -> (i32)  : i32 {
      %mul3A_222 = arith.constant 16 : i32
      %mul3A_223 = arith.muli %scan3A_220, %mul3A_222 : i32
      %add3A_224 = arith.constant 0 : i32
      %add3A_225 = arith.addi %add3A_224, %mul3A_223 : i32
      %get3A = arith.index_cast %add3A_225 : i32 to index
      %get3A_226 = tpu.vector_load %arg6[%get3A] {strides = array<i32>} : memref<512xi32, #tpu.memory_space<vmem>>, vector<16xi32>,
      %get3A_227 = vector.shape_cast %get3A_226 : vector<16xi32> to vector<16xi32>
      %slice3A = vector.extract_strided_slice %get3A_227 {offsets = [0], sizes = [1], strides = [1]} : vector<16xi32> to vector<1xi32>
      %squeeze3A = vector.extract %slice3A[0] : i32 from vector<1xi32>
      %mul3A_228 = arith.constant 16 : i32
      %mul3A_229 = arith.muli %scan3A_220, %mul3A_228 : i32
      %add3A_230 = arith.constant 0 : i32
      %add3A_231 = arith.addi %mul3A_229, %add3A_230 : i32
      %dma_start3A_232 = arith.constant 0 : i32
      %dma_start3A_233 = tpu.memref_slice %arg7[%add3A_231, %dma_start3A_232] : memref<128x64xf32, #tpu.memory_space<vmem>> -> memref<1x64xf32, #tpu.memory_space<vmem>>
      %dma_start3A_234 = tpu.memref_squeeze %dma_start3A_233 : memref<1x64xf32, #tpu.memory_space<vmem>> -> memref<64xf32, #tpu.memory_space<vmem>>
      %dma_start3A_235 = arith.constant 0 : i32
      %dma_start3A_236 = tpu.memref_slice %arg3[%squeeze3A, %dma_start3A_235] : memref<1000000x64xf32, #tpu.memory_space<hbm>> -> memref<1x64xf32, #tpu.memory_space<hbm>>
      %dma_start3A_237 = tpu.memref_squeeze %dma_start3A_236 : memref<1x64xf32, #tpu.memory_space<hbm>> -> memref<64xf32, #tpu.memory_space<hbm>>
      %dma_start3A_238 = arith.constant 0 : i32
      %dma_start3A_239 = tpu.memref_slice %arg7[%add3A_231, %dma_start3A_238] : memref<128x64xf32, #tpu.memory_space<vmem>> -> memref<1x64xf32, #tpu.memory_space<vmem>>
      %dma_start3A_240 = tpu.memref_squeeze %dma_start3A_239 : memref<1x64xf32, #tpu.memory_space<vmem>> -> memref<64xf32, #tpu.memory_space<vmem>>
      %dma_start3A_241 = arith.constant 0 : i32
      %dma_start3A_242 = tpu.memref_slice %arg3[%squeeze3A, %dma_start3A_241] : memref<1000000x64xf32, #tpu.memory_space<hbm>> -> memref<1x64xf32, #tpu.memory_space<hbm>>
      %dma_start3A_243 = tpu.memref_squeeze %dma_start3A_242 : memref<1x64xf32, #tpu.memory_space<hbm>> -> memref<64xf32, #tpu.memory_space<hbm>>
      tpu.enqueue_dma source(%dma_start3A_243 : memref<64xf32, #tpu.memory_space<hbm>>) target(%dma_start3A_240 : memref<64xf32, #tpu.memory_space<vmem>>) target_semaphore(%arg10 : memref<!tpu.dma_semaphore, #tpu.memory_space<semaphore_mem>>)
      %slice3A_244 = vector.extract_strided_slice %get3A_227 {offsets = [1], sizes = [1], strides = [1]} : vector<16xi32> to vector<1xi32>
      %squeeze3A_245 = vector.extract %slice3A_244[0] : i32 from vector<1xi32>
      %mul3A_246 = arith.constant 16 : i32
      %mul3A_247 = arith.muli %scan3A_220, %mul3A_246 : i32
      %add3A_248 = arith.constant 1 : i32
      %add3A_249 = arith.addi %mul3A_247, %add3A_248 : i32
      %dma_start3A_250 = arith.constant 0 : i32
      %dma_start3A_251 = tpu.memref_slice %arg7[%add3A_249, %dma_start3A_250] : memref<128x64xf32, #tpu.memory_space<vmem>> -> memref<1x64xf32, #tpu.memory_space<vmem>>
      %dma_start3A_252 = tpu.memref_squeeze %dma_start3A_251 : memref<1x64xf32, #tpu.memory_space<vmem>> -> memref<64xf32, #tpu.memory_space<vmem>>
      %dma_start3A_253 = arith.constant 0 : i32
      %dma_start3A_254 = tpu.memref_slice %arg3[%squeeze3A_245, %dma_start3A_253] : memref<1000000x64xf32, #tpu.memory_space<hbm>> -> memref<1x64xf32, #tpu.memory_space<hbm>>
      %dma_start3A_255 = tpu.memref_squeeze %dma_start3A_254 : memref<1x64xf32, #tpu.memory_space<hbm>> -> memref<64xf32, #tpu.memory_space<hbm>>
      %dma_start3A_256 = arith.constant 0 : i32
      %dma_start3A_257 = tpu.memref_slice %arg7[%add3A_249, %dma_start3A_256] : memref<128x64xf32, #tpu.memory_space<vmem>> -> memref<1x64xf32, #tpu.memory_space<vmem>>
      %dma_start3A_258 = tpu.memref_squeeze %dma_start3A_257 : memref<1x64xf32, #tpu.memory_space<vmem>> -> memref<64xf32, #tpu.memory_space<vmem>>
      %dma_start3A_259 = arith.constant 0 : i32
      %dma_start3A_260 = tpu.memref_slice %arg3[%squeeze3A_245, %dma_start3A_259] : memref<1000000x64xf32, #tpu.memory_space<hbm>> -> memref<1x64xf32, #tpu.memory_space<hbm>>
      %dma_start3A_261 = tpu.memref_squeeze %dma_start3A_260 : memref<1x64xf32, #tpu.memory_space<hbm>> -> memref<64xf32, #tpu.memory_space<hbm>>
      tpu.enqueue_dma source(%dma_start3A_261 : memref<64xf32, #tpu.memory_space<hbm>>) target(%dma_start3A_258 : memref<64xf32, #tpu.memory_space<vmem>>) target_semaphore(%arg10 : memref<!tpu.dma_semaphore, #tpu.memory_space<semaphore_mem>>)
      %slice3A_262 = vector.extract_strided_slice %get3A_227 {offsets = [2], sizes = [1], strides = [1]} : vector<16xi32> to vector<1xi32>
      %squeeze3A_263 = vector.extract %slice3A_262[0] : i32 from vector<1xi32>
      %mul3A_264 = arith.constant 16 : i32
      %mul3A_265 = arith.muli %scan3A_220, %mul3A_264 : i32
      %add3A_266 = arith.constant 2 : i32
      %add3A_267 = arith.addi %mul3A_265, %add3A_266 : i32
      %dma_start3A_268 = arith.constant 0 : i32
      %dma_start3A_269 = tpu.memref_slice %arg7[%add3A_267, %dma_start3A_268] : memref<128x64xf32, #tpu.memory_space<vmem>> -> memref<1x64xf32, #tpu.memory_space<vmem>>
      %dma_start3A_270 = tpu.memref_squeeze %dma_start3A_269 : memref<1x64xf32, #tpu.memory_space<vmem>> -> memref<64xf32, #tpu.memory_space<vmem>>
      %dma_start3A_271 = arith.constant 0 : i32
      %dma_start3A_272 = tpu.memref_slice %arg3[%squeeze3A_263, %dma_start3A_271] : memref<1000000x64xf32, #tpu.memory_space<hbm>> -> memref<1x64xf32, #tpu.memory_space<hbm>>
      %dma_start3A_273 = tpu.memref_squeeze %dma_start3A_272 : memref<1x64xf32, #tpu.memory_space<hbm>> -> memref<64xf32, #tpu.memory_space<hbm>>
      %dma_start3A_274 = arith.constant 0 : i32
      %dma_start3A_275 = tpu.memref_slice %arg7[%add3A_267, %dma_start3A_274] : memref<128x64xf32, #tpu.memory_space<vmem>> -> memref<1x64xf32, #tpu.memory_space<vmem>>
      %dma_start3A_276 = tpu.memref_squeeze %dma_start3A_275 : memref<1x64xf32, #tpu.memory_space<vmem>> -> memref<64xf32, #tpu.memory_space<vmem>>
      %dma_start3A_277 = arith.constant 0 : i32
      %dma_start3A_278 = tpu.memref_slice %arg3[%squeeze3A_263, %dma_start3A_277] : memref<1000000x64xf32, #tpu.memory_space<hbm>> -> memref<1x64xf32, #tpu.memory_space<hbm>>
      %dma_start3A_279 = tpu.memref_squeeze %dma_start3A_278 : memref<1x64xf32, #tpu.memory_space<hbm>> -> memref<64xf32, #tpu.memory_space<hbm>>
      tpu.enqueue_dma source(%dma_start3A_279 : memref<64xf32, #tpu.memory_space<hbm>>) target(%dma_start3A_276 : memref<64xf32, #tpu.memory_space<vmem>>) target_semaphore(%arg10 : memref<!tpu.dma_semaphore, #tpu.memory_space<semaphore_mem>>)
      %slice3A_280 = vector.extract_strided_slice %get3A_227 {offsets = [3], sizes = [1], strides = [1]} : vector<16xi32> to vector<1xi32>
      %squeeze3A_281 = vector.extract %slice3A_280[0] : i32 from vector<1xi32>
      %mul3A_282 = arith.constant 16 : i32
      %mul3A_283 = arith.muli %scan3A_220, %mul3A_282 : i32
      %add3A_284 = arith.constant 3 : i32
      %add3A_285 = arith.addi %mul3A_283, %add3A_284 : i32
      %dma_start3A_286 = arith.constant 0 : i32
      %dma_start3A_287 = tpu.memref_slice %arg7[%add3A_285, %dma_start3A_286] : memref<128x64xf32, #tpu.memory_space<vmem>> -> memref<1x64xf32, #tpu.memory_space<vmem>>
      %dma_start3A_288 = tpu.memref_squeeze %dma_start3A_287 : memref<1x64xf32, #tpu.memory_space<vmem>> -> memref<64xf32, #tpu.memory_space<vmem>>
      %dma_start3A_289 = arith.constant 0 : i32
      %dma_start3A_290 = tpu.memref_slice %arg3[%squeeze3A_281, %dma_start3A_289] : memref<1000000x64xf32, #tpu.memory_space<hbm>> -> memref<1x64xf32, #tpu.memory_space<hbm>>
      %dma_start3A_291 = tpu.memref_squeeze %dma_start3A_290 : memref<1x64xf32, #tpu.memory_space<hbm>> -> memref<64xf32, #tpu.memory_space<hbm>>
      %dma_start3A_292 = arith.constant 0 : i32
      %dma_start3A_293 = tpu.memref_slice %arg7[%add3A_285, %dma_start3A_292] : memref<128x64xf32, #tpu.memory_space<vmem>> -> memref<1x64xf32, #tpu.memory_space<vmem>>
      %dma_start3A_294 = tpu.memref_squeeze %dma_start3A_293 : memref<1x64xf32, #tpu.memory_space<vmem>> -> memref<64xf32, #tpu.memory_space<vmem>>
      %dma_start3A_295 = arith.constant 0 : i32
      %dma_start3A_296 = tpu.memref_slice %arg3[%squeeze3A_281, %dma_start3A_295] : memref<1000000x64xf32, #tpu.memory_space<hbm>> -> memref<1x64xf32, #tpu.memory_space<hbm>>
      %dma_start3A_297 = tpu.memref_squeeze %dma_start3A_296 : memref<1x64xf32, #tpu.memory_space<hbm>> -> memref<64xf32, #tpu.memory_space<hbm>>
      tpu.enqueue_dma source(%dma_start3A_297 : memref<64xf32, #tpu.memory_space<hbm>>) target(%dma_start3A_294 : memref<64xf32, #tpu.memory_space<vmem>>) target_semaphore(%arg10 : memref<!tpu.dma_semaphore, #tpu.memory_space<semaphore_mem>>)
      %slice3A_298 = vector.extract_strided_slice %get3A_227 {offsets = [4], sizes = [1], strides = [1]} : vector<16xi32> to vector<1xi32>
      %squeeze3A_299 = vector.extract %slice3A_298[0] : i32 from vector<1xi32>
      %mul3A_300 = arith.constant 16 : i32
      %mul3A_301 = arith.muli %scan3A_220, %mul3A_300 : i32
      %add3A_302 = arith.constant 4 : i32
      %add3A_303 = arith.addi %mul3A_301, %add3A_302 : i32
      %dma_start3A_304 = arith.constant 0 : i32
      %dma_start3A_305 = tpu.memref_slice %arg7[%add3A_303, %dma_start3A_304] : memref<128x64xf32, #tpu.memory_space<vmem>> -> memref<1x64xf32, #tpu.memory_space<vmem>>
      %dma_start3A_306 = tpu.memref_squeeze %dma_start3A_305 : memref<1x64xf32, #tpu.memory_space<vmem>> -> memref<64xf32, #tpu.memory_space<vmem>>
      %dma_start3A_307 = arith.constant 0 : i32
      %dma_start3A_308 = tpu.memref_slice %arg3[%squeeze3A_299, %dma_start3A_307] : memref<1000000x64xf32, #tpu.memory_space<hbm>> -> memref<1x64xf32, #tpu.memory_space<hbm>>
      %dma_start3A_309 = tpu.memref_squeeze %dma_start3A_308 : memref<1x64xf32, #tpu.memory_space<hbm>> -> memref<64xf32, #tpu.memory_space<hbm>>
      %dma_start3A_310 = arith.constant 0 : i32
      %dma_start3A_311 = tpu.memref_slice %arg7[%add3A_303, %dma_start3A_310] : memref<128x64xf32, #tpu.memory_space<vmem>> -> memref<1x64xf32, #tpu.memory_space<vmem>>
      %dma_start3A_312 = tpu.memref_squeeze %dma_start3A_311 : memref<1x64xf32, #tpu.memory_space<vmem>> -> memref<64xf32, #tpu.memory_space<vmem>>
      %dma_start3A_313 = arith.constant 0 : i32
      %dma_start3A_314 = tpu.memref_slice %arg3[%squeeze3A_299, %dma_start3A_313] : memref<1000000x64xf32, #tpu.memory_space<hbm>> -> memref<1x64xf32, #tpu.memory_space<hbm>>
      %dma_start3A_315 = tpu.memref_squeeze %dma_start3A_314 : memref<1x64xf32, #tpu.memory_space<hbm>> -> memref<64xf32, #tpu.memory_space<hbm>>
      tpu.enqueue_dma source(%dma_start3A_315 : memref<64xf32, #tpu.memory_space<hbm>>) target(%dma_start3A_312 : memref<64xf32, #tpu.memory_space<vmem>>) target_semaphore(%arg10 : memref<!tpu.dma_semaphore, #tpu.memory_space<semaphore_mem>>)
      %slice3A_316 = vector.extract_strided_slice %get3A_227 {offsets = [5], sizes = [1], strides = [1]} : vector<16xi32> to vector<1xi32>
      %squeeze3A_317 = vector.extract %slice3A_316[0] : i32 from vector<1xi32>
      %mul3A_318 = arith.constant 16 : i32
      %mul3A_319 = arith.muli %scan3A_220, %mul3A_318 : i32
      %add3A_320 = arith.constant 5 : i32
      %add3A_321 = arith.addi %mul3A_319, %add3A_320 : i32
      %dma_start3A_322 = arith.constant 0 : i32
      %dma_start3A_323 = tpu.memref_slice %arg7[%add3A_321, %dma_start3A_322] : memref<128x64xf32, #tpu.memory_space<vmem>> -> memref<1x64xf32, #tpu.memory_space<vmem>>
      %dma_start3A_324 = tpu.memref_squeeze %dma_start3A_323 : memref<1x64xf32, #tpu.memory_space<vmem>> -> memref<64xf32, #tpu.memory_space<vmem>>
      %dma_start3A_325 = arith.constant 0 : i32
      %dma_start3A_326 = tpu.memref_slice %arg3[%squeeze3A_317, %dma_start3A_325] : memref<1000000x64xf32, #tpu.memory_space<hbm>> -> memref<1x64xf32, #tpu.memory_space<hbm>>
      %dma_start3A_327 = tpu.memref_squeeze %dma_start3A_326 : memref<1x64xf32, #tpu.memory_space<hbm>> -> memref<64xf32, #tpu.memory_space<hbm>>
      %dma_start3A_328 = arith.constant 0 : i32
      %dma_start3A_329 = tpu.memref_slice %arg7[%add3A_321, %dma_start3A_328] : memref<128x64xf32, #tpu.memory_space<vmem>> -> memref<1x64xf32, #tpu.memory_space<vmem>>
      %dma_start3A_330 = tpu.memref_squeeze %dma_start3A_329 : memref<1x64xf32, #tpu.memory_space<vmem>> -> memref<64xf32, #tpu.memory_space<vmem>>
      %dma_start3A_331 = arith.constant 0 : i32
      %dma_start3A_332 = tpu.memref_slice %arg3[%squeeze3A_317, %dma_start3A_331] : memref<1000000x64xf32, #tpu.memory_space<hbm>> -> memref<1x64xf32, #tpu.memory_space<hbm>>
      %dma_start3A_333 = tpu.memref_squeeze %dma_start3A_332 : memref<1x64xf32, #tpu.memory_space<hbm>> -> memref<64xf32, #tpu.memory_space<hbm>>
      tpu.enqueue_dma source(%dma_start3A_333 : memref<64xf32, #tpu.memory_space<hbm>>) target(%dma_start3A_330 : memref<64xf32, #tpu.memory_space<vmem>>) target_semaphore(%arg10 : memref<!tpu.dma_semaphore, #tpu.memory_space<semaphore_mem>>)
      %slice3A_334 = vector.extract_strided_slice %get3A_227 {offsets = [6], sizes = [1], strides = [1]} : vector<16xi32> to vector<1xi32>
      %squeeze3A_335 = vector.extract %slice3A_334[0] : i32 from vector<1xi32>
      %mul3A_336 = arith.constant 16 : i32
      %mul3A_337 = arith.muli %scan3A_220, %mul3A_336 : i32
      %add3A_338 = arith.constant 6 : i32
      %add3A_339 = arith.addi %mul3A_337, %add3A_338 : i32
      %dma_start3A_340 = arith.constant 0 : i32
      %dma_start3A_341 = tpu.memref_slice %arg7[%add3A_339, %dma_start3A_340] : memref<128x64xf32, #tpu.memory_space<vmem>> -> memref<1x64xf32, #tpu.memory_space<vmem>>
      %dma_start3A_342 = tpu.memref_squeeze %dma_start3A_341 : memref<1x64xf32, #tpu.memory_space<vmem>> -> memref<64xf32, #tpu.memory_space<vmem>>
      %dma_start3A_343 = arith.constant 0 : i32
      %dma_start3A_344 = tpu.memref_slice %arg3[%squeeze3A_335, %dma_start3A_343] : memref<1000000x64xf32, #tpu.memory_space<hbm>> -> memref<1x64xf32, #tpu.memory_space<hbm>>
      %dma_start3A_345 = tpu.memref_squeeze %dma_start3A_344 : memref<1x64xf32, #tpu.memory_space<hbm>> -> memref<64xf32, #tpu.memory_space<hbm>>
      %dma_start3A_346 = arith.constant 0 : i32
      %dma_start3A_347 = tpu.memref_slice %arg7[%add3A_339, %dma_start3A_346] : memref<128x64xf32, #tpu.memory_space<vmem>> -> memref<1x64xf32, #tpu.memory_space<vmem>>
      %dma_start3A_348 = tpu.memref_squeeze %dma_start3A_347 : memref<1x64xf32, #tpu.memory_space<vmem>> -> memref<64xf32, #tpu.memory_space<vmem>>
      %dma_start3A_349 = arith.constant 0 : i32
      %dma_start3A_350 = tpu.memref_slice %arg3[%squeeze3A_335, %dma_start3A_349] : memref<1000000x64xf32, #tpu.memory_space<hbm>> -> memref<1x64xf32, #tpu.memory_space<hbm>>
      %dma_start3A_351 = tpu.memref_squeeze %dma_start3A_350 : memref<1x64xf32, #tpu.memory_space<hbm>> -> memref<64xf32, #tpu.memory_space<hbm>>
      tpu.enqueue_dma source(%dma_start3A_351 : memref<64xf32, #tpu.memory_space<hbm>>) target(%dma_start3A_348 : memref<64xf32, #tpu.memory_space<vmem>>) target_semaphore(%arg10 : memref<!tpu.dma_semaphore, #tpu.memory_space<semaphore_mem>>)
      %slice3A_352 = vector.extract_strided_slice %get3A_227 {offsets = [7], sizes = [1], strides = [1]} : vector<16xi32> to vector<1xi32>
      %squeeze3A_353 = vector.extract %slice3A_352[0] : i32 from vector<1xi32>
      %mul3A_354 = arith.constant 16 : i32
      %mul3A_355 = arith.muli %scan3A_220, %mul3A_354 : i32
      %add3A_356 = arith.constant 7 : i32
      %add3A_357 = arith.addi %mul3A_355, %add3A_356 : i32
      %dma_start3A_358 = arith.constant 0 : i32
      %dma_start3A_359 = tpu.memref_slice %arg7[%add3A_357, %dma_start3A_358] : memref<128x64xf32, #tpu.memory_space<vmem>> -> memref<1x64xf32, #tpu.memory_space<vmem>>
      %dma_start3A_360 = tpu.memref_squeeze %dma_start3A_359 : memref<1x64xf32, #tpu.memory_space<vmem>> -> memref<64xf32, #tpu.memory_space<vmem>>
      %dma_start3A_361 = arith.constant 0 : i32
      %dma_start3A_362 = tpu.memref_slice %arg3[%squeeze3A_353, %dma_start3A_361] : memref<1000000x64xf32, #tpu.memory_space<hbm>> -> memref<1x64xf32, #tpu.memory_space<hbm>>
      %dma_start3A_363 = tpu.memref_squeeze %dma_start3A_362 : memref<1x64xf32, #tpu.memory_space<hbm>> -> memref<64xf32, #tpu.memory_space<hbm>>
      %dma_start3A_364 = arith.constant 0 : i32
      %dma_start3A_365 = tpu.memref_slice %arg7[%add3A_357, %dma_start3A_364] : memref<128x64xf32, #tpu.memory_space<vmem>> -> memref<1x64xf32, #tpu.memory_space<vmem>>
      %dma_start3A_366 = tpu.memref_squeeze %dma_start3A_365 : memref<1x64xf32, #tpu.memory_space<vmem>> -> memref<64xf32, #tpu.memory_space<vmem>>
      %dma_start3A_367 = arith.constant 0 : i32
      %dma_start3A_368 = tpu.memref_slice %arg3[%squeeze3A_353, %dma_start3A_367] : memref<1000000x64xf32, #tpu.memory_space<hbm>> -> memref<1x64xf32, #tpu.memory_space<hbm>>
      %dma_start3A_369 = tpu.memref_squeeze %dma_start3A_368 : memref<1x64xf32, #tpu.memory_space<hbm>> -> memref<64xf32, #tpu.memory_space<hbm>>
      tpu.enqueue_dma source(%dma_start3A_369 : memref<64xf32, #tpu.memory_space<hbm>>) target(%dma_start3A_366 : memref<64xf32, #tpu.memory_space<vmem>>) target_semaphore(%arg10 : memref<!tpu.dma_semaphore, #tpu.memory_space<semaphore_mem>>)
      %slice3A_370 = vector.extract_strided_slice %get3A_227 {offsets = [8], sizes = [1], strides = [1]} : vector<16xi32> to vector<1xi32>
      %squeeze3A_371 = vector.extract %slice3A_370[0] : i32 from vector<1xi32>
      %mul3A_372 = arith.constant 16 : i32
      %mul3A_373 = arith.muli %scan3A_220, %mul3A_372 : i32
      %add3A_374 = arith.constant 8 : i32
      %add3A_375 = arith.addi %mul3A_373, %add3A_374 : i32
      %dma_start3A_376 = arith.constant 0 : i32
      %dma_start3A_377 = tpu.memref_slice %arg7[%add3A_375, %dma_start3A_376] : memref<128x64xf32, #tpu.memory_space<vmem>> -> memref<1x64xf32, #tpu.memory_space<vmem>>
      %dma_start3A_378 = tpu.memref_squeeze %dma_start3A_377 : memref<1x64xf32, #tpu.memory_space<vmem>> -> memref<64xf32, #tpu.memory_space<vmem>>
      %dma_start3A_379 = arith.constant 0 : i32
      %dma_start3A_380 = tpu.memref_slice %arg3[%squeeze3A_371, %dma_start3A_379] : memref<1000000x64xf32, #tpu.memory_space<hbm>> -> memref<1x64xf32, #tpu.memory_space<hbm>>
      %dma_start3A_381 = tpu.memref_squeeze %dma_start3A_380 : memref<1x64xf32, #tpu.memory_space<hbm>> -> memref<64xf32, #tpu.memory_space<hbm>>
      %dma_start3A_382 = arith.constant 0 : i32
      %dma_start3A_383 = tpu.memref_slice %arg7[%add3A_375, %dma_start3A_382] : memref<128x64xf32, #tpu.memory_space<vmem>> -> memref<1x64xf32, #tpu.memory_space<vmem>>
      %dma_start3A_384 = tpu.memref_squeeze %dma_start3A_383 : memref<1x64xf32, #tpu.memory_space<vmem>> -> memref<64xf32, #tpu.memory_space<vmem>>
      %dma_start3A_385 = arith.constant 0 : i32
      %dma_start3A_386 = tpu.memref_slice %arg3[%squeeze3A_371, %dma_start3A_385] : memref<1000000x64xf32, #tpu.memory_space<hbm>> -> memref<1x64xf32, #tpu.memory_space<hbm>>
      %dma_start3A_387 = tpu.memref_squeeze %dma_start3A_386 : memref<1x64xf32, #tpu.memory_space<hbm>> -> memref<64xf32, #tpu.memory_space<hbm>>
      tpu.enqueue_dma source(%dma_start3A_387 : memref<64xf32, #tpu.memory_space<hbm>>) target(%dma_start3A_384 : memref<64xf32, #tpu.memory_space<vmem>>) target_semaphore(%arg10 : memref<!tpu.dma_semaphore, #tpu.memory_space<semaphore_mem>>)
      %slice3A_388 = vector.extract_strided_slice %get3A_227 {offsets = [9], sizes = [1], strides = [1]} : vector<16xi32> to vector<1xi32>
      %squeeze3A_389 = vector.extract %slice3A_388[0] : i32 from vector<1xi32>
      %mul3A_390 = arith.constant 16 : i32
      %mul3A_391 = arith.muli %scan3A_220, %mul3A_390 : i32
      %add3A_392 = arith.constant 9 : i32
      %add3A_393 = arith.addi %mul3A_391, %add3A_392 : i32
      %dma_start3A_394 = arith.constant 0 : i32
      %dma_start3A_395 = tpu.memref_slice %arg7[%add3A_393, %dma_start3A_394] : memref<128x64xf32, #tpu.memory_space<vmem>> -> memref<1x64xf32, #tpu.memory_space<vmem>>
      %dma_start3A_396 = tpu.memref_squeeze %dma_start3A_395 : memref<1x64xf32, #tpu.memory_space<vmem>> -> memref<64xf32, #tpu.memory_space<vmem>>
      %dma_start3A_397 = arith.constant 0 : i32
      %dma_start3A_398 = tpu.memref_slice %arg3[%squeeze3A_389, %dma_start3A_397] : memref<1000000x64xf32, #tpu.memory_space<hbm>> -> memref<1x64xf32, #tpu.memory_space<hbm>>
      %dma_start3A_399 = tpu.memref_squeeze %dma_start3A_398 : memref<1x64xf32, #tpu.memory_space<hbm>> -> memref<64xf32, #tpu.memory_space<hbm>>
      %dma_start3A_400 = arith.constant 0 : i32
      %dma_start3A_401 = tpu.memref_slice %arg7[%add3A_393, %dma_start3A_400] : memref<128x64xf32, #tpu.memory_space<vmem>> -> memref<1x64xf32, #tpu.memory_space<vmem>>
      %dma_start3A_402 = tpu.memref_squeeze %dma_start3A_401 : memref<1x64xf32, #tpu.memory_space<vmem>> -> memref<64xf32, #tpu.memory_space<vmem>>
      %dma_start3A_403 = arith.constant 0 : i32
      %dma_start3A_404 = tpu.memref_slice %arg3[%squeeze3A_389, %dma_start3A_403] : memref<1000000x64xf32, #tpu.memory_space<hbm>> -> memref<1x64xf32, #tpu.memory_space<hbm>>
      %dma_start3A_405 = tpu.memref_squeeze %dma_start3A_404 : memref<1x64xf32, #tpu.memory_space<hbm>> -> memref<64xf32, #tpu.memory_space<hbm>>
      tpu.enqueue_dma source(%dma_start3A_405 : memref<64xf32, #tpu.memory_space<hbm>>) target(%dma_start3A_402 : memref<64xf32, #tpu.memory_space<vmem>>) target_semaphore(%arg10 : memref<!tpu.dma_semaphore, #tpu.memory_space<semaphore_mem>>)
      %slice3A_406 = vector.extract_strided_slice %get3A_227 {offsets = [10], sizes = [1], strides = [1]} : vector<16xi32> to vector<1xi32>
      %squeeze3A_407 = vector.extract %slice3A_406[0] : i32 from vector<1xi32>
      %mul3A_408 = arith.constant 16 : i32
      %mul3A_409 = arith.muli %scan3A_220, %mul3A_408 : i32
      %add3A_410 = arith.constant 10 : i32
      %add3A_411 = arith.addi %mul3A_409, %add3A_410 : i32
      %dma_start3A_412 = arith.constant 0 : i32
      %dma_start3A_413 = tpu.memref_slice %arg7[%add3A_411, %dma_start3A_412] : memref<128x64xf32, #tpu.memory_space<vmem>> -> memref<1x64xf32, #tpu.memory_space<vmem>>
      %dma_start3A_414 = tpu.memref_squeeze %dma_start3A_413 : memref<1x64xf32, #tpu.memory_space<vmem>> -> memref<64xf32, #tpu.memory_space<vmem>>
      %dma_start3A_415 = arith.constant 0 : i32
      %dma_start3A_416 = tpu.memref_slice %arg3[%squeeze3A_407, %dma_start3A_415] : memref<1000000x64xf32, #tpu.memory_space<hbm>> -> memref<1x64xf32, #tpu.memory_space<hbm>>
      %dma_start3A_417 = tpu.memref_squeeze %dma_start3A_416 : memref<1x64xf32, #tpu.memory_space<hbm>> -> memref<64xf32, #tpu.memory_space<hbm>>
      %dma_start3A_418 = arith.constant 0 : i32
      %dma_start3A_419 = tpu.memref_slice %arg7[%add3A_411, %dma_start3A_418] : memref<128x64xf32, #tpu.memory_space<vmem>> -> memref<1x64xf32, #tpu.memory_space<vmem>>
      %dma_start3A_420 = tpu.memref_squeeze %dma_start3A_419 : memref<1x64xf32, #tpu.memory_space<vmem>> -> memref<64xf32, #tpu.memory_space<vmem>>
      %dma_start3A_421 = arith.constant 0 : i32
      %dma_start3A_422 = tpu.memref_slice %arg3[%squeeze3A_407, %dma_start3A_421] : memref<1000000x64xf32, #tpu.memory_space<hbm>> -> memref<1x64xf32, #tpu.memory_space<hbm>>
      %dma_start3A_423 = tpu.memref_squeeze %dma_start3A_422 : memref<1x64xf32, #tpu.memory_space<hbm>> -> memref<64xf32, #tpu.memory_space<hbm>>
      tpu.enqueue_dma source(%dma_start3A_423 : memref<64xf32, #tpu.memory_space<hbm>>) target(%dma_start3A_420 : memref<64xf32, #tpu.memory_space<vmem>>) target_semaphore(%arg10 : memref<!tpu.dma_semaphore, #tpu.memory_space<semaphore_mem>>)
      %slice3A_424 = vector.extract_strided_slice %get3A_227 {offsets = [11], sizes = [1], strides = [1]} : vector<16xi32> to vector<1xi32>
      %squeeze3A_425 = vector.extract %slice3A_424[0] : i32 from vector<1xi32>
      %mul3A_426 = arith.constant 16 : i32
      %mul3A_427 = arith.muli %scan3A_220, %mul3A_426 : i32
      %add3A_428 = arith.constant 11 : i32
      %add3A_429 = arith.addi %mul3A_427, %add3A_428 : i32
      %dma_start3A_430 = arith.constant 0 : i32
      %dma_start3A_431 = tpu.memref_slice %arg7[%add3A_429, %dma_start3A_430] : memref<128x64xf32, #tpu.memory_space<vmem>> -> memref<1x64xf32, #tpu.memory_space<vmem>>
      %dma_start3A_432 = tpu.memref_squeeze %dma_start3A_431 : memref<1x64xf32, #tpu.memory_space<vmem>> -> memref<64xf32, #tpu.memory_space<vmem>>
      %dma_start3A_433 = arith.constant 0 : i32
      %dma_start3A_434 = tpu.memref_slice %arg3[%squeeze3A_425, %dma_start3A_433] : memref<1000000x64xf32, #tpu.memory_space<hbm>> -> memref<1x64xf32, #tpu.memory_space<hbm>>
      %dma_start3A_435 = tpu.memref_squeeze %dma_start3A_434 : memref<1x64xf32, #tpu.memory_space<hbm>> -> memref<64xf32, #tpu.memory_space<hbm>>
      %dma_start3A_436 = arith.constant 0 : i32
      %dma_start3A_437 = tpu.memref_slice %arg7[%add3A_429, %dma_start3A_436] : memref<128x64xf32, #tpu.memory_space<vmem>> -> memref<1x64xf32, #tpu.memory_space<vmem>>
      %dma_start3A_438 = tpu.memref_squeeze %dma_start3A_437 : memref<1x64xf32, #tpu.memory_space<vmem>> -> memref<64xf32, #tpu.memory_space<vmem>>
      %dma_start3A_439 = arith.constant 0 : i32
      %dma_start3A_440 = tpu.memref_slice %arg3[%squeeze3A_425, %dma_start3A_439] : memref<1000000x64xf32, #tpu.memory_space<hbm>> -> memref<1x64xf32, #tpu.memory_space<hbm>>
      %dma_start3A_441 = tpu.memref_squeeze %dma_start3A_440 : memref<1x64xf32, #tpu.memory_space<hbm>> -> memref<64xf32, #tpu.memory_space<hbm>>
      tpu.enqueue_dma source(%dma_start3A_441 : memref<64xf32, #tpu.memory_space<hbm>>) target(%dma_start3A_438 : memref<64xf32, #tpu.memory_space<vmem>>) target_semaphore(%arg10 : memref<!tpu.dma_semaphore, #tpu.memory_space<semaphore_mem>>)
      %slice3A_442 = vector.extract_strided_slice %get3A_227 {offsets = [12], sizes = [1], strides = [1]} : vector<16xi32> to vector<1xi32>
      %squeeze3A_443 = vector.extract %slice3A_442[0] : i32 from vector<1xi32>
      %mul3A_444 = arith.constant 16 : i32
      %mul3A_445 = arith.muli %scan3A_220, %mul3A_444 : i32
      %add3A_446 = arith.constant 12 : i32
      %add3A_447 = arith.addi %mul3A_445, %add3A_446 : i32
      %dma_start3A_448 = arith.constant 0 : i32
      %dma_start3A_449 = tpu.memref_slice %arg7[%add3A_447, %dma_start3A_448] : memref<128x64xf32, #tpu.memory_space<vmem>> -> memref<1x64xf32, #tpu.memory_space<vmem>>
      %dma_start3A_450 = tpu.memref_squeeze %dma_start3A_449 : memref<1x64xf32, #tpu.memory_space<vmem>> -> memref<64xf32, #tpu.memory_space<vmem>>
      %dma_start3A_451 = arith.constant 0 : i32
      %dma_start3A_452 = tpu.memref_slice %arg3[%squeeze3A_443, %dma_start3A_451] : memref<1000000x64xf32, #tpu.memory_space<hbm>> -> memref<1x64xf32, #tpu.memory_space<hbm>>
      %dma_start3A_453 = tpu.memref_squeeze %dma_start3A_452 : memref<1x64xf32, #tpu.memory_space<hbm>> -> memref<64xf32, #tpu.memory_space<hbm>>
      %dma_start3A_454 = arith.constant 0 : i32
      %dma_start3A_455 = tpu.memref_slice %arg7[%add3A_447, %dma_start3A_454] : memref<128x64xf32, #tpu.memory_space<vmem>> -> memref<1x64xf32, #tpu.memory_space<vmem>>
      %dma_start3A_456 = tpu.memref_squeeze %dma_start3A_455 : memref<1x64xf32, #tpu.memory_space<vmem>> -> memref<64xf32, #tpu.memory_space<vmem>>
      %dma_start3A_457 = arith.constant 0 : i32
      %dma_start3A_458 = tpu.memref_slice %arg3[%squeeze3A_443, %dma_start3A_457] : memref<1000000x64xf32, #tpu.memory_space<hbm>> -> memref<1x64xf32, #tpu.memory_space<hbm>>
      %dma_start3A_459 = tpu.memref_squeeze %dma_start3A_458 : memref<1x64xf32, #tpu.memory_space<hbm>> -> memref<64xf32, #tpu.memory_space<hbm>>
      tpu.enqueue_dma source(%dma_start3A_459 : memref<64xf32, #tpu.memory_space<hbm>>) target(%dma_start3A_456 : memref<64xf32, #tpu.memory_space<vmem>>) target_semaphore(%arg10 : memref<!tpu.dma_semaphore, #tpu.memory_space<semaphore_mem>>)
      %slice3A_460 = vector.extract_strided_slice %get3A_227 {offsets = [13], sizes = [1], strides = [1]} : vector<16xi32> to vector<1xi32>
      %squeeze3A_461 = vector.extract %slice3A_460[0] : i32 from vector<1xi32>
      %mul3A_462 = arith.constant 16 : i32
      %mul3A_463 = arith.muli %scan3A_220, %mul3A_462 : i32
      %add3A_464 = arith.constant 13 : i32
      %add3A_465 = arith.addi %mul3A_463, %add3A_464 : i32
      %dma_start3A_466 = arith.constant 0 : i32
      %dma_start3A_467 = tpu.memref_slice %arg7[%add3A_465, %dma_start3A_466] : memref<128x64xf32, #tpu.memory_space<vmem>> -> memref<1x64xf32, #tpu.memory_space<vmem>>
      %dma_start3A_468 = tpu.memref_squeeze %dma_start3A_467 : memref<1x64xf32, #tpu.memory_space<vmem>> -> memref<64xf32, #tpu.memory_space<vmem>>
      %dma_start3A_469 = arith.constant 0 : i32
      %dma_start3A_470 = tpu.memref_slice %arg3[%squeeze3A_461, %dma_start3A_469] : memref<1000000x64xf32, #tpu.memory_space<hbm>> -> memref<1x64xf32, #tpu.memory_space<hbm>>
      %dma_start3A_471 = tpu.memref_squeeze %dma_start3A_470 : memref<1x64xf32, #tpu.memory_space<hbm>> -> memref<64xf32, #tpu.memory_space<hbm>>
      %dma_start3A_472 = arith.constant 0 : i32
      %dma_start3A_473 = tpu.memref_slice %arg7[%add3A_465, %dma_start3A_472] : memref<128x64xf32, #tpu.memory_space<vmem>> -> memref<1x64xf32, #tpu.memory_space<vmem>>
      %dma_start3A_474 = tpu.memref_squeeze %dma_start3A_473 : memref<1x64xf32, #tpu.memory_space<vmem>> -> memref<64xf32, #tpu.memory_space<vmem>>
      %dma_start3A_475 = arith.constant 0 : i32
      %dma_start3A_476 = tpu.memref_slice %arg3[%squeeze3A_461, %dma_start3A_475] : memref<1000000x64xf32, #tpu.memory_space<hbm>> -> memref<1x64xf32, #tpu.memory_space<hbm>>
      %dma_start3A_477 = tpu.memref_squeeze %dma_start3A_476 : memref<1x64xf32, #tpu.memory_space<hbm>> -> memref<64xf32, #tpu.memory_space<hbm>>
      tpu.enqueue_dma source(%dma_start3A_477 : memref<64xf32, #tpu.memory_space<hbm>>) target(%dma_start3A_474 : memref<64xf32, #tpu.memory_space<vmem>>) target_semaphore(%arg10 : memref<!tpu.dma_semaphore, #tpu.memory_space<semaphore_mem>>)
      %slice3A_478 = vector.extract_strided_slice %get3A_227 {offsets = [14], sizes = [1], strides = [1]} : vector<16xi32> to vector<1xi32>
      %squeeze3A_479 = vector.extract %slice3A_478[0] : i32 from vector<1xi32>
      %mul3A_480 = arith.constant 16 : i32
      %mul3A_481 = arith.muli %scan3A_220, %mul3A_480 : i32
      %add3A_482 = arith.constant 14 : i32
      %add3A_483 = arith.addi %mul3A_481, %add3A_482 : i32
      %dma_start3A_484 = arith.constant 0 : i32
      %dma_start3A_485 = tpu.memref_slice %arg7[%add3A_483, %dma_start3A_484] : memref<128x64xf32, #tpu.memory_space<vmem>> -> memref<1x64xf32, #tpu.memory_space<vmem>>
      %dma_start3A_486 = tpu.memref_squeeze %dma_start3A_485 : memref<1x64xf32, #tpu.memory_space<vmem>> -> memref<64xf32, #tpu.memory_space<vmem>>
      %dma_start3A_487 = arith.constant 0 : i32
      %dma_start3A_488 = tpu.memref_slice %arg3[%squeeze3A_479, %dma_start3A_487] : memref<1000000x64xf32, #tpu.memory_space<hbm>> -> memref<1x64xf32, #tpu.memory_space<hbm>>
      %dma_start3A_489 = tpu.memref_squeeze %dma_start3A_488 : memref<1x64xf32, #tpu.memory_space<hbm>> -> memref<64xf32, #tpu.memory_space<hbm>>
      %dma_start3A_490 = arith.constant 0 : i32
      %dma_start3A_491 = tpu.memref_slice %arg7[%add3A_483, %dma_start3A_490] : memref<128x64xf32, #tpu.memory_space<vmem>> -> memref<1x64xf32, #tpu.memory_space<vmem>>
      %dma_start3A_492 = tpu.memref_squeeze %dma_start3A_491 : memref<1x64xf32, #tpu.memory_space<vmem>> -> memref<64xf32, #tpu.memory_space<vmem>>
      %dma_start3A_493 = arith.constant 0 : i32
      %dma_start3A_494 = tpu.memref_slice %arg3[%squeeze3A_479, %dma_start3A_493] : memref<1000000x64xf32, #tpu.memory_space<hbm>> -> memref<1x64xf32, #tpu.memory_space<hbm>>
      %dma_start3A_495 = tpu.memref_squeeze %dma_start3A_494 : memref<1x64xf32, #tpu.memory_space<hbm>> -> memref<64xf32, #tpu.memory_space<hbm>>
      tpu.enqueue_dma source(%dma_start3A_495 : memref<64xf32, #tpu.memory_space<hbm>>) target(%dma_start3A_492 : memref<64xf32, #tpu.memory_space<vmem>>) target_semaphore(%arg10 : memref<!tpu.dma_semaphore, #tpu.memory_space<semaphore_mem>>)
      %slice3A_496 = vector.extract_strided_slice %get3A_227 {offsets = [15], sizes = [1], strides = [1]} : vector<16xi32> to vector<1xi32>
      %squeeze3A_497 = vector.extract %slice3A_496[0] : i32 from vector<1xi32>
      %mul3A_498 = arith.constant 16 : i32
      %mul3A_499 = arith.muli %scan3A_220, %mul3A_498 : i32
      %add3A_500 = arith.constant 15 : i32
      %add3A_501 = arith.addi %mul3A_499, %add3A_500 : i32
      %dma_start3A_502 = arith.constant 0 : i32
      %dma_start3A_503 = tpu.memref_slice %arg7[%add3A_501, %dma_start3A_502] : memref<128x64xf32, #tpu.memory_space<vmem>> -> memref<1x64xf32, #tpu.memory_space<vmem>>
      %dma_start3A_504 = tpu.memref_squeeze %dma_start3A_503 : memref<1x64xf32, #tpu.memory_space<vmem>> -> memref<64xf32, #tpu.memory_space<vmem>>
      %dma_start3A_505 = arith.constant 0 : i32
      %dma_start3A_506 = tpu.memref_slice %arg3[%squeeze3A_497, %dma_start3A_505] : memref<1000000x64xf32, #tpu.memory_space<hbm>> -> memref<1x64xf32, #tpu.memory_space<hbm>>
      %dma_start3A_507 = tpu.memref_squeeze %dma_start3A_506 : memref<1x64xf32, #tpu.memory_space<hbm>> -> memref<64xf32, #tpu.memory_space<hbm>>
      %dma_start3A_508 = arith.constant 0 : i32
      %dma_start3A_509 = tpu.memref_slice %arg7[%add3A_501, %dma_start3A_508] : memref<128x64xf32, #tpu.memory_space<vmem>> -> memref<1x64xf32, #tpu.memory_space<vmem>>
      %dma_start3A_510 = tpu.memref_squeeze %dma_start3A_509 : memref<1x64xf32, #tpu.memory_space<vmem>> -> memref<64xf32, #tpu.memory_space<vmem>>
      %dma_start3A_511 = arith.constant 0 : i32
      %dma_start3A_512 = tpu.memref_slice %arg3[%squeeze3A_497, %dma_start3A_511] : memref<1000000x64xf32, #tpu.memory_space<hbm>> -> memref<1x64xf32, #tpu.memory_space<hbm>>
      %dma_start3A_513 = tpu.memref_squeeze %dma_start3A_512 : memref<1x64xf32, #tpu.memory_space<hbm>> -> memref<64xf32, #tpu.memory_space<hbm>>
      tpu.enqueue_dma source(%dma_start3A_513 : memref<64xf32, #tpu.memory_space<hbm>>) target(%dma_start3A_510 : memref<64xf32, #tpu.memory_space<vmem>>) target_semaphore(%arg10 : memref<!tpu.dma_semaphore, #tpu.memory_space<semaphore_mem>>)
      %scan3A_514 = arith.constant 0 : i32
      scf.yield %scan3A_514 : i32
    }
    %scan3A_8 = arith.constant 8 : i32
    %add3A_9 = arith.constant 0 : i32
    %add3A_10 = arith.addi %multiple_of3A, %add3A_9 : i32
    %jit3A = arith.constant 2 : i32
    %div3A = arith.divsi %add3A_10, %jit3A : i32
    %sign3A = arith.constant 0 : i32
    %sign3A_11 = arith.cmpi sgt, %add3A_10, %sign3A : i32
    %sign3A_12 = arith.extui %sign3A_11 : i1 to i32
    %sign3A_13 = arith.constant 0 : i32
    %sign3A_14 = arith.cmpi slt, %add3A_10, %sign3A_13 : i32
    %sign3A_15 = arith.extui %sign3A_14 : i1 to i32
    %sign3A_16 = arith.subi %sign3A_12, %sign3A_15 : i32
    %sign3A_17 = arith.constant 0 : i32
    %sign3A_18 = arith.cmpi sgt, %jit3A, %sign3A_17 : i32
    %sign3A_19 = arith.extui %sign3A_18 : i1 to i32
    %sign3A_20 = arith.constant 0 : i32
    %sign3A_21 = arith.cmpi slt, %jit3A, %sign3A_20 : i32
    %sign3A_22 = arith.extui %sign3A_21 : i1 to i32
    %sign3A_23 = arith.subi %sign3A_19, %sign3A_22 : i32
    %ne3A = arith.cmpi ne, %sign3A_16, %sign3A_23 : i32
    %rem3A = arith.remsi %add3A_10, %jit3A : i32
    %ne3A_24 = arith.constant 0 : i32
    %ne3A_25 = arith.cmpi ne, %rem3A, %ne3A_24 : i32
    %and3A = arith.andi %ne3A, %ne3A_25 : i1
    %sub3A = arith.constant 1 : i32
    %sub3A_26 = arith.subi %div3A, %sub3A : i32
    %select_n3A = arith.select %and3A, %sub3A_26, %div3A : i32
    %multiple_of3A_27 = tpu.assume_multiple %select_n3A, 64 : i32
    %dma_start3A = arith.constant 0 : i32
    %dma_start3A_28 = tpu.memref_slice %arg4[%multiple_of3A_27, %dma_start3A] : memref<8192x128xf32, #tpu.memory_space<hbm>> -> memref<64x128xf32, #tpu.memory_space<hbm>>
    %dma_start3A_29 = arith.constant 0 : i32
    %dma_start3A_30 = tpu.memref_slice %arg4[%multiple_of3A_27, %dma_start3A_29] : memref<8192x128xf32, #tpu.memory_space<hbm>> -> memref<64x128xf32, #tpu.memory_space<hbm>>
    tpu.enqueue_dma source(%dma_start3A_30 : memref<64x128xf32, #tpu.memory_space<hbm>>) target(%arg8 : memref<64x128xf32, #tpu.memory_space<vmem>>) target_semaphore(%arg10 : memref<!tpu.dma_semaphore, #tpu.memory_space<semaphore_mem>>)
    %dma_wait3A = arith.constant 0 : i32
    %dma_wait3A_31 = tpu.memref_slice %arg4[%multiple_of3A_27, %dma_wait3A] : memref<8192x128xf32, #tpu.memory_space<hbm>> -> memref<64x128xf32, #tpu.memory_space<hbm>>
    %dma_wait3A_32 = arith.constant 0 : i32
    %dma_wait3A_33 = tpu.memref_slice %arg4[%multiple_of3A_27, %dma_wait3A_32] : memref<8192x128xf32, #tpu.memory_space<hbm>> -> memref<64x128xf32, #tpu.memory_space<hbm>>
    tpu.wait_dma2 semaphore(%arg10 : memref<!tpu.dma_semaphore, #tpu.memory_space<semaphore_mem>>) src(%dma_wait3A_33 : memref<64x128xf32, #tpu.memory_space<hbm>>) dst(%arg8 : memref<64x128xf32, #tpu.memory_space<vmem>>)
    %dma_wait3A_34 = arith.constant 0 : i32
    %dma_wait3A_35 = arith.constant 0 : i32
    %dma_wait3A_36 = tpu.memref_slice %arg3[%dma_wait3A_34, %dma_wait3A_35] : memref<1000000x64xf32, #tpu.memory_space<hbm>> -> memref<128x64xf32, #tpu.memory_space<hbm>>
    %dma_wait3A_37 = arith.constant 0 : i32
    %dma_wait3A_38 = arith.constant 0 : i32
    %dma_wait3A_39 = tpu.memref_slice %arg3[%dma_wait3A_37, %dma_wait3A_38] : memref<1000000x64xf32, #tpu.memory_space<hbm>> -> memref<128x64xf32, #tpu.memory_space<hbm>>
    tpu.wait_dma2 semaphore(%arg10 : memref<!tpu.dma_semaphore, #tpu.memory_space<semaphore_mem>>) src(%dma_wait3A_39 : memref<128x64xf32, #tpu.memory_space<hbm>>) dst(%arg7 : memref<128x64xf32, #tpu.memory_space<vmem>>)
    %scan3A_40 = arith.constant 0 : i32
    %scan3A_41 = arith.constant 0 : i32
    %scan3A_42 = arith.constant 64 : i32
    %scan3A_43 = arith.addi %scan3A_41, %scan3A_42 : i32
    %scan3A_44 = arith.constant 1 : i32
    %scan3A_45 = scf.for %scan3A_220 = %scan3A_41 to %scan3A_43 step %scan3A_44 iter_args(%scan3A_221 = %scan3A_40) -> (i32)  : i32 {
      %mul3A_222 = arith.constant 2 : i32
      %mul3A_223 = arith.muli %mul3A_222, %scan3A_220 : i32
      %add3A_224 = arith.constant 0 : i32
      %add3A_225 = arith.addi %mul3A_223, %add3A_224 : i32
      %get3A = arith.index_cast %add3A_225 : i32 to index
      %get3A_226 = arith.constant 0 : index
      %get3A_227 = tpu.vector_load %arg7[%get3A, %get3A_226] {strides = array<i32>} : memref<128x64xf32, #tpu.memory_space<vmem>>, vector<1x16xf32>,
      %get3A_228 = vector.shape_cast %get3A_227 : vector<1x16xf32> to vector<16xf32>
      %get3A_229 = arith.index_cast %scan3A_220 : i32 to index
      %get3A_230 = arith.constant 0 : index
      %get3A_231 = tpu.vector_load %arg8[%get3A_229, %get3A_230] {strides = array<i32>} : memref<64x128xf32, #tpu.memory_space<vmem>>, vector<1x16xf32>,
      %get3A_232 = vector.shape_cast %get3A_231 : vector<1x16xf32> to vector<16xf32>
      %add3A_233 = arith.addf %get3A_228, %get3A_232 : vector<16xf32>
      %swap3A = arith.index_cast %add3A_225 : i32 to index
      %swap3A_234 = arith.constant 0 : index
      %swap3A_235 = tpu.vector_load %arg9[%swap3A, %swap3A_234] {strides = array<i32>} : memref<128x64xf32, #tpu.memory_space<vmem>>, vector<1x16xf32>,
      %swap3A_236 = vector.shape_cast %swap3A_235 : vector<1x16xf32> to vector<16xf32>
      %swap3A_237 = vector.shape_cast %add3A_233 : vector<16xf32> to vector<1x16xf32>
      tpu.vector_store %arg9[%swap3A, %swap3A_234], %swap3A_237 {strides = array<i32>} : memref<128x64xf32, #tpu.memory_space<vmem>>, vector<1x16xf32>,
      %get3A_238 = arith.index_cast %add3A_225 : i32 to index
      %get3A_239 = arith.constant 16 : index
      %get3A_240 = tpu.vector_load %arg7[%get3A_238, %get3A_239] {strides = array<i32>} : memref<128x64xf32, #tpu.memory_space<vmem>>, vector<1x16xf32>,
      %get3A_241 = vector.shape_cast %get3A_240 : vector<1x16xf32> to vector<16xf32>
      %get3A_242 = arith.index_cast %scan3A_220 : i32 to index
      %get3A_243 = arith.constant 16 : index
      %get3A_244 = tpu.vector_load %arg8[%get3A_242, %get3A_243] {strides = array<i32>} : memref<64x128xf32, #tpu.memory_space<vmem>>, vector<1x16xf32>,
      %get3A_245 = vector.shape_cast %get3A_244 : vector<1x16xf32> to vector<16xf32>
      %add3A_246 = arith.addf %get3A_241, %get3A_245 : vector<16xf32>
      %swap3A_247 = arith.index_cast %add3A_225 : i32 to index
      %swap3A_248 = arith.constant 16 : index
      %swap3A_249 = tpu.vector_load %arg9[%swap3A_247, %swap3A_248] {strides = array<i32>} : memref<128x64xf32, #tpu.memory_space<vmem>>, vector<1x16xf32>,
      %swap3A_250 = vector.shape_cast %swap3A_249 : vector<1x16xf32> to vector<16xf32>
      %swap3A_251 = vector.shape_cast %add3A_246 : vector<16xf32> to vector<1x16xf32>
      tpu.vector_store %arg9[%swap3A_247, %swap3A_248], %swap3A_251 {strides = array<i32>} : memref<128x64xf32, #tpu.memory_space<vmem>>, vector<1x16xf32>,
      %get3A_252 = arith.index_cast %add3A_225 : i32 to index
      %get3A_253 = arith.constant 32 : index
      %get3A_254 = tpu.vector_load %arg7[%get3A_252, %get3A_253] {strides = array<i32>} : memref<128x64xf32, #tpu.memory_space<vmem>>, vector<1x16xf32>,
      %get3A_255 = vector.shape_cast %get3A_254 : vector<1x16xf32> to vector<16xf32>
      %get3A_256 = arith.index_cast %scan3A_220 : i32 to index
      %get3A_257 = arith.constant 32 : index
      %get3A_258 = tpu.vector_load %arg8[%get3A_256, %get3A_257] {strides = array<i32>} : memref<64x128xf32, #tpu.memory_space<vmem>>, vector<1x16xf32>,
      %get3A_259 = vector.shape_cast %get3A_258 : vector<1x16xf32> to vector<16xf32>
      %add3A_260 = arith.addf %get3A_255, %get3A_259 : vector<16xf32>
      %swap3A_261 = arith.index_cast %add3A_225 : i32 to index
      %swap3A_262 = arith.constant 32 : index
      %swap3A_263 = tpu.vector_load %arg9[%swap3A_261, %swap3A_262] {strides = array<i32>} : memref<128x64xf32, #tpu.memory_space<vmem>>, vector<1x16xf32>,
      %swap3A_264 = vector.shape_cast %swap3A_263 : vector<1x16xf32> to vector<16xf32>
      %swap3A_265 = vector.shape_cast %add3A_260 : vector<16xf32> to vector<1x16xf32>
      tpu.vector_store %arg9[%swap3A_261, %swap3A_262], %swap3A_265 {strides = array<i32>} : memref<128x64xf32, #tpu.memory_space<vmem>>, vector<1x16xf32>,
      %get3A_266 = arith.index_cast %add3A_225 : i32 to index
      %get3A_267 = arith.constant 48 : index
      %get3A_268 = tpu.vector_load %arg7[%get3A_266, %get3A_267] {strides = array<i32>} : memref<128x64xf32, #tpu.memory_space<vmem>>, vector<1x16xf32>,
      %get3A_269 = vector.shape_cast %get3A_268 : vector<1x16xf32> to vector<16xf32>
      %get3A_270 = arith.index_cast %scan3A_220 : i32 to index
      %get3A_271 = arith.constant 48 : index
      %get3A_272 = tpu.vector_load %arg8[%get3A_270, %get3A_271] {strides = array<i32>} : memref<64x128xf32, #tpu.memory_space<vmem>>, vector<1x16xf32>,
      %get3A_273 = vector.shape_cast %get3A_272 : vector<1x16xf32> to vector<16xf32>
      %add3A_274 = arith.addf %get3A_269, %get3A_273 : vector<16xf32>
      %swap3A_275 = arith.index_cast %add3A_225 : i32 to index
      %swap3A_276 = arith.constant 48 : index
      %swap3A_277 = tpu.vector_load %arg9[%swap3A_275, %swap3A_276] {strides = array<i32>} : memref<128x64xf32, #tpu.memory_space<vmem>>, vector<1x16xf32>,
      %swap3A_278 = vector.shape_cast %swap3A_277 : vector<1x16xf32> to vector<16xf32>
      %swap3A_279 = vector.shape_cast %add3A_274 : vector<16xf32> to vector<1x16xf32>
      tpu.vector_store %arg9[%swap3A_275, %swap3A_276], %swap3A_279 {strides = array<i32>} : memref<128x64xf32, #tpu.memory_space<vmem>>, vector<1x16xf32>,
      %mul3A_280 = arith.constant 2 : i32
      %mul3A_281 = arith.muli %mul3A_280, %scan3A_220 : i32
      %add3A_282 = arith.constant 1 : i32
      %add3A_283 = arith.addi %mul3A_281, %add3A_282 : i32
      %get3A_284 = arith.index_cast %add3A_283 : i32 to index
      %get3A_285 = arith.constant 0 : index
      %get3A_286 = tpu.vector_load %arg7[%get3A_284, %get3A_285] {strides = array<i32>} : memref<128x64xf32, #tpu.memory_space<vmem>>, vector<1x16xf32>,
      %get3A_287 = vector.shape_cast %get3A_286 : vector<1x16xf32> to vector<16xf32>
      %get3A_288 = arith.index_cast %scan3A_220 : i32 to index
      %get3A_289 = arith.constant 64 : index
      %get3A_290 = tpu.vector_load %arg8[%get3A_288, %get3A_289] {strides = array<i32>} : memref<64x128xf32, #tpu.memory_space<vmem>>, vector<1x16xf32>,
      %get3A_291 = vector.shape_cast %get3A_290 : vector<1x16xf32> to vector<16xf32>
      %add3A_292 = arith.addf %get3A_287, %get3A_291 : vector<16xf32>
      %swap3A_293 = arith.index_cast %add3A_283 : i32 to index
      %swap3A_294 = arith.constant 0 : index
      %swap3A_295 = tpu.vector_load %arg9[%swap3A_293, %swap3A_294] {strides = array<i32>} : memref<128x64xf32, #tpu.memory_space<vmem>>, vector<1x16xf32>,
      %swap3A_296 = vector.shape_cast %swap3A_295 : vector<1x16xf32> to vector<16xf32>
      %swap3A_297 = vector.shape_cast %add3A_292 : vector<16xf32> to vector<1x16xf32>
      tpu.vector_store %arg9[%swap3A_293, %swap3A_294], %swap3A_297 {strides = array<i32>} : memref<128x64xf32, #tpu.memory_space<vmem>>, vector<1x16xf32>,
      %get3A_298 = arith.index_cast %add3A_283 : i32 to index
      %get3A_299 = arith.constant 16 : index
      %get3A_300 = tpu.vector_load %arg7[%get3A_298, %get3A_299] {strides = array<i32>} : memref<128x64xf32, #tpu.memory_space<vmem>>, vector<1x16xf32>,
      %get3A_301 = vector.shape_cast %get3A_300 : vector<1x16xf32> to vector<16xf32>
      %get3A_302 = arith.index_cast %scan3A_220 : i32 to index
      %get3A_303 = arith.constant 80 : index
      %get3A_304 = tpu.vector_load %arg8[%get3A_302, %get3A_303] {strides = array<i32>} : memref<64x128xf32, #tpu.memory_space<vmem>>, vector<1x16xf32>,
      %get3A_305 = vector.shape_cast %get3A_304 : vector<1x16xf32> to vector<16xf32>
      %add3A_306 = arith.addf %get3A_301, %get3A_305 : vector<16xf32>
      %swap3A_307 = arith.index_cast %add3A_283 : i32 to index
      %swap3A_308 = arith.constant 16 : index
      %swap3A_309 = tpu.vector_load %arg9[%swap3A_307, %swap3A_308] {strides = array<i32>} : memref<128x64xf32, #tpu.memory_space<vmem>>, vector<1x16xf32>,
      %swap3A_310 = vector.shape_cast %swap3A_309 : vector<1x16xf32> to vector<16xf32>
      %swap3A_311 = vector.shape_cast %add3A_306 : vector<16xf32> to vector<1x16xf32>
      tpu.vector_store %arg9[%swap3A_307, %swap3A_308], %swap3A_311 {strides = array<i32>} : memref<128x64xf32, #tpu.memory_space<vmem>>, vector<1x16xf32>,
      %get3A_312 = arith.index_cast %add3A_283 : i32 to index
      %get3A_313 = arith.constant 32 : index
      %get3A_314 = tpu.vector_load %arg7[%get3A_312, %get3A_313] {strides = array<i32>} : memref<128x64xf32, #tpu.memory_space<vmem>>, vector<1x16xf32>,
      %get3A_315 = vector.shape_cast %get3A_314 : vector<1x16xf32> to vector<16xf32>
      %get3A_316 = arith.index_cast %scan3A_220 : i32 to index
      %get3A_317 = arith.constant 96 : index
      %get3A_318 = tpu.vector_load %arg8[%get3A_316, %get3A_317] {strides = array<i32>} : memref<64x128xf32, #tpu.memory_space<vmem>>, vector<1x16xf32>,
      %get3A_319 = vector.shape_cast %get3A_318 : vector<1x16xf32> to vector<16xf32>
      %add3A_320 = arith.addf %get3A_315, %get3A_319 : vector<16xf32>
      %swap3A_321 = arith.index_cast %add3A_283 : i32 to index
      %swap3A_322 = arith.constant 32 : index
      %swap3A_323 = tpu.vector_load %arg9[%swap3A_321, %swap3A_322] {strides = array<i32>} : memref<128x64xf32, #tpu.memory_space<vmem>>, vector<1x16xf32>,
      %swap3A_324 = vector.shape_cast %swap3A_323 : vector<1x16xf32> to vector<16xf32>
      %swap3A_325 = vector.shape_cast %add3A_320 : vector<16xf32> to vector<1x16xf32>
      tpu.vector_store %arg9[%swap3A_321, %swap3A_322], %swap3A_325 {strides = array<i32>} : memref<128x64xf32, #tpu.memory_space<vmem>>, vector<1x16xf32>,
      %get3A_326 = arith.index_cast %add3A_283 : i32 to index
      %get3A_327 = arith.constant 48 : index
      %get3A_328 = tpu.vector_load %arg7[%get3A_326, %get3A_327] {strides = array<i32>} : memref<128x64xf32, #tpu.memory_space<vmem>>, vector<1x16xf32>,
      %get3A_329 = vector.shape_cast %get3A_328 : vector<1x16xf32> to vector<16xf32>
      %get3A_330 = arith.index_cast %scan3A_220 : i32 to index
      %get3A_331 = arith.constant 112 : index
      %get3A_332 = tpu.vector_load %arg8[%get3A_330, %get3A_331] {strides = array<i32>} : memref<64x128xf32, #tpu.memory_space<vmem>>, vector<1x16xf32>,
      %get3A_333 = vector.shape_cast %get3A_332 : vector<1x16xf32> to vector<16xf32>
      %add3A_334 = arith.addf %get3A_329, %get3A_333 : vector<16xf32>
      %swap3A_335 = arith.index_cast %add3A_283 : i32 to index
      %swap3A_336 = arith.constant 48 : index
      %swap3A_337 = tpu.vector_load %arg9[%swap3A_335, %swap3A_336] {strides = array<i32>} : memref<128x64xf32, #tpu.memory_space<vmem>>, vector<1x16xf32>,
      %swap3A_338 = vector.shape_cast %swap3A_337 : vector<1x16xf32> to vector<16xf32>
      %swap3A_339 = vector.shape_cast %add3A_334 : vector<16xf32> to vector<1x16xf32>
      tpu.vector_store %arg9[%swap3A_335, %swap3A_336], %swap3A_339 {strides = array<i32>} : memref<128x64xf32, #tpu.memory_space<vmem>>, vector<1x16xf32>,
      %scan3A_340 = arith.constant 0 : i32
      scf.yield %scan3A_340 : i32
    }
    %scan3A_46 = arith.constant 64 : i32
    %add3A_47 = arith.constant 0 : i32
    %add3A_48 = arith.addi %multiple_of3A, %add3A_47 : i32
    "tpu.region"() ({
      %run_scoped3A = tpu.sem_alloc : memref<!tpu.dma_semaphore, #tpu.memory_space<semaphore_mem>>
      %dma_start3A_220 = arith.constant 0 : i32
      %dma_start3A_221 = tpu.memref_slice %arg5[%add3A_48, %dma_start3A_220] : memref<16384x64xf32, #tpu.memory_space<hbm>> -> memref<128x64xf32, #tpu.memory_space<hbm>>
      %dma_start3A_222 = arith.constant 0 : i32
      %dma_start3A_223 = tpu.memref_slice %arg5[%add3A_48, %dma_start3A_222] : memref<16384x64xf32, #tpu.memory_space<hbm>> -> memref<128x64xf32, #tpu.memory_space<hbm>>
      tpu.enqueue_dma source(%arg9 : memref<128x64xf32, #tpu.memory_space<vmem>>) target(%dma_start3A_223 : memref<128x64xf32, #tpu.memory_space<hbm>>) target_semaphore(%run_scoped3A : memref<!tpu.dma_semaphore, #tpu.memory_space<semaphore_mem>>)
      %dma_wait3A_224 = arith.constant 0 : i32
      %dma_wait3A_225 = tpu.memref_slice %arg5[%add3A_48, %dma_wait3A_224] : memref<16384x64xf32, #tpu.memory_space<hbm>> -> memref<128x64xf32, #tpu.memory_space<hbm>>
      %dma_wait3A_226 = arith.constant 0 : i32
      %dma_wait3A_227 = tpu.memref_slice %arg5[%add3A_48, %dma_wait3A_226] : memref<16384x64xf32, #tpu.memory_space<hbm>> -> memref<128x64xf32, #tpu.memory_space<hbm>>
      tpu.wait_dma2 semaphore(%run_scoped3A : memref<!tpu.dma_semaphore, #tpu.memory_space<semaphore_mem>>) src(%arg9 : memref<128x64xf32, #tpu.memory_space<vmem>>) dst(%dma_wait3A_227 : memref<128x64xf32, #tpu.memory_space<hbm>>)
      tpu.yield
    }) : () -> ()
    %scan3A_49 = arith.constant 0 : i32
    %scan3A_50 = arith.constant 0 : i32
    %scan3A_51 = arith.constant 8 : i32
    %scan3A_52 = arith.addi %scan3A_50, %scan3A_51 : i32
    %scan3A_53 = arith.constant 1 : i32
    %scan3A_54 = scf.for %scan3A_220 = %scan3A_50 to %scan3A_52 step %scan3A_53 iter_args(%scan3A_221 = %scan3A_49) -> (i32)  : i32 {
      %mul3A_222 = arith.constant 16 : i32
      %mul3A_223 = arith.muli %scan3A_220, %mul3A_222 : i32
      %add3A_224 = arith.constant 128 : i32
      %add3A_225 = arith.addi %add3A_224, %mul3A_223 : i32
      %get3A = arith.index_cast %add3A_225 : i32 to index
      %get3A_226 = tpu.vector_load %arg6[%get3A] {strides = array<i32>} : memref<512xi32, #tpu.memory_space<vmem>>, vector<16xi32>,
      %get3A_227 = vector.shape_cast %get3A_226 : vector<16xi32> to vector<16xi32>
      %slice3A = vector.extract_strided_slice %get3A_227 {offsets = [0], sizes = [1], strides = [1]} : vector<16xi32> to vector<1xi32>
      %squeeze3A = vector.extract %slice3A[0] : i32 from vector<1xi32>
      %mul3A_228 = arith.constant 16 : i32
      %mul3A_229 = arith.muli %scan3A_220, %mul3A_228 : i32
      %add3A_230 = arith.constant 0 : i32
      %add3A_231 = arith.addi %mul3A_229, %add3A_230 : i32
      %dma_start3A_232 = arith.constant 0 : i32
      %dma_start3A_233 = tpu.memref_slice %arg7[%add3A_231, %dma_start3A_232] : memref<128x64xf32, #tpu.memory_space<vmem>> -> memref<1x64xf32, #tpu.memory_space<vmem>>
      %dma_start3A_234 = tpu.memref_squeeze %dma_start3A_233 : memref<1x64xf32, #tpu.memory_space<vmem>> -> memref<64xf32, #tpu.memory_space<vmem>>
      %dma_start3A_235 = arith.constant 0 : i32
      %dma_start3A_236 = tpu.memref_slice %arg3[%squeeze3A, %dma_start3A_235] : memref<1000000x64xf32, #tpu.memory_space<hbm>> -> memref<1x64xf32, #tpu.memory_space<hbm>>
      %dma_start3A_237 = tpu.memref_squeeze %dma_start3A_236 : memref<1x64xf32, #tpu.memory_space<hbm>> -> memref<64xf32, #tpu.memory_space<hbm>>
      %dma_start3A_238 = arith.constant 0 : i32
      %dma_start3A_239 = tpu.memref_slice %arg7[%add3A_231, %dma_start3A_238] : memref<128x64xf32, #tpu.memory_space<vmem>> -> memref<1x64xf32, #tpu.memory_space<vmem>>
      %dma_start3A_240 = tpu.memref_squeeze %dma_start3A_239 : memref<1x64xf32, #tpu.memory_space<vmem>> -> memref<64xf32, #tpu.memory_space<vmem>>
      %dma_start3A_241 = arith.constant 0 : i32
      %dma_start3A_242 = tpu.memref_slice %arg3[%squeeze3A, %dma_start3A_241] : memref<1000000x64xf32, #tpu.memory_space<hbm>> -> memref<1x64xf32, #tpu.memory_space<hbm>>
      %dma_start3A_243 = tpu.memref_squeeze %dma_start3A_242 : memref<1x64xf32, #tpu.memory_space<hbm>> -> memref<64xf32, #tpu.memory_space<hbm>>
      tpu.enqueue_dma source(%dma_start3A_243 : memref<64xf32, #tpu.memory_space<hbm>>) target(%dma_start3A_240 : memref<64xf32, #tpu.memory_space<vmem>>) target_semaphore(%arg10 : memref<!tpu.dma_semaphore, #tpu.memory_space<semaphore_mem>>)
      %slice3A_244 = vector.extract_strided_slice %get3A_227 {offsets = [1], sizes = [1], strides = [1]} : vector<16xi32> to vector<1xi32>
      %squeeze3A_245 = vector.extract %slice3A_244[0] : i32 from vector<1xi32>
      %mul3A_246 = arith.constant 16 : i32
      %mul3A_247 = arith.muli %scan3A_220, %mul3A_246 : i32
      %add3A_248 = arith.constant 1 : i32
      %add3A_249 = arith.addi %mul3A_247, %add3A_248 : i32
      %dma_start3A_250 = arith.constant 0 : i32
      %dma_start3A_251 = tpu.memref_slice %arg7[%add3A_249, %dma_start3A_250] : memref<128x64xf32, #tpu.memory_space<vmem>> -> memref<1x64xf32, #tpu.memory_space<vmem>>
      %dma_start3A_252 = tpu.memref_squeeze %dma_start3A_251 : memref<1x64xf32, #tpu.memory_space<vmem>> -> memref<64xf32, #tpu.memory_space<vmem>>
      %dma_start3A_253 = arith.constant 0 : i32
      %dma_start3A_254 = tpu.memref_slice %arg3[%squeeze3A_245, %dma_start3A_253] : memref<1000000x64xf32, #tpu.memory_space<hbm>> -> memref<1x64xf32, #tpu.memory_space<hbm>>
      %dma_start3A_255 = tpu.memref_squeeze %dma_start3A_254 : memref<1x64xf32, #tpu.memory_space<hbm>> -> memref<64xf32, #tpu.memory_space<hbm>>
      %dma_start3A_256 = arith.constant 0 : i32
      %dma_start3A_257 = tpu.memref_slice %arg7[%add3A_249, %dma_start3A_256] : memref<128x64xf32, #tpu.memory_space<vmem>> -> memref<1x64xf32, #tpu.memory_space<vmem>>
      %dma_start3A_258 = tpu.memref_squeeze %dma_start3A_257 : memref<1x64xf32, #tpu.memory_space<vmem>> -> memref<64xf32, #tpu.memory_space<vmem>>
      %dma_start3A_259 = arith.constant 0 : i32
      %dma_start3A_260 = tpu.memref_slice %arg3[%squeeze3A_245, %dma_start3A_259] : memref<1000000x64xf32, #tpu.memory_space<hbm>> -> memref<1x64xf32, #tpu.memory_space<hbm>>
      %dma_start3A_261 = tpu.memref_squeeze %dma_start3A_260 : memref<1x64xf32, #tpu.memory_space<hbm>> -> memref<64xf32, #tpu.memory_space<hbm>>
      tpu.enqueue_dma source(%dma_start3A_261 : memref<64xf32, #tpu.memory_space<hbm>>) target(%dma_start3A_258 : memref<64xf32, #tpu.memory_space<vmem>>) target_semaphore(%arg10 : memref<!tpu.dma_semaphore, #tpu.memory_space<semaphore_mem>>)
      %slice3A_262 = vector.extract_strided_slice %get3A_227 {offsets = [2], sizes = [1], strides = [1]} : vector<16xi32> to vector<1xi32>
      %squeeze3A_263 = vector.extract %slice3A_262[0] : i32 from vector<1xi32>
      %mul3A_264 = arith.constant 16 : i32
      %mul3A_265 = arith.muli %scan3A_220, %mul3A_264 : i32
      %add3A_266 = arith.constant 2 : i32
      %add3A_267 = arith.addi %mul3A_265, %add3A_266 : i32
      %dma_start3A_268 = arith.constant 0 : i32
      %dma_start3A_269 = tpu.memref_slice %arg7[%add3A_267, %dma_start3A_268] : memref<128x64xf32, #tpu.memory_space<vmem>> -> memref<1x64xf32, #tpu.memory_space<vmem>>
      %dma_start3A_270 = tpu.memref_squeeze %dma_start3A_269 : memref<1x64xf32, #tpu.memory_space<vmem>> -> memref<64xf32, #tpu.memory_space<vmem>>
      %dma_start3A_271 = arith.constant 0 : i32
      %dma_start3A_272 = tpu.memref_slice %arg3[%squeeze3A_263, %dma_start3A_271] : memref<1000000x64xf32, #tpu.memory_space<hbm>> -> memref<1x64xf32, #tpu.memory_space<hbm>>
      %dma_start3A_273 = tpu.memref_squeeze %dma_start3A_272 : memref<1x64xf32, #tpu.memory_space<hbm>> -> memref<64xf32, #tpu.memory_space<hbm>>
      %dma_start3A_274 = arith.constant 0 : i32
      %dma_start3A_275 = tpu.memref_slice %arg7[%add3A_267, %dma_start3A_274] : memref<128x64xf32, #tpu.memory_space<vmem>> -> memref<1x64xf32, #tpu.memory_space<vmem>>
      %dma_start3A_276 = tpu.memref_squeeze %dma_start3A_275 : memref<1x64xf32, #tpu.memory_space<vmem>> -> memref<64xf32, #tpu.memory_space<vmem>>
      %dma_start3A_277 = arith.constant 0 : i32
      %dma_start3A_278 = tpu.memref_slice %arg3[%squeeze3A_263, %dma_start3A_277] : memref<1000000x64xf32, #tpu.memory_space<hbm>> -> memref<1x64xf32, #tpu.memory_space<hbm>>
      %dma_start3A_279 = tpu.memref_squeeze %dma_start3A_278 : memref<1x64xf32, #tpu.memory_space<hbm>> -> memref<64xf32, #tpu.memory_space<hbm>>
      tpu.enqueue_dma source(%dma_start3A_279 : memref<64xf32, #tpu.memory_space<hbm>>) target(%dma_start3A_276 : memref<64xf32, #tpu.memory_space<vmem>>) target_semaphore(%arg10 : memref<!tpu.dma_semaphore, #tpu.memory_space<semaphore_mem>>)
      %slice3A_280 = vector.extract_strided_slice %get3A_227 {offsets = [3], sizes = [1], strides = [1]} : vector<16xi32> to vector<1xi32>
      %squeeze3A_281 = vector.extract %slice3A_280[0] : i32 from vector<1xi32>
      %mul3A_282 = arith.constant 16 : i32
      %mul3A_283 = arith.muli %scan3A_220, %mul3A_282 : i32
      %add3A_284 = arith.constant 3 : i32
      %add3A_285 = arith.addi %mul3A_283, %add3A_284 : i32
      %dma_start3A_286 = arith.constant 0 : i32
      %dma_start3A_287 = tpu.memref_slice %arg7[%add3A_285, %dma_start3A_286] : memref<128x64xf32, #tpu.memory_space<vmem>> -> memref<1x64xf32, #tpu.memory_space<vmem>>
      %dma_start3A_288 = tpu.memref_squeeze %dma_start3A_287 : memref<1x64xf32, #tpu.memory_space<vmem>> -> memref<64xf32, #tpu.memory_space<vmem>>
      %dma_start3A_289 = arith.constant 0 : i32
      %dma_start3A_290 = tpu.memref_slice %arg3[%squeeze3A_281, %dma_start3A_289] : memref<1000000x64xf32, #tpu.memory_space<hbm>> -> memref<1x64xf32, #tpu.memory_space<hbm>>
      %dma_start3A_291 = tpu.memref_squeeze %dma_start3A_290 : memref<1x64xf32, #tpu.memory_space<hbm>> -> memref<64xf32, #tpu.memory_space<hbm>>
      %dma_start3A_292 = arith.constant 0 : i32
      %dma_start3A_293 = tpu.memref_slice %arg7[%add3A_285, %dma_start3A_292] : memref<128x64xf32, #tpu.memory_space<vmem>> -> memref<1x64xf32, #tpu.memory_space<vmem>>
      %dma_start3A_294 = tpu.memref_squeeze %dma_start3A_293 : memref<1x64xf32, #tpu.memory_space<vmem>> -> memref<64xf32, #tpu.memory_space<vmem>>
      %dma_start3A_295 = arith.constant 0 : i32
      %dma_start3A_296 = tpu.memref_slice %arg3[%squeeze3A_281, %dma_start3A_295] : memref<1000000x64xf32, #tpu.memory_space<hbm>> -> memref<1x64xf32, #tpu.memory_space<hbm>>
      %dma_start3A_297 = tpu.memref_squeeze %dma_start3A_296 : memref<1x64xf32, #tpu.memory_space<hbm>> -> memref<64xf32, #tpu.memory_space<hbm>>
      tpu.enqueue_dma source(%dma_start3A_297 : memref<64xf32, #tpu.memory_space<hbm>>) target(%dma_start3A_294 : memref<64xf32, #tpu.memory_space<vmem>>) target_semaphore(%arg10 : memref<!tpu.dma_semaphore, #tpu.memory_space<semaphore_mem>>)
      %slice3A_298 = vector.extract_strided_slice %get3A_227 {offsets = [4], sizes = [1], strides = [1]} : vector<16xi32> to vector<1xi32>
      %squeeze3A_299 = vector.extract %slice3A_298[0] : i32 from vector<1xi32>
      %mul3A_300 = arith.constant 16 : i32
      %mul3A_301 = arith.muli %scan3A_220, %mul3A_300 : i32
      %add3A_302 = arith.constant 4 : i32
      %add3A_303 = arith.addi %mul3A_301, %add3A_302 : i32
      %dma_start3A_304 = arith.constant 0 : i32
      %dma_start3A_305 = tpu.memref_slice %arg7[%add3A_303, %dma_start3A_304] : memref<128x64xf32, #tpu.memory_space<vmem>> -> memref<1x64xf32, #tpu.memory_space<vmem>>
      %dma_start3A_306 = tpu.memref_squeeze %dma_start3A_305 : memref<1x64xf32, #tpu.memory_space<vmem>> -> memref<64xf32, #tpu.memory_space<vmem>>
      %dma_start3A_307 = arith.constant 0 : i32
      %dma_start3A_308 = tpu.memref_slice %arg3[%squeeze3A_299, %dma_start3A_307] : memref<1000000x64xf32, #tpu.memory_space<hbm>> -> memref<1x64xf32, #tpu.memory_space<hbm>>
      %dma_start3A_309 = tpu.memref_squeeze %dma_start3A_308 : memref<1x64xf32, #tpu.memory_space<hbm>> -> memref<64xf32, #tpu.memory_space<hbm>>
      %dma_start3A_310 = arith.constant 0 : i32
      %dma_start3A_311 = tpu.memref_slice %arg7[%add3A_303, %dma_start3A_310] : memref<128x64xf32, #tpu.memory_space<vmem>> -> memref<1x64xf32, #tpu.memory_space<vmem>>
      %dma_start3A_312 = tpu.memref_squeeze %dma_start3A_311 : memref<1x64xf32, #tpu.memory_space<vmem>> -> memref<64xf32, #tpu.memory_space<vmem>>
      %dma_start3A_313 = arith.constant 0 : i32
      %dma_start3A_314 = tpu.memref_slice %arg3[%squeeze3A_299, %dma_start3A_313] : memref<1000000x64xf32, #tpu.memory_space<hbm>> -> memref<1x64xf32, #tpu.memory_space<hbm>>
      %dma_start3A_315 = tpu.memref_squeeze %dma_start3A_314 : memref<1x64xf32, #tpu.memory_space<hbm>> -> memref<64xf32, #tpu.memory_space<hbm>>
      tpu.enqueue_dma source(%dma_start3A_315 : memref<64xf32, #tpu.memory_space<hbm>>) target(%dma_start3A_312 : memref<64xf32, #tpu.memory_space<vmem>>) target_semaphore(%arg10 : memref<!tpu.dma_semaphore, #tpu.memory_space<semaphore_mem>>)
      %slice3A_316 = vector.extract_strided_slice %get3A_227 {offsets = [5], sizes = [1], strides = [1]} : vector<16xi32> to vector<1xi32>
      %squeeze3A_317 = vector.extract %slice3A_316[0] : i32 from vector<1xi32>
      %mul3A_318 = arith.constant 16 : i32
      %mul3A_319 = arith.muli %scan3A_220, %mul3A_318 : i32
      %add3A_320 = arith.constant 5 : i32
      %add3A_321 = arith.addi %mul3A_319, %add3A_320 : i32
      %dma_start3A_322 = arith.constant 0 : i32
      %dma_start3A_323 = tpu.memref_slice %arg7[%add3A_321, %dma_start3A_322] : memref<128x64xf32, #tpu.memory_space<vmem>> -> memref<1x64xf32, #tpu.memory_space<vmem>>
      %dma_start3A_324 = tpu.memref_squeeze %dma_start3A_323 : memref<1x64xf32, #tpu.memory_space<vmem>> -> memref<64xf32, #tpu.memory_space<vmem>>
      %dma_start3A_325 = arith.constant 0 : i32
      %dma_start3A_326 = tpu.memref_slice %arg3[%squeeze3A_317, %dma_start3A_325] : memref<1000000x64xf32, #tpu.memory_space<hbm>> -> memref<1x64xf32, #tpu.memory_space<hbm>>
      %dma_start3A_327 = tpu.memref_squeeze %dma_start3A_326 : memref<1x64xf32, #tpu.memory_space<hbm>> -> memref<64xf32, #tpu.memory_space<hbm>>
      %dma_start3A_328 = arith.constant 0 : i32
      %dma_start3A_329 = tpu.memref_slice %arg7[%add3A_321, %dma_start3A_328] : memref<128x64xf32, #tpu.memory_space<vmem>> -> memref<1x64xf32, #tpu.memory_space<vmem>>
      %dma_start3A_330 = tpu.memref_squeeze %dma_start3A_329 : memref<1x64xf32, #tpu.memory_space<vmem>> -> memref<64xf32, #tpu.memory_space<vmem>>
      %dma_start3A_331 = arith.constant 0 : i32
      %dma_start3A_332 = tpu.memref_slice %arg3[%squeeze3A_317, %dma_start3A_331] : memref<1000000x64xf32, #tpu.memory_space<hbm>> -> memref<1x64xf32, #tpu.memory_space<hbm>>
      %dma_start3A_333 = tpu.memref_squeeze %dma_start3A_332 : memref<1x64xf32, #tpu.memory_space<hbm>> -> memref<64xf32, #tpu.memory_space<hbm>>
      tpu.enqueue_dma source(%dma_start3A_333 : memref<64xf32, #tpu.memory_space<hbm>>) target(%dma_start3A_330 : memref<64xf32, #tpu.memory_space<vmem>>) target_semaphore(%arg10 : memref<!tpu.dma_semaphore, #tpu.memory_space<semaphore_mem>>)
      %slice3A_334 = vector.extract_strided_slice %get3A_227 {offsets = [6], sizes = [1], strides = [1]} : vector<16xi32> to vector<1xi32>
      %squeeze3A_335 = vector.extract %slice3A_334[0] : i32 from vector<1xi32>
      %mul3A_336 = arith.constant 16 : i32
      %mul3A_337 = arith.muli %scan3A_220, %mul3A_336 : i32
      %add3A_338 = arith.constant 6 : i32
      %add3A_339 = arith.addi %mul3A_337, %add3A_338 : i32
      %dma_start3A_340 = arith.constant 0 : i32
      %dma_start3A_341 = tpu.memref_slice %arg7[%add3A_339, %dma_start3A_340] : memref<128x64xf32, #tpu.memory_space<vmem>> -> memref<1x64xf32, #tpu.memory_space<vmem>>
      %dma_start3A_342 = tpu.memref_squeeze %dma_start3A_341 : memref<1x64xf32, #tpu.memory_space<vmem>> -> memref<64xf32, #tpu.memory_space<vmem>>
      %dma_start3A_343 = arith.constant 0 : i32
      %dma_start3A_344 = tpu.memref_slice %arg3[%squeeze3A_335, %dma_start3A_343] : memref<1000000x64xf32, #tpu.memory_space<hbm>> -> memref<1x64xf32, #tpu.memory_space<hbm>>
      %dma_start3A_345 = tpu.memref_squeeze %dma_start3A_344 : memref<1x64xf32, #tpu.memory_space<hbm>> -> memref<64xf32, #tpu.memory_space<hbm>>
      %dma_start3A_346 = arith.constant 0 : i32
      %dma_start3A_347 = tpu.memref_slice %arg7[%add3A_339, %dma_start3A_346] : memref<128x64xf32, #tpu.memory_space<vmem>> -> memref<1x64xf32, #tpu.memory_space<vmem>>
      %dma_start3A_348 = tpu.memref_squeeze %dma_start3A_347 : memref<1x64xf32, #tpu.memory_space<vmem>> -> memref<64xf32, #tpu.memory_space<vmem>>
      %dma_start3A_349 = arith.constant 0 : i32
      %dma_start3A_350 = tpu.memref_slice %arg3[%squeeze3A_335, %dma_start3A_349] : memref<1000000x64xf32, #tpu.memory_space<hbm>> -> memref<1x64xf32, #tpu.memory_space<hbm>>
      %dma_start3A_351 = tpu.memref_squeeze %dma_start3A_350 : memref<1x64xf32, #tpu.memory_space<hbm>> -> memref<64xf32, #tpu.memory_space<hbm>>
      tpu.enqueue_dma source(%dma_start3A_351 : memref<64xf32, #tpu.memory_space<hbm>>) target(%dma_start3A_348 : memref<64xf32, #tpu.memory_space<vmem>>) target_semaphore(%arg10 : memref<!tpu.dma_semaphore, #tpu.memory_space<semaphore_mem>>)
      %slice3A_352 = vector.extract_strided_slice %get3A_227 {offsets = [7], sizes = [1], strides = [1]} : vector<16xi32> to vector<1xi32>
      %squeeze3A_353 = vector.extract %slice3A_352[0] : i32 from vector<1xi32>
      %mul3A_354 = arith.constant 16 : i32
      %mul3A_355 = arith.muli %scan3A_220, %mul3A_354 : i32
      %add3A_356 = arith.constant 7 : i32
      %add3A_357 = arith.addi %mul3A_355, %add3A_356 : i32
      %dma_start3A_358 = arith.constant 0 : i32
      %dma_start3A_359 = tpu.memref_slice %arg7[%add3A_357, %dma_start3A_358] : memref<128x64xf32, #tpu.memory_space<vmem>> -> memref<1x64xf32, #tpu.memory_space<vmem>>
      %dma_start3A_360 = tpu.memref_squeeze %dma_start3A_359 : memref<1x64xf32, #tpu.memory_space<vmem>> -> memref<64xf32, #tpu.memory_space<vmem>>
      %dma_start3A_361 = arith.constant 0 : i32
      %dma_start3A_362 = tpu.memref_slice %arg3[%squeeze3A_353, %dma_start3A_361] : memref<1000000x64xf32, #tpu.memory_space<hbm>> -> memref<1x64xf32, #tpu.memory_space<hbm>>
      %dma_start3A_363 = tpu.memref_squeeze %dma_start3A_362 : memref<1x64xf32, #tpu.memory_space<hbm>> -> memref<64xf32, #tpu.memory_space<hbm>>
      %dma_start3A_364 = arith.constant 0 : i32
      %dma_start3A_365 = tpu.memref_slice %arg7[%add3A_357, %dma_start3A_364] : memref<128x64xf32, #tpu.memory_space<vmem>> -> memref<1x64xf32, #tpu.memory_space<vmem>>
      %dma_start3A_366 = tpu.memref_squeeze %dma_start3A_365 : memref<1x64xf32, #tpu.memory_space<vmem>> -> memref<64xf32, #tpu.memory_space<vmem>>
      %dma_start3A_367 = arith.constant 0 : i32
      %dma_start3A_368 = tpu.memref_slice %arg3[%squeeze3A_353, %dma_start3A_367] : memref<1000000x64xf32, #tpu.memory_space<hbm>> -> memref<1x64xf32, #tpu.memory_space<hbm>>
      %dma_start3A_369 = tpu.memref_squeeze %dma_start3A_368 : memref<1x64xf32, #tpu.memory_space<hbm>> -> memref<64xf32, #tpu.memory_space<hbm>>
      tpu.enqueue_dma source(%dma_start3A_369 : memref<64xf32, #tpu.memory_space<hbm>>) target(%dma_start3A_366 : memref<64xf32, #tpu.memory_space<vmem>>) target_semaphore(%arg10 : memref<!tpu.dma_semaphore, #tpu.memory_space<semaphore_mem>>)
      %slice3A_370 = vector.extract_strided_slice %get3A_227 {offsets = [8], sizes = [1], strides = [1]} : vector<16xi32> to vector<1xi32>
      %squeeze3A_371 = vector.extract %slice3A_370[0] : i32 from vector<1xi32>
      %mul3A_372 = arith.constant 16 : i32
      %mul3A_373 = arith.muli %scan3A_220, %mul3A_372 : i32
      %add3A_374 = arith.constant 8 : i32
      %add3A_375 = arith.addi %mul3A_373, %add3A_374 : i32
      %dma_start3A_376 = arith.constant 0 : i32
      %dma_start3A_377 = tpu.memref_slice %arg7[%add3A_375, %dma_start3A_376] : memref<128x64xf32, #tpu.memory_space<vmem>> -> memref<1x64xf32, #tpu.memory_space<vmem>>
      %dma_start3A_378 = tpu.memref_squeeze %dma_start3A_377 : memref<1x64xf32, #tpu.memory_space<vmem>> -> memref<64xf32, #tpu.memory_space<vmem>>
      %dma_start3A_379 = arith.constant 0 : i32
      %dma_start3A_380 = tpu.memref_slice %arg3[%squeeze3A_371, %dma_start3A_379] : memref<1000000x64xf32, #tpu.memory_space<hbm>> -> memref<1x64xf32, #tpu.memory_space<hbm>>
      %dma_start3A_381 = tpu.memref_squeeze %dma_start3A_380 : memref<1x64xf32, #tpu.memory_space<hbm>> -> memref<64xf32, #tpu.memory_space<hbm>>
      %dma_start3A_382 = arith.constant 0 : i32
      %dma_start3A_383 = tpu.memref_slice %arg7[%add3A_375, %dma_start3A_382] : memref<128x64xf32, #tpu.memory_space<vmem>> -> memref<1x64xf32, #tpu.memory_space<vmem>>
      %dma_start3A_384 = tpu.memref_squeeze %dma_start3A_383 : memref<1x64xf32, #tpu.memory_space<vmem>> -> memref<64xf32, #tpu.memory_space<vmem>>
      %dma_start3A_385 = arith.constant 0 : i32
      %dma_start3A_386 = tpu.memref_slice %arg3[%squeeze3A_371, %dma_start3A_385] : memref<1000000x64xf32, #tpu.memory_space<hbm>> -> memref<1x64xf32, #tpu.memory_space<hbm>>
      %dma_start3A_387 = tpu.memref_squeeze %dma_start3A_386 : memref<1x64xf32, #tpu.memory_space<hbm>> -> memref<64xf32, #tpu.memory_space<hbm>>
      tpu.enqueue_dma source(%dma_start3A_387 : memref<64xf32, #tpu.memory_space<hbm>>) target(%dma_start3A_384 : memref<64xf32, #tpu.memory_space<vmem>>) target_semaphore(%arg10 : memref<!tpu.dma_semaphore, #tpu.memory_space<semaphore_mem>>)
      %slice3A_388 = vector.extract_strided_slice %get3A_227 {offsets = [9], sizes = [1], strides = [1]} : vector<16xi32> to vector<1xi32>
      %squeeze3A_389 = vector.extract %slice3A_388[0] : i32 from vector<1xi32>
      %mul3A_390 = arith.constant 16 : i32
      %mul3A_391 = arith.muli %scan3A_220, %mul3A_390 : i32
      %add3A_392 = arith.constant 9 : i32
      %add3A_393 = arith.addi %mul3A_391, %add3A_392 : i32
      %dma_start3A_394 = arith.constant 0 : i32
      %dma_start3A_395 = tpu.memref_slice %arg7[%add3A_393, %dma_start3A_394] : memref<128x64xf32, #tpu.memory_space<vmem>> -> memref<1x64xf32, #tpu.memory_space<vmem>>
      %dma_start3A_396 = tpu.memref_squeeze %dma_start3A_395 : memref<1x64xf32, #tpu.memory_space<vmem>> -> memref<64xf32, #tpu.memory_space<vmem>>
      %dma_start3A_397 = arith.constant 0 : i32
      %dma_start3A_398 = tpu.memref_slice %arg3[%squeeze3A_389, %dma_start3A_397] : memref<1000000x64xf32, #tpu.memory_space<hbm>> -> memref<1x64xf32, #tpu.memory_space<hbm>>
      %dma_start3A_399 = tpu.memref_squeeze %dma_start3A_398 : memref<1x64xf32, #tpu.memory_space<hbm>> -> memref<64xf32, #tpu.memory_space<hbm>>
      %dma_start3A_400 = arith.constant 0 : i32
      %dma_start3A_401 = tpu.memref_slice %arg7[%add3A_393, %dma_start3A_400] : memref<128x64xf32, #tpu.memory_space<vmem>> -> memref<1x64xf32, #tpu.memory_space<vmem>>
      %dma_start3A_402 = tpu.memref_squeeze %dma_start3A_401 : memref<1x64xf32, #tpu.memory_space<vmem>> -> memref<64xf32, #tpu.memory_space<vmem>>
      %dma_start3A_403 = arith.constant 0 : i32
      %dma_start3A_404 = tpu.memref_slice %arg3[%squeeze3A_389, %dma_start3A_403] : memref<1000000x64xf32, #tpu.memory_space<hbm>> -> memref<1x64xf32, #tpu.memory_space<hbm>>
      %dma_start3A_405 = tpu.memref_squeeze %dma_start3A_404 : memref<1x64xf32, #tpu.memory_space<hbm>> -> memref<64xf32, #tpu.memory_space<hbm>>
      tpu.enqueue_dma source(%dma_start3A_405 : memref<64xf32, #tpu.memory_space<hbm>>) target(%dma_start3A_402 : memref<64xf32, #tpu.memory_space<vmem>>) target_semaphore(%arg10 : memref<!tpu.dma_semaphore, #tpu.memory_space<semaphore_mem>>)
      %slice3A_406 = vector.extract_strided_slice %get3A_227 {offsets = [10], sizes = [1], strides = [1]} : vector<16xi32> to vector<1xi32>
      %squeeze3A_407 = vector.extract %slice3A_406[0] : i32 from vector<1xi32>
      %mul3A_408 = arith.constant 16 : i32
      %mul3A_409 = arith.muli %scan3A_220, %mul3A_408 : i32
      %add3A_410 = arith.constant 10 : i32
      %add3A_411 = arith.addi %mul3A_409, %add3A_410 : i32
      %dma_start3A_412 = arith.constant 0 : i32
      %dma_start3A_413 = tpu.memref_slice %arg7[%add3A_411, %dma_start3A_412] : memref<128x64xf32, #tpu.memory_space<vmem>> -> memref<1x64xf32, #tpu.memory_space<vmem>>
      %dma_start3A_414 = tpu.memref_squeeze %dma_start3A_413 : memref<1x64xf32, #tpu.memory_space<vmem>> -> memref<64xf32, #tpu.memory_space<vmem>>
      %dma_start3A_415 = arith.constant 0 : i32
      %dma_start3A_416 = tpu.memref_slice %arg3[%squeeze3A_407, %dma_start3A_415] : memref<1000000x64xf32, #tpu.memory_space<hbm>> -> memref<1x64xf32, #tpu.memory_space<hbm>>
      %dma_start3A_417 = tpu.memref_squeeze %dma_start3A_416 : memref<1x64xf32, #tpu.memory_space<hbm>> -> memref<64xf32, #tpu.memory_space<hbm>>
      %dma_start3A_418 = arith.constant 0 : i32
      %dma_start3A_419 = tpu.memref_slice %arg7[%add3A_411, %dma_start3A_418] : memref<128x64xf32, #tpu.memory_space<vmem>> -> memref<1x64xf32, #tpu.memory_space<vmem>>
      %dma_start3A_420 = tpu.memref_squeeze %dma_start3A_419 : memref<1x64xf32, #tpu.memory_space<vmem>> -> memref<64xf32, #tpu.memory_space<vmem>>
      %dma_start3A_421 = arith.constant 0 : i32
      %dma_start3A_422 = tpu.memref_slice %arg3[%squeeze3A_407, %dma_start3A_421] : memref<1000000x64xf32, #tpu.memory_space<hbm>> -> memref<1x64xf32, #tpu.memory_space<hbm>>
      %dma_start3A_423 = tpu.memref_squeeze %dma_start3A_422 : memref<1x64xf32, #tpu.memory_space<hbm>> -> memref<64xf32, #tpu.memory_space<hbm>>
      tpu.enqueue_dma source(%dma_start3A_423 : memref<64xf32, #tpu.memory_space<hbm>>) target(%dma_start3A_420 : memref<64xf32, #tpu.memory_space<vmem>>) target_semaphore(%arg10 : memref<!tpu.dma_semaphore, #tpu.memory_space<semaphore_mem>>)
      %slice3A_424 = vector.extract_strided_slice %get3A_227 {offsets = [11], sizes = [1], strides = [1]} : vector<16xi32> to vector<1xi32>
      %squeeze3A_425 = vector.extract %slice3A_424[0] : i32 from vector<1xi32>
      %mul3A_426 = arith.constant 16 : i32
      %mul3A_427 = arith.muli %scan3A_220, %mul3A_426 : i32
      %add3A_428 = arith.constant 11 : i32
      %add3A_429 = arith.addi %mul3A_427, %add3A_428 : i32
      %dma_start3A_430 = arith.constant 0 : i32
      %dma_start3A_431 = tpu.memref_slice %arg7[%add3A_429, %dma_start3A_430] : memref<128x64xf32, #tpu.memory_space<vmem>> -> memref<1x64xf32, #tpu.memory_space<vmem>>
      %dma_start3A_432 = tpu.memref_squeeze %dma_start3A_431 : memref<1x64xf32, #tpu.memory_space<vmem>> -> memref<64xf32, #tpu.memory_space<vmem>>
      %dma_start3A_433 = arith.constant 0 : i32
      %dma_start3A_434 = tpu.memref_slice %arg3[%squeeze3A_425, %dma_start3A_433] : memref<1000000x64xf32, #tpu.memory_space<hbm>> -> memref<1x64xf32, #tpu.memory_space<hbm>>
      %dma_start3A_435 = tpu.memref_squeeze %dma_start3A_434 : memref<1x64xf32, #tpu.memory_space<hbm>> -> memref<64xf32, #tpu.memory_space<hbm>>
      %dma_start3A_436 = arith.constant 0 : i32
      %dma_start3A_437 = tpu.memref_slice %arg7[%add3A_429, %dma_start3A_436] : memref<128x64xf32, #tpu.memory_space<vmem>> -> memref<1x64xf32, #tpu.memory_space<vmem>>
      %dma_start3A_438 = tpu.memref_squeeze %dma_start3A_437 : memref<1x64xf32, #tpu.memory_space<vmem>> -> memref<64xf32, #tpu.memory_space<vmem>>
      %dma_start3A_439 = arith.constant 0 : i32
      %dma_start3A_440 = tpu.memref_slice %arg3[%squeeze3A_425, %dma_start3A_439] : memref<1000000x64xf32, #tpu.memory_space<hbm>> -> memref<1x64xf32, #tpu.memory_space<hbm>>
      %dma_start3A_441 = tpu.memref_squeeze %dma_start3A_440 : memref<1x64xf32, #tpu.memory_space<hbm>> -> memref<64xf32, #tpu.memory_space<hbm>>
      tpu.enqueue_dma source(%dma_start3A_441 : memref<64xf32, #tpu.memory_space<hbm>>) target(%dma_start3A_438 : memref<64xf32, #tpu.memory_space<vmem>>) target_semaphore(%arg10 : memref<!tpu.dma_semaphore, #tpu.memory_space<semaphore_mem>>)
      %slice3A_442 = vector.extract_strided_slice %get3A_227 {offsets = [12], sizes = [1], strides = [1]} : vector<16xi32> to vector<1xi32>
      %squeeze3A_443 = vector.extract %slice3A_442[0] : i32 from vector<1xi32>
      %mul3A_444 = arith.constant 16 : i32
      %mul3A_445 = arith.muli %scan3A_220, %mul3A_444 : i32
      %add3A_446 = arith.constant 12 : i32
      %add3A_447 = arith.addi %mul3A_445, %add3A_446 : i32
      %dma_start3A_448 = arith.constant 0 : i32
      %dma_start3A_449 = tpu.memref_slice %arg7[%add3A_447, %dma_start3A_448] : memref<128x64xf32, #tpu.memory_space<vmem>> -> memref<1x64xf32, #tpu.memory_space<vmem>>
      %dma_start3A_450 = tpu.memref_squeeze %dma_start3A_449 : memref<1x64xf32, #tpu.memory_space<vmem>> -> memref<64xf32, #tpu.memory_space<vmem>>
      %dma_start3A_451 = arith.constant 0 : i32
      %dma_start3A_452 = tpu.memref_slice %arg3[%squeeze3A_443, %dma_start3A_451] : memref<1000000x64xf32, #tpu.memory_space<hbm>> -> memref<1x64xf32, #tpu.memory_space<hbm>>
      %dma_start3A_453 = tpu.memref_squeeze %dma_start3A_452 : memref<1x64xf32, #tpu.memory_space<hbm>> -> memref<64xf32, #tpu.memory_space<hbm>>
      %dma_start3A_454 = arith.constant 0 : i32
      %dma_start3A_455 = tpu.memref_slice %arg7[%add3A_447, %dma_start3A_454] : memref<128x64xf32, #tpu.memory_space<vmem>> -> memref<1x64xf32, #tpu.memory_space<vmem>>
      %dma_start3A_456 = tpu.memref_squeeze %dma_start3A_455 : memref<1x64xf32, #tpu.memory_space<vmem>> -> memref<64xf32, #tpu.memory_space<vmem>>
      %dma_start3A_457 = arith.constant 0 : i32
      %dma_start3A_458 = tpu.memref_slice %arg3[%squeeze3A_443, %dma_start3A_457] : memref<1000000x64xf32, #tpu.memory_space<hbm>> -> memref<1x64xf32, #tpu.memory_space<hbm>>
      %dma_start3A_459 = tpu.memref_squeeze %dma_start3A_458 : memref<1x64xf32, #tpu.memory_space<hbm>> -> memref<64xf32, #tpu.memory_space<hbm>>
      tpu.enqueue_dma source(%dma_start3A_459 : memref<64xf32, #tpu.memory_space<hbm>>) target(%dma_start3A_456 : memref<64xf32, #tpu.memory_space<vmem>>) target_semaphore(%arg10 : memref<!tpu.dma_semaphore, #tpu.memory_space<semaphore_mem>>)
      %slice3A_460 = vector.extract_strided_slice %get3A_227 {offsets = [13], sizes = [1], strides = [1]} : vector<16xi32> to vector<1xi32>
      %squeeze3A_461 = vector.extract %slice3A_460[0] : i32 from vector<1xi32>
      %mul3A_462 = arith.constant 16 : i32
      %mul3A_463 = arith.muli %scan3A_220, %mul3A_462 : i32
      %add3A_464 = arith.constant 13 : i32
      %add3A_465 = arith.addi %mul3A_463, %add3A_464 : i32
      %dma_start3A_466 = arith.constant 0 : i32
      %dma_start3A_467 = tpu.memref_slice %arg7[%add3A_465, %dma_start3A_466] : memref<128x64xf32, #tpu.memory_space<vmem>> -> memref<1x64xf32, #tpu.memory_space<vmem>>
      %dma_start3A_468 = tpu.memref_squeeze %dma_start3A_467 : memref<1x64xf32, #tpu.memory_space<vmem>> -> memref<64xf32, #tpu.memory_space<vmem>>
      %dma_start3A_469 = arith.constant 0 : i32
      %dma_start3A_470 = tpu.memref_slice %arg3[%squeeze3A_461, %dma_start3A_469] : memref<1000000x64xf32, #tpu.memory_space<hbm>> -> memref<1x64xf32, #tpu.memory_space<hbm>>
      %dma_start3A_471 = tpu.memref_squeeze %dma_start3A_470 : memref<1x64xf32, #tpu.memory_space<hbm>> -> memref<64xf32, #tpu.memory_space<hbm>>
      %dma_start3A_472 = arith.constant 0 : i32
      %dma_start3A_473 = tpu.memref_slice %arg7[%add3A_465, %dma_start3A_472] : memref<128x64xf32, #tpu.memory_space<vmem>> -> memref<1x64xf32, #tpu.memory_space<vmem>>
      %dma_start3A_474 = tpu.memref_squeeze %dma_start3A_473 : memref<1x64xf32, #tpu.memory_space<vmem>> -> memref<64xf32, #tpu.memory_space<vmem>>
      %dma_start3A_475 = arith.constant 0 : i32
      %dma_start3A_476 = tpu.memref_slice %arg3[%squeeze3A_461, %dma_start3A_475] : memref<1000000x64xf32, #tpu.memory_space<hbm>> -> memref<1x64xf32, #tpu.memory_space<hbm>>
      %dma_start3A_477 = tpu.memref_squeeze %dma_start3A_476 : memref<1x64xf32, #tpu.memory_space<hbm>> -> memref<64xf32, #tpu.memory_space<hbm>>
      tpu.enqueue_dma source(%dma_start3A_477 : memref<64xf32, #tpu.memory_space<hbm>>) target(%dma_start3A_474 : memref<64xf32, #tpu.memory_space<vmem>>) target_semaphore(%arg10 : memref<!tpu.dma_semaphore, #tpu.memory_space<semaphore_mem>>)
      %slice3A_478 = vector.extract_strided_slice %get3A_227 {offsets = [14], sizes = [1], strides = [1]} : vector<16xi32> to vector<1xi32>
      %squeeze3A_479 = vector.extract %slice3A_478[0] : i32 from vector<1xi32>
      %mul3A_480 = arith.constant 16 : i32
      %mul3A_481 = arith.muli %scan3A_220, %mul3A_480 : i32
      %add3A_482 = arith.constant 14 : i32
      %add3A_483 = arith.addi %mul3A_481, %add3A_482 : i32
      %dma_start3A_484 = arith.constant 0 : i32
      %dma_start3A_485 = tpu.memref_slice %arg7[%add3A_483, %dma_start3A_484] : memref<128x64xf32, #tpu.memory_space<vmem>> -> memref<1x64xf32, #tpu.memory_space<vmem>>
      %dma_start3A_486 = tpu.memref_squeeze %dma_start3A_485 : memref<1x64xf32, #tpu.memory_space<vmem>> -> memref<64xf32, #tpu.memory_space<vmem>>
      %dma_start3A_487 = arith.constant 0 : i32
      %dma_start3A_488 = tpu.memref_slice %arg3[%squeeze3A_479, %dma_start3A_487] : memref<1000000x64xf32, #tpu.memory_space<hbm>> -> memref<1x64xf32, #tpu.memory_space<hbm>>
      %dma_start3A_489 = tpu.memref_squeeze %dma_start3A_488 : memref<1x64xf32, #tpu.memory_space<hbm>> -> memref<64xf32, #tpu.memory_space<hbm>>
      %dma_start3A_490 = arith.constant 0 : i32
      %dma_start3A_491 = tpu.memref_slice %arg7[%add3A_483, %dma_start3A_490] : memref<128x64xf32, #tpu.memory_space<vmem>> -> memref<1x64xf32, #tpu.memory_space<vmem>>
      %dma_start3A_492 = tpu.memref_squeeze %dma_start3A_491 : memref<1x64xf32, #tpu.memory_space<vmem>> -> memref<64xf32, #tpu.memory_space<vmem>>
      %dma_start3A_493 = arith.constant 0 : i32
      %dma_start3A_494 = tpu.memref_slice %arg3[%squeeze3A_479, %dma_start3A_493] : memref<1000000x64xf32, #tpu.memory_space<hbm>> -> memref<1x64xf32, #tpu.memory_space<hbm>>
      %dma_start3A_495 = tpu.memref_squeeze %dma_start3A_494 : memref<1x64xf32, #tpu.memory_space<hbm>> -> memref<64xf32, #tpu.memory_space<hbm>>
      tpu.enqueue_dma source(%dma_start3A_495 : memref<64xf32, #tpu.memory_space<hbm>>) target(%dma_start3A_492 : memref<64xf32, #tpu.memory_space<vmem>>) target_semaphore(%arg10 : memref<!tpu.dma_semaphore, #tpu.memory_space<semaphore_mem>>)
      %slice3A_496 = vector.extract_strided_slice %get3A_227 {offsets = [15], sizes = [1], strides = [1]} : vector<16xi32> to vector<1xi32>
      %squeeze3A_497 = vector.extract %slice3A_496[0] : i32 from vector<1xi32>
      %mul3A_498 = arith.constant 16 : i32
      %mul3A_499 = arith.muli %scan3A_220, %mul3A_498 : i32
      %add3A_500 = arith.constant 15 : i32
      %add3A_501 = arith.addi %mul3A_499, %add3A_500 : i32
      %dma_start3A_502 = arith.constant 0 : i32
      %dma_start3A_503 = tpu.memref_slice %arg7[%add3A_501, %dma_start3A_502] : memref<128x64xf32, #tpu.memory_space<vmem>> -> memref<1x64xf32, #tpu.memory_space<vmem>>
      %dma_start3A_504 = tpu.memref_squeeze %dma_start3A_503 : memref<1x64xf32, #tpu.memory_space<vmem>> -> memref<64xf32, #tpu.memory_space<vmem>>
      %dma_start3A_505 = arith.constant 0 : i32
      %dma_start3A_506 = tpu.memref_slice %arg3[%squeeze3A_497, %dma_start3A_505] : memref<1000000x64xf32, #tpu.memory_space<hbm>> -> memref<1x64xf32, #tpu.memory_space<hbm>>
      %dma_start3A_507 = tpu.memref_squeeze %dma_start3A_506 : memref<1x64xf32, #tpu.memory_space<hbm>> -> memref<64xf32, #tpu.memory_space<hbm>>
      %dma_start3A_508 = arith.constant 0 : i32
      %dma_start3A_509 = tpu.memref_slice %arg7[%add3A_501, %dma_start3A_508] : memref<128x64xf32, #tpu.memory_space<vmem>> -> memref<1x64xf32, #tpu.memory_space<vmem>>
      %dma_start3A_510 = tpu.memref_squeeze %dma_start3A_509 : memref<1x64xf32, #tpu.memory_space<vmem>> -> memref<64xf32, #tpu.memory_space<vmem>>
      %dma_start3A_511 = arith.constant 0 : i32
      %dma_start3A_512 = tpu.memref_slice %arg3[%squeeze3A_497, %dma_start3A_511] : memref<1000000x64xf32, #tpu.memory_space<hbm>> -> memref<1x64xf32, #tpu.memory_space<hbm>>
      %dma_start3A_513 = tpu.memref_squeeze %dma_start3A_512 : memref<1x64xf32, #tpu.memory_space<hbm>> -> memref<64xf32, #tpu.memory_space<hbm>>
      tpu.enqueue_dma source(%dma_start3A_513 : memref<64xf32, #tpu.memory_space<hbm>>) target(%dma_start3A_510 : memref<64xf32, #tpu.memory_space<vmem>>) target_semaphore(%arg10 : memref<!tpu.dma_semaphore, #tpu.memory_space<semaphore_mem>>)
      %scan3A_514 = arith.constant 0 : i32
      scf.yield %scan3A_514 : i32
    }
    %scan3A_55 = arith.constant 8 : i32
    %add3A_56 = arith.constant 128 : i32
    %add3A_57 = arith.addi %multiple_of3A, %add3A_56 : i32
    %jit3A_58 = arith.constant 2 : i32
    %div3A_59 = arith.divsi %add3A_57, %jit3A_58 : i32
    %sign3A_60 = arith.constant 0 : i32
    %sign3A_61 = arith.cmpi sgt, %add3A_57, %sign3A_60 : i32
    %sign3A_62 = arith.extui %sign3A_61 : i1 to i32
    %sign3A_63 = arith.constant 0 : i32
    %sign3A_64 = arith.cmpi slt, %add3A_57, %sign3A_63 : i32
    %sign3A_65 = arith.extui %sign3A_64 : i1 to i32
    %sign3A_66 = arith.subi %sign3A_62, %sign3A_65 : i32
    %sign3A_67 = arith.constant 0 : i32
    %sign3A_68 = arith.cmpi sgt, %jit3A_58, %sign3A_67 : i32
    %sign3A_69 = arith.extui %sign3A_68 : i1 to i32
    %sign3A_70 = arith.constant 0 : i32
    %sign3A_71 = arith.cmpi slt, %jit3A_58, %sign3A_70 : i32
    %sign3A_72 = arith.extui %sign3A_71 : i1 to i32
    %sign3A_73 = arith.subi %sign3A_69, %sign3A_72 : i32
    %ne3A_74 = arith.cmpi ne, %sign3A_66, %sign3A_73 : i32
    %rem3A_75 = arith.remsi %add3A_57, %jit3A_58 : i32
    %ne3A_76 = arith.constant 0 : i32
    %ne3A_77 = arith.cmpi ne, %rem3A_75, %ne3A_76 : i32
    %and3A_78 = arith.andi %ne3A_74, %ne3A_77 : i1
    %sub3A_79 = arith.constant 1 : i32
    %sub3A_80 = arith.subi %div3A_59, %sub3A_79 : i32
    %select_n3A_81 = arith.select %and3A_78, %sub3A_80, %div3A_59 : i32
    %multiple_of3A_82 = tpu.assume_multiple %select_n3A_81, 64 : i32
    %dma_start3A_83 = arith.constant 0 : i32
    %dma_start3A_84 = tpu.memref_slice %arg4[%multiple_of3A_82, %dma_start3A_83] : memref<8192x128xf32, #tpu.memory_space<hbm>> -> memref<64x128xf32, #tpu.memory_space<hbm>>
    %dma_start3A_85 = arith.constant 0 : i32
    %dma_start3A_86 = tpu.memref_slice %arg4[%multiple_of3A_82, %dma_start3A_85] : memref<8192x128xf32, #tpu.memory_space<hbm>> -> memref<64x128xf32, #tpu.memory_space<hbm>>
    tpu.enqueue_dma source(%dma_start3A_86 : memref<64x128xf32, #tpu.memory_space<hbm>>) target(%arg8 : memref<64x128xf32, #tpu.memory_space<vmem>>) target_semaphore(%arg10 : memref<!tpu.dma_semaphore, #tpu.memory_space<semaphore_mem>>)
    %dma_wait3A_87 = arith.constant 0 : i32
    %dma_wait3A_88 = tpu.memref_slice %arg4[%multiple_of3A_82, %dma_wait3A_87] : memref<8192x128xf32, #tpu.memory_space<hbm>> -> memref<64x128xf32, #tpu.memory_space<hbm>>
    %dma_wait3A_89 = arith.constant 0 : i32
    %dma_wait3A_90 = tpu.memref_slice %arg4[%multiple_of3A_82, %dma_wait3A_89] : memref<8192x128xf32, #tpu.memory_space<hbm>> -> memref<64x128xf32, #tpu.memory_space<hbm>>
    tpu.wait_dma2 semaphore(%arg10 : memref<!tpu.dma_semaphore, #tpu.memory_space<semaphore_mem>>) src(%dma_wait3A_90 : memref<64x128xf32, #tpu.memory_space<hbm>>) dst(%arg8 : memref<64x128xf32, #tpu.memory_space<vmem>>)
    %dma_wait3A_91 = arith.constant 0 : i32
    %dma_wait3A_92 = arith.constant 0 : i32
    %dma_wait3A_93 = tpu.memref_slice %arg3[%dma_wait3A_91, %dma_wait3A_92] : memref<1000000x64xf32, #tpu.memory_space<hbm>> -> memref<128x64xf32, #tpu.memory_space<hbm>>
    %dma_wait3A_94 = arith.constant 0 : i32
    %dma_wait3A_95 = arith.constant 0 : i32
    %dma_wait3A_96 = tpu.memref_slice %arg3[%dma_wait3A_94, %dma_wait3A_95] : memref<1000000x64xf32, #tpu.memory_space<hbm>> -> memref<128x64xf32, #tpu.memory_space<hbm>>
    tpu.wait_dma2 semaphore(%arg10 : memref<!tpu.dma_semaphore, #tpu.memory_space<semaphore_mem>>) src(%dma_wait3A_96 : memref<128x64xf32, #tpu.memory_space<hbm>>) dst(%arg7 : memref<128x64xf32, #tpu.memory_space<vmem>>)
    %scan3A_97 = arith.constant 0 : i32
    %scan3A_98 = arith.constant 0 : i32
    %scan3A_99 = arith.constant 64 : i32
    %scan3A_100 = arith.addi %scan3A_98, %scan3A_99 : i32
    %scan3A_101 = arith.constant 1 : i32
    %scan3A_102 = scf.for %scan3A_220 = %scan3A_98 to %scan3A_100 step %scan3A_101 iter_args(%scan3A_221 = %scan3A_97) -> (i32)  : i32 {
      %mul3A_222 = arith.constant 2 : i32
      %mul3A_223 = arith.muli %mul3A_222, %scan3A_220 : i32
      %add3A_224 = arith.constant 0 : i32
      %add3A_225 = arith.addi %mul3A_223, %add3A_224 : i32
      %get3A = arith.index_cast %add3A_225 : i32 to index
      %get3A_226 = arith.constant 0 : index
      %get3A_227 = tpu.vector_load %arg7[%get3A, %get3A_226] {strides = array<i32>} : memref<128x64xf32, #tpu.memory_space<vmem>>, vector<1x16xf32>,
      %get3A_228 = vector.shape_cast %get3A_227 : vector<1x16xf32> to vector<16xf32>
      %get3A_229 = arith.index_cast %scan3A_220 : i32 to index
      %get3A_230 = arith.constant 0 : index
      %get3A_231 = tpu.vector_load %arg8[%get3A_229, %get3A_230] {strides = array<i32>} : memref<64x128xf32, #tpu.memory_space<vmem>>, vector<1x16xf32>,
      %get3A_232 = vector.shape_cast %get3A_231 : vector<1x16xf32> to vector<16xf32>
      %add3A_233 = arith.addf %get3A_228, %get3A_232 : vector<16xf32>
      %swap3A = arith.index_cast %add3A_225 : i32 to index
      %swap3A_234 = arith.constant 0 : index
      %swap3A_235 = tpu.vector_load %arg9[%swap3A, %swap3A_234] {strides = array<i32>} : memref<128x64xf32, #tpu.memory_space<vmem>>, vector<1x16xf32>,
      %swap3A_236 = vector.shape_cast %swap3A_235 : vector<1x16xf32> to vector<16xf32>
      %swap3A_237 = vector.shape_cast %add3A_233 : vector<16xf32> to vector<1x16xf32>
      tpu.vector_store %arg9[%swap3A, %swap3A_234], %swap3A_237 {strides = array<i32>} : memref<128x64xf32, #tpu.memory_space<vmem>>, vector<1x16xf32>,
      %get3A_238 = arith.index_cast %add3A_225 : i32 to index
      %get3A_239 = arith.constant 16 : index
      %get3A_240 = tpu.vector_load %arg7[%get3A_238, %get3A_239] {strides = array<i32>} : memref<128x64xf32, #tpu.memory_space<vmem>>, vector<1x16xf32>,
      %get3A_241 = vector.shape_cast %get3A_240 : vector<1x16xf32> to vector<16xf32>
      %get3A_242 = arith.index_cast %scan3A_220 : i32 to index
      %get3A_243 = arith.constant 16 : index
      %get3A_244 = tpu.vector_load %arg8[%get3A_242, %get3A_243] {strides = array<i32>} : memref<64x128xf32, #tpu.memory_space<vmem>>, vector<1x16xf32>,
      %get3A_245 = vector.shape_cast %get3A_244 : vector<1x16xf32> to vector<16xf32>
      %add3A_246 = arith.addf %get3A_241, %get3A_245 : vector<16xf32>
      %swap3A_247 = arith.index_cast %add3A_225 : i32 to index
      %swap3A_248 = arith.constant 16 : index
      %swap3A_249 = tpu.vector_load %arg9[%swap3A_247, %swap3A_248] {strides = array<i32>} : memref<128x64xf32, #tpu.memory_space<vmem>>, vector<1x16xf32>,
      %swap3A_250 = vector.shape_cast %swap3A_249 : vector<1x16xf32> to vector<16xf32>
      %swap3A_251 = vector.shape_cast %add3A_246 : vector<16xf32> to vector<1x16xf32>
      tpu.vector_store %arg9[%swap3A_247, %swap3A_248], %swap3A_251 {strides = array<i32>} : memref<128x64xf32, #tpu.memory_space<vmem>>, vector<1x16xf32>,
      %get3A_252 = arith.index_cast %add3A_225 : i32 to index
      %get3A_253 = arith.constant 32 : index
      %get3A_254 = tpu.vector_load %arg7[%get3A_252, %get3A_253] {strides = array<i32>} : memref<128x64xf32, #tpu.memory_space<vmem>>, vector<1x16xf32>,
      %get3A_255 = vector.shape_cast %get3A_254 : vector<1x16xf32> to vector<16xf32>
      %get3A_256 = arith.index_cast %scan3A_220 : i32 to index
      %get3A_257 = arith.constant 32 : index
      %get3A_258 = tpu.vector_load %arg8[%get3A_256, %get3A_257] {strides = array<i32>} : memref<64x128xf32, #tpu.memory_space<vmem>>, vector<1x16xf32>,
      %get3A_259 = vector.shape_cast %get3A_258 : vector<1x16xf32> to vector<16xf32>
      %add3A_260 = arith.addf %get3A_255, %get3A_259 : vector<16xf32>
      %swap3A_261 = arith.index_cast %add3A_225 : i32 to index
      %swap3A_262 = arith.constant 32 : index
      %swap3A_263 = tpu.vector_load %arg9[%swap3A_261, %swap3A_262] {strides = array<i32>} : memref<128x64xf32, #tpu.memory_space<vmem>>, vector<1x16xf32>,
      %swap3A_264 = vector.shape_cast %swap3A_263 : vector<1x16xf32> to vector<16xf32>
      %swap3A_265 = vector.shape_cast %add3A_260 : vector<16xf32> to vector<1x16xf32>
      tpu.vector_store %arg9[%swap3A_261, %swap3A_262], %swap3A_265 {strides = array<i32>} : memref<128x64xf32, #tpu.memory_space<vmem>>, vector<1x16xf32>,
      %get3A_266 = arith.index_cast %add3A_225 : i32 to index
      %get3A_267 = arith.constant 48 : index
      %get3A_268 = tpu.vector_load %arg7[%get3A_266, %get3A_267] {strides = array<i32>} : memref<128x64xf32, #tpu.memory_space<vmem>>, vector<1x16xf32>,
      %get3A_269 = vector.shape_cast %get3A_268 : vector<1x16xf32> to vector<16xf32>
      %get3A_270 = arith.index_cast %scan3A_220 : i32 to index
      %get3A_271 = arith.constant 48 : index
      %get3A_272 = tpu.vector_load %arg8[%get3A_270, %get3A_271] {strides = array<i32>} : memref<64x128xf32, #tpu.memory_space<vmem>>, vector<1x16xf32>,
      %get3A_273 = vector.shape_cast %get3A_272 : vector<1x16xf32> to vector<16xf32>
      %add3A_274 = arith.addf %get3A_269, %get3A_273 : vector<16xf32>
      %swap3A_275 = arith.index_cast %add3A_225 : i32 to index
      %swap3A_276 = arith.constant 48 : index
      %swap3A_277 = tpu.vector_load %arg9[%swap3A_275, %swap3A_276] {strides = array<i32>} : memref<128x64xf32, #tpu.memory_space<vmem>>, vector<1x16xf32>,
      %swap3A_278 = vector.shape_cast %swap3A_277 : vector<1x16xf32> to vector<16xf32>
      %swap3A_279 = vector.shape_cast %add3A_274 : vector<16xf32> to vector<1x16xf32>
      tpu.vector_store %arg9[%swap3A_275, %swap3A_276], %swap3A_279 {strides = array<i32>} : memref<128x64xf32, #tpu.memory_space<vmem>>, vector<1x16xf32>,
      %mul3A_280 = arith.constant 2 : i32
      %mul3A_281 = arith.muli %mul3A_280, %scan3A_220 : i32
      %add3A_282 = arith.constant 1 : i32
      %add3A_283 = arith.addi %mul3A_281, %add3A_282 : i32
      %get3A_284 = arith.index_cast %add3A_283 : i32 to index
      %get3A_285 = arith.constant 0 : index
      %get3A_286 = tpu.vector_load %arg7[%get3A_284, %get3A_285] {strides = array<i32>} : memref<128x64xf32, #tpu.memory_space<vmem>>, vector<1x16xf32>,
      %get3A_287 = vector.shape_cast %get3A_286 : vector<1x16xf32> to vector<16xf32>
      %get3A_288 = arith.index_cast %scan3A_220 : i32 to index
      %get3A_289 = arith.constant 64 : index
      %get3A_290 = tpu.vector_load %arg8[%get3A_288, %get3A_289] {strides = array<i32>} : memref<64x128xf32, #tpu.memory_space<vmem>>, vector<1x16xf32>,
      %get3A_291 = vector.shape_cast %get3A_290 : vector<1x16xf32> to vector<16xf32>
      %add3A_292 = arith.addf %get3A_287, %get3A_291 : vector<16xf32>
      %swap3A_293 = arith.index_cast %add3A_283 : i32 to index
      %swap3A_294 = arith.constant 0 : index
      %swap3A_295 = tpu.vector_load %arg9[%swap3A_293, %swap3A_294] {strides = array<i32>} : memref<128x64xf32, #tpu.memory_space<vmem>>, vector<1x16xf32>,
      %swap3A_296 = vector.shape_cast %swap3A_295 : vector<1x16xf32> to vector<16xf32>
      %swap3A_297 = vector.shape_cast %add3A_292 : vector<16xf32> to vector<1x16xf32>
      tpu.vector_store %arg9[%swap3A_293, %swap3A_294], %swap3A_297 {strides = array<i32>} : memref<128x64xf32, #tpu.memory_space<vmem>>, vector<1x16xf32>,
      %get3A_298 = arith.index_cast %add3A_283 : i32 to index
      %get3A_299 = arith.constant 16 : index
      %get3A_300 = tpu.vector_load %arg7[%get3A_298, %get3A_299] {strides = array<i32>} : memref<128x64xf32, #tpu.memory_space<vmem>>, vector<1x16xf32>,
      %get3A_301 = vector.shape_cast %get3A_300 : vector<1x16xf32> to vector<16xf32>
      %get3A_302 = arith.index_cast %scan3A_220 : i32 to index
      %get3A_303 = arith.constant 80 : index
      %get3A_304 = tpu.vector_load %arg8[%get3A_302, %get3A_303] {strides = array<i32>} : memref<64x128xf32, #tpu.memory_space<vmem>>, vector<1x16xf32>,
      %get3A_305 = vector.shape_cast %get3A_304 : vector<1x16xf32> to vector<16xf32>
      %add3A_306 = arith.addf %get3A_301, %get3A_305 : vector<16xf32>
      %swap3A_307 = arith.index_cast %add3A_283 : i32 to index
      %swap3A_308 = arith.constant 16 : index
      %swap3A_309 = tpu.vector_load %arg9[%swap3A_307, %swap3A_308] {strides = array<i32>} : memref<128x64xf32, #tpu.memory_space<vmem>>, vector<1x16xf32>,
      %swap3A_310 = vector.shape_cast %swap3A_309 : vector<1x16xf32> to vector<16xf32>
      %swap3A_311 = vector.shape_cast %add3A_306 : vector<16xf32> to vector<1x16xf32>
      tpu.vector_store %arg9[%swap3A_307, %swap3A_308], %swap3A_311 {strides = array<i32>} : memref<128x64xf32, #tpu.memory_space<vmem>>, vector<1x16xf32>,
      %get3A_312 = arith.index_cast %add3A_283 : i32 to index
      %get3A_313 = arith.constant 32 : index
      %get3A_314 = tpu.vector_load %arg7[%get3A_312, %get3A_313] {strides = array<i32>} : memref<128x64xf32, #tpu.memory_space<vmem>>, vector<1x16xf32>,
      %get3A_315 = vector.shape_cast %get3A_314 : vector<1x16xf32> to vector<16xf32>
      %get3A_316 = arith.index_cast %scan3A_220 : i32 to index
      %get3A_317 = arith.constant 96 : index
      %get3A_318 = tpu.vector_load %arg8[%get3A_316, %get3A_317] {strides = array<i32>} : memref<64x128xf32, #tpu.memory_space<vmem>>, vector<1x16xf32>,
      %get3A_319 = vector.shape_cast %get3A_318 : vector<1x16xf32> to vector<16xf32>
      %add3A_320 = arith.addf %get3A_315, %get3A_319 : vector<16xf32>
      %swap3A_321 = arith.index_cast %add3A_283 : i32 to index
      %swap3A_322 = arith.constant 32 : index
      %swap3A_323 = tpu.vector_load %arg9[%swap3A_321, %swap3A_322] {strides = array<i32>} : memref<128x64xf32, #tpu.memory_space<vmem>>, vector<1x16xf32>,
      %swap3A_324 = vector.shape_cast %swap3A_323 : vector<1x16xf32> to vector<16xf32>
      %swap3A_325 = vector.shape_cast %add3A_320 : vector<16xf32> to vector<1x16xf32>
      tpu.vector_store %arg9[%swap3A_321, %swap3A_322], %swap3A_325 {strides = array<i32>} : memref<128x64xf32, #tpu.memory_space<vmem>>, vector<1x16xf32>,
      %get3A_326 = arith.index_cast %add3A_283 : i32 to index
      %get3A_327 = arith.constant 48 : index
      %get3A_328 = tpu.vector_load %arg7[%get3A_326, %get3A_327] {strides = array<i32>} : memref<128x64xf32, #tpu.memory_space<vmem>>, vector<1x16xf32>,
      %get3A_329 = vector.shape_cast %get3A_328 : vector<1x16xf32> to vector<16xf32>
      %get3A_330 = arith.index_cast %scan3A_220 : i32 to index
      %get3A_331 = arith.constant 112 : index
      %get3A_332 = tpu.vector_load %arg8[%get3A_330, %get3A_331] {strides = array<i32>} : memref<64x128xf32, #tpu.memory_space<vmem>>, vector<1x16xf32>,
      %get3A_333 = vector.shape_cast %get3A_332 : vector<1x16xf32> to vector<16xf32>
      %add3A_334 = arith.addf %get3A_329, %get3A_333 : vector<16xf32>
      %swap3A_335 = arith.index_cast %add3A_283 : i32 to index
      %swap3A_336 = arith.constant 48 : index
      %swap3A_337 = tpu.vector_load %arg9[%swap3A_335, %swap3A_336] {strides = array<i32>} : memref<128x64xf32, #tpu.memory_space<vmem>>, vector<1x16xf32>,
      %swap3A_338 = vector.shape_cast %swap3A_337 : vector<1x16xf32> to vector<16xf32>
      %swap3A_339 = vector.shape_cast %add3A_334 : vector<16xf32> to vector<1x16xf32>
      tpu.vector_store %arg9[%swap3A_335, %swap3A_336], %swap3A_339 {strides = array<i32>} : memref<128x64xf32, #tpu.memory_space<vmem>>, vector<1x16xf32>,
      %scan3A_340 = arith.constant 0 : i32
      scf.yield %scan3A_340 : i32
    }
    %scan3A_103 = arith.constant 64 : i32
    %add3A_104 = arith.constant 128 : i32
    %add3A_105 = arith.addi %multiple_of3A, %add3A_104 : i32
    "tpu.region"() ({
      %run_scoped3A = tpu.sem_alloc : memref<!tpu.dma_semaphore, #tpu.memory_space<semaphore_mem>>
      %dma_start3A_220 = arith.constant 0 : i32
      %dma_start3A_221 = tpu.memref_slice %arg5[%add3A_105, %dma_start3A_220] : memref<16384x64xf32, #tpu.memory_space<hbm>> -> memref<128x64xf32, #tpu.memory_space<hbm>>
      %dma_start3A_222 = arith.constant 0 : i32
      %dma_start3A_223 = tpu.memref_slice %arg5[%add3A_105, %dma_start3A_222] : memref<16384x64xf32, #tpu.memory_space<hbm>> -> memref<128x64xf32, #tpu.memory_space<hbm>>
      tpu.enqueue_dma source(%arg9 : memref<128x64xf32, #tpu.memory_space<vmem>>) target(%dma_start3A_223 : memref<128x64xf32, #tpu.memory_space<hbm>>) target_semaphore(%run_scoped3A : memref<!tpu.dma_semaphore, #tpu.memory_space<semaphore_mem>>)
      %dma_wait3A_224 = arith.constant 0 : i32
      %dma_wait3A_225 = tpu.memref_slice %arg5[%add3A_105, %dma_wait3A_224] : memref<16384x64xf32, #tpu.memory_space<hbm>> -> memref<128x64xf32, #tpu.memory_space<hbm>>
      %dma_wait3A_226 = arith.constant 0 : i32
      %dma_wait3A_227 = tpu.memref_slice %arg5[%add3A_105, %dma_wait3A_226] : memref<16384x64xf32, #tpu.memory_space<hbm>> -> memref<128x64xf32, #tpu.memory_space<hbm>>
      tpu.wait_dma2 semaphore(%run_scoped3A : memref<!tpu.dma_semaphore, #tpu.memory_space<semaphore_mem>>) src(%arg9 : memref<128x64xf32, #tpu.memory_space<vmem>>) dst(%dma_wait3A_227 : memref<128x64xf32, #tpu.memory_space<hbm>>)
      tpu.yield
    }) : () -> ()
    %scan3A_106 = arith.constant 0 : i32
    %scan3A_107 = arith.constant 0 : i32
    %scan3A_108 = arith.constant 8 : i32
    %scan3A_109 = arith.addi %scan3A_107, %scan3A_108 : i32
    %scan3A_110 = arith.constant 1 : i32
    %scan3A_111 = scf.for %scan3A_220 = %scan3A_107 to %scan3A_109 step %scan3A_110 iter_args(%scan3A_221 = %scan3A_106) -> (i32)  : i32 {
      %mul3A_222 = arith.constant 16 : i32
      %mul3A_223 = arith.muli %scan3A_220, %mul3A_222 : i32
      %add3A_224 = arith.constant 256 : i32
      %add3A_225 = arith.addi %add3A_224, %mul3A_223 : i32
      %get3A = arith.index_cast %add3A_225 : i32 to index
      %get3A_226 = tpu.vector_load %arg6[%get3A] {strides = array<i32>} : memref<512xi32, #tpu.memory_space<vmem>>, vector<16xi32>,
      %get3A_227 = vector.shape_cast %get3A_226 : vector<16xi32> to vector<16xi32>
      %slice3A = vector.extract_strided_slice %get3A_227 {offsets = [0], sizes = [1], strides = [1]} : vector<16xi32> to vector<1xi32>
      %squeeze3A = vector.extract %slice3A[0] : i32 from vector<1xi32>
      %mul3A_228 = arith.constant 16 : i32
      %mul3A_229 = arith.muli %scan3A_220, %mul3A_228 : i32
      %add3A_230 = arith.constant 0 : i32
      %add3A_231 = arith.addi %mul3A_229, %add3A_230 : i32
      %dma_start3A_232 = arith.constant 0 : i32
      %dma_start3A_233 = tpu.memref_slice %arg7[%add3A_231, %dma_start3A_232] : memref<128x64xf32, #tpu.memory_space<vmem>> -> memref<1x64xf32, #tpu.memory_space<vmem>>
      %dma_start3A_234 = tpu.memref_squeeze %dma_start3A_233 : memref<1x64xf32, #tpu.memory_space<vmem>> -> memref<64xf32, #tpu.memory_space<vmem>>
      %dma_start3A_235 = arith.constant 0 : i32
      %dma_start3A_236 = tpu.memref_slice %arg3[%squeeze3A, %dma_start3A_235] : memref<1000000x64xf32, #tpu.memory_space<hbm>> -> memref<1x64xf32, #tpu.memory_space<hbm>>
      %dma_start3A_237 = tpu.memref_squeeze %dma_start3A_236 : memref<1x64xf32, #tpu.memory_space<hbm>> -> memref<64xf32, #tpu.memory_space<hbm>>
      %dma_start3A_238 = arith.constant 0 : i32
      %dma_start3A_239 = tpu.memref_slice %arg7[%add3A_231, %dma_start3A_238] : memref<128x64xf32, #tpu.memory_space<vmem>> -> memref<1x64xf32, #tpu.memory_space<vmem>>
      %dma_start3A_240 = tpu.memref_squeeze %dma_start3A_239 : memref<1x64xf32, #tpu.memory_space<vmem>> -> memref<64xf32, #tpu.memory_space<vmem>>
      %dma_start3A_241 = arith.constant 0 : i32
      %dma_start3A_242 = tpu.memref_slice %arg3[%squeeze3A, %dma_start3A_241] : memref<1000000x64xf32, #tpu.memory_space<hbm>> -> memref<1x64xf32, #tpu.memory_space<hbm>>
      %dma_start3A_243 = tpu.memref_squeeze %dma_start3A_242 : memref<1x64xf32, #tpu.memory_space<hbm>> -> memref<64xf32, #tpu.memory_space<hbm>>
      tpu.enqueue_dma source(%dma_start3A_243 : memref<64xf32, #tpu.memory_space<hbm>>) target(%dma_start3A_240 : memref<64xf32, #tpu.memory_space<vmem>>) target_semaphore(%arg10 : memref<!tpu.dma_semaphore, #tpu.memory_space<semaphore_mem>>)
      %slice3A_244 = vector.extract_strided_slice %get3A_227 {offsets = [1], sizes = [1], strides = [1]} : vector<16xi32> to vector<1xi32>
      %squeeze3A_245 = vector.extract %slice3A_244[0] : i32 from vector<1xi32>
      %mul3A_246 = arith.constant 16 : i32
      %mul3A_247 = arith.muli %scan3A_220, %mul3A_246 : i32
      %add3A_248 = arith.constant 1 : i32
      %add3A_249 = arith.addi %mul3A_247, %add3A_248 : i32
      %dma_start3A_250 = arith.constant 0 : i32
      %dma_start3A_251 = tpu.memref_slice %arg7[%add3A_249, %dma_start3A_250] : memref<128x64xf32, #tpu.memory_space<vmem>> -> memref<1x64xf32, #tpu.memory_space<vmem>>
      %dma_start3A_252 = tpu.memref_squeeze %dma_start3A_251 : memref<1x64xf32, #tpu.memory_space<vmem>> -> memref<64xf32, #tpu.memory_space<vmem>>
      %dma_start3A_253 = arith.constant 0 : i32
      %dma_start3A_254 = tpu.memref_slice %arg3[%squeeze3A_245, %dma_start3A_253] : memref<1000000x64xf32, #tpu.memory_space<hbm>> -> memref<1x64xf32, #tpu.memory_space<hbm>>
      %dma_start3A_255 = tpu.memref_squeeze %dma_start3A_254 : memref<1x64xf32, #tpu.memory_space<hbm>> -> memref<64xf32, #tpu.memory_space<hbm>>
      %dma_start3A_256 = arith.constant 0 : i32
      %dma_start3A_257 = tpu.memref_slice %arg7[%add3A_249, %dma_start3A_256] : memref<128x64xf32, #tpu.memory_space<vmem>> -> memref<1x64xf32, #tpu.memory_space<vmem>>
      %dma_start3A_258 = tpu.memref_squeeze %dma_start3A_257 : memref<1x64xf32, #tpu.memory_space<vmem>> -> memref<64xf32, #tpu.memory_space<vmem>>
      %dma_start3A_259 = arith.constant 0 : i32
      %dma_start3A_260 = tpu.memref_slice %arg3[%squeeze3A_245, %dma_start3A_259] : memref<1000000x64xf32, #tpu.memory_space<hbm>> -> memref<1x64xf32, #tpu.memory_space<hbm>>
      %dma_start3A_261 = tpu.memref_squeeze %dma_start3A_260 : memref<1x64xf32, #tpu.memory_space<hbm>> -> memref<64xf32, #tpu.memory_space<hbm>>
      tpu.enqueue_dma source(%dma_start3A_261 : memref<64xf32, #tpu.memory_space<hbm>>) target(%dma_start3A_258 : memref<64xf32, #tpu.memory_space<vmem>>) target_semaphore(%arg10 : memref<!tpu.dma_semaphore, #tpu.memory_space<semaphore_mem>>)
      %slice3A_262 = vector.extract_strided_slice %get3A_227 {offsets = [2], sizes = [1], strides = [1]} : vector<16xi32> to vector<1xi32>
      %squeeze3A_263 = vector.extract %slice3A_262[0] : i32 from vector<1xi32>
      %mul3A_264 = arith.constant 16 : i32
      %mul3A_265 = arith.muli %scan3A_220, %mul3A_264 : i32
      %add3A_266 = arith.constant 2 : i32
      %add3A_267 = arith.addi %mul3A_265, %add3A_266 : i32
      %dma_start3A_268 = arith.constant 0 : i32
      %dma_start3A_269 = tpu.memref_slice %arg7[%add3A_267, %dma_start3A_268] : memref<128x64xf32, #tpu.memory_space<vmem>> -> memref<1x64xf32, #tpu.memory_space<vmem>>
      %dma_start3A_270 = tpu.memref_squeeze %dma_start3A_269 : memref<1x64xf32, #tpu.memory_space<vmem>> -> memref<64xf32, #tpu.memory_space<vmem>>
      %dma_start3A_271 = arith.constant 0 : i32
      %dma_start3A_272 = tpu.memref_slice %arg3[%squeeze3A_263, %dma_start3A_271] : memref<1000000x64xf32, #tpu.memory_space<hbm>> -> memref<1x64xf32, #tpu.memory_space<hbm>>
      %dma_start3A_273 = tpu.memref_squeeze %dma_start3A_272 : memref<1x64xf32, #tpu.memory_space<hbm>> -> memref<64xf32, #tpu.memory_space<hbm>>
      %dma_start3A_274 = arith.constant 0 : i32
      %dma_start3A_275 = tpu.memref_slice %arg7[%add3A_267, %dma_start3A_274] : memref<128x64xf32, #tpu.memory_space<vmem>> -> memref<1x64xf32, #tpu.memory_space<vmem>>
      %dma_start3A_276 = tpu.memref_squeeze %dma_start3A_275 : memref<1x64xf32, #tpu.memory_space<vmem>> -> memref<64xf32, #tpu.memory_space<vmem>>
      %dma_start3A_277 = arith.constant 0 : i32
      %dma_start3A_278 = tpu.memref_slice %arg3[%squeeze3A_263, %dma_start3A_277] : memref<1000000x64xf32, #tpu.memory_space<hbm>> -> memref<1x64xf32, #tpu.memory_space<hbm>>
      %dma_start3A_279 = tpu.memref_squeeze %dma_start3A_278 : memref<1x64xf32, #tpu.memory_space<hbm>> -> memref<64xf32, #tpu.memory_space<hbm>>
      tpu.enqueue_dma source(%dma_start3A_279 : memref<64xf32, #tpu.memory_space<hbm>>) target(%dma_start3A_276 : memref<64xf32, #tpu.memory_space<vmem>>) target_semaphore(%arg10 : memref<!tpu.dma_semaphore, #tpu.memory_space<semaphore_mem>>)
      %slice3A_280 = vector.extract_strided_slice %get3A_227 {offsets = [3], sizes = [1], strides = [1]} : vector<16xi32> to vector<1xi32>
      %squeeze3A_281 = vector.extract %slice3A_280[0] : i32 from vector<1xi32>
      %mul3A_282 = arith.constant 16 : i32
      %mul3A_283 = arith.muli %scan3A_220, %mul3A_282 : i32
      %add3A_284 = arith.constant 3 : i32
      %add3A_285 = arith.addi %mul3A_283, %add3A_284 : i32
      %dma_start3A_286 = arith.constant 0 : i32
      %dma_start3A_287 = tpu.memref_slice %arg7[%add3A_285, %dma_start3A_286] : memref<128x64xf32, #tpu.memory_space<vmem>> -> memref<1x64xf32, #tpu.memory_space<vmem>>
      %dma_start3A_288 = tpu.memref_squeeze %dma_start3A_287 : memref<1x64xf32, #tpu.memory_space<vmem>> -> memref<64xf32, #tpu.memory_space<vmem>>
      %dma_start3A_289 = arith.constant 0 : i32
      %dma_start3A_290 = tpu.memref_slice %arg3[%squeeze3A_281, %dma_start3A_289] : memref<1000000x64xf32, #tpu.memory_space<hbm>> -> memref<1x64xf32, #tpu.memory_space<hbm>>
      %dma_start3A_291 = tpu.memref_squeeze %dma_start3A_290 : memref<1x64xf32, #tpu.memory_space<hbm>> -> memref<64xf32, #tpu.memory_space<hbm>>
      %dma_start3A_292 = arith.constant 0 : i32
      %dma_start3A_293 = tpu.memref_slice %arg7[%add3A_285, %dma_start3A_292] : memref<128x64xf32, #tpu.memory_space<vmem>> -> memref<1x64xf32, #tpu.memory_space<vmem>>
      %dma_start3A_294 = tpu.memref_squeeze %dma_start3A_293 : memref<1x64xf32, #tpu.memory_space<vmem>> -> memref<64xf32, #tpu.memory_space<vmem>>
      %dma_start3A_295 = arith.constant 0 : i32
      %dma_start3A_296 = tpu.memref_slice %arg3[%squeeze3A_281, %dma_start3A_295] : memref<1000000x64xf32, #tpu.memory_space<hbm>> -> memref<1x64xf32, #tpu.memory_space<hbm>>
      %dma_start3A_297 = tpu.memref_squeeze %dma_start3A_296 : memref<1x64xf32, #tpu.memory_space<hbm>> -> memref<64xf32, #tpu.memory_space<hbm>>
      tpu.enqueue_dma source(%dma_start3A_297 : memref<64xf32, #tpu.memory_space<hbm>>) target(%dma_start3A_294 : memref<64xf32, #tpu.memory_space<vmem>>) target_semaphore(%arg10 : memref<!tpu.dma_semaphore, #tpu.memory_space<semaphore_mem>>)
      %slice3A_298 = vector.extract_strided_slice %get3A_227 {offsets = [4], sizes = [1], strides = [1]} : vector<16xi32> to vector<1xi32>
      %squeeze3A_299 = vector.extract %slice3A_298[0] : i32 from vector<1xi32>
      %mul3A_300 = arith.constant 16 : i32
      %mul3A_301 = arith.muli %scan3A_220, %mul3A_300 : i32
      %add3A_302 = arith.constant 4 : i32
      %add3A_303 = arith.addi %mul3A_301, %add3A_302 : i32
      %dma_start3A_304 = arith.constant 0 : i32
      %dma_start3A_305 = tpu.memref_slice %arg7[%add3A_303, %dma_start3A_304] : memref<128x64xf32, #tpu.memory_space<vmem>> -> memref<1x64xf32, #tpu.memory_space<vmem>>
      %dma_start3A_306 = tpu.memref_squeeze %dma_start3A_305 : memref<1x64xf32, #tpu.memory_space<vmem>> -> memref<64xf32, #tpu.memory_space<vmem>>
      %dma_start3A_307 = arith.constant 0 : i32
      %dma_start3A_308 = tpu.memref_slice %arg3[%squeeze3A_299, %dma_start3A_307] : memref<1000000x64xf32, #tpu.memory_space<hbm>> -> memref<1x64xf32, #tpu.memory_space<hbm>>
      %dma_start3A_309 = tpu.memref_squeeze %dma_start3A_308 : memref<1x64xf32, #tpu.memory_space<hbm>> -> memref<64xf32, #tpu.memory_space<hbm>>
      %dma_start3A_310 = arith.constant 0 : i32
      %dma_start3A_311 = tpu.memref_slice %arg7[%add3A_303, %dma_start3A_310] : memref<128x64xf32, #tpu.memory_space<vmem>> -> memref<1x64xf32, #tpu.memory_space<vmem>>
      %dma_start3A_312 = tpu.memref_squeeze %dma_start3A_311 : memref<1x64xf32, #tpu.memory_space<vmem>> -> memref<64xf32, #tpu.memory_space<vmem>>
      %dma_start3A_313 = arith.constant 0 : i32
      %dma_start3A_314 = tpu.memref_slice %arg3[%squeeze3A_299, %dma_start3A_313] : memref<1000000x64xf32, #tpu.memory_space<hbm>> -> memref<1x64xf32, #tpu.memory_space<hbm>>
      %dma_start3A_315 = tpu.memref_squeeze %dma_start3A_314 : memref<1x64xf32, #tpu.memory_space<hbm>> -> memref<64xf32, #tpu.memory_space<hbm>>
      tpu.enqueue_dma source(%dma_start3A_315 : memref<64xf32, #tpu.memory_space<hbm>>) target(%dma_start3A_312 : memref<64xf32, #tpu.memory_space<vmem>>) target_semaphore(%arg10 : memref<!tpu.dma_semaphore, #tpu.memory_space<semaphore_mem>>)
      %slice3A_316 = vector.extract_strided_slice %get3A_227 {offsets = [5], sizes = [1], strides = [1]} : vector<16xi32> to vector<1xi32>
      %squeeze3A_317 = vector.extract %slice3A_316[0] : i32 from vector<1xi32>
      %mul3A_318 = arith.constant 16 : i32
      %mul3A_319 = arith.muli %scan3A_220, %mul3A_318 : i32
      %add3A_320 = arith.constant 5 : i32
      %add3A_321 = arith.addi %mul3A_319, %add3A_320 : i32
      %dma_start3A_322 = arith.constant 0 : i32
      %dma_start3A_323 = tpu.memref_slice %arg7[%add3A_321, %dma_start3A_322] : memref<128x64xf32, #tpu.memory_space<vmem>> -> memref<1x64xf32, #tpu.memory_space<vmem>>
      %dma_start3A_324 = tpu.memref_squeeze %dma_start3A_323 : memref<1x64xf32, #tpu.memory_space<vmem>> -> memref<64xf32, #tpu.memory_space<vmem>>
      %dma_start3A_325 = arith.constant 0 : i32
      %dma_start3A_326 = tpu.memref_slice %arg3[%squeeze3A_317, %dma_start3A_325] : memref<1000000x64xf32, #tpu.memory_space<hbm>> -> memref<1x64xf32, #tpu.memory_space<hbm>>
      %dma_start3A_327 = tpu.memref_squeeze %dma_start3A_326 : memref<1x64xf32, #tpu.memory_space<hbm>> -> memref<64xf32, #tpu.memory_space<hbm>>
      %dma_start3A_328 = arith.constant 0 : i32
      %dma_start3A_329 = tpu.memref_slice %arg7[%add3A_321, %dma_start3A_328] : memref<128x64xf32, #tpu.memory_space<vmem>> -> memref<1x64xf32, #tpu.memory_space<vmem>>
      %dma_start3A_330 = tpu.memref_squeeze %dma_start3A_329 : memref<1x64xf32, #tpu.memory_space<vmem>> -> memref<64xf32, #tpu.memory_space<vmem>>
      %dma_start3A_331 = arith.constant 0 : i32
      %dma_start3A_332 = tpu.memref_slice %arg3[%squeeze3A_317, %dma_start3A_331] : memref<1000000x64xf32, #tpu.memory_space<hbm>> -> memref<1x64xf32, #tpu.memory_space<hbm>>
      %dma_start3A_333 = tpu.memref_squeeze %dma_start3A_332 : memref<1x64xf32, #tpu.memory_space<hbm>> -> memref<64xf32, #tpu.memory_space<hbm>>
      tpu.enqueue_dma source(%dma_start3A_333 : memref<64xf32, #tpu.memory_space<hbm>>) target(%dma_start3A_330 : memref<64xf32, #tpu.memory_space<vmem>>) target_semaphore(%arg10 : memref<!tpu.dma_semaphore, #tpu.memory_space<semaphore_mem>>)
      %slice3A_334 = vector.extract_strided_slice %get3A_227 {offsets = [6], sizes = [1], strides = [1]} : vector<16xi32> to vector<1xi32>
      %squeeze3A_335 = vector.extract %slice3A_334[0] : i32 from vector<1xi32>
      %mul3A_336 = arith.constant 16 : i32
      %mul3A_337 = arith.muli %scan3A_220, %mul3A_336 : i32
      %add3A_338 = arith.constant 6 : i32
      %add3A_339 = arith.addi %mul3A_337, %add3A_338 : i32
      %dma_start3A_340 = arith.constant 0 : i32
      %dma_start3A_341 = tpu.memref_slice %arg7[%add3A_339, %dma_start3A_340] : memref<128x64xf32, #tpu.memory_space<vmem>> -> memref<1x64xf32, #tpu.memory_space<vmem>>
      %dma_start3A_342 = tpu.memref_squeeze %dma_start3A_341 : memref<1x64xf32, #tpu.memory_space<vmem>> -> memref<64xf32, #tpu.memory_space<vmem>>
      %dma_start3A_343 = arith.constant 0 : i32
      %dma_start3A_344 = tpu.memref_slice %arg3[%squeeze3A_335, %dma_start3A_343] : memref<1000000x64xf32, #tpu.memory_space<hbm>> -> memref<1x64xf32, #tpu.memory_space<hbm>>
      %dma_start3A_345 = tpu.memref_squeeze %dma_start3A_344 : memref<1x64xf32, #tpu.memory_space<hbm>> -> memref<64xf32, #tpu.memory_space<hbm>>
      %dma_start3A_346 = arith.constant 0 : i32
      %dma_start3A_347 = tpu.memref_slice %arg7[%add3A_339, %dma_start3A_346] : memref<128x64xf32, #tpu.memory_space<vmem>> -> memref<1x64xf32, #tpu.memory_space<vmem>>
      %dma_start3A_348 = tpu.memref_squeeze %dma_start3A_347 : memref<1x64xf32, #tpu.memory_space<vmem>> -> memref<64xf32, #tpu.memory_space<vmem>>
      %dma_start3A_349 = arith.constant 0 : i32
      %dma_start3A_350 = tpu.memref_slice %arg3[%squeeze3A_335, %dma_start3A_349] : memref<1000000x64xf32, #tpu.memory_space<hbm>> -> memref<1x64xf32, #tpu.memory_space<hbm>>
      %dma_start3A_351 = tpu.memref_squeeze %dma_start3A_350 : memref<1x64xf32, #tpu.memory_space<hbm>> -> memref<64xf32, #tpu.memory_space<hbm>>
      tpu.enqueue_dma source(%dma_start3A_351 : memref<64xf32, #tpu.memory_space<hbm>>) target(%dma_start3A_348 : memref<64xf32, #tpu.memory_space<vmem>>) target_semaphore(%arg10 : memref<!tpu.dma_semaphore, #tpu.memory_space<semaphore_mem>>)
      %slice3A_352 = vector.extract_strided_slice %get3A_227 {offsets = [7], sizes = [1], strides = [1]} : vector<16xi32> to vector<1xi32>
      %squeeze3A_353 = vector.extract %slice3A_352[0] : i32 from vector<1xi32>
      %mul3A_354 = arith.constant 16 : i32
      %mul3A_355 = arith.muli %scan3A_220, %mul3A_354 : i32
      %add3A_356 = arith.constant 7 : i32
      %add3A_357 = arith.addi %mul3A_355, %add3A_356 : i32
      %dma_start3A_358 = arith.constant 0 : i32
      %dma_start3A_359 = tpu.memref_slice %arg7[%add3A_357, %dma_start3A_358] : memref<128x64xf32, #tpu.memory_space<vmem>> -> memref<1x64xf32, #tpu.memory_space<vmem>>
      %dma_start3A_360 = tpu.memref_squeeze %dma_start3A_359 : memref<1x64xf32, #tpu.memory_space<vmem>> -> memref<64xf32, #tpu.memory_space<vmem>>
      %dma_start3A_361 = arith.constant 0 : i32
      %dma_start3A_362 = tpu.memref_slice %arg3[%squeeze3A_353, %dma_start3A_361] : memref<1000000x64xf32, #tpu.memory_space<hbm>> -> memref<1x64xf32, #tpu.memory_space<hbm>>
      %dma_start3A_363 = tpu.memref_squeeze %dma_start3A_362 : memref<1x64xf32, #tpu.memory_space<hbm>> -> memref<64xf32, #tpu.memory_space<hbm>>
      %dma_start3A_364 = arith.constant 0 : i32
      %dma_start3A_365 = tpu.memref_slice %arg7[%add3A_357, %dma_start3A_364] : memref<128x64xf32, #tpu.memory_space<vmem>> -> memref<1x64xf32, #tpu.memory_space<vmem>>
      %dma_start3A_366 = tpu.memref_squeeze %dma_start3A_365 : memref<1x64xf32, #tpu.memory_space<vmem>> -> memref<64xf32, #tpu.memory_space<vmem>>
      %dma_start3A_367 = arith.constant 0 : i32
      %dma_start3A_368 = tpu.memref_slice %arg3[%squeeze3A_353, %dma_start3A_367] : memref<1000000x64xf32, #tpu.memory_space<hbm>> -> memref<1x64xf32, #tpu.memory_space<hbm>>
      %dma_start3A_369 = tpu.memref_squeeze %dma_start3A_368 : memref<1x64xf32, #tpu.memory_space<hbm>> -> memref<64xf32, #tpu.memory_space<hbm>>
      tpu.enqueue_dma source(%dma_start3A_369 : memref<64xf32, #tpu.memory_space<hbm>>) target(%dma_start3A_366 : memref<64xf32, #tpu.memory_space<vmem>>) target_semaphore(%arg10 : memref<!tpu.dma_semaphore, #tpu.memory_space<semaphore_mem>>)
      %slice3A_370 = vector.extract_strided_slice %get3A_227 {offsets = [8], sizes = [1], strides = [1]} : vector<16xi32> to vector<1xi32>
      %squeeze3A_371 = vector.extract %slice3A_370[0] : i32 from vector<1xi32>
      %mul3A_372 = arith.constant 16 : i32
      %mul3A_373 = arith.muli %scan3A_220, %mul3A_372 : i32
      %add3A_374 = arith.constant 8 : i32
      %add3A_375 = arith.addi %mul3A_373, %add3A_374 : i32
      %dma_start3A_376 = arith.constant 0 : i32
      %dma_start3A_377 = tpu.memref_slice %arg7[%add3A_375, %dma_start3A_376] : memref<128x64xf32, #tpu.memory_space<vmem>> -> memref<1x64xf32, #tpu.memory_space<vmem>>
      %dma_start3A_378 = tpu.memref_squeeze %dma_start3A_377 : memref<1x64xf32, #tpu.memory_space<vmem>> -> memref<64xf32, #tpu.memory_space<vmem>>
      %dma_start3A_379 = arith.constant 0 : i32
      %dma_start3A_380 = tpu.memref_slice %arg3[%squeeze3A_371, %dma_start3A_379] : memref<1000000x64xf32, #tpu.memory_space<hbm>> -> memref<1x64xf32, #tpu.memory_space<hbm>>
      %dma_start3A_381 = tpu.memref_squeeze %dma_start3A_380 : memref<1x64xf32, #tpu.memory_space<hbm>> -> memref<64xf32, #tpu.memory_space<hbm>>
      %dma_start3A_382 = arith.constant 0 : i32
      %dma_start3A_383 = tpu.memref_slice %arg7[%add3A_375, %dma_start3A_382] : memref<128x64xf32, #tpu.memory_space<vmem>> -> memref<1x64xf32, #tpu.memory_space<vmem>>
      %dma_start3A_384 = tpu.memref_squeeze %dma_start3A_383 : memref<1x64xf32, #tpu.memory_space<vmem>> -> memref<64xf32, #tpu.memory_space<vmem>>
      %dma_start3A_385 = arith.constant 0 : i32
      %dma_start3A_386 = tpu.memref_slice %arg3[%squeeze3A_371, %dma_start3A_385] : memref<1000000x64xf32, #tpu.memory_space<hbm>> -> memref<1x64xf32, #tpu.memory_space<hbm>>
      %dma_start3A_387 = tpu.memref_squeeze %dma_start3A_386 : memref<1x64xf32, #tpu.memory_space<hbm>> -> memref<64xf32, #tpu.memory_space<hbm>>
      tpu.enqueue_dma source(%dma_start3A_387 : memref<64xf32, #tpu.memory_space<hbm>>) target(%dma_start3A_384 : memref<64xf32, #tpu.memory_space<vmem>>) target_semaphore(%arg10 : memref<!tpu.dma_semaphore, #tpu.memory_space<semaphore_mem>>)
      %slice3A_388 = vector.extract_strided_slice %get3A_227 {offsets = [9], sizes = [1], strides = [1]} : vector<16xi32> to vector<1xi32>
      %squeeze3A_389 = vector.extract %slice3A_388[0] : i32 from vector<1xi32>
      %mul3A_390 = arith.constant 16 : i32
      %mul3A_391 = arith.muli %scan3A_220, %mul3A_390 : i32
      %add3A_392 = arith.constant 9 : i32
      %add3A_393 = arith.addi %mul3A_391, %add3A_392 : i32
      %dma_start3A_394 = arith.constant 0 : i32
      %dma_start3A_395 = tpu.memref_slice %arg7[%add3A_393, %dma_start3A_394] : memref<128x64xf32, #tpu.memory_space<vmem>> -> memref<1x64xf32, #tpu.memory_space<vmem>>
      %dma_start3A_396 = tpu.memref_squeeze %dma_start3A_395 : memref<1x64xf32, #tpu.memory_space<vmem>> -> memref<64xf32, #tpu.memory_space<vmem>>
      %dma_start3A_397 = arith.constant 0 : i32
      %dma_start3A_398 = tpu.memref_slice %arg3[%squeeze3A_389, %dma_start3A_397] : memref<1000000x64xf32, #tpu.memory_space<hbm>> -> memref<1x64xf32, #tpu.memory_space<hbm>>
      %dma_start3A_399 = tpu.memref_squeeze %dma_start3A_398 : memref<1x64xf32, #tpu.memory_space<hbm>> -> memref<64xf32, #tpu.memory_space<hbm>>
      %dma_start3A_400 = arith.constant 0 : i32
      %dma_start3A_401 = tpu.memref_slice %arg7[%add3A_393, %dma_start3A_400] : memref<128x64xf32, #tpu.memory_space<vmem>> -> memref<1x64xf32, #tpu.memory_space<vmem>>
      %dma_start3A_402 = tpu.memref_squeeze %dma_start3A_401 : memref<1x64xf32, #tpu.memory_space<vmem>> -> memref<64xf32, #tpu.memory_space<vmem>>
      %dma_start3A_403 = arith.constant 0 : i32
      %dma_start3A_404 = tpu.memref_slice %arg3[%squeeze3A_389, %dma_start3A_403] : memref<1000000x64xf32, #tpu.memory_space<hbm>> -> memref<1x64xf32, #tpu.memory_space<hbm>>
      %dma_start3A_405 = tpu.memref_squeeze %dma_start3A_404 : memref<1x64xf32, #tpu.memory_space<hbm>> -> memref<64xf32, #tpu.memory_space<hbm>>
      tpu.enqueue_dma source(%dma_start3A_405 : memref<64xf32, #tpu.memory_space<hbm>>) target(%dma_start3A_402 : memref<64xf32, #tpu.memory_space<vmem>>) target_semaphore(%arg10 : memref<!tpu.dma_semaphore, #tpu.memory_space<semaphore_mem>>)
      %slice3A_406 = vector.extract_strided_slice %get3A_227 {offsets = [10], sizes = [1], strides = [1]} : vector<16xi32> to vector<1xi32>
      %squeeze3A_407 = vector.extract %slice3A_406[0] : i32 from vector<1xi32>
      %mul3A_408 = arith.constant 16 : i32
      %mul3A_409 = arith.muli %scan3A_220, %mul3A_408 : i32
      %add3A_410 = arith.constant 10 : i32
      %add3A_411 = arith.addi %mul3A_409, %add3A_410 : i32
      %dma_start3A_412 = arith.constant 0 : i32
      %dma_start3A_413 = tpu.memref_slice %arg7[%add3A_411, %dma_start3A_412] : memref<128x64xf32, #tpu.memory_space<vmem>> -> memref<1x64xf32, #tpu.memory_space<vmem>>
      %dma_start3A_414 = tpu.memref_squeeze %dma_start3A_413 : memref<1x64xf32, #tpu.memory_space<vmem>> -> memref<64xf32, #tpu.memory_space<vmem>>
      %dma_start3A_415 = arith.constant 0 : i32
      %dma_start3A_416 = tpu.memref_slice %arg3[%squeeze3A_407, %dma_start3A_415] : memref<1000000x64xf32, #tpu.memory_space<hbm>> -> memref<1x64xf32, #tpu.memory_space<hbm>>
      %dma_start3A_417 = tpu.memref_squeeze %dma_start3A_416 : memref<1x64xf32, #tpu.memory_space<hbm>> -> memref<64xf32, #tpu.memory_space<hbm>>
      %dma_start3A_418 = arith.constant 0 : i32
      %dma_start3A_419 = tpu.memref_slice %arg7[%add3A_411, %dma_start3A_418] : memref<128x64xf32, #tpu.memory_space<vmem>> -> memref<1x64xf32, #tpu.memory_space<vmem>>
      %dma_start3A_420 = tpu.memref_squeeze %dma_start3A_419 : memref<1x64xf32, #tpu.memory_space<vmem>> -> memref<64xf32, #tpu.memory_space<vmem>>
      %dma_start3A_421 = arith.constant 0 : i32
      %dma_start3A_422 = tpu.memref_slice %arg3[%squeeze3A_407, %dma_start3A_421] : memref<1000000x64xf32, #tpu.memory_space<hbm>> -> memref<1x64xf32, #tpu.memory_space<hbm>>
      %dma_start3A_423 = tpu.memref_squeeze %dma_start3A_422 : memref<1x64xf32, #tpu.memory_space<hbm>> -> memref<64xf32, #tpu.memory_space<hbm>>
      tpu.enqueue_dma source(%dma_start3A_423 : memref<64xf32, #tpu.memory_space<hbm>>) target(%dma_start3A_420 : memref<64xf32, #tpu.memory_space<vmem>>) target_semaphore(%arg10 : memref<!tpu.dma_semaphore, #tpu.memory_space<semaphore_mem>>)
      %slice3A_424 = vector.extract_strided_slice %get3A_227 {offsets = [11], sizes = [1], strides = [1]} : vector<16xi32> to vector<1xi32>
      %squeeze3A_425 = vector.extract %slice3A_424[0] : i32 from vector<1xi32>
      %mul3A_426 = arith.constant 16 : i32
      %mul3A_427 = arith.muli %scan3A_220, %mul3A_426 : i32
      %add3A_428 = arith.constant 11 : i32
      %add3A_429 = arith.addi %mul3A_427, %add3A_428 : i32
      %dma_start3A_430 = arith.constant 0 : i32
      %dma_start3A_431 = tpu.memref_slice %arg7[%add3A_429, %dma_start3A_430] : memref<128x64xf32, #tpu.memory_space<vmem>> -> memref<1x64xf32, #tpu.memory_space<vmem>>
      %dma_start3A_432 = tpu.memref_squeeze %dma_start3A_431 : memref<1x64xf32, #tpu.memory_space<vmem>> -> memref<64xf32, #tpu.memory_space<vmem>>
      %dma_start3A_433 = arith.constant 0 : i32
      %dma_start3A_434 = tpu.memref_slice %arg3[%squeeze3A_425, %dma_start3A_433] : memref<1000000x64xf32, #tpu.memory_space<hbm>> -> memref<1x64xf32, #tpu.memory_space<hbm>>
      %dma_start3A_435 = tpu.memref_squeeze %dma_start3A_434 : memref<1x64xf32, #tpu.memory_space<hbm>> -> memref<64xf32, #tpu.memory_space<hbm>>
      %dma_start3A_436 = arith.constant 0 : i32
      %dma_start3A_437 = tpu.memref_slice %arg7[%add3A_429, %dma_start3A_436] : memref<128x64xf32, #tpu.memory_space<vmem>> -> memref<1x64xf32, #tpu.memory_space<vmem>>
      %dma_start3A_438 = tpu.memref_squeeze %dma_start3A_437 : memref<1x64xf32, #tpu.memory_space<vmem>> -> memref<64xf32, #tpu.memory_space<vmem>>
      %dma_start3A_439 = arith.constant 0 : i32
      %dma_start3A_440 = tpu.memref_slice %arg3[%squeeze3A_425, %dma_start3A_439] : memref<1000000x64xf32, #tpu.memory_space<hbm>> -> memref<1x64xf32, #tpu.memory_space<hbm>>
      %dma_start3A_441 = tpu.memref_squeeze %dma_start3A_440 : memref<1x64xf32, #tpu.memory_space<hbm>> -> memref<64xf32, #tpu.memory_space<hbm>>
      tpu.enqueue_dma source(%dma_start3A_441 : memref<64xf32, #tpu.memory_space<hbm>>) target(%dma_start3A_438 : memref<64xf32, #tpu.memory_space<vmem>>) target_semaphore(%arg10 : memref<!tpu.dma_semaphore, #tpu.memory_space<semaphore_mem>>)
      %slice3A_442 = vector.extract_strided_slice %get3A_227 {offsets = [12], sizes = [1], strides = [1]} : vector<16xi32> to vector<1xi32>
      %squeeze3A_443 = vector.extract %slice3A_442[0] : i32 from vector<1xi32>
      %mul3A_444 = arith.constant 16 : i32
      %mul3A_445 = arith.muli %scan3A_220, %mul3A_444 : i32
      %add3A_446 = arith.constant 12 : i32
      %add3A_447 = arith.addi %mul3A_445, %add3A_446 : i32
      %dma_start3A_448 = arith.constant 0 : i32
      %dma_start3A_449 = tpu.memref_slice %arg7[%add3A_447, %dma_start3A_448] : memref<128x64xf32, #tpu.memory_space<vmem>> -> memref<1x64xf32, #tpu.memory_space<vmem>>
      %dma_start3A_450 = tpu.memref_squeeze %dma_start3A_449 : memref<1x64xf32, #tpu.memory_space<vmem>> -> memref<64xf32, #tpu.memory_space<vmem>>
      %dma_start3A_451 = arith.constant 0 : i32
      %dma_start3A_452 = tpu.memref_slice %arg3[%squeeze3A_443, %dma_start3A_451] : memref<1000000x64xf32, #tpu.memory_space<hbm>> -> memref<1x64xf32, #tpu.memory_space<hbm>>
      %dma_start3A_453 = tpu.memref_squeeze %dma_start3A_452 : memref<1x64xf32, #tpu.memory_space<hbm>> -> memref<64xf32, #tpu.memory_space<hbm>>
      %dma_start3A_454 = arith.constant 0 : i32
      %dma_start3A_455 = tpu.memref_slice %arg7[%add3A_447, %dma_start3A_454] : memref<128x64xf32, #tpu.memory_space<vmem>> -> memref<1x64xf32, #tpu.memory_space<vmem>>
      %dma_start3A_456 = tpu.memref_squeeze %dma_start3A_455 : memref<1x64xf32, #tpu.memory_space<vmem>> -> memref<64xf32, #tpu.memory_space<vmem>>
      %dma_start3A_457 = arith.constant 0 : i32
      %dma_start3A_458 = tpu.memref_slice %arg3[%squeeze3A_443, %dma_start3A_457] : memref<1000000x64xf32, #tpu.memory_space<hbm>> -> memref<1x64xf32, #tpu.memory_space<hbm>>
      %dma_start3A_459 = tpu.memref_squeeze %dma_start3A_458 : memref<1x64xf32, #tpu.memory_space<hbm>> -> memref<64xf32, #tpu.memory_space<hbm>>
      tpu.enqueue_dma source(%dma_start3A_459 : memref<64xf32, #tpu.memory_space<hbm>>) target(%dma_start3A_456 : memref<64xf32, #tpu.memory_space<vmem>>) target_semaphore(%arg10 : memref<!tpu.dma_semaphore, #tpu.memory_space<semaphore_mem>>)
      %slice3A_460 = vector.extract_strided_slice %get3A_227 {offsets = [13], sizes = [1], strides = [1]} : vector<16xi32> to vector<1xi32>
      %squeeze3A_461 = vector.extract %slice3A_460[0] : i32 from vector<1xi32>
      %mul3A_462 = arith.constant 16 : i32
      %mul3A_463 = arith.muli %scan3A_220, %mul3A_462 : i32
      %add3A_464 = arith.constant 13 : i32
      %add3A_465 = arith.addi %mul3A_463, %add3A_464 : i32
      %dma_start3A_466 = arith.constant 0 : i32
      %dma_start3A_467 = tpu.memref_slice %arg7[%add3A_465, %dma_start3A_466] : memref<128x64xf32, #tpu.memory_space<vmem>> -> memref<1x64xf32, #tpu.memory_space<vmem>>
      %dma_start3A_468 = tpu.memref_squeeze %dma_start3A_467 : memref<1x64xf32, #tpu.memory_space<vmem>> -> memref<64xf32, #tpu.memory_space<vmem>>
      %dma_start3A_469 = arith.constant 0 : i32
      %dma_start3A_470 = tpu.memref_slice %arg3[%squeeze3A_461, %dma_start3A_469] : memref<1000000x64xf32, #tpu.memory_space<hbm>> -> memref<1x64xf32, #tpu.memory_space<hbm>>
      %dma_start3A_471 = tpu.memref_squeeze %dma_start3A_470 : memref<1x64xf32, #tpu.memory_space<hbm>> -> memref<64xf32, #tpu.memory_space<hbm>>
      %dma_start3A_472 = arith.constant 0 : i32
      %dma_start3A_473 = tpu.memref_slice %arg7[%add3A_465, %dma_start3A_472] : memref<128x64xf32, #tpu.memory_space<vmem>> -> memref<1x64xf32, #tpu.memory_space<vmem>>
      %dma_start3A_474 = tpu.memref_squeeze %dma_start3A_473 : memref<1x64xf32, #tpu.memory_space<vmem>> -> memref<64xf32, #tpu.memory_space<vmem>>
      %dma_start3A_475 = arith.constant 0 : i32
      %dma_start3A_476 = tpu.memref_slice %arg3[%squeeze3A_461, %dma_start3A_475] : memref<1000000x64xf32, #tpu.memory_space<hbm>> -> memref<1x64xf32, #tpu.memory_space<hbm>>
      %dma_start3A_477 = tpu.memref_squeeze %dma_start3A_476 : memref<1x64xf32, #tpu.memory_space<hbm>> -> memref<64xf32, #tpu.memory_space<hbm>>
      tpu.enqueue_dma source(%dma_start3A_477 : memref<64xf32, #tpu.memory_space<hbm>>) target(%dma_start3A_474 : memref<64xf32, #tpu.memory_space<vmem>>) target_semaphore(%arg10 : memref<!tpu.dma_semaphore, #tpu.memory_space<semaphore_mem>>)
      %slice3A_478 = vector.extract_strided_slice %get3A_227 {offsets = [14], sizes = [1], strides = [1]} : vector<16xi32> to vector<1xi32>
      %squeeze3A_479 = vector.extract %slice3A_478[0] : i32 from vector<1xi32>
      %mul3A_480 = arith.constant 16 : i32
      %mul3A_481 = arith.muli %scan3A_220, %mul3A_480 : i32
      %add3A_482 = arith.constant 14 : i32
      %add3A_483 = arith.addi %mul3A_481, %add3A_482 : i32
      %dma_start3A_484 = arith.constant 0 : i32
      %dma_start3A_485 = tpu.memref_slice %arg7[%add3A_483, %dma_start3A_484] : memref<128x64xf32, #tpu.memory_space<vmem>> -> memref<1x64xf32, #tpu.memory_space<vmem>>
      %dma_start3A_486 = tpu.memref_squeeze %dma_start3A_485 : memref<1x64xf32, #tpu.memory_space<vmem>> -> memref<64xf32, #tpu.memory_space<vmem>>
      %dma_start3A_487 = arith.constant 0 : i32
      %dma_start3A_488 = tpu.memref_slice %arg3[%squeeze3A_479, %dma_start3A_487] : memref<1000000x64xf32, #tpu.memory_space<hbm>> -> memref<1x64xf32, #tpu.memory_space<hbm>>
      %dma_start3A_489 = tpu.memref_squeeze %dma_start3A_488 : memref<1x64xf32, #tpu.memory_space<hbm>> -> memref<64xf32, #tpu.memory_space<hbm>>
      %dma_start3A_490 = arith.constant 0 : i32
      %dma_start3A_491 = tpu.memref_slice %arg7[%add3A_483, %dma_start3A_490] : memref<128x64xf32, #tpu.memory_space<vmem>> -> memref<1x64xf32, #tpu.memory_space<vmem>>
      %dma_start3A_492 = tpu.memref_squeeze %dma_start3A_491 : memref<1x64xf32, #tpu.memory_space<vmem>> -> memref<64xf32, #tpu.memory_space<vmem>>
      %dma_start3A_493 = arith.constant 0 : i32
      %dma_start3A_494 = tpu.memref_slice %arg3[%squeeze3A_479, %dma_start3A_493] : memref<1000000x64xf32, #tpu.memory_space<hbm>> -> memref<1x64xf32, #tpu.memory_space<hbm>>
      %dma_start3A_495 = tpu.memref_squeeze %dma_start3A_494 : memref<1x64xf32, #tpu.memory_space<hbm>> -> memref<64xf32, #tpu.memory_space<hbm>>
      tpu.enqueue_dma source(%dma_start3A_495 : memref<64xf32, #tpu.memory_space<hbm>>) target(%dma_start3A_492 : memref<64xf32, #tpu.memory_space<vmem>>) target_semaphore(%arg10 : memref<!tpu.dma_semaphore, #tpu.memory_space<semaphore_mem>>)
      %slice3A_496 = vector.extract_strided_slice %get3A_227 {offsets = [15], sizes = [1], strides = [1]} : vector<16xi32> to vector<1xi32>
      %squeeze3A_497 = vector.extract %slice3A_496[0] : i32 from vector<1xi32>
      %mul3A_498 = arith.constant 16 : i32
      %mul3A_499 = arith.muli %scan3A_220, %mul3A_498 : i32
      %add3A_500 = arith.constant 15 : i32
      %add3A_501 = arith.addi %mul3A_499, %add3A_500 : i32
      %dma_start3A_502 = arith.constant 0 : i32
      %dma_start3A_503 = tpu.memref_slice %arg7[%add3A_501, %dma_start3A_502] : memref<128x64xf32, #tpu.memory_space<vmem>> -> memref<1x64xf32, #tpu.memory_space<vmem>>
      %dma_start3A_504 = tpu.memref_squeeze %dma_start3A_503 : memref<1x64xf32, #tpu.memory_space<vmem>> -> memref<64xf32, #tpu.memory_space<vmem>>
      %dma_start3A_505 = arith.constant 0 : i32
      %dma_start3A_506 = tpu.memref_slice %arg3[%squeeze3A_497, %dma_start3A_505] : memref<1000000x64xf32, #tpu.memory_space<hbm>> -> memref<1x64xf32, #tpu.memory_space<hbm>>
      %dma_start3A_507 = tpu.memref_squeeze %dma_start3A_506 : memref<1x64xf32, #tpu.memory_space<hbm>> -> memref<64xf32, #tpu.memory_space<hbm>>
      %dma_start3A_508 = arith.constant 0 : i32
      %dma_start3A_509 = tpu.memref_slice %arg7[%add3A_501, %dma_start3A_508] : memref<128x64xf32, #tpu.memory_space<vmem>> -> memref<1x64xf32, #tpu.memory_space<vmem>>
      %dma_start3A_510 = tpu.memref_squeeze %dma_start3A_509 : memref<1x64xf32, #tpu.memory_space<vmem>> -> memref<64xf32, #tpu.memory_space<vmem>>
      %dma_start3A_511 = arith.constant 0 : i32
      %dma_start3A_512 = tpu.memref_slice %arg3[%squeeze3A_497, %dma_start3A_511] : memref<1000000x64xf32, #tpu.memory_space<hbm>> -> memref<1x64xf32, #tpu.memory_space<hbm>>
      %dma_start3A_513 = tpu.memref_squeeze %dma_start3A_512 : memref<1x64xf32, #tpu.memory_space<hbm>> -> memref<64xf32, #tpu.memory_space<hbm>>
      tpu.enqueue_dma source(%dma_start3A_513 : memref<64xf32, #tpu.memory_space<hbm>>) target(%dma_start3A_510 : memref<64xf32, #tpu.memory_space<vmem>>) target_semaphore(%arg10 : memref<!tpu.dma_semaphore, #tpu.memory_space<semaphore_mem>>)
      %scan3A_514 = arith.constant 0 : i32
      scf.yield %scan3A_514 : i32
    }
    %scan3A_112 = arith.constant 8 : i32
    %add3A_113 = arith.constant 256 : i32
    %add3A_114 = arith.addi %multiple_of3A, %add3A_113 : i32
    %jit3A_115 = arith.constant 2 : i32
    %div3A_116 = arith.divsi %add3A_114, %jit3A_115 : i32
    %sign3A_117 = arith.constant 0 : i32
    %sign3A_118 = arith.cmpi sgt, %add3A_114, %sign3A_117 : i32
    %sign3A_119 = arith.extui %sign3A_118 : i1 to i32
    %sign3A_120 = arith.constant 0 : i32
    %sign3A_121 = arith.cmpi slt, %add3A_114, %sign3A_120 : i32
    %sign3A_122 = arith.extui %sign3A_121 : i1 to i32
    %sign3A_123 = arith.subi %sign3A_119, %sign3A_122 : i32
    %sign3A_124 = arith.constant 0 : i32
    %sign3A_125 = arith.cmpi sgt, %jit3A_115, %sign3A_124 : i32
    %sign3A_126 = arith.extui %sign3A_125 : i1 to i32
    %sign3A_127 = arith.constant 0 : i32
    %sign3A_128 = arith.cmpi slt, %jit3A_115, %sign3A_127 : i32
    %sign3A_129 = arith.extui %sign3A_128 : i1 to i32
    %sign3A_130 = arith.subi %sign3A_126, %sign3A_129 : i32
    %ne3A_131 = arith.cmpi ne, %sign3A_123, %sign3A_130 : i32
    %rem3A_132 = arith.remsi %add3A_114, %jit3A_115 : i32
    %ne3A_133 = arith.constant 0 : i32
    %ne3A_134 = arith.cmpi ne, %rem3A_132, %ne3A_133 : i32
    %and3A_135 = arith.andi %ne3A_131, %ne3A_134 : i1
    %sub3A_136 = arith.constant 1 : i32
    %sub3A_137 = arith.subi %div3A_116, %sub3A_136 : i32
    %select_n3A_138 = arith.select %and3A_135, %sub3A_137, %div3A_116 : i32
    %multiple_of3A_139 = tpu.assume_multiple %select_n3A_138, 64 : i32
    %dma_start3A_140 = arith.constant 0 : i32
    %dma_start3A_141 = tpu.memref_slice %arg4[%multiple_of3A_139, %dma_start3A_140] : memref<8192x128xf32, #tpu.memory_space<hbm>> -> memref<64x128xf32, #tpu.memory_space<hbm>>
    %dma_start3A_142 = arith.constant 0 : i32
    %dma_start3A_143 = tpu.memref_slice %arg4[%multiple_of3A_139, %dma_start3A_142] : memref<8192x128xf32, #tpu.memory_space<hbm>> -> memref<64x128xf32, #tpu.memory_space<hbm>>
    tpu.enqueue_dma source(%dma_start3A_143 : memref<64x128xf32, #tpu.memory_space<hbm>>) target(%arg8 : memref<64x128xf32, #tpu.memory_space<vmem>>) target_semaphore(%arg10 : memref<!tpu.dma_semaphore, #tpu.memory_space<semaphore_mem>>)
    %dma_wait3A_144 = arith.constant 0 : i32
    %dma_wait3A_145 = tpu.memref_slice %arg4[%multiple_of3A_139, %dma_wait3A_144] : memref<8192x128xf32, #tpu.memory_space<hbm>> -> memref<64x128xf32, #tpu.memory_space<hbm>>
    %dma_wait3A_146 = arith.constant 0 : i32
    %dma_wait3A_147 = tpu.memref_slice %arg4[%multiple_of3A_139, %dma_wait3A_146] : memref<8192x128xf32, #tpu.memory_space<hbm>> -> memref<64x128xf32, #tpu.memory_space<hbm>>
    tpu.wait_dma2 semaphore(%arg10 : memref<!tpu.dma_semaphore, #tpu.memory_space<semaphore_mem>>) src(%dma_wait3A_147 : memref<64x128xf32, #tpu.memory_space<hbm>>) dst(%arg8 : memref<64x128xf32, #tpu.memory_space<vmem>>)
    %dma_wait3A_148 = arith.constant 0 : i32
    %dma_wait3A_149 = arith.constant 0 : i32
    %dma_wait3A_150 = tpu.memref_slice %arg3[%dma_wait3A_148, %dma_wait3A_149] : memref<1000000x64xf32, #tpu.memory_space<hbm>> -> memref<128x64xf32, #tpu.memory_space<hbm>>
    %dma_wait3A_151 = arith.constant 0 : i32
    %dma_wait3A_152 = arith.constant 0 : i32
    %dma_wait3A_153 = tpu.memref_slice %arg3[%dma_wait3A_151, %dma_wait3A_152] : memref<1000000x64xf32, #tpu.memory_space<hbm>> -> memref<128x64xf32, #tpu.memory_space<hbm>>
    tpu.wait_dma2 semaphore(%arg10 : memref<!tpu.dma_semaphore, #tpu.memory_space<semaphore_mem>>) src(%dma_wait3A_153 : memref<128x64xf32, #tpu.memory_space<hbm>>) dst(%arg7 : memref<128x64xf32, #tpu.memory_space<vmem>>)
    %scan3A_154 = arith.constant 0 : i32
    %scan3A_155 = arith.constant 0 : i32
    %scan3A_156 = arith.constant 64 : i32
    %scan3A_157 = arith.addi %scan3A_155, %scan3A_156 : i32
    %scan3A_158 = arith.constant 1 : i32
    %scan3A_159 = scf.for %scan3A_220 = %scan3A_155 to %scan3A_157 step %scan3A_158 iter_args(%scan3A_221 = %scan3A_154) -> (i32)  : i32 {
      %mul3A_222 = arith.constant 2 : i32
      %mul3A_223 = arith.muli %mul3A_222, %scan3A_220 : i32
      %add3A_224 = arith.constant 0 : i32
      %add3A_225 = arith.addi %mul3A_223, %add3A_224 : i32
      %get3A = arith.index_cast %add3A_225 : i32 to index
      %get3A_226 = arith.constant 0 : index
      %get3A_227 = tpu.vector_load %arg7[%get3A, %get3A_226] {strides = array<i32>} : memref<128x64xf32, #tpu.memory_space<vmem>>, vector<1x16xf32>,
      %get3A_228 = vector.shape_cast %get3A_227 : vector<1x16xf32> to vector<16xf32>
      %get3A_229 = arith.index_cast %scan3A_220 : i32 to index
      %get3A_230 = arith.constant 0 : index
      %get3A_231 = tpu.vector_load %arg8[%get3A_229, %get3A_230] {strides = array<i32>} : memref<64x128xf32, #tpu.memory_space<vmem>>, vector<1x16xf32>,
      %get3A_232 = vector.shape_cast %get3A_231 : vector<1x16xf32> to vector<16xf32>
      %add3A_233 = arith.addf %get3A_228, %get3A_232 : vector<16xf32>
      %swap3A = arith.index_cast %add3A_225 : i32 to index
      %swap3A_234 = arith.constant 0 : index
      %swap3A_235 = tpu.vector_load %arg9[%swap3A, %swap3A_234] {strides = array<i32>} : memref<128x64xf32, #tpu.memory_space<vmem>>, vector<1x16xf32>,
      %swap3A_236 = vector.shape_cast %swap3A_235 : vector<1x16xf32> to vector<16xf32>
      %swap3A_237 = vector.shape_cast %add3A_233 : vector<16xf32> to vector<1x16xf32>
      tpu.vector_store %arg9[%swap3A, %swap3A_234], %swap3A_237 {strides = array<i32>} : memref<128x64xf32, #tpu.memory_space<vmem>>, vector<1x16xf32>,
      %get3A_238 = arith.index_cast %add3A_225 : i32 to index
      %get3A_239 = arith.constant 16 : index
      %get3A_240 = tpu.vector_load %arg7[%get3A_238, %get3A_239] {strides = array<i32>} : memref<128x64xf32, #tpu.memory_space<vmem>>, vector<1x16xf32>,
      %get3A_241 = vector.shape_cast %get3A_240 : vector<1x16xf32> to vector<16xf32>
      %get3A_242 = arith.index_cast %scan3A_220 : i32 to index
      %get3A_243 = arith.constant 16 : index
      %get3A_244 = tpu.vector_load %arg8[%get3A_242, %get3A_243] {strides = array<i32>} : memref<64x128xf32, #tpu.memory_space<vmem>>, vector<1x16xf32>,
      %get3A_245 = vector.shape_cast %get3A_244 : vector<1x16xf32> to vector<16xf32>
      %add3A_246 = arith.addf %get3A_241, %get3A_245 : vector<16xf32>
      %swap3A_247 = arith.index_cast %add3A_225 : i32 to index
      %swap3A_248 = arith.constant 16 : index
      %swap3A_249 = tpu.vector_load %arg9[%swap3A_247, %swap3A_248] {strides = array<i32>} : memref<128x64xf32, #tpu.memory_space<vmem>>, vector<1x16xf32>,
      %swap3A_250 = vector.shape_cast %swap3A_249 : vector<1x16xf32> to vector<16xf32>
      %swap3A_251 = vector.shape_cast %add3A_246 : vector<16xf32> to vector<1x16xf32>
      tpu.vector_store %arg9[%swap3A_247, %swap3A_248], %swap3A_251 {strides = array<i32>} : memref<128x64xf32, #tpu.memory_space<vmem>>, vector<1x16xf32>,
      %get3A_252 = arith.index_cast %add3A_225 : i32 to index
      %get3A_253 = arith.constant 32 : index
      %get3A_254 = tpu.vector_load %arg7[%get3A_252, %get3A_253] {strides = array<i32>} : memref<128x64xf32, #tpu.memory_space<vmem>>, vector<1x16xf32>,
      %get3A_255 = vector.shape_cast %get3A_254 : vector<1x16xf32> to vector<16xf32>
      %get3A_256 = arith.index_cast %scan3A_220 : i32 to index
      %get3A_257 = arith.constant 32 : index
      %get3A_258 = tpu.vector_load %arg8[%get3A_256, %get3A_257] {strides = array<i32>} : memref<64x128xf32, #tpu.memory_space<vmem>>, vector<1x16xf32>,
      %get3A_259 = vector.shape_cast %get3A_258 : vector<1x16xf32> to vector<16xf32>
      %add3A_260 = arith.addf %get3A_255, %get3A_259 : vector<16xf32>
      %swap3A_261 = arith.index_cast %add3A_225 : i32 to index
      %swap3A_262 = arith.constant 32 : index
      %swap3A_263 = tpu.vector_load %arg9[%swap3A_261, %swap3A_262] {strides = array<i32>} : memref<128x64xf32, #tpu.memory_space<vmem>>, vector<1x16xf32>,
      %swap3A_264 = vector.shape_cast %swap3A_263 : vector<1x16xf32> to vector<16xf32>
      %swap3A_265 = vector.shape_cast %add3A_260 : vector<16xf32> to vector<1x16xf32>
      tpu.vector_store %arg9[%swap3A_261, %swap3A_262], %swap3A_265 {strides = array<i32>} : memref<128x64xf32, #tpu.memory_space<vmem>>, vector<1x16xf32>,
      %get3A_266 = arith.index_cast %add3A_225 : i32 to index
      %get3A_267 = arith.constant 48 : index
      %get3A_268 = tpu.vector_load %arg7[%get3A_266, %get3A_267] {strides = array<i32>} : memref<128x64xf32, #tpu.memory_space<vmem>>, vector<1x16xf32>,
      %get3A_269 = vector.shape_cast %get3A_268 : vector<1x16xf32> to vector<16xf32>
      %get3A_270 = arith.index_cast %scan3A_220 : i32 to index
      %get3A_271 = arith.constant 48 : index
      %get3A_272 = tpu.vector_load %arg8[%get3A_270, %get3A_271] {strides = array<i32>} : memref<64x128xf32, #tpu.memory_space<vmem>>, vector<1x16xf32>,
      %get3A_273 = vector.shape_cast %get3A_272 : vector<1x16xf32> to vector<16xf32>
      %add3A_274 = arith.addf %get3A_269, %get3A_273 : vector<16xf32>
      %swap3A_275 = arith.index_cast %add3A_225 : i32 to index
      %swap3A_276 = arith.constant 48 : index
      %swap3A_277 = tpu.vector_load %arg9[%swap3A_275, %swap3A_276] {strides = array<i32>} : memref<128x64xf32, #tpu.memory_space<vmem>>, vector<1x16xf32>,
      %swap3A_278 = vector.shape_cast %swap3A_277 : vector<1x16xf32> to vector<16xf32>
      %swap3A_279 = vector.shape_cast %add3A_274 : vector<16xf32> to vector<1x16xf32>
      tpu.vector_store %arg9[%swap3A_275, %swap3A_276], %swap3A_279 {strides = array<i32>} : memref<128x64xf32, #tpu.memory_space<vmem>>, vector<1x16xf32>,
      %mul3A_280 = arith.constant 2 : i32
      %mul3A_281 = arith.muli %mul3A_280, %scan3A_220 : i32
      %add3A_282 = arith.constant 1 : i32
      %add3A_283 = arith.addi %mul3A_281, %add3A_282 : i32
      %get3A_284 = arith.index_cast %add3A_283 : i32 to index
      %get3A_285 = arith.constant 0 : index
      %get3A_286 = tpu.vector_load %arg7[%get3A_284, %get3A_285] {strides = array<i32>} : memref<128x64xf32, #tpu.memory_space<vmem>>, vector<1x16xf32>,
      %get3A_287 = vector.shape_cast %get3A_286 : vector<1x16xf32> to vector<16xf32>
      %get3A_288 = arith.index_cast %scan3A_220 : i32 to index
      %get3A_289 = arith.constant 64 : index
      %get3A_290 = tpu.vector_load %arg8[%get3A_288, %get3A_289] {strides = array<i32>} : memref<64x128xf32, #tpu.memory_space<vmem>>, vector<1x16xf32>,
      %get3A_291 = vector.shape_cast %get3A_290 : vector<1x16xf32> to vector<16xf32>
      %add3A_292 = arith.addf %get3A_287, %get3A_291 : vector<16xf32>
      %swap3A_293 = arith.index_cast %add3A_283 : i32 to index
      %swap3A_294 = arith.constant 0 : index
      %swap3A_295 = tpu.vector_load %arg9[%swap3A_293, %swap3A_294] {strides = array<i32>} : memref<128x64xf32, #tpu.memory_space<vmem>>, vector<1x16xf32>,
      %swap3A_296 = vector.shape_cast %swap3A_295 : vector<1x16xf32> to vector<16xf32>
      %swap3A_297 = vector.shape_cast %add3A_292 : vector<16xf32> to vector<1x16xf32>
      tpu.vector_store %arg9[%swap3A_293, %swap3A_294], %swap3A_297 {strides = array<i32>} : memref<128x64xf32, #tpu.memory_space<vmem>>, vector<1x16xf32>,
      %get3A_298 = arith.index_cast %add3A_283 : i32 to index
      %get3A_299 = arith.constant 16 : index
      %get3A_300 = tpu.vector_load %arg7[%get3A_298, %get3A_299] {strides = array<i32>} : memref<128x64xf32, #tpu.memory_space<vmem>>, vector<1x16xf32>,
      %get3A_301 = vector.shape_cast %get3A_300 : vector<1x16xf32> to vector<16xf32>
      %get3A_302 = arith.index_cast %scan3A_220 : i32 to index
      %get3A_303 = arith.constant 80 : index
      %get3A_304 = tpu.vector_load %arg8[%get3A_302, %get3A_303] {strides = array<i32>} : memref<64x128xf32, #tpu.memory_space<vmem>>, vector<1x16xf32>,
      %get3A_305 = vector.shape_cast %get3A_304 : vector<1x16xf32> to vector<16xf32>
      %add3A_306 = arith.addf %get3A_301, %get3A_305 : vector<16xf32>
      %swap3A_307 = arith.index_cast %add3A_283 : i32 to index
      %swap3A_308 = arith.constant 16 : index
      %swap3A_309 = tpu.vector_load %arg9[%swap3A_307, %swap3A_308] {strides = array<i32>} : memref<128x64xf32, #tpu.memory_space<vmem>>, vector<1x16xf32>,
      %swap3A_310 = vector.shape_cast %swap3A_309 : vector<1x16xf32> to vector<16xf32>
      %swap3A_311 = vector.shape_cast %add3A_306 : vector<16xf32> to vector<1x16xf32>
      tpu.vector_store %arg9[%swap3A_307, %swap3A_308], %swap3A_311 {strides = array<i32>} : memref<128x64xf32, #tpu.memory_space<vmem>>, vector<1x16xf32>,
      %get3A_312 = arith.index_cast %add3A_283 : i32 to index
      %get3A_313 = arith.constant 32 : index
      %get3A_314 = tpu.vector_load %arg7[%get3A_312, %get3A_313] {strides = array<i32>} : memref<128x64xf32, #tpu.memory_space<vmem>>, vector<1x16xf32>,
      %get3A_315 = vector.shape_cast %get3A_314 : vector<1x16xf32> to vector<16xf32>
      %get3A_316 = arith.index_cast %scan3A_220 : i32 to index
      %get3A_317 = arith.constant 96 : index
      %get3A_318 = tpu.vector_load %arg8[%get3A_316, %get3A_317] {strides = array<i32>} : memref<64x128xf32, #tpu.memory_space<vmem>>, vector<1x16xf32>,
      %get3A_319 = vector.shape_cast %get3A_318 : vector<1x16xf32> to vector<16xf32>
      %add3A_320 = arith.addf %get3A_315, %get3A_319 : vector<16xf32>
      %swap3A_321 = arith.index_cast %add3A_283 : i32 to index
      %swap3A_322 = arith.constant 32 : index
      %swap3A_323 = tpu.vector_load %arg9[%swap3A_321, %swap3A_322] {strides = array<i32>} : memref<128x64xf32, #tpu.memory_space<vmem>>, vector<1x16xf32>,
      %swap3A_324 = vector.shape_cast %swap3A_323 : vector<1x16xf32> to vector<16xf32>
      %swap3A_325 = vector.shape_cast %add3A_320 : vector<16xf32> to vector<1x16xf32>
      tpu.vector_store %arg9[%swap3A_321, %swap3A_322], %swap3A_325 {strides = array<i32>} : memref<128x64xf32, #tpu.memory_space<vmem>>, vector<1x16xf32>,
      %get3A_326 = arith.index_cast %add3A_283 : i32 to index
      %get3A_327 = arith.constant 48 : index
      %get3A_328 = tpu.vector_load %arg7[%get3A_326, %get3A_327] {strides = array<i32>} : memref<128x64xf32, #tpu.memory_space<vmem>>, vector<1x16xf32>,
      %get3A_329 = vector.shape_cast %get3A_328 : vector<1x16xf32> to vector<16xf32>
      %get3A_330 = arith.index_cast %scan3A_220 : i32 to index
      %get3A_331 = arith.constant 112 : index
      %get3A_332 = tpu.vector_load %arg8[%get3A_330, %get3A_331] {strides = array<i32>} : memref<64x128xf32, #tpu.memory_space<vmem>>, vector<1x16xf32>,
      %get3A_333 = vector.shape_cast %get3A_332 : vector<1x16xf32> to vector<16xf32>
      %add3A_334 = arith.addf %get3A_329, %get3A_333 : vector<16xf32>
      %swap3A_335 = arith.index_cast %add3A_283 : i32 to index
      %swap3A_336 = arith.constant 48 : index
      %swap3A_337 = tpu.vector_load %arg9[%swap3A_335, %swap3A_336] {strides = array<i32>} : memref<128x64xf32, #tpu.memory_space<vmem>>, vector<1x16xf32>,
      %swap3A_338 = vector.shape_cast %swap3A_337 : vector<1x16xf32> to vector<16xf32>
      %swap3A_339 = vector.shape_cast %add3A_334 : vector<16xf32> to vector<1x16xf32>
      tpu.vector_store %arg9[%swap3A_335, %swap3A_336], %swap3A_339 {strides = array<i32>} : memref<128x64xf32, #tpu.memory_space<vmem>>, vector<1x16xf32>,
      %scan3A_340 = arith.constant 0 : i32
      scf.yield %scan3A_340 : i32
    }
    %scan3A_160 = arith.constant 64 : i32
    %add3A_161 = arith.constant 256 : i32
    %add3A_162 = arith.addi %multiple_of3A, %add3A_161 : i32
    "tpu.region"() ({
      %run_scoped3A = tpu.sem_alloc : memref<!tpu.dma_semaphore, #tpu.memory_space<semaphore_mem>>
      %dma_start3A_220 = arith.constant 0 : i32
      %dma_start3A_221 = tpu.memref_slice %arg5[%add3A_162, %dma_start3A_220] : memref<16384x64xf32, #tpu.memory_space<hbm>> -> memref<128x64xf32, #tpu.memory_space<hbm>>
      %dma_start3A_222 = arith.constant 0 : i32
      %dma_start3A_223 = tpu.memref_slice %arg5[%add3A_162, %dma_start3A_222] : memref<16384x64xf32, #tpu.memory_space<hbm>> -> memref<128x64xf32, #tpu.memory_space<hbm>>
      tpu.enqueue_dma source(%arg9 : memref<128x64xf32, #tpu.memory_space<vmem>>) target(%dma_start3A_223 : memref<128x64xf32, #tpu.memory_space<hbm>>) target_semaphore(%run_scoped3A : memref<!tpu.dma_semaphore, #tpu.memory_space<semaphore_mem>>)
      %dma_wait3A_224 = arith.constant 0 : i32
      %dma_wait3A_225 = tpu.memref_slice %arg5[%add3A_162, %dma_wait3A_224] : memref<16384x64xf32, #tpu.memory_space<hbm>> -> memref<128x64xf32, #tpu.memory_space<hbm>>
      %dma_wait3A_226 = arith.constant 0 : i32
      %dma_wait3A_227 = tpu.memref_slice %arg5[%add3A_162, %dma_wait3A_226] : memref<16384x64xf32, #tpu.memory_space<hbm>> -> memref<128x64xf32, #tpu.memory_space<hbm>>
      tpu.wait_dma2 semaphore(%run_scoped3A : memref<!tpu.dma_semaphore, #tpu.memory_space<semaphore_mem>>) src(%arg9 : memref<128x64xf32, #tpu.memory_space<vmem>>) dst(%dma_wait3A_227 : memref<128x64xf32, #tpu.memory_space<hbm>>)
      tpu.yield
    }) : () -> ()
    %scan3A_163 = arith.constant 0 : i32
    %scan3A_164 = arith.constant 0 : i32
    %scan3A_165 = arith.constant 8 : i32
    %scan3A_166 = arith.addi %scan3A_164, %scan3A_165 : i32
    %scan3A_167 = arith.constant 1 : i32
    %scan3A_168 = scf.for %scan3A_220 = %scan3A_164 to %scan3A_166 step %scan3A_167 iter_args(%scan3A_221 = %scan3A_163) -> (i32)  : i32 {
      %mul3A_222 = arith.constant 16 : i32
      %mul3A_223 = arith.muli %scan3A_220, %mul3A_222 : i32
      %add3A_224 = arith.constant 384 : i32
      %add3A_225 = arith.addi %add3A_224, %mul3A_223 : i32
      %get3A = arith.index_cast %add3A_225 : i32 to index
      %get3A_226 = tpu.vector_load %arg6[%get3A] {strides = array<i32>} : memref<512xi32, #tpu.memory_space<vmem>>, vector<16xi32>,
      %get3A_227 = vector.shape_cast %get3A_226 : vector<16xi32> to vector<16xi32>
      %slice3A = vector.extract_strided_slice %get3A_227 {offsets = [0], sizes = [1], strides = [1]} : vector<16xi32> to vector<1xi32>
      %squeeze3A = vector.extract %slice3A[0] : i32 from vector<1xi32>
      %mul3A_228 = arith.constant 16 : i32
      %mul3A_229 = arith.muli %scan3A_220, %mul3A_228 : i32
      %add3A_230 = arith.constant 0 : i32
      %add3A_231 = arith.addi %mul3A_229, %add3A_230 : i32
      %dma_start3A_232 = arith.constant 0 : i32
      %dma_start3A_233 = tpu.memref_slice %arg7[%add3A_231, %dma_start3A_232] : memref<128x64xf32, #tpu.memory_space<vmem>> -> memref<1x64xf32, #tpu.memory_space<vmem>>
      %dma_start3A_234 = tpu.memref_squeeze %dma_start3A_233 : memref<1x64xf32, #tpu.memory_space<vmem>> -> memref<64xf32, #tpu.memory_space<vmem>>
      %dma_start3A_235 = arith.constant 0 : i32
      %dma_start3A_236 = tpu.memref_slice %arg3[%squeeze3A, %dma_start3A_235] : memref<1000000x64xf32, #tpu.memory_space<hbm>> -> memref<1x64xf32, #tpu.memory_space<hbm>>
      %dma_start3A_237 = tpu.memref_squeeze %dma_start3A_236 : memref<1x64xf32, #tpu.memory_space<hbm>> -> memref<64xf32, #tpu.memory_space<hbm>>
      %dma_start3A_238 = arith.constant 0 : i32
      %dma_start3A_239 = tpu.memref_slice %arg7[%add3A_231, %dma_start3A_238] : memref<128x64xf32, #tpu.memory_space<vmem>> -> memref<1x64xf32, #tpu.memory_space<vmem>>
      %dma_start3A_240 = tpu.memref_squeeze %dma_start3A_239 : memref<1x64xf32, #tpu.memory_space<vmem>> -> memref<64xf32, #tpu.memory_space<vmem>>
      %dma_start3A_241 = arith.constant 0 : i32
      %dma_start3A_242 = tpu.memref_slice %arg3[%squeeze3A, %dma_start3A_241] : memref<1000000x64xf32, #tpu.memory_space<hbm>> -> memref<1x64xf32, #tpu.memory_space<hbm>>
      %dma_start3A_243 = tpu.memref_squeeze %dma_start3A_242 : memref<1x64xf32, #tpu.memory_space<hbm>> -> memref<64xf32, #tpu.memory_space<hbm>>
      tpu.enqueue_dma source(%dma_start3A_243 : memref<64xf32, #tpu.memory_space<hbm>>) target(%dma_start3A_240 : memref<64xf32, #tpu.memory_space<vmem>>) target_semaphore(%arg10 : memref<!tpu.dma_semaphore, #tpu.memory_space<semaphore_mem>>)
      %slice3A_244 = vector.extract_strided_slice %get3A_227 {offsets = [1], sizes = [1], strides = [1]} : vector<16xi32> to vector<1xi32>
      %squeeze3A_245 = vector.extract %slice3A_244[0] : i32 from vector<1xi32>
      %mul3A_246 = arith.constant 16 : i32
      %mul3A_247 = arith.muli %scan3A_220, %mul3A_246 : i32
      %add3A_248 = arith.constant 1 : i32
      %add3A_249 = arith.addi %mul3A_247, %add3A_248 : i32
      %dma_start3A_250 = arith.constant 0 : i32
      %dma_start3A_251 = tpu.memref_slice %arg7[%add3A_249, %dma_start3A_250] : memref<128x64xf32, #tpu.memory_space<vmem>> -> memref<1x64xf32, #tpu.memory_space<vmem>>
      %dma_start3A_252 = tpu.memref_squeeze %dma_start3A_251 : memref<1x64xf32, #tpu.memory_space<vmem>> -> memref<64xf32, #tpu.memory_space<vmem>>
      %dma_start3A_253 = arith.constant 0 : i32
      %dma_start3A_254 = tpu.memref_slice %arg3[%squeeze3A_245, %dma_start3A_253] : memref<1000000x64xf32, #tpu.memory_space<hbm>> -> memref<1x64xf32, #tpu.memory_space<hbm>>
      %dma_start3A_255 = tpu.memref_squeeze %dma_start3A_254 : memref<1x64xf32, #tpu.memory_space<hbm>> -> memref<64xf32, #tpu.memory_space<hbm>>
      %dma_start3A_256 = arith.constant 0 : i32
      %dma_start3A_257 = tpu.memref_slice %arg7[%add3A_249, %dma_start3A_256] : memref<128x64xf32, #tpu.memory_space<vmem>> -> memref<1x64xf32, #tpu.memory_space<vmem>>
      %dma_start3A_258 = tpu.memref_squeeze %dma_start3A_257 : memref<1x64xf32, #tpu.memory_space<vmem>> -> memref<64xf32, #tpu.memory_space<vmem>>
      %dma_start3A_259 = arith.constant 0 : i32
      %dma_start3A_260 = tpu.memref_slice %arg3[%squeeze3A_245, %dma_start3A_259] : memref<1000000x64xf32, #tpu.memory_space<hbm>> -> memref<1x64xf32, #tpu.memory_space<hbm>>
      %dma_start3A_261 = tpu.memref_squeeze %dma_start3A_260 : memref<1x64xf32, #tpu.memory_space<hbm>> -> memref<64xf32, #tpu.memory_space<hbm>>
      tpu.enqueue_dma source(%dma_start3A_261 : memref<64xf32, #tpu.memory_space<hbm>>) target(%dma_start3A_258 : memref<64xf32, #tpu.memory_space<vmem>>) target_semaphore(%arg10 : memref<!tpu.dma_semaphore, #tpu.memory_space<semaphore_mem>>)
      %slice3A_262 = vector.extract_strided_slice %get3A_227 {offsets = [2], sizes = [1], strides = [1]} : vector<16xi32> to vector<1xi32>
      %squeeze3A_263 = vector.extract %slice3A_262[0] : i32 from vector<1xi32>
      %mul3A_264 = arith.constant 16 : i32
      %mul3A_265 = arith.muli %scan3A_220, %mul3A_264 : i32
      %add3A_266 = arith.constant 2 : i32
      %add3A_267 = arith.addi %mul3A_265, %add3A_266 : i32
      %dma_start3A_268 = arith.constant 0 : i32
      %dma_start3A_269 = tpu.memref_slice %arg7[%add3A_267, %dma_start3A_268] : memref<128x64xf32, #tpu.memory_space<vmem>> -> memref<1x64xf32, #tpu.memory_space<vmem>>
      %dma_start3A_270 = tpu.memref_squeeze %dma_start3A_269 : memref<1x64xf32, #tpu.memory_space<vmem>> -> memref<64xf32, #tpu.memory_space<vmem>>
      %dma_start3A_271 = arith.constant 0 : i32
      %dma_start3A_272 = tpu.memref_slice %arg3[%squeeze3A_263, %dma_start3A_271] : memref<1000000x64xf32, #tpu.memory_space<hbm>> -> memref<1x64xf32, #tpu.memory_space<hbm>>
      %dma_start3A_273 = tpu.memref_squeeze %dma_start3A_272 : memref<1x64xf32, #tpu.memory_space<hbm>> -> memref<64xf32, #tpu.memory_space<hbm>>
      %dma_start3A_274 = arith.constant 0 : i32
      %dma_start3A_275 = tpu.memref_slice %arg7[%add3A_267, %dma_start3A_274] : memref<128x64xf32, #tpu.memory_space<vmem>> -> memref<1x64xf32, #tpu.memory_space<vmem>>
      %dma_start3A_276 = tpu.memref_squeeze %dma_start3A_275 : memref<1x64xf32, #tpu.memory_space<vmem>> -> memref<64xf32, #tpu.memory_space<vmem>>
      %dma_start3A_277 = arith.constant 0 : i32
      %dma_start3A_278 = tpu.memref_slice %arg3[%squeeze3A_263, %dma_start3A_277] : memref<1000000x64xf32, #tpu.memory_space<hbm>> -> memref<1x64xf32, #tpu.memory_space<hbm>>
      %dma_start3A_279 = tpu.memref_squeeze %dma_start3A_278 : memref<1x64xf32, #tpu.memory_space<hbm>> -> memref<64xf32, #tpu.memory_space<hbm>>
      tpu.enqueue_dma source(%dma_start3A_279 : memref<64xf32, #tpu.memory_space<hbm>>) target(%dma_start3A_276 : memref<64xf32, #tpu.memory_space<vmem>>) target_semaphore(%arg10 : memref<!tpu.dma_semaphore, #tpu.memory_space<semaphore_mem>>)
      %slice3A_280 = vector.extract_strided_slice %get3A_227 {offsets = [3], sizes = [1], strides = [1]} : vector<16xi32> to vector<1xi32>
      %squeeze3A_281 = vector.extract %slice3A_280[0] : i32 from vector<1xi32>
      %mul3A_282 = arith.constant 16 : i32
      %mul3A_283 = arith.muli %scan3A_220, %mul3A_282 : i32
      %add3A_284 = arith.constant 3 : i32
      %add3A_285 = arith.addi %mul3A_283, %add3A_284 : i32
      %dma_start3A_286 = arith.constant 0 : i32
      %dma_start3A_287 = tpu.memref_slice %arg7[%add3A_285, %dma_start3A_286] : memref<128x64xf32, #tpu.memory_space<vmem>> -> memref<1x64xf32, #tpu.memory_space<vmem>>
      %dma_start3A_288 = tpu.memref_squeeze %dma_start3A_287 : memref<1x64xf32, #tpu.memory_space<vmem>> -> memref<64xf32, #tpu.memory_space<vmem>>
      %dma_start3A_289 = arith.constant 0 : i32
      %dma_start3A_290 = tpu.memref_slice %arg3[%squeeze3A_281, %dma_start3A_289] : memref<1000000x64xf32, #tpu.memory_space<hbm>> -> memref<1x64xf32, #tpu.memory_space<hbm>>
      %dma_start3A_291 = tpu.memref_squeeze %dma_start3A_290 : memref<1x64xf32, #tpu.memory_space<hbm>> -> memref<64xf32, #tpu.memory_space<hbm>>
      %dma_start3A_292 = arith.constant 0 : i32
      %dma_start3A_293 = tpu.memref_slice %arg7[%add3A_285, %dma_start3A_292] : memref<128x64xf32, #tpu.memory_space<vmem>> -> memref<1x64xf32, #tpu.memory_space<vmem>>
      %dma_start3A_294 = tpu.memref_squeeze %dma_start3A_293 : memref<1x64xf32, #tpu.memory_space<vmem>> -> memref<64xf32, #tpu.memory_space<vmem>>
      %dma_start3A_295 = arith.constant 0 : i32
      %dma_start3A_296 = tpu.memref_slice %arg3[%squeeze3A_281, %dma_start3A_295] : memref<1000000x64xf32, #tpu.memory_space<hbm>> -> memref<1x64xf32, #tpu.memory_space<hbm>>
      %dma_start3A_297 = tpu.memref_squeeze %dma_start3A_296 : memref<1x64xf32, #tpu.memory_space<hbm>> -> memref<64xf32, #tpu.memory_space<hbm>>
      tpu.enqueue_dma source(%dma_start3A_297 : memref<64xf32, #tpu.memory_space<hbm>>) target(%dma_start3A_294 : memref<64xf32, #tpu.memory_space<vmem>>) target_semaphore(%arg10 : memref<!tpu.dma_semaphore, #tpu.memory_space<semaphore_mem>>)
      %slice3A_298 = vector.extract_strided_slice %get3A_227 {offsets = [4], sizes = [1], strides = [1]} : vector<16xi32> to vector<1xi32>
      %squeeze3A_299 = vector.extract %slice3A_298[0] : i32 from vector<1xi32>
      %mul3A_300 = arith.constant 16 : i32
      %mul3A_301 = arith.muli %scan3A_220, %mul3A_300 : i32
      %add3A_302 = arith.constant 4 : i32
      %add3A_303 = arith.addi %mul3A_301, %add3A_302 : i32
      %dma_start3A_304 = arith.constant 0 : i32
      %dma_start3A_305 = tpu.memref_slice %arg7[%add3A_303, %dma_start3A_304] : memref<128x64xf32, #tpu.memory_space<vmem>> -> memref<1x64xf32, #tpu.memory_space<vmem>>
      %dma_start3A_306 = tpu.memref_squeeze %dma_start3A_305 : memref<1x64xf32, #tpu.memory_space<vmem>> -> memref<64xf32, #tpu.memory_space<vmem>>
      %dma_start3A_307 = arith.constant 0 : i32
      %dma_start3A_308 = tpu.memref_slice %arg3[%squeeze3A_299, %dma_start3A_307] : memref<1000000x64xf32, #tpu.memory_space<hbm>> -> memref<1x64xf32, #tpu.memory_space<hbm>>
      %dma_start3A_309 = tpu.memref_squeeze %dma_start3A_308 : memref<1x64xf32, #tpu.memory_space<hbm>> -> memref<64xf32, #tpu.memory_space<hbm>>
      %dma_start3A_310 = arith.constant 0 : i32
      %dma_start3A_311 = tpu.memref_slice %arg7[%add3A_303, %dma_start3A_310] : memref<128x64xf32, #tpu.memory_space<vmem>> -> memref<1x64xf32, #tpu.memory_space<vmem>>
      %dma_start3A_312 = tpu.memref_squeeze %dma_start3A_311 : memref<1x64xf32, #tpu.memory_space<vmem>> -> memref<64xf32, #tpu.memory_space<vmem>>
      %dma_start3A_313 = arith.constant 0 : i32
      %dma_start3A_314 = tpu.memref_slice %arg3[%squeeze3A_299, %dma_start3A_313] : memref<1000000x64xf32, #tpu.memory_space<hbm>> -> memref<1x64xf32, #tpu.memory_space<hbm>>
      %dma_start3A_315 = tpu.memref_squeeze %dma_start3A_314 : memref<1x64xf32, #tpu.memory_space<hbm>> -> memref<64xf32, #tpu.memory_space<hbm>>
      tpu.enqueue_dma source(%dma_start3A_315 : memref<64xf32, #tpu.memory_space<hbm>>) target(%dma_start3A_312 : memref<64xf32, #tpu.memory_space<vmem>>) target_semaphore(%arg10 : memref<!tpu.dma_semaphore, #tpu.memory_space<semaphore_mem>>)
      %slice3A_316 = vector.extract_strided_slice %get3A_227 {offsets = [5], sizes = [1], strides = [1]} : vector<16xi32> to vector<1xi32>
      %squeeze3A_317 = vector.extract %slice3A_316[0] : i32 from vector<1xi32>
      %mul3A_318 = arith.constant 16 : i32
      %mul3A_319 = arith.muli %scan3A_220, %mul3A_318 : i32
      %add3A_320 = arith.constant 5 : i32
      %add3A_321 = arith.addi %mul3A_319, %add3A_320 : i32
      %dma_start3A_322 = arith.constant 0 : i32
      %dma_start3A_323 = tpu.memref_slice %arg7[%add3A_321, %dma_start3A_322] : memref<128x64xf32, #tpu.memory_space<vmem>> -> memref<1x64xf32, #tpu.memory_space<vmem>>
      %dma_start3A_324 = tpu.memref_squeeze %dma_start3A_323 : memref<1x64xf32, #tpu.memory_space<vmem>> -> memref<64xf32, #tpu.memory_space<vmem>>
      %dma_start3A_325 = arith.constant 0 : i32
      %dma_start3A_326 = tpu.memref_slice %arg3[%squeeze3A_317, %dma_start3A_325] : memref<1000000x64xf32, #tpu.memory_space<hbm>> -> memref<1x64xf32, #tpu.memory_space<hbm>>
      %dma_start3A_327 = tpu.memref_squeeze %dma_start3A_326 : memref<1x64xf32, #tpu.memory_space<hbm>> -> memref<64xf32, #tpu.memory_space<hbm>>
      %dma_start3A_328 = arith.constant 0 : i32
      %dma_start3A_329 = tpu.memref_slice %arg7[%add3A_321, %dma_start3A_328] : memref<128x64xf32, #tpu.memory_space<vmem>> -> memref<1x64xf32, #tpu.memory_space<vmem>>
      %dma_start3A_330 = tpu.memref_squeeze %dma_start3A_329 : memref<1x64xf32, #tpu.memory_space<vmem>> -> memref<64xf32, #tpu.memory_space<vmem>>
      %dma_start3A_331 = arith.constant 0 : i32
      %dma_start3A_332 = tpu.memref_slice %arg3[%squeeze3A_317, %dma_start3A_331] : memref<1000000x64xf32, #tpu.memory_space<hbm>> -> memref<1x64xf32, #tpu.memory_space<hbm>>
      %dma_start3A_333 = tpu.memref_squeeze %dma_start3A_332 : memref<1x64xf32, #tpu.memory_space<hbm>> -> memref<64xf32, #tpu.memory_space<hbm>>
      tpu.enqueue_dma source(%dma_start3A_333 : memref<64xf32, #tpu.memory_space<hbm>>) target(%dma_start3A_330 : memref<64xf32, #tpu.memory_space<vmem>>) target_semaphore(%arg10 : memref<!tpu.dma_semaphore, #tpu.memory_space<semaphore_mem>>)
      %slice3A_334 = vector.extract_strided_slice %get3A_227 {offsets = [6], sizes = [1], strides = [1]} : vector<16xi32> to vector<1xi32>
      %squeeze3A_335 = vector.extract %slice3A_334[0] : i32 from vector<1xi32>
      %mul3A_336 = arith.constant 16 : i32
      %mul3A_337 = arith.muli %scan3A_220, %mul3A_336 : i32
      %add3A_338 = arith.constant 6 : i32
      %add3A_339 = arith.addi %mul3A_337, %add3A_338 : i32
      %dma_start3A_340 = arith.constant 0 : i32
      %dma_start3A_341 = tpu.memref_slice %arg7[%add3A_339, %dma_start3A_340] : memref<128x64xf32, #tpu.memory_space<vmem>> -> memref<1x64xf32, #tpu.memory_space<vmem>>
      %dma_start3A_342 = tpu.memref_squeeze %dma_start3A_341 : memref<1x64xf32, #tpu.memory_space<vmem>> -> memref<64xf32, #tpu.memory_space<vmem>>
      %dma_start3A_343 = arith.constant 0 : i32
      %dma_start3A_344 = tpu.memref_slice %arg3[%squeeze3A_335, %dma_start3A_343] : memref<1000000x64xf32, #tpu.memory_space<hbm>> -> memref<1x64xf32, #tpu.memory_space<hbm>>
      %dma_start3A_345 = tpu.memref_squeeze %dma_start3A_344 : memref<1x64xf32, #tpu.memory_space<hbm>> -> memref<64xf32, #tpu.memory_space<hbm>>
      %dma_start3A_346 = arith.constant 0 : i32
      %dma_start3A_347 = tpu.memref_slice %arg7[%add3A_339, %dma_start3A_346] : memref<128x64xf32, #tpu.memory_space<vmem>> -> memref<1x64xf32, #tpu.memory_space<vmem>>
      %dma_start3A_348 = tpu.memref_squeeze %dma_start3A_347 : memref<1x64xf32, #tpu.memory_space<vmem>> -> memref<64xf32, #tpu.memory_space<vmem>>
      %dma_start3A_349 = arith.constant 0 : i32
      %dma_start3A_350 = tpu.memref_slice %arg3[%squeeze3A_335, %dma_start3A_349] : memref<1000000x64xf32, #tpu.memory_space<hbm>> -> memref<1x64xf32, #tpu.memory_space<hbm>>
      %dma_start3A_351 = tpu.memref_squeeze %dma_start3A_350 : memref<1x64xf32, #tpu.memory_space<hbm>> -> memref<64xf32, #tpu.memory_space<hbm>>
      tpu.enqueue_dma source(%dma_start3A_351 : memref<64xf32, #tpu.memory_space<hbm>>) target(%dma_start3A_348 : memref<64xf32, #tpu.memory_space<vmem>>) target_semaphore(%arg10 : memref<!tpu.dma_semaphore, #tpu.memory_space<semaphore_mem>>)
      %slice3A_352 = vector.extract_strided_slice %get3A_227 {offsets = [7], sizes = [1], strides = [1]} : vector<16xi32> to vector<1xi32>
      %squeeze3A_353 = vector.extract %slice3A_352[0] : i32 from vector<1xi32>
      %mul3A_354 = arith.constant 16 : i32
      %mul3A_355 = arith.muli %scan3A_220, %mul3A_354 : i32
      %add3A_356 = arith.constant 7 : i32
      %add3A_357 = arith.addi %mul3A_355, %add3A_356 : i32
      %dma_start3A_358 = arith.constant 0 : i32
      %dma_start3A_359 = tpu.memref_slice %arg7[%add3A_357, %dma_start3A_358] : memref<128x64xf32, #tpu.memory_space<vmem>> -> memref<1x64xf32, #tpu.memory_space<vmem>>
      %dma_start3A_360 = tpu.memref_squeeze %dma_start3A_359 : memref<1x64xf32, #tpu.memory_space<vmem>> -> memref<64xf32, #tpu.memory_space<vmem>>
      %dma_start3A_361 = arith.constant 0 : i32
      %dma_start3A_362 = tpu.memref_slice %arg3[%squeeze3A_353, %dma_start3A_361] : memref<1000000x64xf32, #tpu.memory_space<hbm>> -> memref<1x64xf32, #tpu.memory_space<hbm>>
      %dma_start3A_363 = tpu.memref_squeeze %dma_start3A_362 : memref<1x64xf32, #tpu.memory_space<hbm>> -> memref<64xf32, #tpu.memory_space<hbm>>
      %dma_start3A_364 = arith.constant 0 : i32
      %dma_start3A_365 = tpu.memref_slice %arg7[%add3A_357, %dma_start3A_364] : memref<128x64xf32, #tpu.memory_space<vmem>> -> memref<1x64xf32, #tpu.memory_space<vmem>>
      %dma_start3A_366 = tpu.memref_squeeze %dma_start3A_365 : memref<1x64xf32, #tpu.memory_space<vmem>> -> memref<64xf32, #tpu.memory_space<vmem>>
      %dma_start3A_367 = arith.constant 0 : i32
      %dma_start3A_368 = tpu.memref_slice %arg3[%squeeze3A_353, %dma_start3A_367] : memref<1000000x64xf32, #tpu.memory_space<hbm>> -> memref<1x64xf32, #tpu.memory_space<hbm>>
      %dma_start3A_369 = tpu.memref_squeeze %dma_start3A_368 : memref<1x64xf32, #tpu.memory_space<hbm>> -> memref<64xf32, #tpu.memory_space<hbm>>
      tpu.enqueue_dma source(%dma_start3A_369 : memref<64xf32, #tpu.memory_space<hbm>>) target(%dma_start3A_366 : memref<64xf32, #tpu.memory_space<vmem>>) target_semaphore(%arg10 : memref<!tpu.dma_semaphore, #tpu.memory_space<semaphore_mem>>)
      %slice3A_370 = vector.extract_strided_slice %get3A_227 {offsets = [8], sizes = [1], strides = [1]} : vector<16xi32> to vector<1xi32>
      %squeeze3A_371 = vector.extract %slice3A_370[0] : i32 from vector<1xi32>
      %mul3A_372 = arith.constant 16 : i32
      %mul3A_373 = arith.muli %scan3A_220, %mul3A_372 : i32
      %add3A_374 = arith.constant 8 : i32
      %add3A_375 = arith.addi %mul3A_373, %add3A_374 : i32
      %dma_start3A_376 = arith.constant 0 : i32
      %dma_start3A_377 = tpu.memref_slice %arg7[%add3A_375, %dma_start3A_376] : memref<128x64xf32, #tpu.memory_space<vmem>> -> memref<1x64xf32, #tpu.memory_space<vmem>>
      %dma_start3A_378 = tpu.memref_squeeze %dma_start3A_377 : memref<1x64xf32, #tpu.memory_space<vmem>> -> memref<64xf32, #tpu.memory_space<vmem>>
      %dma_start3A_379 = arith.constant 0 : i32
      %dma_start3A_380 = tpu.memref_slice %arg3[%squeeze3A_371, %dma_start3A_379] : memref<1000000x64xf32, #tpu.memory_space<hbm>> -> memref<1x64xf32, #tpu.memory_space<hbm>>
      %dma_start3A_381 = tpu.memref_squeeze %dma_start3A_380 : memref<1x64xf32, #tpu.memory_space<hbm>> -> memref<64xf32, #tpu.memory_space<hbm>>
      %dma_start3A_382 = arith.constant 0 : i32
      %dma_start3A_383 = tpu.memref_slice %arg7[%add3A_375, %dma_start3A_382] : memref<128x64xf32, #tpu.memory_space<vmem>> -> memref<1x64xf32, #tpu.memory_space<vmem>>
      %dma_start3A_384 = tpu.memref_squeeze %dma_start3A_383 : memref<1x64xf32, #tpu.memory_space<vmem>> -> memref<64xf32, #tpu.memory_space<vmem>>
      %dma_start3A_385 = arith.constant 0 : i32
      %dma_start3A_386 = tpu.memref_slice %arg3[%squeeze3A_371, %dma_start3A_385] : memref<1000000x64xf32, #tpu.memory_space<hbm>> -> memref<1x64xf32, #tpu.memory_space<hbm>>
      %dma_start3A_387 = tpu.memref_squeeze %dma_start3A_386 : memref<1x64xf32, #tpu.memory_space<hbm>> -> memref<64xf32, #tpu.memory_space<hbm>>
      tpu.enqueue_dma source(%dma_start3A_387 : memref<64xf32, #tpu.memory_space<hbm>>) target(%dma_start3A_384 : memref<64xf32, #tpu.memory_space<vmem>>) target_semaphore(%arg10 : memref<!tpu.dma_semaphore, #tpu.memory_space<semaphore_mem>>)
      %slice3A_388 = vector.extract_strided_slice %get3A_227 {offsets = [9], sizes = [1], strides = [1]} : vector<16xi32> to vector<1xi32>
      %squeeze3A_389 = vector.extract %slice3A_388[0] : i32 from vector<1xi32>
      %mul3A_390 = arith.constant 16 : i32
      %mul3A_391 = arith.muli %scan3A_220, %mul3A_390 : i32
      %add3A_392 = arith.constant 9 : i32
      %add3A_393 = arith.addi %mul3A_391, %add3A_392 : i32
      %dma_start3A_394 = arith.constant 0 : i32
      %dma_start3A_395 = tpu.memref_slice %arg7[%add3A_393, %dma_start3A_394] : memref<128x64xf32, #tpu.memory_space<vmem>> -> memref<1x64xf32, #tpu.memory_space<vmem>>
      %dma_start3A_396 = tpu.memref_squeeze %dma_start3A_395 : memref<1x64xf32, #tpu.memory_space<vmem>> -> memref<64xf32, #tpu.memory_space<vmem>>
      %dma_start3A_397 = arith.constant 0 : i32
      %dma_start3A_398 = tpu.memref_slice %arg3[%squeeze3A_389, %dma_start3A_397] : memref<1000000x64xf32, #tpu.memory_space<hbm>> -> memref<1x64xf32, #tpu.memory_space<hbm>>
      %dma_start3A_399 = tpu.memref_squeeze %dma_start3A_398 : memref<1x64xf32, #tpu.memory_space<hbm>> -> memref<64xf32, #tpu.memory_space<hbm>>
      %dma_start3A_400 = arith.constant 0 : i32
      %dma_start3A_401 = tpu.memref_slice %arg7[%add3A_393, %dma_start3A_400] : memref<128x64xf32, #tpu.memory_space<vmem>> -> memref<1x64xf32, #tpu.memory_space<vmem>>
      %dma_start3A_402 = tpu.memref_squeeze %dma_start3A_401 : memref<1x64xf32, #tpu.memory_space<vmem>> -> memref<64xf32, #tpu.memory_space<vmem>>
      %dma_start3A_403 = arith.constant 0 : i32
      %dma_start3A_404 = tpu.memref_slice %arg3[%squeeze3A_389, %dma_start3A_403] : memref<1000000x64xf32, #tpu.memory_space<hbm>> -> memref<1x64xf32, #tpu.memory_space<hbm>>
      %dma_start3A_405 = tpu.memref_squeeze %dma_start3A_404 : memref<1x64xf32, #tpu.memory_space<hbm>> -> memref<64xf32, #tpu.memory_space<hbm>>
      tpu.enqueue_dma source(%dma_start3A_405 : memref<64xf32, #tpu.memory_space<hbm>>) target(%dma_start3A_402 : memref<64xf32, #tpu.memory_space<vmem>>) target_semaphore(%arg10 : memref<!tpu.dma_semaphore, #tpu.memory_space<semaphore_mem>>)
      %slice3A_406 = vector.extract_strided_slice %get3A_227 {offsets = [10], sizes = [1], strides = [1]} : vector<16xi32> to vector<1xi32>
      %squeeze3A_407 = vector.extract %slice3A_406[0] : i32 from vector<1xi32>
      %mul3A_408 = arith.constant 16 : i32
      %mul3A_409 = arith.muli %scan3A_220, %mul3A_408 : i32
      %add3A_410 = arith.constant 10 : i32
      %add3A_411 = arith.addi %mul3A_409, %add3A_410 : i32
      %dma_start3A_412 = arith.constant 0 : i32
      %dma_start3A_413 = tpu.memref_slice %arg7[%add3A_411, %dma_start3A_412] : memref<128x64xf32, #tpu.memory_space<vmem>> -> memref<1x64xf32, #tpu.memory_space<vmem>>
      %dma_start3A_414 = tpu.memref_squeeze %dma_start3A_413 : memref<1x64xf32, #tpu.memory_space<vmem>> -> memref<64xf32, #tpu.memory_space<vmem>>
      %dma_start3A_415 = arith.constant 0 : i32
      %dma_start3A_416 = tpu.memref_slice %arg3[%squeeze3A_407, %dma_start3A_415] : memref<1000000x64xf32, #tpu.memory_space<hbm>> -> memref<1x64xf32, #tpu.memory_space<hbm>>
      %dma_start3A_417 = tpu.memref_squeeze %dma_start3A_416 : memref<1x64xf32, #tpu.memory_space<hbm>> -> memref<64xf32, #tpu.memory_space<hbm>>
      %dma_start3A_418 = arith.constant 0 : i32
      %dma_start3A_419 = tpu.memref_slice %arg7[%add3A_411, %dma_start3A_418] : memref<128x64xf32, #tpu.memory_space<vmem>> -> memref<1x64xf32, #tpu.memory_space<vmem>>
      %dma_start3A_420 = tpu.memref_squeeze %dma_start3A_419 : memref<1x64xf32, #tpu.memory_space<vmem>> -> memref<64xf32, #tpu.memory_space<vmem>>
      %dma_start3A_421 = arith.constant 0 : i32
      %dma_start3A_422 = tpu.memref_slice %arg3[%squeeze3A_407, %dma_start3A_421] : memref<1000000x64xf32, #tpu.memory_space<hbm>> -> memref<1x64xf32, #tpu.memory_space<hbm>>
      %dma_start3A_423 = tpu.memref_squeeze %dma_start3A_422 : memref<1x64xf32, #tpu.memory_space<hbm>> -> memref<64xf32, #tpu.memory_space<hbm>>
      tpu.enqueue_dma source(%dma_start3A_423 : memref<64xf32, #tpu.memory_space<hbm>>) target(%dma_start3A_420 : memref<64xf32, #tpu.memory_space<vmem>>) target_semaphore(%arg10 : memref<!tpu.dma_semaphore, #tpu.memory_space<semaphore_mem>>)
      %slice3A_424 = vector.extract_strided_slice %get3A_227 {offsets = [11], sizes = [1], strides = [1]} : vector<16xi32> to vector<1xi32>
      %squeeze3A_425 = vector.extract %slice3A_424[0] : i32 from vector<1xi32>
      %mul3A_426 = arith.constant 16 : i32
      %mul3A_427 = arith.muli %scan3A_220, %mul3A_426 : i32
      %add3A_428 = arith.constant 11 : i32
      %add3A_429 = arith.addi %mul3A_427, %add3A_428 : i32
      %dma_start3A_430 = arith.constant 0 : i32
      %dma_start3A_431 = tpu.memref_slice %arg7[%add3A_429, %dma_start3A_430] : memref<128x64xf32, #tpu.memory_space<vmem>> -> memref<1x64xf32, #tpu.memory_space<vmem>>
      %dma_start3A_432 = tpu.memref_squeeze %dma_start3A_431 : memref<1x64xf32, #tpu.memory_space<vmem>> -> memref<64xf32, #tpu.memory_space<vmem>>
      %dma_start3A_433 = arith.constant 0 : i32
      %dma_start3A_434 = tpu.memref_slice %arg3[%squeeze3A_425, %dma_start3A_433] : memref<1000000x64xf32, #tpu.memory_space<hbm>> -> memref<1x64xf32, #tpu.memory_space<hbm>>
      %dma_start3A_435 = tpu.memref_squeeze %dma_start3A_434 : memref<1x64xf32, #tpu.memory_space<hbm>> -> memref<64xf32, #tpu.memory_space<hbm>>
      %dma_start3A_436 = arith.constant 0 : i32
      %dma_start3A_437 = tpu.memref_slice %arg7[%add3A_429, %dma_start3A_436] : memref<128x64xf32, #tpu.memory_space<vmem>> -> memref<1x64xf32, #tpu.memory_space<vmem>>
      %dma_start3A_438 = tpu.memref_squeeze %dma_start3A_437 : memref<1x64xf32, #tpu.memory_space<vmem>> -> memref<64xf32, #tpu.memory_space<vmem>>
      %dma_start3A_439 = arith.constant 0 : i32
      %dma_start3A_440 = tpu.memref_slice %arg3[%squeeze3A_425, %dma_start3A_439] : memref<1000000x64xf32, #tpu.memory_space<hbm>> -> memref<1x64xf32, #tpu.memory_space<hbm>>
      %dma_start3A_441 = tpu.memref_squeeze %dma_start3A_440 : memref<1x64xf32, #tpu.memory_space<hbm>> -> memref<64xf32, #tpu.memory_space<hbm>>
      tpu.enqueue_dma source(%dma_start3A_441 : memref<64xf32, #tpu.memory_space<hbm>>) target(%dma_start3A_438 : memref<64xf32, #tpu.memory_space<vmem>>) target_semaphore(%arg10 : memref<!tpu.dma_semaphore, #tpu.memory_space<semaphore_mem>>)
      %slice3A_442 = vector.extract_strided_slice %get3A_227 {offsets = [12], sizes = [1], strides = [1]} : vector<16xi32> to vector<1xi32>
      %squeeze3A_443 = vector.extract %slice3A_442[0] : i32 from vector<1xi32>
      %mul3A_444 = arith.constant 16 : i32
      %mul3A_445 = arith.muli %scan3A_220, %mul3A_444 : i32
      %add3A_446 = arith.constant 12 : i32
      %add3A_447 = arith.addi %mul3A_445, %add3A_446 : i32
      %dma_start3A_448 = arith.constant 0 : i32
      %dma_start3A_449 = tpu.memref_slice %arg7[%add3A_447, %dma_start3A_448] : memref<128x64xf32, #tpu.memory_space<vmem>> -> memref<1x64xf32, #tpu.memory_space<vmem>>
      %dma_start3A_450 = tpu.memref_squeeze %dma_start3A_449 : memref<1x64xf32, #tpu.memory_space<vmem>> -> memref<64xf32, #tpu.memory_space<vmem>>
      %dma_start3A_451 = arith.constant 0 : i32
      %dma_start3A_452 = tpu.memref_slice %arg3[%squeeze3A_443, %dma_start3A_451] : memref<1000000x64xf32, #tpu.memory_space<hbm>> -> memref<1x64xf32, #tpu.memory_space<hbm>>
      %dma_start3A_453 = tpu.memref_squeeze %dma_start3A_452 : memref<1x64xf32, #tpu.memory_space<hbm>> -> memref<64xf32, #tpu.memory_space<hbm>>
      %dma_start3A_454 = arith.constant 0 : i32
      %dma_start3A_455 = tpu.memref_slice %arg7[%add3A_447, %dma_start3A_454] : memref<128x64xf32, #tpu.memory_space<vmem>> -> memref<1x64xf32, #tpu.memory_space<vmem>>
      %dma_start3A_456 = tpu.memref_squeeze %dma_start3A_455 : memref<1x64xf32, #tpu.memory_space<vmem>> -> memref<64xf32, #tpu.memory_space<vmem>>
      %dma_start3A_457 = arith.constant 0 : i32
      %dma_start3A_458 = tpu.memref_slice %arg3[%squeeze3A_443, %dma_start3A_457] : memref<1000000x64xf32, #tpu.memory_space<hbm>> -> memref<1x64xf32, #tpu.memory_space<hbm>>
      %dma_start3A_459 = tpu.memref_squeeze %dma_start3A_458 : memref<1x64xf32, #tpu.memory_space<hbm>> -> memref<64xf32, #tpu.memory_space<hbm>>
      tpu.enqueue_dma source(%dma_start3A_459 : memref<64xf32, #tpu.memory_space<hbm>>) target(%dma_start3A_456 : memref<64xf32, #tpu.memory_space<vmem>>) target_semaphore(%arg10 : memref<!tpu.dma_semaphore, #tpu.memory_space<semaphore_mem>>)
      %slice3A_460 = vector.extract_strided_slice %get3A_227 {offsets = [13], sizes = [1], strides = [1]} : vector<16xi32> to vector<1xi32>
      %squeeze3A_461 = vector.extract %slice3A_460[0] : i32 from vector<1xi32>
      %mul3A_462 = arith.constant 16 : i32
      %mul3A_463 = arith.muli %scan3A_220, %mul3A_462 : i32
      %add3A_464 = arith.constant 13 : i32
      %add3A_465 = arith.addi %mul3A_463, %add3A_464 : i32
      %dma_start3A_466 = arith.constant 0 : i32
      %dma_start3A_467 = tpu.memref_slice %arg7[%add3A_465, %dma_start3A_466] : memref<128x64xf32, #tpu.memory_space<vmem>> -> memref<1x64xf32, #tpu.memory_space<vmem>>
      %dma_start3A_468 = tpu.memref_squeeze %dma_start3A_467 : memref<1x64xf32, #tpu.memory_space<vmem>> -> memref<64xf32, #tpu.memory_space<vmem>>
      %dma_start3A_469 = arith.constant 0 : i32
      %dma_start3A_470 = tpu.memref_slice %arg3[%squeeze3A_461, %dma_start3A_469] : memref<1000000x64xf32, #tpu.memory_space<hbm>> -> memref<1x64xf32, #tpu.memory_space<hbm>>
      %dma_start3A_471 = tpu.memref_squeeze %dma_start3A_470 : memref<1x64xf32, #tpu.memory_space<hbm>> -> memref<64xf32, #tpu.memory_space<hbm>>
      %dma_start3A_472 = arith.constant 0 : i32
      %dma_start3A_473 = tpu.memref_slice %arg7[%add3A_465, %dma_start3A_472] : memref<128x64xf32, #tpu.memory_space<vmem>> -> memref<1x64xf32, #tpu.memory_space<vmem>>
      %dma_start3A_474 = tpu.memref_squeeze %dma_start3A_473 : memref<1x64xf32, #tpu.memory_space<vmem>> -> memref<64xf32, #tpu.memory_space<vmem>>
      %dma_start3A_475 = arith.constant 0 : i32
      %dma_start3A_476 = tpu.memref_slice %arg3[%squeeze3A_461, %dma_start3A_475] : memref<1000000x64xf32, #tpu.memory_space<hbm>> -> memref<1x64xf32, #tpu.memory_space<hbm>>
      %dma_start3A_477 = tpu.memref_squeeze %dma_start3A_476 : memref<1x64xf32, #tpu.memory_space<hbm>> -> memref<64xf32, #tpu.memory_space<hbm>>
      tpu.enqueue_dma source(%dma_start3A_477 : memref<64xf32, #tpu.memory_space<hbm>>) target(%dma_start3A_474 : memref<64xf32, #tpu.memory_space<vmem>>) target_semaphore(%arg10 : memref<!tpu.dma_semaphore, #tpu.memory_space<semaphore_mem>>)
      %slice3A_478 = vector.extract_strided_slice %get3A_227 {offsets = [14], sizes = [1], strides = [1]} : vector<16xi32> to vector<1xi32>
      %squeeze3A_479 = vector.extract %slice3A_478[0] : i32 from vector<1xi32>
      %mul3A_480 = arith.constant 16 : i32
      %mul3A_481 = arith.muli %scan3A_220, %mul3A_480 : i32
      %add3A_482 = arith.constant 14 : i32
      %add3A_483 = arith.addi %mul3A_481, %add3A_482 : i32
      %dma_start3A_484 = arith.constant 0 : i32
      %dma_start3A_485 = tpu.memref_slice %arg7[%add3A_483, %dma_start3A_484] : memref<128x64xf32, #tpu.memory_space<vmem>> -> memref<1x64xf32, #tpu.memory_space<vmem>>
      %dma_start3A_486 = tpu.memref_squeeze %dma_start3A_485 : memref<1x64xf32, #tpu.memory_space<vmem>> -> memref<64xf32, #tpu.memory_space<vmem>>
      %dma_start3A_487 = arith.constant 0 : i32
      %dma_start3A_488 = tpu.memref_slice %arg3[%squeeze3A_479, %dma_start3A_487] : memref<1000000x64xf32, #tpu.memory_space<hbm>> -> memref<1x64xf32, #tpu.memory_space<hbm>>
      %dma_start3A_489 = tpu.memref_squeeze %dma_start3A_488 : memref<1x64xf32, #tpu.memory_space<hbm>> -> memref<64xf32, #tpu.memory_space<hbm>>
      %dma_start3A_490 = arith.constant 0 : i32
      %dma_start3A_491 = tpu.memref_slice %arg7[%add3A_483, %dma_start3A_490] : memref<128x64xf32, #tpu.memory_space<vmem>> -> memref<1x64xf32, #tpu.memory_space<vmem>>
      %dma_start3A_492 = tpu.memref_squeeze %dma_start3A_491 : memref<1x64xf32, #tpu.memory_space<vmem>> -> memref<64xf32, #tpu.memory_space<vmem>>
      %dma_start3A_493 = arith.constant 0 : i32
      %dma_start3A_494 = tpu.memref_slice %arg3[%squeeze3A_479, %dma_start3A_493] : memref<1000000x64xf32, #tpu.memory_space<hbm>> -> memref<1x64xf32, #tpu.memory_space<hbm>>
      %dma_start3A_495 = tpu.memref_squeeze %dma_start3A_494 : memref<1x64xf32, #tpu.memory_space<hbm>> -> memref<64xf32, #tpu.memory_space<hbm>>
      tpu.enqueue_dma source(%dma_start3A_495 : memref<64xf32, #tpu.memory_space<hbm>>) target(%dma_start3A_492 : memref<64xf32, #tpu.memory_space<vmem>>) target_semaphore(%arg10 : memref<!tpu.dma_semaphore, #tpu.memory_space<semaphore_mem>>)
      %slice3A_496 = vector.extract_strided_slice %get3A_227 {offsets = [15], sizes = [1], strides = [1]} : vector<16xi32> to vector<1xi32>
      %squeeze3A_497 = vector.extract %slice3A_496[0] : i32 from vector<1xi32>
      %mul3A_498 = arith.constant 16 : i32
      %mul3A_499 = arith.muli %scan3A_220, %mul3A_498 : i32
      %add3A_500 = arith.constant 15 : i32
      %add3A_501 = arith.addi %mul3A_499, %add3A_500 : i32
      %dma_start3A_502 = arith.constant 0 : i32
      %dma_start3A_503 = tpu.memref_slice %arg7[%add3A_501, %dma_start3A_502] : memref<128x64xf32, #tpu.memory_space<vmem>> -> memref<1x64xf32, #tpu.memory_space<vmem>>
      %dma_start3A_504 = tpu.memref_squeeze %dma_start3A_503 : memref<1x64xf32, #tpu.memory_space<vmem>> -> memref<64xf32, #tpu.memory_space<vmem>>
      %dma_start3A_505 = arith.constant 0 : i32
      %dma_start3A_506 = tpu.memref_slice %arg3[%squeeze3A_497, %dma_start3A_505] : memref<1000000x64xf32, #tpu.memory_space<hbm>> -> memref<1x64xf32, #tpu.memory_space<hbm>>
      %dma_start3A_507 = tpu.memref_squeeze %dma_start3A_506 : memref<1x64xf32, #tpu.memory_space<hbm>> -> memref<64xf32, #tpu.memory_space<hbm>>
      %dma_start3A_508 = arith.constant 0 : i32
      %dma_start3A_509 = tpu.memref_slice %arg7[%add3A_501, %dma_start3A_508] : memref<128x64xf32, #tpu.memory_space<vmem>> -> memref<1x64xf32, #tpu.memory_space<vmem>>
      %dma_start3A_510 = tpu.memref_squeeze %dma_start3A_509 : memref<1x64xf32, #tpu.memory_space<vmem>> -> memref<64xf32, #tpu.memory_space<vmem>>
      %dma_start3A_511 = arith.constant 0 : i32
      %dma_start3A_512 = tpu.memref_slice %arg3[%squeeze3A_497, %dma_start3A_511] : memref<1000000x64xf32, #tpu.memory_space<hbm>> -> memref<1x64xf32, #tpu.memory_space<hbm>>
      %dma_start3A_513 = tpu.memref_squeeze %dma_start3A_512 : memref<1x64xf32, #tpu.memory_space<hbm>> -> memref<64xf32, #tpu.memory_space<hbm>>
      tpu.enqueue_dma source(%dma_start3A_513 : memref<64xf32, #tpu.memory_space<hbm>>) target(%dma_start3A_510 : memref<64xf32, #tpu.memory_space<vmem>>) target_semaphore(%arg10 : memref<!tpu.dma_semaphore, #tpu.memory_space<semaphore_mem>>)
      %scan3A_514 = arith.constant 0 : i32
      scf.yield %scan3A_514 : i32
    }
    %scan3A_169 = arith.constant 8 : i32
    %add3A_170 = arith.constant 384 : i32
    %add3A_171 = arith.addi %multiple_of3A, %add3A_170 : i32
    %jit3A_172 = arith.constant 2 : i32
    %div3A_173 = arith.divsi %add3A_171, %jit3A_172 : i32
    %sign3A_174 = arith.constant 0 : i32
    %sign3A_175 = arith.cmpi sgt, %add3A_171, %sign3A_174 : i32
    %sign3A_176 = arith.extui %sign3A_175 : i1 to i32
    %sign3A_177 = arith.constant 0 : i32
    %sign3A_178 = arith.cmpi slt, %add3A_171, %sign3A_177 : i32
    %sign3A_179 = arith.extui %sign3A_178 : i1 to i32
    %sign3A_180 = arith.subi %sign3A_176, %sign3A_179 : i32
    %sign3A_181 = arith.constant 0 : i32
    %sign3A_182 = arith.cmpi sgt, %jit3A_172, %sign3A_181 : i32
    %sign3A_183 = arith.extui %sign3A_182 : i1 to i32
    %sign3A_184 = arith.constant 0 : i32
    %sign3A_185 = arith.cmpi slt, %jit3A_172, %sign3A_184 : i32
    %sign3A_186 = arith.extui %sign3A_185 : i1 to i32
    %sign3A_187 = arith.subi %sign3A_183, %sign3A_186 : i32
    %ne3A_188 = arith.cmpi ne, %sign3A_180, %sign3A_187 : i32
    %rem3A_189 = arith.remsi %add3A_171, %jit3A_172 : i32
    %ne3A_190 = arith.constant 0 : i32
    %ne3A_191 = arith.cmpi ne, %rem3A_189, %ne3A_190 : i32
    %and3A_192 = arith.andi %ne3A_188, %ne3A_191 : i1
    %sub3A_193 = arith.constant 1 : i32
    %sub3A_194 = arith.subi %div3A_173, %sub3A_193 : i32
    %select_n3A_195 = arith.select %and3A_192, %sub3A_194, %div3A_173 : i32
    %multiple_of3A_196 = tpu.assume_multiple %select_n3A_195, 64 : i32
    %dma_start3A_197 = arith.constant 0 : i32
    %dma_start3A_198 = tpu.memref_slice %arg4[%multiple_of3A_196, %dma_start3A_197] : memref<8192x128xf32, #tpu.memory_space<hbm>> -> memref<64x128xf32, #tpu.memory_space<hbm>>
    %dma_start3A_199 = arith.constant 0 : i32
    %dma_start3A_200 = tpu.memref_slice %arg4[%multiple_of3A_196, %dma_start3A_199] : memref<8192x128xf32, #tpu.memory_space<hbm>> -> memref<64x128xf32, #tpu.memory_space<hbm>>
    tpu.enqueue_dma source(%dma_start3A_200 : memref<64x128xf32, #tpu.memory_space<hbm>>) target(%arg8 : memref<64x128xf32, #tpu.memory_space<vmem>>) target_semaphore(%arg10 : memref<!tpu.dma_semaphore, #tpu.memory_space<semaphore_mem>>)
    %dma_wait3A_201 = arith.constant 0 : i32
    %dma_wait3A_202 = tpu.memref_slice %arg4[%multiple_of3A_196, %dma_wait3A_201] : memref<8192x128xf32, #tpu.memory_space<hbm>> -> memref<64x128xf32, #tpu.memory_space<hbm>>
    %dma_wait3A_203 = arith.constant 0 : i32
    %dma_wait3A_204 = tpu.memref_slice %arg4[%multiple_of3A_196, %dma_wait3A_203] : memref<8192x128xf32, #tpu.memory_space<hbm>> -> memref<64x128xf32, #tpu.memory_space<hbm>>
    tpu.wait_dma2 semaphore(%arg10 : memref<!tpu.dma_semaphore, #tpu.memory_space<semaphore_mem>>) src(%dma_wait3A_204 : memref<64x128xf32, #tpu.memory_space<hbm>>) dst(%arg8 : memref<64x128xf32, #tpu.memory_space<vmem>>)
    %dma_wait3A_205 = arith.constant 0 : i32
    %dma_wait3A_206 = arith.constant 0 : i32
    %dma_wait3A_207 = tpu.memref_slice %arg3[%dma_wait3A_205, %dma_wait3A_206] : memref<1000000x64xf32, #tpu.memory_space<hbm>> -> memref<128x64xf32, #tpu.memory_space<hbm>>
    %dma_wait3A_208 = arith.constant 0 : i32
    %dma_wait3A_209 = arith.constant 0 : i32
    %dma_wait3A_210 = tpu.memref_slice %arg3[%dma_wait3A_208, %dma_wait3A_209] : memref<1000000x64xf32, #tpu.memory_space<hbm>> -> memref<128x64xf32, #tpu.memory_space<hbm>>
    tpu.wait_dma2 semaphore(%arg10 : memref<!tpu.dma_semaphore, #tpu.memory_space<semaphore_mem>>) src(%dma_wait3A_210 : memref<128x64xf32, #tpu.memory_space<hbm>>) dst(%arg7 : memref<128x64xf32, #tpu.memory_space<vmem>>)
    %scan3A_211 = arith.constant 0 : i32
    %scan3A_212 = arith.constant 0 : i32
    %scan3A_213 = arith.constant 64 : i32
    %scan3A_214 = arith.addi %scan3A_212, %scan3A_213 : i32
    %scan3A_215 = arith.constant 1 : i32
    %scan3A_216 = scf.for %scan3A_220 = %scan3A_212 to %scan3A_214 step %scan3A_215 iter_args(%scan3A_221 = %scan3A_211) -> (i32)  : i32 {
      %mul3A_222 = arith.constant 2 : i32
      %mul3A_223 = arith.muli %mul3A_222, %scan3A_220 : i32
      %add3A_224 = arith.constant 0 : i32
      %add3A_225 = arith.addi %mul3A_223, %add3A_224 : i32
      %get3A = arith.index_cast %add3A_225 : i32 to index
      %get3A_226 = arith.constant 0 : index
      %get3A_227 = tpu.vector_load %arg7[%get3A, %get3A_226] {strides = array<i32>} : memref<128x64xf32, #tpu.memory_space<vmem>>, vector<1x16xf32>,
      %get3A_228 = vector.shape_cast %get3A_227 : vector<1x16xf32> to vector<16xf32>
      %get3A_229 = arith.index_cast %scan3A_220 : i32 to index
      %get3A_230 = arith.constant 0 : index
      %get3A_231 = tpu.vector_load %arg8[%get3A_229, %get3A_230] {strides = array<i32>} : memref<64x128xf32, #tpu.memory_space<vmem>>, vector<1x16xf32>,
      %get3A_232 = vector.shape_cast %get3A_231 : vector<1x16xf32> to vector<16xf32>
      %add3A_233 = arith.addf %get3A_228, %get3A_232 : vector<16xf32>
      %swap3A = arith.index_cast %add3A_225 : i32 to index
      %swap3A_234 = arith.constant 0 : index
      %swap3A_235 = tpu.vector_load %arg9[%swap3A, %swap3A_234] {strides = array<i32>} : memref<128x64xf32, #tpu.memory_space<vmem>>, vector<1x16xf32>,
      %swap3A_236 = vector.shape_cast %swap3A_235 : vector<1x16xf32> to vector<16xf32>
      %swap3A_237 = vector.shape_cast %add3A_233 : vector<16xf32> to vector<1x16xf32>
      tpu.vector_store %arg9[%swap3A, %swap3A_234], %swap3A_237 {strides = array<i32>} : memref<128x64xf32, #tpu.memory_space<vmem>>, vector<1x16xf32>,
      %get3A_238 = arith.index_cast %add3A_225 : i32 to index
      %get3A_239 = arith.constant 16 : index
      %get3A_240 = tpu.vector_load %arg7[%get3A_238, %get3A_239] {strides = array<i32>} : memref<128x64xf32, #tpu.memory_space<vmem>>, vector<1x16xf32>,
      %get3A_241 = vector.shape_cast %get3A_240 : vector<1x16xf32> to vector<16xf32>
      %get3A_242 = arith.index_cast %scan3A_220 : i32 to index
      %get3A_243 = arith.constant 16 : index
      %get3A_244 = tpu.vector_load %arg8[%get3A_242, %get3A_243] {strides = array<i32>} : memref<64x128xf32, #tpu.memory_space<vmem>>, vector<1x16xf32>,
      %get3A_245 = vector.shape_cast %get3A_244 : vector<1x16xf32> to vector<16xf32>
      %add3A_246 = arith.addf %get3A_241, %get3A_245 : vector<16xf32>
      %swap3A_247 = arith.index_cast %add3A_225 : i32 to index
      %swap3A_248 = arith.constant 16 : index
      %swap3A_249 = tpu.vector_load %arg9[%swap3A_247, %swap3A_248] {strides = array<i32>} : memref<128x64xf32, #tpu.memory_space<vmem>>, vector<1x16xf32>,
      %swap3A_250 = vector.shape_cast %swap3A_249 : vector<1x16xf32> to vector<16xf32>
      %swap3A_251 = vector.shape_cast %add3A_246 : vector<16xf32> to vector<1x16xf32>
      tpu.vector_store %arg9[%swap3A_247, %swap3A_248], %swap3A_251 {strides = array<i32>} : memref<128x64xf32, #tpu.memory_space<vmem>>, vector<1x16xf32>,
      %get3A_252 = arith.index_cast %add3A_225 : i32 to index
      %get3A_253 = arith.constant 32 : index
      %get3A_254 = tpu.vector_load %arg7[%get3A_252, %get3A_253] {strides = array<i32>} : memref<128x64xf32, #tpu.memory_space<vmem>>, vector<1x16xf32>,
      %get3A_255 = vector.shape_cast %get3A_254 : vector<1x16xf32> to vector<16xf32>
      %get3A_256 = arith.index_cast %scan3A_220 : i32 to index
      %get3A_257 = arith.constant 32 : index
      %get3A_258 = tpu.vector_load %arg8[%get3A_256, %get3A_257] {strides = array<i32>} : memref<64x128xf32, #tpu.memory_space<vmem>>, vector<1x16xf32>,
      %get3A_259 = vector.shape_cast %get3A_258 : vector<1x16xf32> to vector<16xf32>
      %add3A_260 = arith.addf %get3A_255, %get3A_259 : vector<16xf32>
      %swap3A_261 = arith.index_cast %add3A_225 : i32 to index
      %swap3A_262 = arith.constant 32 : index
      %swap3A_263 = tpu.vector_load %arg9[%swap3A_261, %swap3A_262] {strides = array<i32>} : memref<128x64xf32, #tpu.memory_space<vmem>>, vector<1x16xf32>,
      %swap3A_264 = vector.shape_cast %swap3A_263 : vector<1x16xf32> to vector<16xf32>
      %swap3A_265 = vector.shape_cast %add3A_260 : vector<16xf32> to vector<1x16xf32>
      tpu.vector_store %arg9[%swap3A_261, %swap3A_262], %swap3A_265 {strides = array<i32>} : memref<128x64xf32, #tpu.memory_space<vmem>>, vector<1x16xf32>,
      %get3A_266 = arith.index_cast %add3A_225 : i32 to index
      %get3A_267 = arith.constant 48 : index
      %get3A_268 = tpu.vector_load %arg7[%get3A_266, %get3A_267] {strides = array<i32>} : memref<128x64xf32, #tpu.memory_space<vmem>>, vector<1x16xf32>,
      %get3A_269 = vector.shape_cast %get3A_268 : vector<1x16xf32> to vector<16xf32>
      %get3A_270 = arith.index_cast %scan3A_220 : i32 to index
      %get3A_271 = arith.constant 48 : index
      %get3A_272 = tpu.vector_load %arg8[%get3A_270, %get3A_271] {strides = array<i32>} : memref<64x128xf32, #tpu.memory_space<vmem>>, vector<1x16xf32>,
      %get3A_273 = vector.shape_cast %get3A_272 : vector<1x16xf32> to vector<16xf32>
      %add3A_274 = arith.addf %get3A_269, %get3A_273 : vector<16xf32>
      %swap3A_275 = arith.index_cast %add3A_225 : i32 to index
      %swap3A_276 = arith.constant 48 : index
      %swap3A_277 = tpu.vector_load %arg9[%swap3A_275, %swap3A_276] {strides = array<i32>} : memref<128x64xf32, #tpu.memory_space<vmem>>, vector<1x16xf32>,
      %swap3A_278 = vector.shape_cast %swap3A_277 : vector<1x16xf32> to vector<16xf32>
      %swap3A_279 = vector.shape_cast %add3A_274 : vector<16xf32> to vector<1x16xf32>
      tpu.vector_store %arg9[%swap3A_275, %swap3A_276], %swap3A_279 {strides = array<i32>} : memref<128x64xf32, #tpu.memory_space<vmem>>, vector<1x16xf32>,
      %mul3A_280 = arith.constant 2 : i32
      %mul3A_281 = arith.muli %mul3A_280, %scan3A_220 : i32
      %add3A_282 = arith.constant 1 : i32
      %add3A_283 = arith.addi %mul3A_281, %add3A_282 : i32
      %get3A_284 = arith.index_cast %add3A_283 : i32 to index
      %get3A_285 = arith.constant 0 : index
      %get3A_286 = tpu.vector_load %arg7[%get3A_284, %get3A_285] {strides = array<i32>} : memref<128x64xf32, #tpu.memory_space<vmem>>, vector<1x16xf32>,
      %get3A_287 = vector.shape_cast %get3A_286 : vector<1x16xf32> to vector<16xf32>
      %get3A_288 = arith.index_cast %scan3A_220 : i32 to index
      %get3A_289 = arith.constant 64 : index
      %get3A_290 = tpu.vector_load %arg8[%get3A_288, %get3A_289] {strides = array<i32>} : memref<64x128xf32, #tpu.memory_space<vmem>>, vector<1x16xf32>,
      %get3A_291 = vector.shape_cast %get3A_290 : vector<1x16xf32> to vector<16xf32>
      %add3A_292 = arith.addf %get3A_287, %get3A_291 : vector<16xf32>
      %swap3A_293 = arith.index_cast %add3A_283 : i32 to index
      %swap3A_294 = arith.constant 0 : index
      %swap3A_295 = tpu.vector_load %arg9[%swap3A_293, %swap3A_294] {strides = array<i32>} : memref<128x64xf32, #tpu.memory_space<vmem>>, vector<1x16xf32>,
      %swap3A_296 = vector.shape_cast %swap3A_295 : vector<1x16xf32> to vector<16xf32>
      %swap3A_297 = vector.shape_cast %add3A_292 : vector<16xf32> to vector<1x16xf32>
      tpu.vector_store %arg9[%swap3A_293, %swap3A_294], %swap3A_297 {strides = array<i32>} : memref<128x64xf32, #tpu.memory_space<vmem>>, vector<1x16xf32>,
      %get3A_298 = arith.index_cast %add3A_283 : i32 to index
      %get3A_299 = arith.constant 16 : index
      %get3A_300 = tpu.vector_load %arg7[%get3A_298, %get3A_299] {strides = array<i32>} : memref<128x64xf32, #tpu.memory_space<vmem>>, vector<1x16xf32>,
      %get3A_301 = vector.shape_cast %get3A_300 : vector<1x16xf32> to vector<16xf32>
      %get3A_302 = arith.index_cast %scan3A_220 : i32 to index
      %get3A_303 = arith.constant 80 : index
      %get3A_304 = tpu.vector_load %arg8[%get3A_302, %get3A_303] {strides = array<i32>} : memref<64x128xf32, #tpu.memory_space<vmem>>, vector<1x16xf32>,
      %get3A_305 = vector.shape_cast %get3A_304 : vector<1x16xf32> to vector<16xf32>
      %add3A_306 = arith.addf %get3A_301, %get3A_305 : vector<16xf32>
      %swap3A_307 = arith.index_cast %add3A_283 : i32 to index
      %swap3A_308 = arith.constant 16 : index
      %swap3A_309 = tpu.vector_load %arg9[%swap3A_307, %swap3A_308] {strides = array<i32>} : memref<128x64xf32, #tpu.memory_space<vmem>>, vector<1x16xf32>,
      %swap3A_310 = vector.shape_cast %swap3A_309 : vector<1x16xf32> to vector<16xf32>
      %swap3A_311 = vector.shape_cast %add3A_306 : vector<16xf32> to vector<1x16xf32>
      tpu.vector_store %arg9[%swap3A_307, %swap3A_308], %swap3A_311 {strides = array<i32>} : memref<128x64xf32, #tpu.memory_space<vmem>>, vector<1x16xf32>,
      %get3A_312 = arith.index_cast %add3A_283 : i32 to index
      %get3A_313 = arith.constant 32 : index
      %get3A_314 = tpu.vector_load %arg7[%get3A_312, %get3A_313] {strides = array<i32>} : memref<128x64xf32, #tpu.memory_space<vmem>>, vector<1x16xf32>,
      %get3A_315 = vector.shape_cast %get3A_314 : vector<1x16xf32> to vector<16xf32>
      %get3A_316 = arith.index_cast %scan3A_220 : i32 to index
      %get3A_317 = arith.constant 96 : index
      %get3A_318 = tpu.vector_load %arg8[%get3A_316, %get3A_317] {strides = array<i32>} : memref<64x128xf32, #tpu.memory_space<vmem>>, vector<1x16xf32>,
      %get3A_319 = vector.shape_cast %get3A_318 : vector<1x16xf32> to vector<16xf32>
      %add3A_320 = arith.addf %get3A_315, %get3A_319 : vector<16xf32>
      %swap3A_321 = arith.index_cast %add3A_283 : i32 to index
      %swap3A_322 = arith.constant 32 : index
      %swap3A_323 = tpu.vector_load %arg9[%swap3A_321, %swap3A_322] {strides = array<i32>} : memref<128x64xf32, #tpu.memory_space<vmem>>, vector<1x16xf32>,
      %swap3A_324 = vector.shape_cast %swap3A_323 : vector<1x16xf32> to vector<16xf32>
      %swap3A_325 = vector.shape_cast %add3A_320 : vector<16xf32> to vector<1x16xf32>
      tpu.vector_store %arg9[%swap3A_321, %swap3A_322], %swap3A_325 {strides = array<i32>} : memref<128x64xf32, #tpu.memory_space<vmem>>, vector<1x16xf32>,
      %get3A_326 = arith.index_cast %add3A_283 : i32 to index
      %get3A_327 = arith.constant 48 : index
      %get3A_328 = tpu.vector_load %arg7[%get3A_326, %get3A_327] {strides = array<i32>} : memref<128x64xf32, #tpu.memory_space<vmem>>, vector<1x16xf32>,
      %get3A_329 = vector.shape_cast %get3A_328 : vector<1x16xf32> to vector<16xf32>
      %get3A_330 = arith.index_cast %scan3A_220 : i32 to index
      %get3A_331 = arith.constant 112 : index
      %get3A_332 = tpu.vector_load %arg8[%get3A_330, %get3A_331] {strides = array<i32>} : memref<64x128xf32, #tpu.memory_space<vmem>>, vector<1x16xf32>,
      %get3A_333 = vector.shape_cast %get3A_332 : vector<1x16xf32> to vector<16xf32>
      %add3A_334 = arith.addf %get3A_329, %get3A_333 : vector<16xf32>
      %swap3A_335 = arith.index_cast %add3A_283 : i32 to index
      %swap3A_336 = arith.constant 48 : index
      %swap3A_337 = tpu.vector_load %arg9[%swap3A_335, %swap3A_336] {strides = array<i32>} : memref<128x64xf32, #tpu.memory_space<vmem>>, vector<1x16xf32>,
      %swap3A_338 = vector.shape_cast %swap3A_337 : vector<1x16xf32> to vector<16xf32>
      %swap3A_339 = vector.shape_cast %add3A_334 : vector<16xf32> to vector<1x16xf32>
      tpu.vector_store %arg9[%swap3A_335, %swap3A_336], %swap3A_339 {strides = array<i32>} : memref<128x64xf32, #tpu.memory_space<vmem>>, vector<1x16xf32>,
      %scan3A_340 = arith.constant 0 : i32
      scf.yield %scan3A_340 : i32
    }
    %scan3A_217 = arith.constant 64 : i32
    %add3A_218 = arith.constant 384 : i32
    %add3A_219 = arith.addi %multiple_of3A, %add3A_218 : i32
    "tpu.region"() ({
      %run_scoped3A = tpu.sem_alloc : memref<!tpu.dma_semaphore, #tpu.memory_space<semaphore_mem>>
      %dma_start3A_220 = arith.constant 0 : i32
      %dma_start3A_221 = tpu.memref_slice %arg5[%add3A_219, %dma_start3A_220] : memref<16384x64xf32, #tpu.memory_space<hbm>> -> memref<128x64xf32, #tpu.memory_space<hbm>>
      %dma_start3A_222 = arith.constant 0 : i32
      %dma_start3A_223 = tpu.memref_slice %arg5[%add3A_219, %dma_start3A_222] : memref<16384x64xf32, #tpu.memory_space<hbm>> -> memref<128x64xf32, #tpu.memory_space<hbm>>
      tpu.enqueue_dma source(%arg9 : memref<128x64xf32, #tpu.memory_space<vmem>>) target(%dma_start3A_223 : memref<128x64xf32, #tpu.memory_space<hbm>>) target_semaphore(%run_scoped3A : memref<!tpu.dma_semaphore, #tpu.memory_space<semaphore_mem>>)
      %dma_wait3A_224 = arith.constant 0 : i32
      %dma_wait3A_225 = tpu.memref_slice %arg5[%add3A_219, %dma_wait3A_224] : memref<16384x64xf32, #tpu.memory_space<hbm>> -> memref<128x64xf32, #tpu.memory_space<hbm>>
      %dma_wait3A_226 = arith.constant 0 : i32
      %dma_wait3A_227 = tpu.memref_slice %arg5[%add3A_219, %dma_wait3A_226] : memref<16384x64xf32, #tpu.memory_space<hbm>> -> memref<128x64xf32, #tpu.memory_space<hbm>>
      tpu.wait_dma2 semaphore(%run_scoped3A : memref<!tpu.dma_semaphore, #tpu.memory_space<semaphore_mem>>) src(%arg9 : memref<128x64xf32, #tpu.memory_space<vmem>>) dst(%dma_wait3A_227 : memref<128x64xf32, #tpu.memory_space<hbm>>)
      tpu.yield
    }) : () -> ()
    return
  }
}

</mosaic_0001>

<sc_bundles>
// kernel: kernel.4.cloned.1.call-start
scs
__scs_entry_jumppad:
0x0: {  	(pc) =	sbr.rel $0x88, $3  }
0x1: {  	(tag) =	ssettag $0x0;
	lr =	simm.s32 $0x1  }
0x2: {  	[smem:$0x3F99] =	sst lr;
	_ =	strace $0xD0000000  }
0x3: {  	_ = 	snop  }
0x4: {  	_ = 	snop  }
0x5: {  	_ = 	snop  }
0x6: {  	_ = 	snop  }
0x7: {  	_ = 	snop  }
__scs_overlays_trampoline_lowered:
0x8: {  	[smem:$0x3FA8] =	sst s0  }
0x9: {  	[smem:$0x3FA9] =	sst s1  }
0xa: {  	[smem:$0x3FAA] =	sst s2  }
0xb: {  	[smem:$0x3FAB] =	sst s3  }
0xc: {  	[smem:$0x3FAC] =	sst s4  }
0xd: {  	[smem:$0x3FAD] =	sst s5  }
0xe: {  	[smem:$0x3FAE] =	sst s6  }
0xf: {  	[smem:$0x3FAF] =	sst s7  }
0x10: {  	[smem:$0x3FB0] =	sst s8  }
0x11: {  	[smem:$0x3FB1] =	sst s9;
	s0 =	simm.s32 @!p0 $0x0  }
0x12: {  	s1 =	sld [smem:$0x3F97];
	s0 =	simm.s32 @p0 $0x1  }
0x13: {  	[smem:$0x3FB2] =	sst s0;
	s0 =	simm.s32 @!p1 $0x0  }
0x14: {  	s2 =	sld [smem:$0x3F96];
	s0 =	simm.s32 @p1 $0x1  }
0x15: {  	[smem:$0x3FB3] =	sst s0;
	s0 =	simm.s32 @!p2 $0x0  }
0x16: {  	s3 =	sld [smem:$0x3FDB];
	s0 =	simm.s32 @p2 $0x1  }
0x17: {  	s4 =	simm.s32 $0x1BF5;
	[smem:$0x3FB5] =	sst s0  }
0x18: {  	s0 =	sld [smem:$0x3F98];
	_ =	swait.ge [sflag:s4], $0x0  }
0x19: {  	s7 =	sld [smem:$0x3F99]  }
0x1a: {  	s8 =	sadd.s32 $0xFFFFE003, lr  }
0x1b: {  	s9 =	sadd.s32 $0xFFFFFEF7, lr;
	s5 =	simm.s32 $0xFFFFFFFF;
	p2 =	slt.u32 s8, $0xFFFFF086  }
0x1c: {  	p1 =	slt.u32 s9, $0xF7A;
	s5 =	simm.s32 @!p2 $0x0  }
0x1d: {  	s5 =	simm.s32 @p1 $0x1;
	p0 =	seq.s32 s7, s2  }
0x1e: {  	s7 =	smul.u32 @!p0 $0xF7A, s2;
	p2 =	seq.s32 @!p0 s5, $0x0  }
0x1f: {  	s9 =	smul.u32 $0xF7A, s1;
	s8 =	simm.s32 @!p0 $0x1BF5;
	p2 =	por !p2, p0  }
0x20: {  	[sflag:s8] =	ssyncset.s32 @!p0 $0xFFFFF086;
	s6 =	sadd.s32 @!p0 s3, s7;
	s7 =	simm.s32 @!p0 $0x108  }
0x21: {  	s3 =	sadd.s32 s3, s9;
	s6 =	sadd.s32 @!p0 $0x88, s6;
	s7 =	simm.s32 @p2 $0x1082  }
0x22: {  	[simem:s7], [sflag:s8] =	dma.local @!p0 [hbm:s6], $0xF7A  }
0x23: {  	s9 =	sor.u32 $0xD0000000, s2;
	s6 =	simm.s32 $0x108;
	_ =	swait.ge @!p0 [sflag:s8], $0x0  }
0x24: {  	s3 =	sadd.s32 $0x88, s3;
	s6 =	simm.s32 @!p1 $0x1082;
	[sflag:s4] =	ssyncset.s32 $0xFFFFF086  }
0x25: {  	[simem:s6], [sflag:s4] =	dma.local [hbm:s3], $0xF7A  }
0x26: {  	[smem:$0x3F99] =	sst s1;
	(tag) =	ssettag s2;
	_ =	strace s9  }
0x27: {  	s1 =	sld [smem:$0x3FA9]  }
0x28: {  	s2 =	sld [smem:$0x3FAA]  }
0x29: {  	s4 =	sld [smem:$0x3FAC]  }
0x2a: {  	p0 =	seq.s32 s5, $0x0;
	s5 =	sld [smem:$0x3FAD]  }
0x2b: {  	s6 =	sld [smem:$0x3FAE]  }
0x2c: {  	s7 =	sld [smem:$0x3FAF]  }
0x2d: {  	s3 =	simm.s32 $0x108;
	s8 =	sld [smem:$0x3FB0]  }
0x2e: {  	s3 =	simm.s32 @!p0 $0x1082;
	s9 =	sld [smem:$0x3FB1]  }
0x2f: {  	lr =	sadd.s32 s0, s3;
	s0 =	sld [smem:$0x3FA8]  }
0x30: {  	s3 =	sld [smem:$0x3FAB]  }
0x31: {  	[smem:$0x3FB4] =	sst s10  }
0x32: {  	s10 =	sld [smem:$0x3FB2];
	_ =	sdelay $0x3  }
0x33: {  	p0 =	seq.s32 s10, $0x1;
	s10 =	sld [smem:$0x3FB4];
	_ =	sdelay $0x3  }
0x34: {  	[smem:$0x3FB4] =	sst s10  }
0x35: {  	s10 =	sld [smem:$0x3FB3];
	_ =	sdelay $0x3  }
0x36: {  	p1 =	seq.s32 s10, $0x1;
	s10 =	sld [smem:$0x3FB4];
	_ =	sdelay $0x3  }
0x37: {  	[smem:$0x3FB4] =	sst s10  }
0x38: {  	s10 =	sld [smem:$0x3FB5]  }
0x39: {  	_ = 	snop;
	(pc) =	sbr.ind lr, $3  }
0x3a: {  	_ = 	snop  }
0x3b: {  	_ = 	snop  }
0x3c: {  	p2 =	seq.s32 s10, $0x1;
	s10 =	sld [smem:$0x3FB4]  }
0x3d: {  	_ =	shalt  }
0x3e: {  	_ =	shalt  }
0x3f: {  	_ =	shalt  }
0x40: {  	_ =	shalt  }
0x41: {  	_ =	shalt  }
0x42: {  	_ =	shalt  }
0x43: {  	_ =	shalt  }
0x44: {  	_ =	shalt  }
0x45: {  	_ =	shalt  }
0x46: {  	_ =	shalt  }
0x47: {  	_ =	shalt  }
0x48: {  	_ =	shalt  }
0x49: {  	_ =	shalt  }
0x4a: {  	_ =	shalt  }
0x4b: {  	_ =	shalt  }
0x4c: {  	_ =	shalt  }
0x4d: {  	_ =	shalt  }
0x4e: {  	_ =	shalt  }
0x4f: {  	_ =	shalt  }
0x50: {  	_ =	shalt  }
0x51: {  	_ =	shalt  }
0x52: {  	_ =	shalt  }
0x53: {  	_ =	shalt  }
0x54: {  	_ =	shalt  }
0x55: {  	_ =	shalt  }
0x56: {  	_ =	shalt  }
0x57: {  	_ =	shalt  }
0x58: {  	_ =	shalt  }
0x59: {  	_ =	shalt  }
0x5a: {  	_ =	shalt  }
0x5b: {  	_ =	shalt  }
0x5c: {  	_ =	shalt  }
0x5d: {  	_ =	shalt  }
0x5e: {  	_ =	shalt  }
0x5f: {  	_ =	shalt  }
0x60: {  	_ =	shalt  }
0x61: {  	_ =	shalt  }
0x62: {  	_ =	shalt  }
0x63: {  	_ =	shalt  }
0x64: {  	_ =	shalt  }
0x65: {  	_ =	shalt  }
0x66: {  	_ =	shalt  }
0x67: {  	_ =	shalt  }
0x68: {  	_ =	shalt  }
0x69: {  	_ =	shalt  }
0x6a: {  	_ =	shalt  }
0x6b: {  	_ =	shalt  }
0x6c: {  	_ =	shalt  }
0x6d: {  	_ =	shalt  }
0x6e: {  	_ =	shalt  }
0x6f: {  	_ =	shalt  }
0x70: {  	_ =	shalt  }
0x71: {  	_ =	shalt  }
0x72: {  	_ =	shalt  }
0x73: {  	_ =	shalt  }
0x74: {  	_ =	shalt  }
0x75: {  	_ =	shalt  }
0x76: {  	_ =	shalt  }
0x77: {  	_ =	shalt  }
0x78: {  	_ =	shalt  }
0x79: {  	_ =	shalt  }
0x7a: {  	_ =	shalt  }
0x7b: {  	_ =	shalt  }
0x7c: {  	_ =	shalt  }
0x7d: {  	_ =	shalt  }
0x7e: {  	_ =	shalt  }
0x7f: {  	_ =	shalt  }
0x80: {  	_ =	shalt  }
0x81: {  	_ =	shalt  }
0x82: {  	_ =	shalt  }
0x83: {  	_ =	shalt  }
0x84: {  	_ =	shalt  }
0x85: {  	_ =	shalt  }
0x86: {  	_ =	shalt  }
0x87: {  	_ =	shalt  }
.Lfunc_end0:
.L_simem_size_0:
called_computation_lowered:
.L_overlay_start_0:
0x88: {  	s2 =	sld [smem:$0x3FD9]  }
0x89: {  	s3 =	sld [smem:$0x3FFE];
	_ =	sdelay $0x1  }
0x8a: {  	s1 =	srdreg.scid  }
0x8b: {  	s0 =	sand.u32 $0x1, s1  }
0x8c: {  	s17 =	sshll.u32 s0, $0xA;
	s2 =	sadd.s32 s3, s2  }
0x8d: {  	s2 =	sadd.s32 s2, s17  }
0x8e: {  	[smem:$0x3FC0] =	sst s2  }
0x8f: {  	_ = 	snop  }
0x90: {  	s2 =	sld [smem:$0x3FC9]  }
0x91: {  	s18 =	sld [smem:$0x3FC8]  }
0x92: {  	s4 =	sld [smem:$0x3FC7]  }
0x93: {  	s5 =	sld [smem:$0x3FD0];
	(tm) =	ssettm $0x1  }
0x94: {  	s6 =	sld [smem:$0x3FFB];
	_ =	sdelay $0x3  }
0x95: {  	_ =	strace s6  }
0x96: {  	s6 =	sld [smem:$0x3FFC];
	_ =	sdelay $0x3  }
0x97: {  	_ =	strace s6  }
0x98: {  	s6 =	sld [smem:$0x3FFD];
	_ =	sdelay $0x3  }
0x99: {  	_ =	strace s6  }
0x9a: {  	_ =	strace $0x8FFFFFFF  }
0x9b: {  	s19 =	sld [smem:$0x3FDB];
	_ =	sdelay $0x1  }
0x9c: {  	s7 =	simm.s32 $_scs_section_size  }
0x9d: {  	s8 =	simm.s32 $_size__tile_overlayer_lowered;
	s9 =	simm.s32 $_tile_overlayer_lowered  }
0x9e: {  	s22 =	simm.s32 $0x1BFF;
	s21 =	sshll.u32 s9, $0x1;
	s6 =	sadd.s32 s7, s19  }
0x9f: {  	s10 =	simm.s32 $0x0;
	s20 =	sshll.u32 s8, $0x1;
	s8 =	sadd.s32 s21, s6  }
0xa0: {  	[timem:s10], [sflag:s22] =	dma.local [hbm:s8], s20  }
0xa1: {  	_ =	swait.ge [sflag:s22], s20  }
0xa2: {  	s7 =	ssub.s32 $0x0, s20;
	[sflag:s22] =	ssyncset.done $0x0  }
0xa3: {  	[sflag:s22] =	ssyncadd.s32 s7;
	_ =	sdelay $0x1  }
0xa4: {  	s23 =	simm.s32 $0x1B8B  }
0xa5: {  	_ =	swait.ge [sflag:s23], $0x1  }
0xa6: {  	[sflag:s23] =	ssyncset.done $0x0  }
0xa7: {  	s25 =	simm.s32 $0x1B8E;
	s24 =	sld [smem:$0x3FFE];
	[sflag:s23] =	ssyncadd.s32 $0xFFFFFFFF  }
0xa8: {  	s26 =	simm.s32 $execute0_lowered;
	[smem:$0x3FD2] =	sst s25  }
0xa9: {  	s8 =	sshll.u32 s26, $0x1;
	_ =	strace $0x80000046;
	[dreg:$0x1] =	wrdreg $0xFFFFFFFF  }
0xaa: {  	s28 =	simm.s32 $_size_execute0_lowered;
	s6 =	sadd.s32 s6, s8;
	[dreg:$0x0] =	wrdreg $0x0  }
0xab: {  	s8 =	sshll.u32 s28, $0x1;
	[dreg:$0x2] =	wrdreg s6  }
0xac: {  	[dreg:$0x3] =	wrdreg s8  }
0xad: {  	[dreg:$0x4] =	wrdreg $0xC0  }
0xae: {  	_ =	task [dreg:s10], $0x5FFFF  }
0xaf: {  	[dreg:$0x1] =	wrdreg $0xFFFFFFFF  }
0xb0: {  	[dreg:$0x0] =	wrdreg $0x60  }
0xb1: {  	[dreg:$0x2] =	wrdreg s2  }
0xb2: {  	[dreg:$0x3] =	wrdreg s18  }
0xb3: {  	[dreg:$0x4] =	wrdreg s4  }
0xb4: {  	[dreg:$0x5] =	wrdreg s24  }
0xb5: {  	[dreg:$0x6] =	wrdreg s5  }
0xb6: {  	[dreg:$0x7] =	wrdreg $0x9  }
0xb7: {  	_ =	task.clear_ibuf [dreg:s10], $0x8FFFF;
	_ =	strace $0x90000046  }
0xb8: {  	s29 =	simm.s32 $0x9;
	_ =	strace $0x80000048  }
0xb9: {  	_ =	swait.ge [sflag:s29], $0x1  }
0xba: {  	[sflag:s29] =	ssyncadd.s32 $0xFFFFFFFF  }
0xbb: {  	_ =	strace $0x90000048  }
0xbc: {  	_ =	sfence  }
0xbd: {  	s30 =	sld [smem:$0x0];
	_ =	sdelay $0x2  }
0xbe: {  	s31 =	sshll.u32 s1, $0xD;
	s1 =	sshrl.u32 s1, $0x2  }
0xbf: {  	s3 =	sand.u32 $0x4000, s31;
	s1 =	sadd.s32 s1, s30  }
0xc0: {  	s0 =	sor.u32 s3, s0;
	s1 =	sshll.u32 s1, $0x11  }
0xc1: {  	s0 =	sor.u32 s1, s0  }
0xc2: {  	s0 =	sadd.s32 $0x8F2B, s0  }
0xc3: {  	[sflag:s0] =	ssyncadd.remote.s32 $0x1  }
0xc4: {  	_ =	sfence.sel $0xFFFF  }
0xc5: {  	[dreg:$0x0] =	wrdreg $0xFFFFFFFF;
	(pc) =	sbr.abs _section_cstart, $3  }
0xc6: {  	[dreg:$0x1] =	wrdreg $0xFFFFFFFF  }
0xc7: {  	_ =	task.clear_ibuf [dreg:s10], $0x2FFFF;
	_ =	strace $0x9FFFFFFF  }
0xc8: {  	(tm) =	ssettm $0x7FFFFFFF  }
0xc9: {  	_ =	shalt  }
tec
execute0_lowered:
.L_overlay_start_1:
0x0: {  	(tag) =	ssettag $0x1  }
0x1: {  	s0 =	rddreg [dreg:$0x0]  }
0x2: {  	s2 =	rddreg [dreg:$0x1]  }
0x3: {  	s9 =	rddreg [dreg:$0x2]  }
0x4: {  	s5 =	rddreg [dreg:$0x3]  }
0x5: {  	s7 =	rddreg [dreg:$0x4];
	s1 =	simm.s32 $0x0;
	s4 =	srdreg.scid  }
0x6: {  	s8 =	stileid.u32;
	s14 =	simm.s32 $0x2;
	s15 =	simm.s32 $0x200  }
0x7: {  	s16 =	simm.s32 $0x400;
	s17 =	simm.s32 $0x80;
	s18 =	simm.s32 $0x600  }
0x8: {  	s19 =	simm.s32 $0x2600;
	s20 =	simm.s32 $0x4600;
	s21 =	simm.s32 $0x1  }
0x9: {  	s22 =	simm.s32 $0x6600;
	s25 =	simm.s32 $0x100;
	s28 =	simm.s32 $0x500  }
0xa: {  	s29 =	simm.s32 $0x180;
	s30 =	simm.s32 $0x380;
	s31 =	simm.s32 $0x580  }
0xb: {  	[smem:$0x7FF] =	sst s1;
	s3 =	sadd.s32 $0x800, s5;
	s6 =	sand.u32 $0x1, s4  }
0xc: {  	s4 =	sadd.s32 $0x2800, s5;
	s8 =	sshll.u32 s8, $0xA;
	s10 =	sshll.u32 s6, $0x9  }
0xd: {  	s5 =	sadd.s32 $0x4800, s5;
	s6 =	ssub.s32 $0x2, s6;
	s8 =	sor.u32 s10, s8  }
0xe: {  	_ =	strace $0x80000047;
	s26 =	sshrl.u32 s6, $0x1;
	s11 =	sshrl.u32 s8, $0x3  }
0xf: {  	s8 =	sshll.u32 s8, $0x3;
	s13 =	ssub.s32 s6, s26;
	s26 =	simm.s32 $0x300  }
0x10: {  	s6 =	sadd.s32 s0, s11;
	s7 =	sadd.s32 s7, s8;
	s8 =	sadd.s32 s2, s11  }
0x11: {  	s9 =	sadd.s32 s9, s11;
	s13 =	smax.u32 s13, $0x1;
	s0 =	simm.s32 $0x0  }
0x12: {  	s10 =	sadd.s32 $0x400, s7;
	s11 =	sadd.s32 $0x800, s7;
	s12 =	sadd.s32 $0xC00, s7  }
.LBB2_1:
0x13: {  	[tilespmem:s1], [sflag:$0x2] =	stream.linear.gather [hbm4b:s6+s1], $0x200, $0x38;
	[tilespmem:$0x8600] =	vst v63  }
0x14: {  	_ =	swait.ge [sflag:s14], $0x200  }
0x15: {  	[sflag:s14] =	ssyncset.done $0x0  }
0x16: {  	[sflag:s14] =	ssyncadd.s32 $0xFFFFFE00  }
0x17: {  	[tilespmem:s15], [sflag:$0x2] =	stream.linear.gather [hbm4b:s8+s1], $0x200, $0x38;
	[tilespmem:$0x8600] =	vst v63  }
0x18: {  	_ =	swait.ge [sflag:s14], $0x200  }
0x19: {  	[sflag:s14] =	ssyncset.done $0x0  }
0x1a: {  	[sflag:s14] =	ssyncadd.s32 $0xFFFFFE00  }
0x1b: {  	[tilespmem:s16], [sflag:$0x2] =	stream.linear.gather [hbm4b:s9+s1], $0x200, $0x38;
	[tilespmem:$0x8600] =	vst v63  }
0x1c: {  	_ =	swait.ge [sflag:s14], $0x200  }
0x1d: {  	[sflag:s14] =	ssyncset.done $0x0  }
0x1e: {  	[sflag:s14] =	ssyncadd.s32 $0xFFFFFE00  }
0x1f: {  	[tilespmem:s18], [sflag:$0x1] =	stream.indirect.gather [hbm4b:s3+s17], $0x40, s1, s17, $0xb8;
	[tilespmem:$0x8600] =	vst v63  }
0x20: {  	_ = 	snop  }
0x21: {  	[tilespmem:s19], [sflag:$0x1] =	stream.indirect.gather [hbm4b:s4+s17], $0x40, s15, s17, $0xb8;
	[tilespmem:$0x8600] =	vst v63  }
0x22: {  	_ = 	snop  }
0x23: {  	[tilespmem:s20], [sflag:$0x1] =	stream.indirect.gather [hbm4b:s5+s17], $0x40, s16, s17, $0xb8;
	[tilespmem:$0x8600] =	vst v63  }
0x24: {  	_ =	swait.ge [sflag:s21], $0x2000  }
0x25: {  	[sflag:s21] =	ssyncset.done $0x0  }
0x26: {  	[sflag:s21] =	ssyncadd.s32 $0xFFFFE000  }
0x27: {  	_ =	swait.ge [sflag:s21], $0x2000  }
0x28: {  	[sflag:s21] =	ssyncset.done $0x0  }
0x29: {  	[sflag:s21] =	ssyncadd.s32 $0xFFFFE000  }
0x2a: {  	_ =	swait.ge [sflag:s21], $0x2000  }
0x2b: {  	[sflag:s21] =	ssyncset.done $0x0  }
0x2c: {  	s2 =	simm.s32 $0x0;
	[sflag:s21] =	ssyncadd.s32 $0xFFFFE000  }
0x2d: {  	v0 =	vld [tilespmem:s2+$0x670]  }
0x2e: {  	v1 =	vld [tilespmem:s2+$0x2670]  }
0x2f: {  	v2 =	vld [tilespmem:s2+$0x600]  }
0x30: {  	v3 =	vld [tilespmem:s2+$0x4670]  }
0x31: {  	v4 =	vld [tilespmem:s2+$0x2600]  }
0x32: {  	v5 =	vld [tilespmem:s2+$0x610]  }
0x33: {  	v6 =	vld [tilespmem:s2+$0x2610]  }
0x34: {  	v7 =	vld [tilespmem:s2+$0x2620]  }
0x35: {  	v9 =	vld [tilespmem:s2+$0x2630]  }
0x36: {  	v10 =	vld [tilespmem:s2+$0x640]  }
0x37: {  	v11 =	vld [tilespmem:s2+$0x2640]  }
0x38: {  	v12 =	vld [tilespmem:s2+$0x650]  }
0x39: {  	v13 =	vld [tilespmem:s2+$0x2650]  }
0x3a: {  	v14 =	vld [tilespmem:s2+$0x660]  }
0x3b: {  	v15 =	vld [tilespmem:s2+$0x2660]  }
0x3c: {  	v16 =	vld [tilespmem:s2+$0x4600]  }
0x3d: {  	v0 =	vadd.f32 v1, v0;
	v1 =	vld [tilespmem:s2+$0x620]  }
0x3e: {  	v17 =	vld [tilespmem:s2+$0x4610]  }
0x3f: {  	v0 =	vadd.f32 v3, v0;
	v3 =	vld [tilespmem:s2+$0x630]  }
0x40: {  	v18 =	vld [tilespmem:s2+$0x4620]  }
0x41: {  	v8 =	vld [tilespmem:s2+$0x4630];
	v2 =	vadd.f32 v4, v2;
	v19 =	vadd.f32 v6, v5  }
0x42: {  	v5 =	vld [tilespmem:s2+$0x4640];
	v4 =	vadd.f32 v13, v12;
	v20 =	vadd.f32 v7, v1  }
0x43: {  	v6 =	vld [tilespmem:s2+$0x4650];
	v1 =	vadd.f32 v11, v10;
	v10 =	vadd.f32 v16, v2  }
0x44: {  	s23 =	simm.s32 $0x80;
	[tilespmem:s2+$0x6670] =	vst v0;
	v7 =	vld [tilespmem:s2+$0x4660];
	v0 =	vadd.f32 v9, v3;
	v9 =	vadd.f32 v17, v19  }
0x45: {  	s24 =	simm.s32 $0x400;
	v2 =	vadd.f32 v15, v14;
	v3 =	vld [tilespmem:s23+$0x670];
	[tilespmem:s2+$0x6600] =	vst v10;
	v10 =	vadd.f32 v18, v20  }
.LBB2_2:
0x46: {  	p0 =	sne.s32 s24, $0x7E00;
	v11 =	vld [tilespmem:s23+$0x2670];
	[tilespmem:s2+$0x6610] =	vst v9;
	v0 =	vadd.f32 v8, v0  }
0x47: {  	v8 =	vld [tilespmem:s23+$0x600];
	[tilespmem:s2+$0x6620] =	vst v10;
	v1 =	vadd.f32 v5, v1  }
0x48: {  	v5 =	vld [tilespmem:s23+$0x4670];
	[tilespmem:s2+$0x6630] =	vst v0;
	v0 =	vadd.f32 v6, v4  }
0x49: {  	v4 =	vld [tilespmem:s23+$0x2600];
	[tilespmem:s2+$0x6640] =	vst v1;
	v1 =	vadd.f32 v7, v2  }
0x4a: {  	v2 =	vld [tilespmem:s23+$0x610];
	[tilespmem:s2+$0x6650] =	vst v0  }
0x4b: {  	v0 =	vld [tilespmem:s23+$0x2610];
	v3 =	vadd.f32 v11, v3;
	[tilespmem:s2+$0x6660] =	vst v1;
	s2 =	smov.u32 s23  }
0x4c: {  	v1 =	vld [tilespmem:s2+$0x620]  }
0x4d: {  	v6 =	vld [tilespmem:s2+$0x2620];
	v3 =	vadd.f32 v5, v3  }
0x4e: {  	v7 =	vadd.f32 v4, v8;
	v4 =	vld [tilespmem:s2+$0x630]  }
0x4f: {  	v5 =	vld [tilespmem:s2+$0x2630];
	[tilespmem:s2+$0x6670] =	vst v3  }
0x50: {  	v3 =	vadd.f32 v0, v2;
	v2 =	vld [tilespmem:s2+$0x640]  }
0x51: {  	v8 =	vld [tilespmem:s2+$0x2640]  }
0x52: {  	v10 =	vadd.f32 v6, v1;
	v6 =	vld [tilespmem:s2+$0x650]  }
0x53: {  	v9 =	vld [tilespmem:s2+$0x2650]  }
0x54: {  	v0 =	vadd.f32 v5, v4;
	v11 =	vld [tilespmem:s2+$0x660]  }
0x55: {  	v12 =	vld [tilespmem:s2+$0x2660]  }
0x56: {  	v13 =	vld [tilespmem:s2+$0x4600];
	v1 =	vadd.f32 v8, v2  }
0x57: {  	v14 =	vld [tilespmem:s2+$0x4610]  }
0x58: {  	v15 =	vld [tilespmem:s2+$0x4620];
	v4 =	vadd.f32 v9, v6  }
.Ltmp0:
0x59: {  	v8 =	vld [tilespmem:s2+$0x4630];
	(pc) =	sbr.rel @p0 .LBB2_2-.Ltmp0, $4  }
0x5a: {  	v5 =	vld [tilespmem:s2+$0x4640];
	v2 =	vadd.f32 v12, v11  }
0x5b: {  	v11 =	vadd.f32 v13, v7;
	v6 =	vld [tilespmem:s2+$0x4650]  }
0x5c: {  	s23 =	sshra.s32 s24, $0x2;
	v9 =	vadd.f32 v14, v3;
	v7 =	vld [tilespmem:s2+$0x4660]  }
0x5d: {  	s24 =	sadd.s32 $0x200, s24;
	v3 =	vld [tilespmem:s23+$0x670];
	[tilespmem:s2+$0x6600] =	vst v11;
	v10 =	vadd.f32 v15, v10  }
0x5e: {  	v11 =	vld [tilespmem:s23+$0x2670];
	[tilespmem:s2+$0x6610] =	vst v9;
	v0 =	vadd.f32 v8, v0  }
0x5f: {  	v9 =	vld [tilespmem:s23+$0x600];
	[tilespmem:s2+$0x6620] =	vst v10;
	v1 =	vadd.f32 v5, v1  }
0x60: {  	v8 =	vld [tilespmem:s23+$0x4670];
	[tilespmem:s2+$0x6630] =	vst v0;
	v4 =	vadd.f32 v6, v4  }
0x61: {  	v0 =	vld [tilespmem:s23+$0x2600];
	[tilespmem:s2+$0x6640] =	vst v1;
	v2 =	vadd.f32 v7, v2  }
0x62: {  	v1 =	vld [tilespmem:s23+$0x610];
	[tilespmem:s2+$0x6650] =	vst v4  }
0x63: {  	v4 =	vld [tilespmem:s23+$0x2610];
	[tilespmem:s2+$0x6660] =	vst v2  }
0x64: {  	v2 =	vadd.f32 v11, v3;
	v3 =	vld [tilespmem:s23+$0x620]  }
0x65: {  	v5 =	vld [tilespmem:s23+$0x2620]  }
0x66: {  	v6 =	vld [tilespmem:s23+$0x630]  }
0x67: {  	v7 =	vld [tilespmem:s23+$0x2630]  }
0x68: {  	v10 =	vld [tilespmem:s23+$0x650]  }
0x69: {  	v11 =	vld [tilespmem:s23+$0x2650]  }
0x6a: {  	v12 =	vld [tilespmem:s23+$0x660]  }
0x6b: {  	v13 =	vld [tilespmem:s23+$0x2660]  }
0x6c: {  	v14 =	vld [tilespmem:s23+$0x4600]  }
0x6d: {  	v15 =	vld [tilespmem:s23+$0x4610]  }
0x6e: {  	v16 =	vld [tilespmem:s23+$0x4620];
	v2 =	vadd.f32 v8, v2  }
0x6f: {  	v8 =	vld [tilespmem:s23+$0x2640]  }
0x70: {  	[tilespmem:s23+$0x6670] =	vst v2;
	v2 =	vld [tilespmem:s23+$0x640]  }
0x71: {  	v0 =	vadd.f32 v0, v9;
	v9 =	vld [tilespmem:s23+$0x4630]  }
0x72: {  	v1 =	vadd.f32 v4, v1;
	v4 =	vld [tilespmem:s23+$0x4640]  }
0x73: {  	v3 =	vadd.f32 v5, v3;
	v0 =	vadd.f32 v14, v0;
	v5 =	vld [tilespmem:s23+$0x4650]  }
0x74: {  	v6 =	vadd.f32 v7, v6;
	v7 =	vld [tilespmem:s23+$0x4660];
	v1 =	vadd.f32 v15, v1  }
0x75: {  	[tilespmem:s23+$0x6600] =	vst v0;
	v0 =	vadd.f32 v16, v3;
	v2 =	vadd.f32 v8, v2  }
0x76: {  	v3 =	vadd.f32 v11, v10;
	[tilespmem:s23+$0x6610] =	vst v1;
	v1 =	vadd.f32 v9, v6  }
0x77: {  	v6 =	vadd.f32 v13, v12;
	[tilespmem:s23+$0x6620] =	vst v0;
	v0 =	vadd.f32 v4, v2  }
0x78: {  	[tilespmem:s23+$0x6630] =	vst v1;
	v1 =	vadd.f32 v5, v3  }
0x79: {  	[tilespmem:s23+$0x6640] =	vst v0;
	v0 =	vadd.f32 v7, v6  }
0x7a: {  	[tilespmem:s23+$0x6650] =	vst v1  }
0x7b: {  	s24 =	simm.s32 $0x0;
	[tilespmem:s23+$0x6660] =	vst v0  }
0x7c: {  	[hbm4b:s7+s24] =	stream.linear.scatter [tilespmem:s22], [sflag:$0x2], $0x2000, $0x38;
	[tilespmem:$0x8600] =	vst v63  }
0x7d: {  	_ =	swait.ge [sflag:s14], $0x2000  }
0x7e: {  	[sflag:s14] =	ssyncset.done $0x0  }
0x7f: {  	[sflag:s14] =	ssyncadd.s32 $0xFFFFE000  }
0x80: {  	[tilespmem:s18], [sflag:$0x1] =	stream.indirect.gather [hbm4b:s3+s17], $0x40, s17, s17, $0xb8;
	[tilespmem:$0x8600] =	vst v63  }
0x81: {  	s23 =	simm.s32 $0x280  }
0x82: {  	[tilespmem:s19], [sflag:$0x1] =	stream.indirect.gather [hbm4b:s4+s17], $0x40, s23, s17, $0xb8;
	[tilespmem:$0x8600] =	vst v63  }
0x83: {  	s24 =	simm.s32 $0x480  }
0x84: {  	[tilespmem:s20], [sflag:$0x1] =	stream.indirect.gather [hbm4b:s5+s17], $0x40, s24, s17, $0xb8;
	[tilespmem:$0x8600] =	vst v63  }
0x85: {  	_ =	swait.ge [sflag:s21], $0x2000  }
0x86: {  	[sflag:s21] =	ssyncset.done $0x0  }
0x87: {  	[sflag:s21] =	ssyncadd.s32 $0xFFFFE000  }
0x88: {  	_ =	swait.ge [sflag:s21], $0x2000  }
0x89: {  	[sflag:s21] =	ssyncset.done $0x0  }
0x8a: {  	[sflag:s21] =	ssyncadd.s32 $0xFFFFE000  }
0x8b: {  	_ =	swait.ge [sflag:s21], $0x2000  }
0x8c: {  	[sflag:s21] =	ssyncset.done $0x0  }
0x8d: {  	s2 =	simm.s32 $0x0;
	[sflag:s21] =	ssyncadd.s32 $0xFFFFE000  }
0x8e: {  	v0 =	vld [tilespmem:s2+$0x670]  }
0x8f: {  	v1 =	vld [tilespmem:s2+$0x2670]  }
0x90: {  	v2 =	vld [tilespmem:s2+$0x600]  }
0x91: {  	v3 =	vld [tilespmem:s2+$0x4670]  }
0x92: {  	v4 =	vld [tilespmem:s2+$0x2600]  }
0x93: {  	v5 =	vld [tilespmem:s2+$0x610]  }
0x94: {  	v6 =	vld [tilespmem:s2+$0x2610]  }
0x95: {  	v7 =	vld [tilespmem:s2+$0x2620]  }
0x96: {  	v9 =	vld [tilespmem:s2+$0x2630]  }
0x97: {  	v10 =	vld [tilespmem:s2+$0x640]  }
0x98: {  	v11 =	vld [tilespmem:s2+$0x2640]  }
0x99: {  	v59 =	vld [tilespmem:s2+$0x650]  }
0x9a: {  	v60 =	vld [tilespmem:s2+$0x2650]  }
0x9b: {  	v61 =	vld [tilespmem:s2+$0x660]  }
0x9c: {  	v62 =	vld [tilespmem:s2+$0x2660]  }
0x9d: {  	v63 =	vld [tilespmem:s2+$0x4600]  }
0x9e: {  	v0 =	vadd.f32 v1, v0;
	v1 =	vld [tilespmem:s2+$0x620]  }
0x9f: {  	v17 =	vld [tilespmem:s2+$0x4610]  }
0xa0: {  	v0 =	vadd.f32 v3, v0;
	v3 =	vld [tilespmem:s2+$0x630]  }
0xa1: {  	v18 =	vld [tilespmem:s2+$0x4620]  }
0xa2: {  	v8 =	vld [tilespmem:s2+$0x4630];
	v2 =	vadd.f32 v4, v2;
	v19 =	vadd.f32 v6, v5  }
0xa3: {  	v5 =	vld [tilespmem:s2+$0x4640];
	v4 =	vadd.f32 v60, v59;
	v20 =	vadd.f32 v7, v1  }
0xa4: {  	v6 =	vld [tilespmem:s2+$0x4650];
	v1 =	vadd.f32 v11, v10;
	v10 =	vadd.f32 v63, v2  }
0xa5: {  	s23 =	simm.s32 $0x80;
	[tilespmem:s2+$0x6670] =	vst v0;
	v7 =	vld [tilespmem:s2+$0x4660];
	v0 =	vadd.f32 v9, v3;
	v9 =	vadd.f32 v17, v19  }
0xa6: {  	s24 =	simm.s32 $0x400;
	v2 =	vadd.f32 v62, v61;
	v3 =	vld [tilespmem:s23+$0x670];
	[tilespmem:s2+$0x6600] =	vst v10;
	v10 =	vadd.f32 v18, v20  }
.LBB2_4:
0xa7: {  	p0 =	sne.s32 s24, $0x7E00;
	v11 =	vld [tilespmem:s23+$0x2670];
	[tilespmem:s2+$0x6610] =	vst v9;
	v0 =	vadd.f32 v8, v0  }
0xa8: {  	v8 =	vld [tilespmem:s23+$0x600];
	[tilespmem:s2+$0x6620] =	vst v10;
	v1 =	vadd.f32 v5, v1  }
0xa9: {  	v5 =	vld [tilespmem:s23+$0x4670];
	[tilespmem:s2+$0x6630] =	vst v0;
	v0 =	vadd.f32 v6, v4  }
0xaa: {  	v4 =	vld [tilespmem:s23+$0x2600];
	[tilespmem:s2+$0x6640] =	vst v1;
	v1 =	vadd.f32 v7, v2  }
0xab: {  	v2 =	vld [tilespmem:s23+$0x610];
	[tilespmem:s2+$0x6650] =	vst v0  }
0xac: {  	v0 =	vld [tilespmem:s23+$0x2610];
	v3 =	vadd.f32 v11, v3;
	[tilespmem:s2+$0x6660] =	vst v1;
	s2 =	smov.u32 s23  }
0xad: {  	v1 =	vld [tilespmem:s2+$0x620]  }
0xae: {  	v6 =	vld [tilespmem:s2+$0x2620];
	v3 =	vadd.f32 v5, v3  }
0xaf: {  	v7 =	vadd.f32 v4, v8;
	v4 =	vld [tilespmem:s2+$0x630]  }
0xb0: {  	v5 =	vld [tilespmem:s2+$0x2630];
	[tilespmem:s2+$0x6670] =	vst v3  }
0xb1: {  	v3 =	vadd.f32 v0, v2;
	v2 =	vld [tilespmem:s2+$0x640]  }
0xb2: {  	v8 =	vld [tilespmem:s2+$0x2640]  }
0xb3: {  	v10 =	vadd.f32 v6, v1;
	v6 =	vld [tilespmem:s2+$0x650]  }
0xb4: {  	v9 =	vld [tilespmem:s2+$0x2650]  }
0xb5: {  	v0 =	vadd.f32 v5, v4;
	v11 =	vld [tilespmem:s2+$0x660]  }
0xb6: {  	v12 =	vld [tilespmem:s2+$0x2660]  }
0xb7: {  	v13 =	vld [tilespmem:s2+$0x4600];
	v1 =	vadd.f32 v8, v2  }
0xb8: {  	v14 =	vld [tilespmem:s2+$0x4610]  }
0xb9: {  	v15 =	vld [tilespmem:s2+$0x4620];
	v4 =	vadd.f32 v9, v6  }
.Ltmp1:
0xba: {  	v8 =	vld [tilespmem:s2+$0x4630];
	(pc) =	sbr.rel @p0 .LBB2_4-.Ltmp1, $4  }
0xbb: {  	v5 =	vld [tilespmem:s2+$0x4640];
	v2 =	vadd.f32 v12, v11  }
0xbc: {  	v11 =	vadd.f32 v13, v7;
	v6 =	vld [tilespmem:s2+$0x4650]  }
0xbd: {  	s23 =	sshra.s32 s24, $0x2;
	v9 =	vadd.f32 v14, v3;
	v7 =	vld [tilespmem:s2+$0x4660]  }
0xbe: {  	s24 =	sadd.s32 $0x200, s24;
	v3 =	vld [tilespmem:s23+$0x670];
	[tilespmem:s2+$0x6600] =	vst v11;
	v10 =	vadd.f32 v15, v10  }
0xbf: {  	v11 =	vld [tilespmem:s23+$0x2670];
	[tilespmem:s2+$0x6610] =	vst v9;
	v0 =	vadd.f32 v8, v0  }
0xc0: {  	v9 =	vld [tilespmem:s23+$0x600];
	[tilespmem:s2+$0x6620] =	vst v10;
	v1 =	vadd.f32 v5, v1  }
0xc1: {  	v8 =	vld [tilespmem:s23+$0x4670];
	[tilespmem:s2+$0x6630] =	vst v0;
	v4 =	vadd.f32 v6, v4  }
0xc2: {  	v0 =	vld [tilespmem:s23+$0x2600];
	[tilespmem:s2+$0x6640] =	vst v1;
	v2 =	vadd.f32 v7, v2  }
0xc3: {  	v1 =	vld [tilespmem:s23+$0x610];
	[tilespmem:s2+$0x6650] =	vst v4  }
0xc4: {  	v4 =	vld [tilespmem:s23+$0x2610];
	[tilespmem:s2+$0x6660] =	vst v2  }
0xc5: {  	v2 =	vadd.f32 v11, v3;
	v3 =	vld [tilespmem:s23+$0x620]  }
0xc6: {  	v5 =	vld [tilespmem:s23+$0x2620]  }
0xc7: {  	v6 =	vld [tilespmem:s23+$0x630]  }
0xc8: {  	v7 =	vld [tilespmem:s23+$0x2630]  }
0xc9: {  	v10 =	vld [tilespmem:s23+$0x650]  }
0xca: {  	v11 =	vld [tilespmem:s23+$0x2650]  }
0xcb: {  	v12 =	vld [tilespmem:s23+$0x660]  }
0xcc: {  	v13 =	vld [tilespmem:s23+$0x2660]  }
0xcd: {  	v14 =	vld [tilespmem:s23+$0x4600]  }
0xce: {  	v15 =	vld [tilespmem:s23+$0x4610]  }
0xcf: {  	v16 =	vld [tilespmem:s23+$0x4620];
	v2 =	vadd.f32 v8, v2  }
0xd0: {  	v8 =	vld [tilespmem:s23+$0x2640]  }
0xd1: {  	[tilespmem:s23+$0x6670] =	vst v2;
	v2 =	vld [tilespmem:s23+$0x640]  }
0xd2: {  	v0 =	vadd.f32 v0, v9;
	v9 =	vld [tilespmem:s23+$0x4630]  }
0xd3: {  	v1 =	vadd.f32 v4, v1;
	v4 =	vld [tilespmem:s23+$0x4640]  }
0xd4: {  	v3 =	vadd.f32 v5, v3;
	v0 =	vadd.f32 v14, v0;
	v5 =	vld [tilespmem:s23+$0x4650]  }
0xd5: {  	v6 =	vadd.f32 v7, v6;
	v7 =	vld [tilespmem:s23+$0x4660];
	v1 =	vadd.f32 v15, v1  }
0xd6: {  	[tilespmem:s23+$0x6600] =	vst v0;
	v0 =	vadd.f32 v16, v3;
	v2 =	vadd.f32 v8, v2  }
0xd7: {  	v3 =	vadd.f32 v11, v10;
	[tilespmem:s23+$0x6610] =	vst v1;
	v1 =	vadd.f32 v9, v6  }
0xd8: {  	v6 =	vadd.f32 v13, v12;
	[tilespmem:s23+$0x6620] =	vst v0;
	v0 =	vadd.f32 v4, v2  }
0xd9: {  	[tilespmem:s23+$0x6630] =	vst v1;
	v1 =	vadd.f32 v5, v3  }
0xda: {  	[tilespmem:s23+$0x6640] =	vst v0;
	v0 =	vadd.f32 v7, v6  }
0xdb: {  	[tilespmem:s23+$0x6650] =	vst v1  }
0xdc: {  	s24 =	simm.s32 $0x0;
	[tilespmem:s23+$0x6660] =	vst v0  }
0xdd: {  	[hbm4b:s10+s24] =	stream.linear.scatter [tilespmem:s22], [sflag:$0x2], $0x2000, $0x38;
	[tilespmem:$0x8600] =	vst v63  }
0xde: {  	_ =	swait.ge [sflag:s14], $0x2000  }
0xdf: {  	[sflag:s14] =	ssyncset.done $0x0  }
0xe0: {  	[sflag:s14] =	ssyncadd.s32 $0xFFFFE000  }
0xe1: {  	[tilespmem:s18], [sflag:$0x1] =	stream.indirect.gather [hbm4b:s3+s17], $0x40, s25, s17, $0xb8;
	[tilespmem:$0x8600] =	vst v63  }
0xe2: {  	_ = 	snop  }
0xe3: {  	[tilespmem:s19], [sflag:$0x1] =	stream.indirect.gather [hbm4b:s4+s17], $0x40, s26, s17, $0xb8;
	[tilespmem:$0x8600] =	vst v63  }
0xe4: {  	_ = 	snop  }
0xe5: {  	[tilespmem:s20], [sflag:$0x1] =	stream.indirect.gather [hbm4b:s5+s17], $0x40, s28, s17, $0xb8;
	[tilespmem:$0x8600] =	vst v63  }
0xe6: {  	_ =	swait.ge [sflag:s21], $0x2000  }
0xe7: {  	[sflag:s21] =	ssyncset.done $0x0  }
0xe8: {  	[sflag:s21] =	ssyncadd.s32 $0xFFFFE000  }
0xe9: {  	_ =	swait.ge [sflag:s21], $0x2000  }
0xea: {  	[sflag:s21] =	ssyncset.done $0x0  }
0xeb: {  	[sflag:s21] =	ssyncadd.s32 $0xFFFFE000  }
0xec: {  	_ =	swait.ge [sflag:s21], $0x2000  }
0xed: {  	[sflag:s21] =	ssyncset.done $0x0  }
0xee: {  	s2 =	simm.s32 $0x0;
	[sflag:s21] =	ssyncadd.s32 $0xFFFFE000  }
0xef: {  	v0 =	vld [tilespmem:s2+$0x670]  }
0xf0: {  	v1 =	vld [tilespmem:s2+$0x2670]  }
0xf1: {  	v2 =	vld [tilespmem:s2+$0x600]  }
0xf2: {  	v3 =	vld [tilespmem:s2+$0x4670]  }
0xf3: {  	v4 =	vld [tilespmem:s2+$0x2600]  }
0xf4: {  	v5 =	vld [tilespmem:s2+$0x610]  }
0xf5: {  	v6 =	vld [tilespmem:s2+$0x2610]  }
0xf6: {  	v7 =	vld [tilespmem:s2+$0x2620]  }
0xf7: {  	v9 =	vld [tilespmem:s2+$0x2630]  }
0xf8: {  	v10 =	vld [tilespmem:s2+$0x640]  }
0xf9: {  	v11 =	vld [tilespmem:s2+$0x2640]  }
0xfa: {  	v59 =	vld [tilespmem:s2+$0x650]  }
0xfb: {  	v60 =	vld [tilespmem:s2+$0x2650]  }
0xfc: {  	v61 =	vld [tilespmem:s2+$0x660]  }
0xfd: {  	v62 =	vld [tilespmem:s2+$0x2660]  }
0xfe: {  	v63 =	vld [tilespmem:s2+$0x4600]  }
0xff: {  	v0 =	vadd.f32 v1, v0;
	v1 =	vld [tilespmem:s2+$0x620]  }
0x100: {  	v17 =	vld [tilespmem:s2+$0x4610]  }
0x101: {  	v0 =	vadd.f32 v3, v0;
	v3 =	vld [tilespmem:s2+$0x630]  }
0x102: {  	v18 =	vld [tilespmem:s2+$0x4620]  }
0x103: {  	v8 =	vld [tilespmem:s2+$0x4630];
	v2 =	vadd.f32 v4, v2;
	v19 =	vadd.f32 v6, v5  }
0x104: {  	v5 =	vld [tilespmem:s2+$0x4640];
	v4 =	vadd.f32 v60, v59;
	v20 =	vadd.f32 v7, v1  }
0x105: {  	v6 =	vld [tilespmem:s2+$0x4650];
	v1 =	vadd.f32 v11, v10;
	v10 =	vadd.f32 v63, v2  }
0x106: {  	s23 =	simm.s32 $0x80;
	[tilespmem:s2+$0x6670] =	vst v0;
	v7 =	vld [tilespmem:s2+$0x4660];
	v0 =	vadd.f32 v9, v3;
	v9 =	vadd.f32 v17, v19  }
0x107: {  	s24 =	simm.s32 $0x400;
	v2 =	vadd.f32 v62, v61;
	v3 =	vld [tilespmem:s23+$0x670];
	[tilespmem:s2+$0x6600] =	vst v10;
	v10 =	vadd.f32 v18, v20  }
.LBB2_6:
0x108: {  	p0 =	sne.s32 s24, $0x7E00;
	v11 =	vld [tilespmem:s23+$0x2670];
	[tilespmem:s2+$0x6610] =	vst v9;
	v0 =	vadd.f32 v8, v0  }
0x109: {  	v8 =	vld [tilespmem:s23+$0x600];
	[tilespmem:s2+$0x6620] =	vst v10;
	v1 =	vadd.f32 v5, v1  }
0x10a: {  	v5 =	vld [tilespmem:s23+$0x4670];
	[tilespmem:s2+$0x6630] =	vst v0;
	v0 =	vadd.f32 v6, v4  }
0x10b: {  	v4 =	vld [tilespmem:s23+$0x2600];
	[tilespmem:s2+$0x6640] =	vst v1;
	v1 =	vadd.f32 v7, v2  }
0x10c: {  	v2 =	vld [tilespmem:s23+$0x610];
	[tilespmem:s2+$0x6650] =	vst v0  }
0x10d: {  	v0 =	vld [tilespmem:s23+$0x2610];
	v3 =	vadd.f32 v11, v3;
	[tilespmem:s2+$0x6660] =	vst v1;
	s2 =	smov.u32 s23  }
0x10e: {  	v1 =	vld [tilespmem:s2+$0x620]  }
0x10f: {  	v6 =	vld [tilespmem:s2+$0x2620];
	v3 =	vadd.f32 v5, v3  }
0x110: {  	v7 =	vadd.f32 v4, v8;
	v4 =	vld [tilespmem:s2+$0x630]  }
0x111: {  	v5 =	vld [tilespmem:s2+$0x2630];
	[tilespmem:s2+$0x6670] =	vst v3  }
0x112: {  	v3 =	vadd.f32 v0, v2;
	v2 =	vld [tilespmem:s2+$0x640]  }
0x113: {  	v8 =	vld [tilespmem:s2+$0x2640]  }
0x114: {  	v10 =	vadd.f32 v6, v1;
	v6 =	vld [tilespmem:s2+$0x650]  }
0x115: {  	v9 =	vld [tilespmem:s2+$0x2650]  }
0x116: {  	v0 =	vadd.f32 v5, v4;
	v11 =	vld [tilespmem:s2+$0x660]  }
0x117: {  	v12 =	vld [tilespmem:s2+$0x2660]  }
0x118: {  	v13 =	vld [tilespmem:s2+$0x4600];
	v1 =	vadd.f32 v8, v2  }
0x119: {  	v14 =	vld [tilespmem:s2+$0x4610]  }
0x11a: {  	v15 =	vld [tilespmem:s2+$0x4620];
	v4 =	vadd.f32 v9, v6  }
.Ltmp2:
0x11b: {  	v8 =	vld [tilespmem:s2+$0x4630];
	(pc) =	sbr.rel @p0 .LBB2_6-.Ltmp2, $4  }
0x11c: {  	v5 =	vld [tilespmem:s2+$0x4640];
	v2 =	vadd.f32 v12, v11  }
0x11d: {  	v11 =	vadd.f32 v13, v7;
	v6 =	vld [tilespmem:s2+$0x4650]  }
0x11e: {  	s23 =	sshra.s32 s24, $0x2;
	v9 =	vadd.f32 v14, v3;
	v7 =	vld [tilespmem:s2+$0x4660]  }
0x11f: {  	s24 =	sadd.s32 $0x200, s24;
	v3 =	vld [tilespmem:s23+$0x670];
	[tilespmem:s2+$0x6600] =	vst v11;
	v10 =	vadd.f32 v15, v10  }
0x120: {  	v11 =	vld [tilespmem:s23+$0x2670];
	[tilespmem:s2+$0x6610] =	vst v9;
	v0 =	vadd.f32 v8, v0  }
0x121: {  	v9 =	vld [tilespmem:s23+$0x600];
	[tilespmem:s2+$0x6620] =	vst v10;
	v1 =	vadd.f32 v5, v1  }
0x122: {  	v8 =	vld [tilespmem:s23+$0x4670];
	[tilespmem:s2+$0x6630] =	vst v0;
	v4 =	vadd.f32 v6, v4  }
0x123: {  	v0 =	vld [tilespmem:s23+$0x2600];
	[tilespmem:s2+$0x6640] =	vst v1;
	v2 =	vadd.f32 v7, v2  }
0x124: {  	v1 =	vld [tilespmem:s23+$0x610];
	[tilespmem:s2+$0x6650] =	vst v4  }
0x125: {  	v4 =	vld [tilespmem:s23+$0x2610];
	[tilespmem:s2+$0x6660] =	vst v2  }
0x126: {  	v2 =	vadd.f32 v11, v3;
	v3 =	vld [tilespmem:s23+$0x620]  }
0x127: {  	v5 =	vld [tilespmem:s23+$0x2620]  }
0x128: {  	v6 =	vld [tilespmem:s23+$0x630]  }
0x129: {  	v7 =	vld [tilespmem:s23+$0x2630]  }
0x12a: {  	v10 =	vld [tilespmem:s23+$0x650]  }
0x12b: {  	v11 =	vld [tilespmem:s23+$0x2650]  }
0x12c: {  	v12 =	vld [tilespmem:s23+$0x660]  }
0x12d: {  	v13 =	vld [tilespmem:s23+$0x2660]  }
0x12e: {  	v14 =	vld [tilespmem:s23+$0x4600]  }
0x12f: {  	v15 =	vld [tilespmem:s23+$0x4610]  }
0x130: {  	v16 =	vld [tilespmem:s23+$0x4620];
	v2 =	vadd.f32 v8, v2  }
0x131: {  	v8 =	vld [tilespmem:s23+$0x2640]  }
0x132: {  	[tilespmem:s23+$0x6670] =	vst v2;
	v2 =	vld [tilespmem:s23+$0x640]  }
0x133: {  	v0 =	vadd.f32 v0, v9;
	v9 =	vld [tilespmem:s23+$0x4630]  }
0x134: {  	v1 =	vadd.f32 v4, v1;
	v4 =	vld [tilespmem:s23+$0x4640]  }
0x135: {  	v3 =	vadd.f32 v5, v3;
	v0 =	vadd.f32 v14, v0;
	v5 =	vld [tilespmem:s23+$0x4650]  }
0x136: {  	v6 =	vadd.f32 v7, v6;
	v7 =	vld [tilespmem:s23+$0x4660];
	v1 =	vadd.f32 v15, v1  }
0x137: {  	[tilespmem:s23+$0x6600] =	vst v0;
	v0 =	vadd.f32 v16, v3;
	v2 =	vadd.f32 v8, v2  }
0x138: {  	v3 =	vadd.f32 v11, v10;
	[tilespmem:s23+$0x6610] =	vst v1;
	v1 =	vadd.f32 v9, v6  }
0x139: {  	v6 =	vadd.f32 v13, v12;
	[tilespmem:s23+$0x6620] =	vst v0;
	v0 =	vadd.f32 v4, v2  }
0x13a: {  	[tilespmem:s23+$0x6630] =	vst v1;
	v1 =	vadd.f32 v5, v3  }
0x13b: {  	[tilespmem:s23+$0x6640] =	vst v0;
	v0 =	vadd.f32 v7, v6  }
0x13c: {  	[tilespmem:s23+$0x6650] =	vst v1  }
0x13d: {  	s24 =	simm.s32 $0x0;
	[tilespmem:s23+$0x6660] =	vst v0  }
0x13e: {  	[hbm4b:s11+s24] =	stream.linear.scatter [tilespmem:s22], [sflag:$0x2], $0x2000, $0x38;
	[tilespmem:$0x8600] =	vst v63  }
0x13f: {  	_ =	swait.ge [sflag:s14], $0x2000  }
0x140: {  	[sflag:s14] =	ssyncset.done $0x0  }
0x141: {  	[sflag:s14] =	ssyncadd.s32 $0xFFFFE000  }
0x142: {  	[tilespmem:s18], [sflag:$0x1] =	stream.indirect.gather [hbm4b:s3+s17], $0x40, s29, s17, $0xb8;
	[tilespmem:$0x8600] =	vst v63  }
0x143: {  	_ = 	snop  }
0x144: {  	[tilespmem:s19], [sflag:$0x1] =	stream.indirect.gather [hbm4b:s4+s17], $0x40, s30, s17, $0xb8;
	[tilespmem:$0x8600] =	vst v63  }
0x145: {  	_ = 	snop  }
0x146: {  	[tilespmem:s20], [sflag:$0x1] =	stream.indirect.gather [hbm4b:s5+s17], $0x40, s31, s17, $0xb8;
	[tilespmem:$0x8600] =	vst v63  }
0x147: {  	_ =	swait.ge [sflag:s21], $0x2000  }
0x148: {  	[sflag:s21] =	ssyncset.done $0x0  }
0x149: {  	[sflag:s21] =	ssyncadd.s32 $0xFFFFE000  }
0x14a: {  	_ =	swait.ge [sflag:s21], $0x2000  }
0x14b: {  	[sflag:s21] =	ssyncset.done $0x0  }
0x14c: {  	[sflag:s21] =	ssyncadd.s32 $0xFFFFE000  }
0x14d: {  	_ =	swait.ge [sflag:s21], $0x2000  }
0x14e: {  	[sflag:s21] =	ssyncset.done $0x0  }
0x14f: {  	s2 =	simm.s32 $0x0;
	[sflag:s21] =	ssyncadd.s32 $0xFFFFE000  }
0x150: {  	v0 =	vld [tilespmem:s2+$0x670]  }
0x151: {  	v1 =	vld [tilespmem:s2+$0x2670]  }
0x152: {  	v2 =	vld [tilespmem:s2+$0x600]  }
0x153: {  	v3 =	vld [tilespmem:s2+$0x4670]  }
0x154: {  	v4 =	vld [tilespmem:s2+$0x2600]  }
0x155: {  	v5 =	vld [tilespmem:s2+$0x610]  }
0x156: {  	v6 =	vld [tilespmem:s2+$0x2610]  }
0x157: {  	v7 =	vld [tilespmem:s2+$0x2620]  }
0x158: {  	v9 =	vld [tilespmem:s2+$0x2630]  }
0x159: {  	v10 =	vld [tilespmem:s2+$0x640]  }
0x15a: {  	v11 =	vld [tilespmem:s2+$0x2640]  }
0x15b: {  	v59 =	vld [tilespmem:s2+$0x650]  }
0x15c: {  	v60 =	vld [tilespmem:s2+$0x2650]  }
0x15d: {  	v61 =	vld [tilespmem:s2+$0x660]  }
0x15e: {  	v62 =	vld [tilespmem:s2+$0x2660]  }
0x15f: {  	v63 =	vld [tilespmem:s2+$0x4600]  }
0x160: {  	v0 =	vadd.f32 v1, v0;
	v1 =	vld [tilespmem:s2+$0x620]  }
0x161: {  	v17 =	vld [tilespmem:s2+$0x4610]  }
0x162: {  	v0 =	vadd.f32 v3, v0;
	v3 =	vld [tilespmem:s2+$0x630]  }
0x163: {  	v18 =	vld [tilespmem:s2+$0x4620]  }
0x164: {  	v8 =	vld [tilespmem:s2+$0x4630];
	v2 =	vadd.f32 v4, v2;
	v19 =	vadd.f32 v6, v5  }
0x165: {  	v5 =	vld [tilespmem:s2+$0x4640];
	v4 =	vadd.f32 v60, v59;
	v20 =	vadd.f32 v7, v1  }
0x166: {  	v6 =	vld [tilespmem:s2+$0x4650];
	v1 =	vadd.f32 v11, v10;
	v10 =	vadd.f32 v63, v2  }
0x167: {  	s23 =	simm.s32 $0x80;
	[tilespmem:s2+$0x6670] =	vst v0;
	v7 =	vld [tilespmem:s2+$0x4660];
	v0 =	vadd.f32 v9, v3;
	v9 =	vadd.f32 v17, v19  }
0x168: {  	s24 =	simm.s32 $0x400;
	v2 =	vadd.f32 v62, v61;
	v3 =	vld [tilespmem:s23+$0x670];
	[tilespmem:s2+$0x6600] =	vst v10;
	v10 =	vadd.f32 v18, v20  }
.LBB2_8:
0x169: {  	p0 =	sne.s32 s24, $0x7E00;
	v11 =	vld [tilespmem:s23+$0x2670];
	[tilespmem:s2+$0x6610] =	vst v9;
	v0 =	vadd.f32 v8, v0  }
0x16a: {  	v8 =	vld [tilespmem:s23+$0x600];
	[tilespmem:s2+$0x6620] =	vst v10;
	v1 =	vadd.f32 v5, v1  }
0x16b: {  	v5 =	vld [tilespmem:s23+$0x4670];
	[tilespmem:s2+$0x6630] =	vst v0;
	v0 =	vadd.f32 v6, v4  }
0x16c: {  	v4 =	vld [tilespmem:s23+$0x2600];
	[tilespmem:s2+$0x6640] =	vst v1;
	v1 =	vadd.f32 v7, v2  }
0x16d: {  	v2 =	vld [tilespmem:s23+$0x610];
	[tilespmem:s2+$0x6650] =	vst v0  }
0x16e: {  	v0 =	vld [tilespmem:s23+$0x2610];
	v3 =	vadd.f32 v11, v3;
	[tilespmem:s2+$0x6660] =	vst v1;
	s2 =	smov.u32 s23  }
0x16f: {  	v1 =	vld [tilespmem:s2+$0x620]  }
0x170: {  	v6 =	vld [tilespmem:s2+$0x2620];
	v3 =	vadd.f32 v5, v3  }
0x171: {  	v7 =	vadd.f32 v4, v8;
	v4 =	vld [tilespmem:s2+$0x630]  }
0x172: {  	v5 =	vld [tilespmem:s2+$0x2630];
	[tilespmem:s2+$0x6670] =	vst v3  }
0x173: {  	v3 =	vadd.f32 v0, v2;
	v2 =	vld [tilespmem:s2+$0x640]  }
0x174: {  	v8 =	vld [tilespmem:s2+$0x2640]  }
0x175: {  	v10 =	vadd.f32 v6, v1;
	v6 =	vld [tilespmem:s2+$0x650]  }
0x176: {  	v9 =	vld [tilespmem:s2+$0x2650]  }
0x177: {  	v0 =	vadd.f32 v5, v4;
	v11 =	vld [tilespmem:s2+$0x660]  }
0x178: {  	v12 =	vld [tilespmem:s2+$0x2660]  }
0x179: {  	v13 =	vld [tilespmem:s2+$0x4600];
	v1 =	vadd.f32 v8, v2  }
0x17a: {  	v14 =	vld [tilespmem:s2+$0x4610]  }
0x17b: {  	v15 =	vld [tilespmem:s2+$0x4620];
	v4 =	vadd.f32 v9, v6  }
.Ltmp3:
0x17c: {  	v8 =	vld [tilespmem:s2+$0x4630];
	(pc) =	sbr.rel @p0 .LBB2_8-.Ltmp3, $4  }
0x17d: {  	v5 =	vld [tilespmem:s2+$0x4640];
	v2 =	vadd.f32 v12, v11  }
0x17e: {  	v11 =	vadd.f32 v13, v7;
	v6 =	vld [tilespmem:s2+$0x4650]  }
0x17f: {  	s23 =	sshra.s32 s24, $0x2;
	v9 =	vadd.f32 v14, v3;
	v7 =	vld [tilespmem:s2+$0x4660]  }
0x180: {  	s24 =	sadd.s32 $0x200, s24;
	v3 =	vld [tilespmem:s23+$0x670];
	[tilespmem:s2+$0x6600] =	vst v11;
	v10 =	vadd.f32 v15, v10  }
0x181: {  	v11 =	vld [tilespmem:s23+$0x2670];
	[tilespmem:s2+$0x6610] =	vst v9;
	v0 =	vadd.f32 v8, v0  }
0x182: {  	v9 =	vld [tilespmem:s23+$0x600];
	[tilespmem:s2+$0x6620] =	vst v10;
	v1 =	vadd.f32 v5, v1  }
0x183: {  	v44 =	vld [tilespmem:s23+$0x4670];
	[tilespmem:s2+$0x6630] =	vst v0;
	v4 =	vadd.f32 v6, v4  }
0x184: {  	v0 =	vld [tilespmem:s23+$0x2600];
	[tilespmem:s2+$0x6640] =	vst v1;
	v2 =	vadd.f32 v7, v2  }
0x185: {  	v1 =	vld [tilespmem:s23+$0x610];
	[tilespmem:s2+$0x6650] =	vst v4  }
0x186: {  	v4 =	vld [tilespmem:s23+$0x2610];
	[tilespmem:s2+$0x6660] =	vst v2  }
0x187: {  	v46 =	vld [tilespmem:s23+$0x620]  }
0x188: {  	v47 =	vld [tilespmem:s23+$0x2620]  }
0x189: {  	v48 =	vld [tilespmem:s23+$0x630]  }
0x18a: {  	v49 =	vld [tilespmem:s23+$0x2630]  }
0x18b: {  	v50 =	vld [tilespmem:s23+$0x640]  }
0x18c: {  	v51 =	vld [tilespmem:s23+$0x2640]  }
0x18d: {  	v10 =	vld [tilespmem:s23+$0x650]  }
0x18e: {  	v52 =	vld [tilespmem:s23+$0x2650]  }
0x18f: {  	v12 =	vld [tilespmem:s23+$0x660]  }
0x190: {  	v13 =	vld [tilespmem:s23+$0x2660]  }
0x191: {  	v14 =	vld [tilespmem:s23+$0x4600]  }
0x192: {  	v15 =	vld [tilespmem:s23+$0x4610]  }
0x193: {  	v45 =	vadd.f32 v11, v3;
	v16 =	vld [tilespmem:s23+$0x4620]  }
0x194: {  	v53 =	vld [tilespmem:s23+$0x4630];
	v0 =	vadd.f32 v0, v9  }
0x195: {  	v54 =	vld [tilespmem:s23+$0x4640];
	v2 =	vadd.f32 v44, v45;
	v1 =	vadd.f32 v4, v1  }
0x196: {  	v55 =	vld [tilespmem:s23+$0x4650];
	v3 =	vadd.f32 v47, v46;
	v0 =	vadd.f32 v14, v0  }
0x197: {  	v56 =	vld [tilespmem:s23+$0x4660];
	[tilespmem:s23+$0x6670] =	vst v2;
	v6 =	vadd.f32 v49, v48;
	v1 =	vadd.f32 v15, v1  }
0x198: {  	v2 =	vadd.f32 v51, v50;
	[tilespmem:s23+$0x6600] =	vst v0;
	v57 =	vadd.f32 v16, v3  }
0x199: {  	v58 =	vadd.f32 v52, v10;
	v59 =	vadd.f32 v53, v6;
	[tilespmem:s23+$0x6610] =	vst v1  }
0x19a: {  	v60 =	vadd.f32 v13, v12;
	v61 =	vadd.f32 v54, v2;
	[tilespmem:s23+$0x6620] =	vst v57  }
0x19b: {  	v62 =	vadd.f32 v55, v58;
	[tilespmem:s23+$0x6630] =	vst v59  }
0x19c: {  	s0 =	sadd.s32 $0x1, s0;
	v63 =	vadd.f32 v56, v60;
	[tilespmem:s23+$0x6640] =	vst v61  }
0x19d: {  	p0 =	sne.s32 s0, s13;
	[tilespmem:s23+$0x6650] =	vst v62  }
.Ltmp4:
0x19e: {  	[tilespmem:s23+$0x6660] =	vst v63;
	(pc) =	sbr.rel @p0 .LBB2_1-.Ltmp4, $4  }
0x19f: {  	[hbm4b:s12+s1] =	stream.linear.scatter [tilespmem:s22], [sflag:$0x2], $0x2000, $0x38;
	[tilespmem:$0x8600] =	vst v63  }
0x1a0: {  	_ =	swait.ge [sflag:s14], $0x2000  }
0x1a1: {  	[sflag:s14] =	ssyncset.done $0x0  }
0x1a2: {  	[sflag:s14] =	ssyncadd.s32 $0xFFFFE000  }
0x1a3: {  	_ =	sfence.sel $0x180000  }
0x1a4: {  	[bflag:$0x0] =	sbarrier.arrive $0xFFFF  }
0x1a5: {  	_ =	strace $0x90000047  }
0x1a6: {  	s0 =	stileid.u32;
	[bflag:$0x2] =	sbarrier.arrive $0xFFFF  }
0x1a7: {  	p0 =	sne.s32 s0, $0x0;
	s0 =	rddreg [dreg:$0x5]  }
0x1a8: {  	s0 =	sadd.s32 @!p0 $0x100000, s0  }
0x1a9: {  	[sflag:s0] =	ssyncadd.tile.s32 @!p0 $0x1;
	_ =	shalt  }
.Lfunc_end2:
_tile_overlayer_lowered:
.L_overlay_start_2:
0x1aa: {  	(tag) =	ssettag $0x2  }
0x1ab: {  	s0 =	rddreg [dreg:$0x0];
	s2 =	stileid.u32  }
0x1ac: {  	s1 =	rddreg [dreg:$0x1];
	p0 =	sne.s32 s2, $0x0  }
0x1ad: {  	s3 =	rddreg [dreg:$0x2];
	[bflag:$0x3] =	sbarrier.arrive $0xFFFF;
	s2 =	simm.s32 @!p0 $0x1C02  }
0x1ae: {  	[timem:s3], [sflag:s2] =	dma.local @!p0 [hbm:s0], s1  }
0x1af: {  	s0 =	simm.s32 @!p0 $0x2  }
0x1b0: {  	_ =	swait.ge @!p0 [sflag:s0], s1  }
0x1b1: {  	s1 =	ssub.s32 @!p0 $0x0, s1;
	[sflag:s0] =	ssyncset.done @!p0 $0x0  }
0x1b2: {  	[sflag:s0] =	ssyncadd.s32 @!p0 s1  }
0x1b3: {  	[bflag:$0x3] =	sbarrier.arrive $0xFFFF  }
0x1b4: {  	_ =	shalt  }

// kernel: kernel.7.cloned.1.call-start
scs
__scs_entry_jumppad:
0x0: {  	(pc) =	sbr.rel $0x88, $3  }
0x1: {  	(tag) =	ssettag $0x0;
	lr =	simm.s32 $0x1  }
0x2: {  	[smem:$0x3F99] =	sst lr;
	_ =	strace $0xD0000000  }
0x3: {  	_ = 	snop  }
0x4: {  	_ = 	snop  }
0x5: {  	_ = 	snop  }
0x6: {  	_ = 	snop  }
0x7: {  	_ = 	snop  }
__scs_overlays_trampoline_lowered:
0x8: {  	[smem:$0x3FA8] =	sst s0  }
0x9: {  	[smem:$0x3FA9] =	sst s1  }
0xa: {  	[smem:$0x3FAA] =	sst s2  }
0xb: {  	[smem:$0x3FAB] =	sst s3  }
0xc: {  	[smem:$0x3FAC] =	sst s4  }
0xd: {  	[smem:$0x3FAD] =	sst s5  }
0xe: {  	[smem:$0x3FAE] =	sst s6  }
0xf: {  	[smem:$0x3FAF] =	sst s7  }
0x10: {  	[smem:$0x3FB0] =	sst s8  }
0x11: {  	[smem:$0x3FB1] =	sst s9;
	s0 =	simm.s32 @!p0 $0x0  }
0x12: {  	s1 =	sld [smem:$0x3F97];
	s0 =	simm.s32 @p0 $0x1  }
0x13: {  	[smem:$0x3FB2] =	sst s0;
	s0 =	simm.s32 @!p1 $0x0  }
0x14: {  	s2 =	sld [smem:$0x3F96];
	s0 =	simm.s32 @p1 $0x1  }
0x15: {  	[smem:$0x3FB3] =	sst s0;
	s0 =	simm.s32 @!p2 $0x0  }
0x16: {  	s3 =	sld [smem:$0x3FDB];
	s0 =	simm.s32 @p2 $0x1  }
0x17: {  	s4 =	simm.s32 $0x1BF5;
	[smem:$0x3FB5] =	sst s0  }
0x18: {  	s0 =	sld [smem:$0x3F98];
	_ =	swait.ge [sflag:s4], $0x0  }
0x19: {  	s7 =	sld [smem:$0x3F99]  }
0x1a: {  	s8 =	sadd.s32 $0xFFFFE003, lr  }
0x1b: {  	s9 =	sadd.s32 $0xFFFFFEF7, lr;
	s5 =	simm.s32 $0xFFFFFFFF;
	p2 =	slt.u32 s8, $0xFFFFF086  }
0x1c: {  	p1 =	slt.u32 s9, $0xF7A;
	s5 =	simm.s32 @!p2 $0x0  }
0x1d: {  	s5 =	simm.s32 @p1 $0x1;
	p0 =	seq.s32 s7, s2  }
0x1e: {  	s7 =	smul.u32 @!p0 $0xF7A, s2;
	p2 =	seq.s32 @!p0 s5, $0x0  }
0x1f: {  	s9 =	smul.u32 $0xF7A, s1;
	s8 =	simm.s32 @!p0 $0x1BF5;
	p2 =	por !p2, p0  }
0x20: {  	[sflag:s8] =	ssyncset.s32 @!p0 $0xFFFFF086;
	s6 =	sadd.s32 @!p0 s3, s7;
	s7 =	simm.s32 @!p0 $0x108  }
0x21: {  	s3 =	sadd.s32 s3, s9;
	s6 =	sadd.s32 @!p0 $0x88, s6;
	s7 =	simm.s32 @p2 $0x1082  }
0x22: {  	[simem:s7], [sflag:s8] =	dma.local @!p0 [hbm:s6], $0xF7A  }
0x23: {  	s9 =	sor.u32 $0xD0000000, s2;
	s6 =	simm.s32 $0x108;
	_ =	swait.ge @!p0 [sflag:s8], $0x0  }
0x24: {  	s3 =	sadd.s32 $0x88, s3;
	s6 =	simm.s32 @!p1 $0x1082;
	[sflag:s4] =	ssyncset.s32 $0xFFFFF086  }
0x25: {  	[simem:s6], [sflag:s4] =	dma.local [hbm:s3], $0xF7A  }
0x26: {  	[smem:$0x3F99] =	sst s1;
	(tag) =	ssettag s2;
	_ =	strace s9  }
0x27: {  	s1 =	sld [smem:$0x3FA9]  }
0x28: {  	s2 =	sld [smem:$0x3FAA]  }
0x29: {  	s4 =	sld [smem:$0x3FAC]  }
0x2a: {  	p0 =	seq.s32 s5, $0x0;
	s5 =	sld [smem:$0x3FAD]  }
0x2b: {  	s6 =	sld [smem:$0x3FAE]  }
0x2c: {  	s7 =	sld [smem:$0x3FAF]  }
0x2d: {  	s3 =	simm.s32 $0x108;
	s8 =	sld [smem:$0x3FB0]  }
0x2e: {  	s3 =	simm.s32 @!p0 $0x1082;
	s9 =	sld [smem:$0x3FB1]  }
0x2f: {  	lr =	sadd.s32 s0, s3;
	s0 =	sld [smem:$0x3FA8]  }
0x30: {  	s3 =	sld [smem:$0x3FAB]  }
0x31: {  	[smem:$0x3FB4] =	sst s10  }
0x32: {  	s10 =	sld [smem:$0x3FB2];
	_ =	sdelay $0x3  }
0x33: {  	p0 =	seq.s32 s10, $0x1;
	s10 =	sld [smem:$0x3FB4];
	_ =	sdelay $0x3  }
0x34: {  	[smem:$0x3FB4] =	sst s10  }
0x35: {  	s10 =	sld [smem:$0x3FB3];
	_ =	sdelay $0x3  }
0x36: {  	p1 =	seq.s32 s10, $0x1;
	s10 =	sld [smem:$0x3FB4];
	_ =	sdelay $0x3  }
0x37: {  	[smem:$0x3FB4] =	sst s10  }
0x38: {  	s10 =	sld [smem:$0x3FB5]  }
0x39: {  	_ = 	snop;
	(pc) =	sbr.ind lr, $3  }
0x3a: {  	_ = 	snop  }
0x3b: {  	_ = 	snop  }
0x3c: {  	p2 =	seq.s32 s10, $0x1;
	s10 =	sld [smem:$0x3FB4]  }
0x3d: {  	_ =	shalt  }
0x3e: {  	_ =	shalt  }
0x3f: {  	_ =	shalt  }
0x40: {  	_ =	shalt  }
0x41: {  	_ =	shalt  }
0x42: {  	_ =	shalt  }
0x43: {  	_ =	shalt  }
0x44: {  	_ =	shalt  }
0x45: {  	_ =	shalt  }
0x46: {  	_ =	shalt  }
0x47: {  	_ =	shalt  }
0x48: {  	_ =	shalt  }
0x49: {  	_ =	shalt  }
0x4a: {  	_ =	shalt  }
0x4b: {  	_ =	shalt  }
0x4c: {  	_ =	shalt  }
0x4d: {  	_ =	shalt  }
0x4e: {  	_ =	shalt  }
0x4f: {  	_ =	shalt  }
0x50: {  	_ =	shalt  }
0x51: {  	_ =	shalt  }
0x52: {  	_ =	shalt  }
0x53: {  	_ =	shalt  }
0x54: {  	_ =	shalt  }
0x55: {  	_ =	shalt  }
0x56: {  	_ =	shalt  }
0x57: {  	_ =	shalt  }
0x58: {  	_ =	shalt  }
0x59: {  	_ =	shalt  }
0x5a: {  	_ =	shalt  }
0x5b: {  	_ =	shalt  }
0x5c: {  	_ =	shalt  }
0x5d: {  	_ =	shalt  }
0x5e: {  	_ =	shalt  }
0x5f: {  	_ =	shalt  }
0x60: {  	_ =	shalt  }
0x61: {  	_ =	shalt  }
0x62: {  	_ =	shalt  }
0x63: {  	_ =	shalt  }
0x64: {  	_ =	shalt  }
0x65: {  	_ =	shalt  }
0x66: {  	_ =	shalt  }
0x67: {  	_ =	shalt  }
0x68: {  	_ =	shalt  }
0x69: {  	_ =	shalt  }
0x6a: {  	_ =	shalt  }
0x6b: {  	_ =	shalt  }
0x6c: {  	_ =	shalt  }
0x6d: {  	_ =	shalt  }
0x6e: {  	_ =	shalt  }
0x6f: {  	_ =	shalt  }
0x70: {  	_ =	shalt  }
0x71: {  	_ =	shalt  }
0x72: {  	_ =	shalt  }
0x73: {  	_ =	shalt  }
0x74: {  	_ =	shalt  }
0x75: {  	_ =	shalt  }
0x76: {  	_ =	shalt  }
0x77: {  	_ =	shalt  }
0x78: {  	_ =	shalt  }
0x79: {  	_ =	shalt  }
0x7a: {  	_ =	shalt  }
0x7b: {  	_ =	shalt  }
0x7c: {  	_ =	shalt  }
0x7d: {  	_ =	shalt  }
0x7e: {  	_ =	shalt  }
0x7f: {  	_ =	shalt  }
0x80: {  	_ =	shalt  }
0x81: {  	_ =	shalt  }
0x82: {  	_ =	shalt  }
0x83: {  	_ =	shalt  }
0x84: {  	_ =	shalt  }
0x85: {  	_ =	shalt  }
0x86: {  	_ =	shalt  }
0x87: {  	_ =	shalt  }
.Lfunc_end0:
.L_simem_size_0:
called_computation.1_lowered:
.L_overlay_start_0:
0x88: {  	s2 =	sld [smem:$0x3FD9]  }
0x89: {  	s3 =	sld [smem:$0x3FFE];
	_ =	sdelay $0x1  }
0x8a: {  	s1 =	srdreg.scid  }
0x8b: {  	s0 =	sand.u32 $0x1, s1  }
0x8c: {  	s17 =	sshll.u32 s0, $0xA;
	s2 =	sadd.s32 s3, s2  }
0x8d: {  	s2 =	sadd.s32 s2, s17  }
0x8e: {  	[smem:$0x3FC0] =	sst s2  }
0x8f: {  	_ = 	snop  }
0x90: {  	s2 =	sld [smem:$0x3FC6]  }
0x91: {  	s18 =	sld [smem:$0x3FD0];
	(tm) =	ssettm $0x1  }
0x92: {  	s4 =	sld [smem:$0x3FFB];
	_ =	sdelay $0x3  }
0x93: {  	_ =	strace s4  }
0x94: {  	s4 =	sld [smem:$0x3FFC];
	_ =	sdelay $0x3  }
0x95: {  	_ =	strace s4  }
0x96: {  	s4 =	sld [smem:$0x3FFD];
	_ =	sdelay $0x3  }
0x97: {  	_ =	strace s4  }
0x98: {  	_ =	strace $0x8FFFFFFF  }
0x99: {  	s19 =	sld [smem:$0x3FDB];
	_ =	sdelay $0x1  }
0x9a: {  	s5 =	simm.s32 $_scs_section_size  }
0x9b: {  	s6 =	simm.s32 $_size__tile_overlayer_lowered;
	s7 =	simm.s32 $_tile_overlayer_lowered  }
0x9c: {  	s22 =	simm.s32 $0x1BFF;
	s21 =	sshll.u32 s7, $0x1;
	s4 =	sadd.s32 s5, s19  }
0x9d: {  	s8 =	simm.s32 $0x0;
	s20 =	sshll.u32 s6, $0x1;
	s6 =	sadd.s32 s21, s4  }
0x9e: {  	[timem:s8], [sflag:s22] =	dma.local [hbm:s6], s20  }
0x9f: {  	_ =	swait.ge [sflag:s22], s20  }
0xa0: {  	s5 =	ssub.s32 $0x0, s20;
	[sflag:s22] =	ssyncset.done $0x0  }
0xa1: {  	[sflag:s22] =	ssyncadd.s32 s5;
	_ =	sdelay $0x1  }
0xa2: {  	s23 =	simm.s32 $0x1B8B  }
0xa3: {  	_ =	swait.ge [sflag:s23], $0x1  }
0xa4: {  	[sflag:s23] =	ssyncset.done $0x0  }
0xa5: {  	s25 =	simm.s32 $0x1B8E;
	s24 =	sld [smem:$0x3FFE];
	[sflag:s23] =	ssyncadd.s32 $0xFFFFFFFF  }
0xa6: {  	s26 =	simm.s32 $execute0_lowered;
	[smem:$0x3FD2] =	sst s25  }
0xa7: {  	s6 =	sshll.u32 s26, $0x1;
	_ =	strace $0x80000049;
	[dreg:$0x1] =	wrdreg $0xFFFFFFFF  }
0xa8: {  	s28 =	simm.s32 $_size_execute0_lowered;
	s4 =	sadd.s32 s4, s6;
	[dreg:$0x0] =	wrdreg $0x0  }
0xa9: {  	s6 =	sshll.u32 s28, $0x1;
	[dreg:$0x2] =	wrdreg s4  }
0xaa: {  	[dreg:$0x3] =	wrdreg s6  }
0xab: {  	[dreg:$0x4] =	wrdreg $0xC0  }
0xac: {  	_ =	task [dreg:s8], $0x5FFFF  }
0xad: {  	[dreg:$0x1] =	wrdreg $0xFFFFFFFF  }
0xae: {  	[dreg:$0x0] =	wrdreg $0x60  }
0xaf: {  	[dreg:$0x2] =	wrdreg s2  }
0xb0: {  	[dreg:$0x3] =	wrdreg s24  }
0xb1: {  	[dreg:$0x4] =	wrdreg s18  }
0xb2: {  	[dreg:$0x5] =	wrdreg $0x9  }
0xb3: {  	_ =	task.clear_ibuf [dreg:s8], $0x6FFFF;
	_ =	strace $0x90000049  }
0xb4: {  	s29 =	simm.s32 $0x9;
	_ =	strace $0x8000004B  }
0xb5: {  	_ =	swait.ge [sflag:s29], $0x1  }
0xb6: {  	[sflag:s29] =	ssyncadd.s32 $0xFFFFFFFF  }
0xb7: {  	_ =	strace $0x9000004B  }
0xb8: {  	_ =	sfence  }
0xb9: {  	s30 =	sld [smem:$0x0];
	_ =	sdelay $0x2  }
0xba: {  	s31 =	sshll.u32 s1, $0xD;
	s1 =	sshrl.u32 s1, $0x2  }
0xbb: {  	s3 =	sand.u32 $0x4000, s31;
	s1 =	sadd.s32 s1, s30  }
0xbc: {  	s0 =	sor.u32 s3, s0;
	s1 =	sshll.u32 s1, $0x11  }
0xbd: {  	s0 =	sor.u32 s1, s0  }
0xbe: {  	s0 =	sadd.s32 $0x8F2B, s0  }
0xbf: {  	[sflag:s0] =	ssyncadd.remote.s32 $0x1  }
0xc0: {  	_ =	sfence.sel $0xFFFF  }
0xc1: {  	[dreg:$0x0] =	wrdreg $0xFFFFFFFF;
	(pc) =	sbr.abs _section_cstart, $3  }
0xc2: {  	[dreg:$0x1] =	wrdreg $0xFFFFFFFF  }
0xc3: {  	_ =	task.clear_ibuf [dreg:s8], $0x2FFFF;
	_ =	strace $0x9FFFFFFF  }
0xc4: {  	(tm) =	ssettm $0x7FFFFFFF  }
0xc5: {  	_ =	shalt  }
tec
execute0_lowered:
.L_overlay_start_1:
0x0: {  	(tag) =	ssettag $0x1  }
0x1: {  	s4 =	rddreg [dreg:$0x0]  }
0x2: {  	s5 =	rddreg [dreg:$0x1]  }
0x3: {  	s11 =	rddreg [dreg:$0x2];
	s2 =	simm.s32 $0x0;
	s3 =	srdreg.scid  }
0x4: {  	s0 =	stileid.u32;
	s17 =	simm.s32 $0x6200;
	s18 =	simm.s32 $0x0  }
0x5: {  	[smem:$0x7FF] =	sst s2;
	s6 =	sand.u32 $0x1, s3;
	s7 =	sshll.u32 s0, $0xA  }
0x6: {  	s3 =	sadd.s32 $0x6800, s5;
	s8 =	sshll.u32 s6, $0x9;
	s6 =	ssub.s32 $0x2, s6  }
0x7: {  	s12 =	sadd.s32 $0xF48C00, s5;
	s10 =	sor.u32 s8, s7;
	s21 =	sshrl.u32 s6, $0x1  }
0x8: {  	_ =	strace $0x8000004A;
	s7 =	sshrl.u32 s10, $0x3;
	s13 =	ssub.s32 s6, s21  }
0x9: {  	s23 =	sshll.u32 s10, $0x3;
	s25 =	sshll.u32 s10, $0x4;
	s8 =	sor.u32 $0x80, s10  }
0xa: {  	s14 =	sor.u32 $0x100, s10;
	s10 =	sor.u32 $0x180, s10;
	s22 =	sadd.s32 s4, s7  }
0xb: {  	s24 =	sadd.s32 s11, s23;
	s26 =	sadd.s32 s12, s25;
	s28 =	sshll.u32 s8, $0x3  }
0xc: {  	s8 =	sshll.u32 s8, $0x4;
	s9 =	sshll.u32 s14, $0x3;
	[dreg:$0x4] =	wrdreg s22  }
0xd: {  	s14 =	sshll.u32 s14, $0x4;
	s15 =	sshll.u32 s10, $0x3;
	[dreg:$0x5] =	wrdreg s24  }
0xe: {  	s16 =	sshll.u32 s10, $0x4;
	s13 =	smax.u32 s13, $0x1;
	[dreg:$0x6] =	wrdreg s26  }
0xf: {  	s29 =	sadd.s32 s11, s28;
	s30 =	sadd.s32 s12, s8;
	s31 =	sadd.s32 s11, s9  }
0x10: {  	s10 =	sadd.s32 s12, s14;
	s11 =	sadd.s32 s11, s15;
	[dreg:$0x7] =	wrdreg s29  }
0x11: {  	s12 =	sadd.s32 s12, s16;
	s14 =	simm.s32 $0x2;
	[dreg:$0x8] =	wrdreg s30  }
0x12: {  	s15 =	simm.s32 $0x4200;
	s16 =	simm.s32 $0x1;
	[dreg:$0x9] =	wrdreg s31  }
.LBB2_1:
0x13: {  	s0 =	rddreg [dreg:$0x4]  }
0x14: {  	[tilespmem:s2], [sflag:$0x2] =	stream.linear.gather [hbm4b:s0+s2], $0x200, $0x38;
	[tilespmem:$0xA200] =	vst v63  }
0x15: {  	_ =	swait.ge [sflag:s14], $0x200  }
0x16: {  	[sflag:s14] =	ssyncset.done $0x0  }
0x17: {  	[sflag:s14] =	ssyncadd.s32 $0xFFFFFE00  }
0x18: {  	v0 =	vld [tilespmem:s2+$0x0];
	_ =	sdelay $0x4  }
0x19: {  	v0 =	vshll.u32 v0, $0x4  }
0x1a: {  	(v2sf) =	vpush v0, $0x0  }
0x1b: {  	(v2sf) =	vpush v0, $0x1  }
0x1c: {  	(v2sf) =	vpush v0, $0x2;
	_ =	sdelay $0x1  }
0x1d: {  	(v2sf) =	vpush v0, $0x4;
	_ =	sdelay $0x1  }
0x1e: {  	(v2sf) =	vpush v0, $0x3  }
0x1f: {  	(v2sf) =	vpush v0, $0x5  }
0x20: {  	s20 =	simm.s32 $0x2000;
	s19 =	simm.s32 $0x0;
	s21 =	simm.s32 $0x0;
	(v2sf) =	vpush v0, $0x6  }
.LBB2_2:
0x21: {  	p0 =	sne.s32 s20, $0xE000  }
0x22: {  	s0 =	sadd.s32 $0x280, s19;
	s25 =	sadd.s32 $0x780, s19;
	s22 =	smov.u32 s20  }
0x23: {  	s20 =	sadd.s32 $0x2000, s20;
	s29 =	sadd.s32 $0x580, s19;
	s23 =	sadd.s32 $0x800, s19;
	(v2sf) =	vpush v0, $0x7  }
0x24: {  	s31 =	sadd.s32 $0x480, s19;
	s28 =	sadd.s32 $0x600, s19;
	s24 =	sadd.s32 $0x880, s19  }
0x25: {  	s1 =	sadd.s32 $0x200, s19;
	s4 =	sadd.s32 $0x400, s19;
	(v2sf) =	vpush v0, $0x8  }
0x26: {  	s5 =	sadd.s32 $0x500, s19;
	s21 =	sadd.s32 $0x10, s21  }
0x27: {  	s6 =	sadd.s32 $0x300, s19;
	s26 =	sadd.s32 $0x700, s19;
	s30 =	spop (v2sf);
	(v2sf) =	vpush v0, $0x9  }
0x28: {  	s7 =	sand.u32 $0x1FFFFFF0, s30;
	s30 =	sadd.s32 $0x680, s19;
	s8 =	spop (v2sf)  }
0x29: {  	s7 =	sadd.s32 s3, s7;
	s8 =	sand.u32 $0x1FFFFFF0, s8;
	s9 =	spop (v2sf);
	(v2sf) =	vpush v0, $0xA  }
0x2a: {  	[tilespmem:s1], [sflag:$0x1] =	stream.linear.gather [hbm4b:s7+s2], $0x80, $0x38;
	[tilespmem:$0xA200] =	vst v63  }
0x2b: {  	s1 =	sadd.s32 s3, s8;
	s7 =	sadd.s32 $0x380, s19;
	s8 =	spop (v2sf);
	(v2sf) =	vpush v0, $0xB  }
0x2c: {  	[tilespmem:s0], [sflag:$0x1] =	stream.linear.gather [hbm4b:s1+s2], $0x80, $0x38;
	[tilespmem:$0xA200] =	vst v63  }
0x2d: {  	s0 =	sand.u32 $0x1FFFFFF0, s9;
	s1 =	sand.u32 $0x1FFFFFF0, s8;
	s8 =	spop (v2sf);
	(v2sf) =	vpush v0, $0xC  }
0x2e: {  	s0 =	sadd.s32 s3, s0;
	s8 =	sand.u32 $0x1FFFFFF0, s8;
	s9 =	spop (v2sf)  }
0x2f: {  	[tilespmem:s6], [sflag:$0x1] =	stream.linear.gather [hbm4b:s0+s2], $0x80, $0x38;
	(v2sf) =	vpush v0, $0xD;
	[tilespmem:$0xA200] =	vst v63  }
0x30: {  	s0 =	sadd.s32 s3, s8;
	s6 =	sand.u32 $0x1FFFFFF0, s9;
	s8 =	spop (v2sf)  }
0x31: {  	[tilespmem:s7], [sflag:$0x1] =	stream.linear.gather [hbm4b:s0+s2], $0x80, $0x38;
	(v2sf) =	vpush v0, $0xE;
	[tilespmem:$0xA200] =	vst v63  }
0x32: {  	s0 =	sadd.s32 s3, s1;
	s1 =	sand.u32 $0x1FFFFFF0, s8;
	s7 =	spop (v2sf)  }
0x33: {  	[tilespmem:s4], [sflag:$0x1] =	stream.linear.gather [hbm4b:s0+s2], $0x80, $0x38;
	(v2sf) =	vpush v0, $0xF;
	[tilespmem:$0xA200] =	vst v63  }
0x34: {  	s0 =	sadd.s32 s3, s6;
	s4 =	sand.u32 $0x1FFFFFF0, s7;
	s6 =	spop (v2sf)  }
0x35: {  	[tilespmem:s31], [sflag:$0x1] =	stream.linear.gather [hbm4b:s0+s2], $0x80, $0x38;
	[tilespmem:$0xA200] =	vst v63  }
0x36: {  	s0 =	sadd.s32 s3, s1;
	s1 =	sand.u32 $0x1FFFFFF0, s6;
	s6 =	spop (v2sf)  }
0x37: {  	[tilespmem:s5], [sflag:$0x1] =	stream.linear.gather [hbm4b:s0+s2], $0x80, $0x38;
	[tilespmem:$0xA200] =	vst v63  }
0x38: {  	s0 =	sadd.s32 s3, s4;
	s4 =	sand.u32 $0x1FFFFFF0, s6;
	s5 =	spop (v2sf)  }
0x39: {  	[tilespmem:s29], [sflag:$0x1] =	stream.linear.gather [hbm4b:s0+s2], $0x80, $0x38;
	[tilespmem:$0xA200] =	vst v63  }
0x3a: {  	s0 =	sadd.s32 s3, s1;
	s1 =	sand.u32 $0x1FFFFFF0, s5;
	s5 =	spop (v2sf)  }
0x3b: {  	[tilespmem:s28], [sflag:$0x1] =	stream.linear.gather [hbm4b:s0+s2], $0x80, $0x38;
	[tilespmem:$0xA200] =	vst v63  }
0x3c: {  	s0 =	sadd.s32 s3, s4;
	s4 =	sand.u32 $0x1FFFFFF0, s5;
	s5 =	spop (v2sf)  }
0x3d: {  	[tilespmem:s30], [sflag:$0x1] =	stream.linear.gather [hbm4b:s0+s2], $0x80, $0x38;
	[tilespmem:$0xA200] =	vst v63  }
0x3e: {  	s0 =	sadd.s32 s3, s1;
	s1 =	sand.u32 $0x1FFFFFF0, s5;
	s5 =	spop (v2sf)  }
0x3f: {  	[tilespmem:s26], [sflag:$0x1] =	stream.linear.gather [hbm4b:s0+s2], $0x80, $0x38;
	[tilespmem:$0xA200] =	vst v63  }
0x40: {  	s0 =	sadd.s32 s3, s4;
	s4 =	sand.u32 $0x1FFFFFF0, s5;
	s5 =	spop (v2sf)  }
0x41: {  	[tilespmem:s25], [sflag:$0x1] =	stream.linear.gather [hbm4b:s0+s2], $0x80, $0x38;
	[tilespmem:$0xA200] =	vst v63  }
0x42: {  	s0 =	sadd.s32 s3, s1;
	s1 =	sand.u32 $0x1FFFFFF0, s5;
	s5 =	spop (v2sf)  }
0x43: {  	[tilespmem:s23], [sflag:$0x1] =	stream.linear.gather [hbm4b:s0+s2], $0x80, $0x38;
	[tilespmem:$0xA200] =	vst v63  }
0x44: {  	s0 =	sadd.s32 s3, s4;
	s4 =	sand.u32 $0x1FFFFFF0, s5  }
0x45: {  	[tilespmem:s24], [sflag:$0x1] =	stream.linear.gather [hbm4b:s0+s2], $0x80, $0x38;
	[tilespmem:$0xA200] =	vst v63  }
0x46: {  	s1 =	sadd.s32 s3, s1;
	s0 =	sadd.s32 $0x900, s19  }
0x47: {  	[tilespmem:s0], [sflag:$0x1] =	stream.linear.gather [hbm4b:s1+s2], $0x80, $0x38;
	[tilespmem:$0xA200] =	vst v63  }
0x48: {  	s0 =	sadd.s32 $0x980, s19;
	s1 =	sadd.s32 s3, s4  }
0x49: {  	[tilespmem:s0], [sflag:$0x1] =	stream.linear.gather [hbm4b:s1+s2], $0x80, $0x38;
	[tilespmem:$0xA200] =	vst v63  }
0x4a: {  	v0 =	vld [tilespmem:s21+$0x0];
	_ =	sdelay $0x4  }
0x4b: {  	v0 =	vshll.u32 v0, $0x4  }
0x4c: {  	(v2sf) =	vpush v0, $0x0  }
0x4d: {  	(v2sf) =	vpush v0, $0x1  }
0x4e: {  	(v2sf) =	vpush v0, $0x2;
	_ =	sdelay $0x1  }
0x4f: {  	(v2sf) =	vpush v0, $0x4  }
.Ltmp0:
0x50: {  	(pc) =	sbr.rel @p0 .LBB2_2-.Ltmp0, $3  }
0x51: {  	(v2sf) =	vpush v0, $0x3  }
0x52: {  	(v2sf) =	vpush v0, $0x5;
	_ =	sdelay $0x1  }
0x53: {  	s19 =	sshra.s32 s22, $0x2;
	(v2sf) =	vpush v0, $0x6  }
0x54: {  	_ =	sdelay $0x1  }
0x55: {  	s0 =	sadd.s32 $0x280, s19;
	s22 =	sadd.s32 $0x780, s19  }
0x56: {  	s1 =	sadd.s32 $0x580, s19;
	s20 =	sadd.s32 $0x800, s19;
	(v2sf) =	vpush v0, $0x7;
	s4 =	sadd.s32 $0x480, s19  }
0x57: {  	s5 =	sadd.s32 $0x600, s19;
	s21 =	sadd.s32 $0x880, s19;
	s6 =	sadd.s32 $0x200, s19  }
0x58: {  	s7 =	sadd.s32 $0x400, s19;
	s8 =	sadd.s32 $0x500, s19;
	(v2sf) =	vpush v0, $0x8;
	s9 =	spop (v2sf)  }
0x59: {  	s23 =	sadd.s32 $0x300, s19;
	s9 =	sand.u32 $0x1FFFFFF0, s9;
	s24 =	spop (v2sf)  }
0x5a: {  	(v2sf) =	vpush v0, $0x9;
	s9 =	sadd.s32 s3, s9;
	s24 =	sand.u32 $0x1FFFFFF0, s24;
	s25 =	spop (v2sf)  }
0x5b: {  	[tilespmem:s6], [sflag:$0x1] =	stream.linear.gather [hbm4b:s9+s2], $0x80, $0x38;
	[tilespmem:$0xA200] =	vst v63  }
0x5c: {  	s26 =	sadd.s32 $0x380, s19;
	(v2sf) =	vpush v0, $0xA;
	s30 =	sadd.s32 s3, s24;
	s31 =	spop (v2sf)  }
0x5d: {  	[tilespmem:s0], [sflag:$0x1] =	stream.linear.gather [hbm4b:s30+s2], $0x80, $0x38;
	[tilespmem:$0xA200] =	vst v63  }
0x5e: {  	s6 =	sadd.s32 $0x700, s19;
	s28 =	sand.u32 $0x1FFFFFF0, s25;
	(v2sf) =	vpush v0, $0xB;
	s29 =	spop (v2sf)  }
0x5f: {  	s9 =	sadd.s32 s3, s28;
	s0 =	sadd.s32 $0x680, s19;
	s25 =	sand.u32 $0x1FFFFFF0, s29  }
0x60: {  	(v2sf) =	vpush v0, $0xC;
	[tilespmem:s23], [sflag:$0x1] =	stream.linear.gather [hbm4b:s9+s2], $0x80, $0x38;
	[tilespmem:$0xA200] =	vst v63  }
0x61: {  	s30 =	sand.u32 $0x1FFFFFF0, s31;
	s31 =	spop (v2sf);
	s28 =	sadd.s32 s3, s25  }
0x62: {  	(v2sf) =	vpush v0, $0xD;
	[tilespmem:s26], [sflag:$0x1] =	stream.linear.gather [hbm4b:s28+s2], $0x80, $0x38;
	[tilespmem:$0xA200] =	vst v63  }
0x63: {  	s9 =	sadd.s32 s3, s30;
	s23 =	sand.u32 $0x1FFFFFF0, s31;
	s29 =	spop (v2sf)  }
0x64: {  	(v2sf) =	vpush v0, $0xE;
	[tilespmem:s7], [sflag:$0x1] =	stream.linear.gather [hbm4b:s9+s2], $0x80, $0x38;
	[tilespmem:$0xA200] =	vst v63  }
0x65: {  	s23 =	sadd.s32 s3, s23;
	s30 =	sand.u32 $0x1FFFFFF0, s29;
	s31 =	spop (v2sf)  }
0x66: {  	(v2sf) =	vpush v0, $0xF;
	[tilespmem:s4], [sflag:$0x1] =	stream.linear.gather [hbm4b:s23+s2], $0x80, $0x38;
	[tilespmem:$0xA200] =	vst v63  }
0x67: {  	s24 =	sand.u32 $0x1FFFFFF0, s31;
	s25 =	spop (v2sf);
	s7 =	sadd.s32 s3, s30  }
0x68: {  	[tilespmem:s8], [sflag:$0x1] =	stream.linear.gather [hbm4b:s7+s2], $0x80, $0x38;
	[tilespmem:$0xA200] =	vst v63  }
0x69: {  	s26 =	sand.u32 $0x1FFFFFF0, s25;
	s4 =	sadd.s32 s3, s24;
	s28 =	spop (v2sf)  }
0x6a: {  	[tilespmem:s1], [sflag:$0x1] =	stream.linear.gather [hbm4b:s4+s2], $0x80, $0x38;
	[tilespmem:$0xA200] =	vst v63  }
0x6b: {  	s7 =	sadd.s32 s3, s26;
	s29 =	sand.u32 $0x1FFFFFF0, s28;
	s30 =	spop (v2sf)  }
0x6c: {  	[tilespmem:s5], [sflag:$0x1] =	stream.linear.gather [hbm4b:s7+s2], $0x80, $0x38;
	[tilespmem:$0xA200] =	vst v63  }
0x6d: {  	s4 =	sand.u32 $0x1FFFFFF0, s30;
	s1 =	sadd.s32 s3, s29;
	s31 =	spop (v2sf)  }
0x6e: {  	[tilespmem:s0], [sflag:$0x1] =	stream.linear.gather [hbm4b:s1+s2], $0x80, $0x38;
	[tilespmem:$0xA200] =	vst v63  }
0x6f: {  	s4 =	sadd.s32 s3, s4;
	s7 =	sand.u32 $0x1FFFFFF0, s31;
	s8 =	spop (v2sf)  }
0x70: {  	[tilespmem:s6], [sflag:$0x1] =	stream.linear.gather [hbm4b:s4+s2], $0x80, $0x38;
	[tilespmem:$0xA200] =	vst v63  }
0x71: {  	s0 =	sadd.s32 s3, s7;
	s1 =	sand.u32 $0x1FFFFFF0, s8;
	s9 =	spop (v2sf)  }
0x72: {  	[tilespmem:s22], [sflag:$0x1] =	stream.linear.gather [hbm4b:s0+s2], $0x80, $0x38;
	[tilespmem:$0xA200] =	vst v63  }
0x73: {  	s1 =	sadd.s32 s3, s1;
	s23 =	spop (v2sf);
	s22 =	sand.u32 $0x1FFFFFF0, s9  }
0x74: {  	[tilespmem:s20], [sflag:$0x1] =	stream.linear.gather [hbm4b:s1+s2], $0x80, $0x38;
	[tilespmem:$0xA200] =	vst v63  }
0x75: {  	s24 =	sand.u32 $0x1FFFFFF0, s23;
	s25 =	spop (v2sf);
	s0 =	sadd.s32 s3, s22  }
0x76: {  	[tilespmem:s21], [sflag:$0x1] =	stream.linear.gather [hbm4b:s0+s2], $0x80, $0x38;
	[tilespmem:$0xA200] =	vst v63  }
0x77: {  	s28 =	sadd.s32 $0x900, s19;
	s26 =	sand.u32 $0x1FFFFFF0, s25;
	s1 =	sadd.s32 s3, s24  }
0x78: {  	[tilespmem:s28], [sflag:$0x1] =	stream.linear.gather [hbm4b:s1+s2], $0x80, $0x38;
	[tilespmem:$0xA200] =	vst v63  }
0x79: {  	s29 =	sadd.s32 $0x980, s19;
	s0 =	sadd.s32 s3, s26  }
0x7a: {  	[tilespmem:s29], [sflag:$0x1] =	stream.linear.gather [hbm4b:s0+s2], $0x80, $0x38;
	[tilespmem:$0xA200] =	vst v63  }
0x7b: {  	s30 =	simm.s32 $0x0;
	s31 =	rddreg [dreg:$0x5]  }
0x7c: {  	[tilespmem:s15], [sflag:$0x1] =	stream.linear.gather [hbm4b:s31+s30], $0x2000, $0x38;
	[tilespmem:$0xA200] =	vst v63  }
0x7d: {  	_ =	swait.ge [sflag:s16], $0x2000  }
0x7e: {  	[sflag:s16] =	ssyncset.done $0x0  }
0x7f: {  	[sflag:s16] =	ssyncadd.s32 $0xFFFFE000  }
0x80: {  	_ =	swait.ge [sflag:s16], $0x4000  }
0x81: {  	[sflag:s16] =	ssyncset.done $0x0  }
0x82: {  	s19 =	simm.s32 $0x0;
	[sflag:s16] =	ssyncadd.s32 $0xFFFFC000  }
0x83: {  	s20 =	simm.s32 $0x4240;
	s21 =	simm.s32 $0x400;
	v0 =	vld [tilespmem:s19+$0x200]  }
.LBB2_4:
0x84: {  	p0 =	sne.s32 s21, $0xFC00;
	v1 =	vld [tilespmem:s20+$0xFFFFFFC0];
	_ =	sdelay $0x4  }
0x85: {  	v0 =	vadd.f32 v1, v0;
	_ =	sdelay $0x1  }
0x86: {  	[tilespmem:s19+$0x6200] =	vst v0;
	v0 =	vld [tilespmem:s19+$0x210]  }
0x87: {  	v1 =	vld [tilespmem:s20+$0xFFFFFFD0];
	_ =	sdelay $0x4  }
0x88: {  	v0 =	vadd.f32 v1, v0;
	_ =	sdelay $0x1  }
0x89: {  	[tilespmem:s19+$0x6210] =	vst v0;
	v0 =	vld [tilespmem:s19+$0x220]  }
0x8a: {  	v1 =	vld [tilespmem:s20+$0xFFFFFFE0];
	_ =	sdelay $0x4  }
0x8b: {  	v0 =	vadd.f32 v1, v0;
	_ =	sdelay $0x1  }
0x8c: {  	[tilespmem:s19+$0x6220] =	vst v0;
	v0 =	vld [tilespmem:s19+$0x230]  }
0x8d: {  	v1 =	vld [tilespmem:s20+$0xFFFFFFF0];
	_ =	sdelay $0x4  }
0x8e: {  	v0 =	vadd.f32 v1, v0;
	_ =	sdelay $0x1  }
0x8f: {  	[tilespmem:s19+$0x6230] =	vst v0;
	v0 =	vld [tilespmem:s19+$0x280]  }
0x90: {  	v1 =	vld [tilespmem:s20+$0x0];
	_ =	sdelay $0x4  }
0x91: {  	v0 =	vadd.f32 v1, v0;
	_ =	sdelay $0x1  }
0x92: {  	[tilespmem:s19+$0x6280] =	vst v0;
	v0 =	vld [tilespmem:s19+$0x290]  }
0x93: {  	v1 =	vld [tilespmem:s20+$0x10];
	_ =	sdelay $0x4  }
0x94: {  	v0 =	vadd.f32 v1, v0;
	_ =	sdelay $0x1  }
0x95: {  	[tilespmem:s19+$0x6290] =	vst v0;
	v0 =	vld [tilespmem:s19+$0x2A0]  }
0x96: {  	v1 =	vld [tilespmem:s20+$0x20];
	_ =	sdelay $0x4  }
0x97: {  	v0 =	vadd.f32 v1, v0;
	_ =	sdelay $0x1  }
0x98: {  	[tilespmem:s19+$0x62A0] =	vst v0;
	v0 =	vld [tilespmem:s19+$0x2B0]  }
0x99: {  	v1 =	vld [tilespmem:s20+$0x30];
	_ =	sdelay $0x2  }
.Ltmp1:
0x9a: {  	(pc) =	sbr.rel @p0 .LBB2_4-.Ltmp1, $4  }
0x9b: {  	_ = 	snop  }
0x9c: {  	v1 =	vadd.f32 v1, v0  }
0x9d: {  	s0 =	sshra.s32 s21, $0x2  }
0x9e: {  	s21 =	sadd.s32 $0x400, s21;
	s20 =	sadd.s32 $0x80, s20;
	v0 =	vld [tilespmem:s0+$0x200];
	[tilespmem:s19+$0x62B0] =	vst v1;
	s19 =	smov.u32 s0  }
0x9f: {  	v1 =	vld [tilespmem:s20+$0xFFFFFFC0];
	_ =	sdelay $0x4  }
0xa0: {  	v0 =	vadd.f32 v1, v0;
	_ =	sdelay $0x1  }
0xa1: {  	[tilespmem:s19+$0x6200] =	vst v0;
	v0 =	vld [tilespmem:s19+$0x210]  }
0xa2: {  	v1 =	vld [tilespmem:s20+$0xFFFFFFD0];
	_ =	sdelay $0x4  }
0xa3: {  	v0 =	vadd.f32 v1, v0;
	_ =	sdelay $0x1  }
0xa4: {  	[tilespmem:s19+$0x6210] =	vst v0;
	v0 =	vld [tilespmem:s19+$0x220]  }
0xa5: {  	v1 =	vld [tilespmem:s20+$0xFFFFFFE0];
	_ =	sdelay $0x4  }
0xa6: {  	v0 =	vadd.f32 v1, v0;
	_ =	sdelay $0x1  }
0xa7: {  	[tilespmem:s19+$0x6220] =	vst v0;
	v0 =	vld [tilespmem:s19+$0x230]  }
0xa8: {  	v1 =	vld [tilespmem:s20+$0xFFFFFFF0];
	_ =	sdelay $0x4  }
0xa9: {  	v0 =	vadd.f32 v1, v0;
	_ =	sdelay $0x1  }
0xaa: {  	[tilespmem:s19+$0x6230] =	vst v0;
	v0 =	vld [tilespmem:s19+$0x280]  }
0xab: {  	v1 =	vld [tilespmem:s20+$0x0];
	_ =	sdelay $0x4  }
0xac: {  	v0 =	vadd.f32 v1, v0;
	_ =	sdelay $0x1  }
0xad: {  	[tilespmem:s19+$0x6280] =	vst v0;
	v0 =	vld [tilespmem:s19+$0x290]  }
0xae: {  	v1 =	vld [tilespmem:s20+$0x10];
	_ =	sdelay $0x4  }
0xaf: {  	v0 =	vadd.f32 v1, v0;
	_ =	sdelay $0x1  }
0xb0: {  	[tilespmem:s19+$0x6290] =	vst v0;
	v0 =	vld [tilespmem:s19+$0x2A0]  }
0xb1: {  	v1 =	vld [tilespmem:s20+$0x20];
	_ =	sdelay $0x4  }
0xb2: {  	v0 =	vadd.f32 v1, v0;
	_ =	sdelay $0x1  }
0xb3: {  	[tilespmem:s19+$0x62A0] =	vst v0;
	v0 =	vld [tilespmem:s19+$0x2B0]  }
0xb4: {  	v1 =	vld [tilespmem:s20+$0x30];
	_ =	sdelay $0x4  }
0xb5: {  	v0 =	vadd.f32 v1, v0;
	_ =	sdelay $0x1  }
0xb6: {  	s0 =	simm.s32 $0x0;
	s1 =	rddreg [dreg:$0x6];
	[tilespmem:s19+$0x62B0] =	vst v0  }
0xb7: {  	[hbm4b:s1+s0] =	stream.linear.scatter [tilespmem:s17], [sflag:$0x2], $0x4000, $0x38;
	[tilespmem:$0xA200] =	vst v63  }
0xb8: {  	_ =	swait.ge [sflag:s14], $0x4000  }
0xb9: {  	[sflag:s14] =	ssyncset.done $0x0  }
0xba: {  	s20 =	simm.s32 $0x80;
	[sflag:s14] =	ssyncadd.s32 $0xFFFFC000  }
0xbb: {  	v0 =	vld [tilespmem:s20+$0x0];
	_ =	sdelay $0x4  }
0xbc: {  	v0 =	vshll.u32 v0, $0x4  }
0xbd: {  	(v2sf) =	vpush v0, $0x0  }
0xbe: {  	(v2sf) =	vpush v0, $0x1  }
0xbf: {  	(v2sf) =	vpush v0, $0x2;
	_ =	sdelay $0x1  }
0xc0: {  	(v2sf) =	vpush v0, $0x4;
	_ =	sdelay $0x1  }
0xc1: {  	(v2sf) =	vpush v0, $0x3  }
0xc2: {  	(v2sf) =	vpush v0, $0x5  }
0xc3: {  	s21 =	simm.s32 $0x2000;
	s19 =	simm.s32 $0x0;
	(v2sf) =	vpush v0, $0x6  }
.LBB2_6:
0xc4: {  	p0 =	sne.s32 s21, $0xE000  }
0xc5: {  	s0 =	sadd.s32 $0x280, s19;
	s25 =	sadd.s32 $0x780, s19;
	s22 =	smov.u32 s21  }
0xc6: {  	s21 =	sadd.s32 $0x2000, s21;
	s29 =	sadd.s32 $0x580, s19;
	s23 =	sadd.s32 $0x800, s19;
	(v2sf) =	vpush v0, $0x7  }
0xc7: {  	s31 =	sadd.s32 $0x480, s19;
	s28 =	sadd.s32 $0x600, s19;
	s24 =	sadd.s32 $0x880, s19  }
0xc8: {  	s1 =	sadd.s32 $0x200, s19;
	s4 =	sadd.s32 $0x400, s19;
	(v2sf) =	vpush v0, $0x8  }
0xc9: {  	s5 =	sadd.s32 $0x500, s19;
	s20 =	sadd.s32 $0x10, s20  }
0xca: {  	s6 =	sadd.s32 $0x300, s19;
	s26 =	sadd.s32 $0x700, s19;
	s7 =	spop (v2sf);
	(v2sf) =	vpush v0, $0x9  }
0xcb: {  	s30 =	sadd.s32 $0x680, s19;
	s7 =	sand.u32 $0x1FFFFFF0, s7;
	s8 =	spop (v2sf)  }
0xcc: {  	s7 =	sadd.s32 s3, s7;
	s8 =	sand.u32 $0x1FFFFFF0, s8;
	s9 =	spop (v2sf);
	(v2sf) =	vpush v0, $0xA  }
0xcd: {  	[tilespmem:s1], [sflag:$0x1] =	stream.linear.gather [hbm4b:s7+s2], $0x80, $0x38;
	[tilespmem:$0xA200] =	vst v63  }
0xce: {  	s1 =	sadd.s32 s3, s8;
	s7 =	sadd.s32 $0x380, s19;
	s8 =	spop (v2sf);
	(v2sf) =	vpush v0, $0xB  }
0xcf: {  	[tilespmem:s0], [sflag:$0x1] =	stream.linear.gather [hbm4b:s1+s2], $0x80, $0x38;
	[tilespmem:$0xA200] =	vst v63  }
0xd0: {  	s0 =	sand.u32 $0x1FFFFFF0, s9;
	s1 =	sand.u32 $0x1FFFFFF0, s8;
	s8 =	spop (v2sf);
	(v2sf) =	vpush v0, $0xC  }
0xd1: {  	s0 =	sadd.s32 s3, s0;
	s8 =	sand.u32 $0x1FFFFFF0, s8;
	s9 =	spop (v2sf)  }
0xd2: {  	[tilespmem:s6], [sflag:$0x1] =	stream.linear.gather [hbm4b:s0+s2], $0x80, $0x38;
	(v2sf) =	vpush v0, $0xD;
	[tilespmem:$0xA200] =	vst v63  }
0xd3: {  	s0 =	sadd.s32 s3, s8;
	s6 =	sand.u32 $0x1FFFFFF0, s9;
	s8 =	spop (v2sf)  }
0xd4: {  	[tilespmem:s7], [sflag:$0x1] =	stream.linear.gather [hbm4b:s0+s2], $0x80, $0x38;
	(v2sf) =	vpush v0, $0xE;
	[tilespmem:$0xA200] =	vst v63  }
0xd5: {  	s0 =	sadd.s32 s3, s1;
	s1 =	sand.u32 $0x1FFFFFF0, s8;
	s7 =	spop (v2sf)  }
0xd6: {  	[tilespmem:s4], [sflag:$0x1] =	stream.linear.gather [hbm4b:s0+s2], $0x80, $0x38;
	(v2sf) =	vpush v0, $0xF;
	[tilespmem:$0xA200] =	vst v63  }
0xd7: {  	s0 =	sadd.s32 s3, s6;
	s4 =	sand.u32 $0x1FFFFFF0, s7;
	s6 =	spop (v2sf)  }
0xd8: {  	[tilespmem:s31], [sflag:$0x1] =	stream.linear.gather [hbm4b:s0+s2], $0x80, $0x38;
	[tilespmem:$0xA200] =	vst v63  }
0xd9: {  	s0 =	sadd.s32 s3, s1;
	s1 =	sand.u32 $0x1FFFFFF0, s6;
	s6 =	spop (v2sf)  }
0xda: {  	[tilespmem:s5], [sflag:$0x1] =	stream.linear.gather [hbm4b:s0+s2], $0x80, $0x38;
	[tilespmem:$0xA200] =	vst v63  }
0xdb: {  	s0 =	sadd.s32 s3, s4;
	s4 =	sand.u32 $0x1FFFFFF0, s6;
	s5 =	spop (v2sf)  }
0xdc: {  	[tilespmem:s29], [sflag:$0x1] =	stream.linear.gather [hbm4b:s0+s2], $0x80, $0x38;
	[tilespmem:$0xA200] =	vst v63  }
0xdd: {  	s0 =	sadd.s32 s3, s1;
	s1 =	sand.u32 $0x1FFFFFF0, s5;
	s5 =	spop (v2sf)  }
0xde: {  	[tilespmem:s28], [sflag:$0x1] =	stream.linear.gather [hbm4b:s0+s2], $0x80, $0x38;
	[tilespmem:$0xA200] =	vst v63  }
0xdf: {  	s0 =	sadd.s32 s3, s4;
	s4 =	sand.u32 $0x1FFFFFF0, s5;
	s5 =	spop (v2sf)  }
0xe0: {  	[tilespmem:s30], [sflag:$0x1] =	stream.linear.gather [hbm4b:s0+s2], $0x80, $0x38;
	[tilespmem:$0xA200] =	vst v63  }
0xe1: {  	s0 =	sadd.s32 s3, s1;
	s1 =	sand.u32 $0x1FFFFFF0, s5;
	s5 =	spop (v2sf)  }
0xe2: {  	[tilespmem:s26], [sflag:$0x1] =	stream.linear.gather [hbm4b:s0+s2], $0x80, $0x38;
	[tilespmem:$0xA200] =	vst v63  }
0xe3: {  	s0 =	sadd.s32 s3, s4;
	s4 =	sand.u32 $0x1FFFFFF0, s5;
	s5 =	spop (v2sf)  }
0xe4: {  	[tilespmem:s25], [sflag:$0x1] =	stream.linear.gather [hbm4b:s0+s2], $0x80, $0x38;
	[tilespmem:$0xA200] =	vst v63  }
0xe5: {  	s0 =	sadd.s32 s3, s1;
	s1 =	sand.u32 $0x1FFFFFF0, s5;
	s5 =	spop (v2sf)  }
0xe6: {  	[tilespmem:s23], [sflag:$0x1] =	stream.linear.gather [hbm4b:s0+s2], $0x80, $0x38;
	[tilespmem:$0xA200] =	vst v63  }
0xe7: {  	s0 =	sadd.s32 s3, s4;
	s4 =	sand.u32 $0x1FFFFFF0, s5  }
0xe8: {  	[tilespmem:s24], [sflag:$0x1] =	stream.linear.gather [hbm4b:s0+s2], $0x80, $0x38;
	[tilespmem:$0xA200] =	vst v63  }
0xe9: {  	s1 =	sadd.s32 s3, s1;
	s0 =	sadd.s32 $0x900, s19  }
0xea: {  	[tilespmem:s0], [sflag:$0x1] =	stream.linear.gather [hbm4b:s1+s2], $0x80, $0x38;
	[tilespmem:$0xA200] =	vst v63  }
0xeb: {  	s0 =	sadd.s32 $0x980, s19;
	s1 =	sadd.s32 s3, s4  }
0xec: {  	[tilespmem:s0], [sflag:$0x1] =	stream.linear.gather [hbm4b:s1+s2], $0x80, $0x38;
	[tilespmem:$0xA200] =	vst v63  }
0xed: {  	v0 =	vld [tilespmem:s20+$0x0];
	_ =	sdelay $0x4  }
0xee: {  	v0 =	vshll.u32 v0, $0x4  }
0xef: {  	(v2sf) =	vpush v0, $0x0  }
0xf0: {  	(v2sf) =	vpush v0, $0x1  }
0xf1: {  	(v2sf) =	vpush v0, $0x2;
	_ =	sdelay $0x1  }
0xf2: {  	(v2sf) =	vpush v0, $0x4  }
.Ltmp2:
0xf3: {  	(pc) =	sbr.rel @p0 .LBB2_6-.Ltmp2, $3  }
0xf4: {  	(v2sf) =	vpush v0, $0x3  }
0xf5: {  	(v2sf) =	vpush v0, $0x5;
	_ =	sdelay $0x1  }
0xf6: {  	s19 =	sshra.s32 s22, $0x2;
	(v2sf) =	vpush v0, $0x6  }
0xf7: {  	_ =	sdelay $0x1  }
0xf8: {  	s0 =	sadd.s32 $0x280, s19;
	s22 =	sadd.s32 $0x780, s19  }
0xf9: {  	s1 =	sadd.s32 $0x580, s19;
	s20 =	sadd.s32 $0x800, s19;
	(v2sf) =	vpush v0, $0x7;
	s4 =	sadd.s32 $0x480, s19  }
0xfa: {  	s5 =	sadd.s32 $0x600, s19;
	s21 =	sadd.s32 $0x880, s19;
	s6 =	sadd.s32 $0x200, s19  }
0xfb: {  	s7 =	sadd.s32 $0x400, s19;
	s8 =	sadd.s32 $0x500, s19;
	(v2sf) =	vpush v0, $0x8;
	s9 =	spop (v2sf)  }
0xfc: {  	s23 =	sadd.s32 $0x300, s19;
	s9 =	sand.u32 $0x1FFFFFF0, s9;
	s24 =	spop (v2sf)  }
0xfd: {  	(v2sf) =	vpush v0, $0x9;
	s9 =	sadd.s32 s3, s9;
	s24 =	sand.u32 $0x1FFFFFF0, s24;
	s25 =	spop (v2sf)  }
0xfe: {  	[tilespmem:s6], [sflag:$0x1] =	stream.linear.gather [hbm4b:s9+s2], $0x80, $0x38;
	[tilespmem:$0xA200] =	vst v63  }
0xff: {  	s26 =	sadd.s32 $0x380, s19;
	(v2sf) =	vpush v0, $0xA;
	s30 =	sadd.s32 s3, s24;
	s31 =	spop (v2sf)  }
0x100: {  	[tilespmem:s0], [sflag:$0x1] =	stream.linear.gather [hbm4b:s30+s2], $0x80, $0x38;
	[tilespmem:$0xA200] =	vst v63  }
0x101: {  	s6 =	sadd.s32 $0x700, s19;
	s28 =	sand.u32 $0x1FFFFFF0, s25;
	(v2sf) =	vpush v0, $0xB;
	s29 =	spop (v2sf)  }
0x102: {  	s9 =	sadd.s32 s3, s28;
	s0 =	sadd.s32 $0x680, s19;
	s25 =	sand.u32 $0x1FFFFFF0, s29  }
0x103: {  	(v2sf) =	vpush v0, $0xC;
	[tilespmem:s23], [sflag:$0x1] =	stream.linear.gather [hbm4b:s9+s2], $0x80, $0x38;
	[tilespmem:$0xA200] =	vst v63  }
0x104: {  	s30 =	sand.u32 $0x1FFFFFF0, s31;
	s31 =	spop (v2sf);
	s28 =	sadd.s32 s3, s25  }
0x105: {  	(v2sf) =	vpush v0, $0xD;
	[tilespmem:s26], [sflag:$0x1] =	stream.linear.gather [hbm4b:s28+s2], $0x80, $0x38;
	[tilespmem:$0xA200] =	vst v63  }
0x106: {  	s9 =	sadd.s32 s3, s30;
	s23 =	sand.u32 $0x1FFFFFF0, s31;
	s29 =	spop (v2sf)  }
0x107: {  	(v2sf) =	vpush v0, $0xE;
	[tilespmem:s7], [sflag:$0x1] =	stream.linear.gather [hbm4b:s9+s2], $0x80, $0x38;
	[tilespmem:$0xA200] =	vst v63  }
0x108: {  	s23 =	sadd.s32 s3, s23;
	s30 =	sand.u32 $0x1FFFFFF0, s29;
	s31 =	spop (v2sf)  }
0x109: {  	(v2sf) =	vpush v0, $0xF;
	[tilespmem:s4], [sflag:$0x1] =	stream.linear.gather [hbm4b:s23+s2], $0x80, $0x38;
	[tilespmem:$0xA200] =	vst v63  }
0x10a: {  	s24 =	sand.u32 $0x1FFFFFF0, s31;
	s25 =	spop (v2sf);
	s7 =	sadd.s32 s3, s30  }
0x10b: {  	[tilespmem:s8], [sflag:$0x1] =	stream.linear.gather [hbm4b:s7+s2], $0x80, $0x38;
	[tilespmem:$0xA200] =	vst v63  }
0x10c: {  	s26 =	sand.u32 $0x1FFFFFF0, s25;
	s4 =	sadd.s32 s3, s24;
	s28 =	spop (v2sf)  }
0x10d: {  	[tilespmem:s1], [sflag:$0x1] =	stream.linear.gather [hbm4b:s4+s2], $0x80, $0x38;
	[tilespmem:$0xA200] =	vst v63  }
0x10e: {  	s7 =	sadd.s32 s3, s26;
	s29 =	sand.u32 $0x1FFFFFF0, s28;
	s30 =	spop (v2sf)  }
0x10f: {  	[tilespmem:s5], [sflag:$0x1] =	stream.linear.gather [hbm4b:s7+s2], $0x80, $0x38;
	[tilespmem:$0xA200] =	vst v63  }
0x110: {  	s4 =	sand.u32 $0x1FFFFFF0, s30;
	s1 =	sadd.s32 s3, s29;
	s31 =	spop (v2sf)  }
0x111: {  	[tilespmem:s0], [sflag:$0x1] =	stream.linear.gather [hbm4b:s1+s2], $0x80, $0x38;
	[tilespmem:$0xA200] =	vst v63  }
0x112: {  	s4 =	sadd.s32 s3, s4;
	s7 =	sand.u32 $0x1FFFFFF0, s31;
	s8 =	spop (v2sf)  }
0x113: {  	[tilespmem:s6], [sflag:$0x1] =	stream.linear.gather [hbm4b:s4+s2], $0x80, $0x38;
	[tilespmem:$0xA200] =	vst v63  }
0x114: {  	s0 =	sadd.s32 s3, s7;
	s1 =	sand.u32 $0x1FFFFFF0, s8;
	s9 =	spop (v2sf)  }
0x115: {  	[tilespmem:s22], [sflag:$0x1] =	stream.linear.gather [hbm4b:s0+s2], $0x80, $0x38;
	[tilespmem:$0xA200] =	vst v63  }
0x116: {  	s1 =	sadd.s32 s3, s1;
	s23 =	spop (v2sf);
	s22 =	sand.u32 $0x1FFFFFF0, s9  }
0x117: {  	[tilespmem:s20], [sflag:$0x1] =	stream.linear.gather [hbm4b:s1+s2], $0x80, $0x38;
	[tilespmem:$0xA200] =	vst v63  }
0x118: {  	s24 =	sand.u32 $0x1FFFFFF0, s23;
	s25 =	spop (v2sf);
	s0 =	sadd.s32 s3, s22  }
0x119: {  	[tilespmem:s21], [sflag:$0x1] =	stream.linear.gather [hbm4b:s0+s2], $0x80, $0x38;
	[tilespmem:$0xA200] =	vst v63  }
0x11a: {  	s28 =	sadd.s32 $0x900, s19;
	s26 =	sand.u32 $0x1FFFFFF0, s25;
	s1 =	sadd.s32 s3, s24  }
0x11b: {  	[tilespmem:s28], [sflag:$0x1] =	stream.linear.gather [hbm4b:s1+s2], $0x80, $0x38;
	[tilespmem:$0xA200] =	vst v63  }
0x11c: {  	s29 =	sadd.s32 $0x980, s19;
	s0 =	sadd.s32 s3, s26  }
0x11d: {  	[tilespmem:s29], [sflag:$0x1] =	stream.linear.gather [hbm4b:s0+s2], $0x80, $0x38;
	[tilespmem:$0xA200] =	vst v63  }
0x11e: {  	s30 =	simm.s32 $0x0;
	s31 =	rddreg [dreg:$0x7]  }
0x11f: {  	[tilespmem:s15], [sflag:$0x1] =	stream.linear.gather [hbm4b:s31+s30], $0x2000, $0x38;
	[tilespmem:$0xA200] =	vst v63  }
0x120: {  	_ =	swait.ge [sflag:s16], $0x2000  }
0x121: {  	[sflag:s16] =	ssyncset.done $0x0  }
0x122: {  	[sflag:s16] =	ssyncadd.s32 $0xFFFFE000  }
0x123: {  	_ =	swait.ge [sflag:s16], $0x4000  }
0x124: {  	[sflag:s16] =	ssyncset.done $0x0  }
0x125: {  	s19 =	simm.s32 $0x0;
	[sflag:s16] =	ssyncadd.s32 $0xFFFFC000  }
0x126: {  	s20 =	simm.s32 $0x4240;
	s21 =	simm.s32 $0x400;
	v0 =	vld [tilespmem:s19+$0x200]  }
.LBB2_8:
0x127: {  	p0 =	sne.s32 s21, $0xFC00;
	v1 =	vld [tilespmem:s20+$0xFFFFFFC0];
	_ =	sdelay $0x4  }
0x128: {  	v0 =	vadd.f32 v1, v0;
	_ =	sdelay $0x1  }
0x129: {  	[tilespmem:s19+$0x6200] =	vst v0;
	v0 =	vld [tilespmem:s19+$0x210]  }
0x12a: {  	v1 =	vld [tilespmem:s20+$0xFFFFFFD0];
	_ =	sdelay $0x4  }
0x12b: {  	v0 =	vadd.f32 v1, v0;
	_ =	sdelay $0x1  }
0x12c: {  	[tilespmem:s19+$0x6210] =	vst v0;
	v0 =	vld [tilespmem:s19+$0x220]  }
0x12d: {  	v1 =	vld [tilespmem:s20+$0xFFFFFFE0];
	_ =	sdelay $0x4  }
0x12e: {  	v0 =	vadd.f32 v1, v0;
	_ =	sdelay $0x1  }
0x12f: {  	[tilespmem:s19+$0x6220] =	vst v0;
	v0 =	vld [tilespmem:s19+$0x230]  }
0x130: {  	v1 =	vld [tilespmem:s20+$0xFFFFFFF0];
	_ =	sdelay $0x4  }
0x131: {  	v0 =	vadd.f32 v1, v0;
	_ =	sdelay $0x1  }
0x132: {  	[tilespmem:s19+$0x6230] =	vst v0;
	v0 =	vld [tilespmem:s19+$0x280]  }
0x133: {  	v1 =	vld [tilespmem:s20+$0x0];
	_ =	sdelay $0x4  }
0x134: {  	v0 =	vadd.f32 v1, v0;
	_ =	sdelay $0x1  }
0x135: {  	[tilespmem:s19+$0x6280] =	vst v0;
	v0 =	vld [tilespmem:s19+$0x290]  }
0x136: {  	v1 =	vld [tilespmem:s20+$0x10];
	_ =	sdelay $0x4  }
0x137: {  	v0 =	vadd.f32 v1, v0;
	_ =	sdelay $0x1  }
0x138: {  	[tilespmem:s19+$0x6290] =	vst v0;
	v0 =	vld [tilespmem:s19+$0x2A0]  }
0x139: {  	v1 =	vld [tilespmem:s20+$0x20];
	_ =	sdelay $0x4  }
0x13a: {  	v0 =	vadd.f32 v1, v0;
	_ =	sdelay $0x1  }
0x13b: {  	[tilespmem:s19+$0x62A0] =	vst v0;
	v0 =	vld [tilespmem:s19+$0x2B0]  }
0x13c: {  	v1 =	vld [tilespmem:s20+$0x30];
	_ =	sdelay $0x2  }
.Ltmp3:
0x13d: {  	(pc) =	sbr.rel @p0 .LBB2_8-.Ltmp3, $4  }
0x13e: {  	_ = 	snop  }
0x13f: {  	v1 =	vadd.f32 v1, v0  }
0x140: {  	s0 =	sshra.s32 s21, $0x2  }
0x141: {  	s21 =	sadd.s32 $0x400, s21;
	s20 =	sadd.s32 $0x80, s20;
	v0 =	vld [tilespmem:s0+$0x200];
	[tilespmem:s19+$0x62B0] =	vst v1;
	s19 =	smov.u32 s0  }
0x142: {  	v1 =	vld [tilespmem:s20+$0xFFFFFFC0];
	_ =	sdelay $0x4  }
0x143: {  	v0 =	vadd.f32 v1, v0;
	_ =	sdelay $0x1  }
0x144: {  	[tilespmem:s19+$0x6200] =	vst v0;
	v0 =	vld [tilespmem:s19+$0x210]  }
0x145: {  	v1 =	vld [tilespmem:s20+$0xFFFFFFD0];
	_ =	sdelay $0x4  }
0x146: {  	v0 =	vadd.f32 v1, v0;
	_ =	sdelay $0x1  }
0x147: {  	[tilespmem:s19+$0x6210] =	vst v0;
	v0 =	vld [tilespmem:s19+$0x220]  }
0x148: {  	v1 =	vld [tilespmem:s20+$0xFFFFFFE0];
	_ =	sdelay $0x4  }
0x149: {  	v0 =	vadd.f32 v1, v0;
	_ =	sdelay $0x1  }
0x14a: {  	[tilespmem:s19+$0x6220] =	vst v0;
	v0 =	vld [tilespmem:s19+$0x230]  }
0x14b: {  	v1 =	vld [tilespmem:s20+$0xFFFFFFF0];
	_ =	sdelay $0x4  }
0x14c: {  	v0 =	vadd.f32 v1, v0;
	_ =	sdelay $0x1  }
0x14d: {  	[tilespmem:s19+$0x6230] =	vst v0;
	v0 =	vld [tilespmem:s19+$0x280]  }
0x14e: {  	v1 =	vld [tilespmem:s20+$0x0];
	_ =	sdelay $0x4  }
0x14f: {  	v0 =	vadd.f32 v1, v0;
	_ =	sdelay $0x1  }
0x150: {  	[tilespmem:s19+$0x6280] =	vst v0;
	v0 =	vld [tilespmem:s19+$0x290]  }
0x151: {  	v1 =	vld [tilespmem:s20+$0x10];
	_ =	sdelay $0x4  }
0x152: {  	v0 =	vadd.f32 v1, v0;
	_ =	sdelay $0x1  }
0x153: {  	[tilespmem:s19+$0x6290] =	vst v0;
	v0 =	vld [tilespmem:s19+$0x2A0]  }
0x154: {  	v1 =	vld [tilespmem:s20+$0x20];
	_ =	sdelay $0x4  }
0x155: {  	v0 =	vadd.f32 v1, v0;
	_ =	sdelay $0x1  }
0x156: {  	[tilespmem:s19+$0x62A0] =	vst v0;
	v0 =	vld [tilespmem:s19+$0x2B0]  }
0x157: {  	v1 =	vld [tilespmem:s20+$0x30];
	_ =	sdelay $0x4  }
0x158: {  	v0 =	vadd.f32 v1, v0;
	_ =	sdelay $0x1  }
0x159: {  	s0 =	simm.s32 $0x0;
	s1 =	rddreg [dreg:$0x8];
	[tilespmem:s19+$0x62B0] =	vst v0  }
0x15a: {  	[hbm4b:s1+s0] =	stream.linear.scatter [tilespmem:s17], [sflag:$0x2], $0x4000, $0x38;
	[tilespmem:$0xA200] =	vst v63  }
0x15b: {  	_ =	swait.ge [sflag:s14], $0x4000  }
0x15c: {  	[sflag:s14] =	ssyncset.done $0x0  }
0x15d: {  	s20 =	simm.s32 $0x100;
	[sflag:s14] =	ssyncadd.s32 $0xFFFFC000  }
0x15e: {  	v0 =	vld [tilespmem:s20+$0x0];
	_ =	sdelay $0x4  }
0x15f: {  	v0 =	vshll.u32 v0, $0x4  }
0x160: {  	(v2sf) =	vpush v0, $0x0  }
0x161: {  	(v2sf) =	vpush v0, $0x1  }
0x162: {  	(v2sf) =	vpush v0, $0x2;
	_ =	sdelay $0x1  }
0x163: {  	(v2sf) =	vpush v0, $0x4;
	_ =	sdelay $0x1  }
0x164: {  	(v2sf) =	vpush v0, $0x3  }
0x165: {  	(v2sf) =	vpush v0, $0x5  }
0x166: {  	s21 =	simm.s32 $0x2000;
	s19 =	simm.s32 $0x0;
	(v2sf) =	vpush v0, $0x6  }
.LBB2_10:
0x167: {  	p0 =	sne.s32 s21, $0xE000  }
0x168: {  	s0 =	sadd.s32 $0x280, s19;
	s25 =	sadd.s32 $0x780, s19;
	s22 =	smov.u32 s21  }
0x169: {  	s21 =	sadd.s32 $0x2000, s21;
	s29 =	sadd.s32 $0x580, s19;
	s23 =	sadd.s32 $0x800, s19;
	(v2sf) =	vpush v0, $0x7  }
0x16a: {  	s31 =	sadd.s32 $0x480, s19;
	s28 =	sadd.s32 $0x600, s19;
	s24 =	sadd.s32 $0x880, s19  }
0x16b: {  	s1 =	sadd.s32 $0x200, s19;
	s4 =	sadd.s32 $0x400, s19;
	(v2sf) =	vpush v0, $0x8  }
0x16c: {  	s5 =	sadd.s32 $0x500, s19;
	s20 =	sadd.s32 $0x10, s20  }
0x16d: {  	s6 =	sadd.s32 $0x300, s19;
	s26 =	sadd.s32 $0x700, s19;
	s7 =	spop (v2sf);
	(v2sf) =	vpush v0, $0x9  }
0x16e: {  	s30 =	sadd.s32 $0x680, s19;
	s7 =	sand.u32 $0x1FFFFFF0, s7;
	s8 =	spop (v2sf)  }
0x16f: {  	s7 =	sadd.s32 s3, s7;
	s8 =	sand.u32 $0x1FFFFFF0, s8;
	s9 =	spop (v2sf);
	(v2sf) =	vpush v0, $0xA  }
0x170: {  	[tilespmem:s1], [sflag:$0x1] =	stream.linear.gather [hbm4b:s7+s2], $0x80, $0x38;
	[tilespmem:$0xA200] =	vst v63  }
0x171: {  	s1 =	sadd.s32 s3, s8;
	s7 =	sadd.s32 $0x380, s19;
	s8 =	spop (v2sf);
	(v2sf) =	vpush v0, $0xB  }
0x172: {  	[tilespmem:s0], [sflag:$0x1] =	stream.linear.gather [hbm4b:s1+s2], $0x80, $0x38;
	[tilespmem:$0xA200] =	vst v63  }
0x173: {  	s0 =	sand.u32 $0x1FFFFFF0, s9;
	s1 =	sand.u32 $0x1FFFFFF0, s8;
	s8 =	spop (v2sf);
	(v2sf) =	vpush v0, $0xC  }
0x174: {  	s0 =	sadd.s32 s3, s0;
	s8 =	sand.u32 $0x1FFFFFF0, s8;
	s9 =	spop (v2sf)  }
0x175: {  	[tilespmem:s6], [sflag:$0x1] =	stream.linear.gather [hbm4b:s0+s2], $0x80, $0x38;
	(v2sf) =	vpush v0, $0xD;
	[tilespmem:$0xA200] =	vst v63  }
0x176: {  	s0 =	sadd.s32 s3, s8;
	s6 =	sand.u32 $0x1FFFFFF0, s9;
	s8 =	spop (v2sf)  }
0x177: {  	[tilespmem:s7], [sflag:$0x1] =	stream.linear.gather [hbm4b:s0+s2], $0x80, $0x38;
	(v2sf) =	vpush v0, $0xE;
	[tilespmem:$0xA200] =	vst v63  }
0x178: {  	s0 =	sadd.s32 s3, s1;
	s1 =	sand.u32 $0x1FFFFFF0, s8;
	s7 =	spop (v2sf)  }
0x179: {  	[tilespmem:s4], [sflag:$0x1] =	stream.linear.gather [hbm4b:s0+s2], $0x80, $0x38;
	(v2sf) =	vpush v0, $0xF;
	[tilespmem:$0xA200] =	vst v63  }
0x17a: {  	s0 =	sadd.s32 s3, s6;
	s4 =	sand.u32 $0x1FFFFFF0, s7;
	s6 =	spop (v2sf)  }
0x17b: {  	[tilespmem:s31], [sflag:$0x1] =	stream.linear.gather [hbm4b:s0+s2], $0x80, $0x38;
	[tilespmem:$0xA200] =	vst v63  }
0x17c: {  	s0 =	sadd.s32 s3, s1;
	s1 =	sand.u32 $0x1FFFFFF0, s6;
	s6 =	spop (v2sf)  }
0x17d: {  	[tilespmem:s5], [sflag:$0x1] =	stream.linear.gather [hbm4b:s0+s2], $0x80, $0x38;
	[tilespmem:$0xA200] =	vst v63  }
0x17e: {  	s0 =	sadd.s32 s3, s4;
	s4 =	sand.u32 $0x1FFFFFF0, s6;
	s5 =	spop (v2sf)  }
0x17f: {  	[tilespmem:s29], [sflag:$0x1] =	stream.linear.gather [hbm4b:s0+s2], $0x80, $0x38;
	[tilespmem:$0xA200] =	vst v63  }
0x180: {  	s0 =	sadd.s32 s3, s1;
	s1 =	sand.u32 $0x1FFFFFF0, s5;
	s5 =	spop (v2sf)  }
0x181: {  	[tilespmem:s28], [sflag:$0x1] =	stream.linear.gather [hbm4b:s0+s2], $0x80, $0x38;
	[tilespmem:$0xA200] =	vst v63  }
0x182: {  	s0 =	sadd.s32 s3, s4;
	s4 =	sand.u32 $0x1FFFFFF0, s5;
	s5 =	spop (v2sf)  }
0x183: {  	[tilespmem:s30], [sflag:$0x1] =	stream.linear.gather [hbm4b:s0+s2], $0x80, $0x38;
	[tilespmem:$0xA200] =	vst v63  }
0x184: {  	s0 =	sadd.s32 s3, s1;
	s1 =	sand.u32 $0x1FFFFFF0, s5;
	s5 =	spop (v2sf)  }
0x185: {  	[tilespmem:s26], [sflag:$0x1] =	stream.linear.gather [hbm4b:s0+s2], $0x80, $0x38;
	[tilespmem:$0xA200] =	vst v63  }
0x186: {  	s0 =	sadd.s32 s3, s4;
	s4 =	sand.u32 $0x1FFFFFF0, s5;
	s5 =	spop (v2sf)  }
0x187: {  	[tilespmem:s25], [sflag:$0x1] =	stream.linear.gather [hbm4b:s0+s2], $0x80, $0x38;
	[tilespmem:$0xA200] =	vst v63  }
0x188: {  	s0 =	sadd.s32 s3, s1;
	s1 =	sand.u32 $0x1FFFFFF0, s5;
	s5 =	spop (v2sf)  }
0x189: {  	[tilespmem:s23], [sflag:$0x1] =	stream.linear.gather [hbm4b:s0+s2], $0x80, $0x38;
	[tilespmem:$0xA200] =	vst v63  }
0x18a: {  	s0 =	sadd.s32 s3, s4;
	s4 =	sand.u32 $0x1FFFFFF0, s5  }
0x18b: {  	[tilespmem:s24], [sflag:$0x1] =	stream.linear.gather [hbm4b:s0+s2], $0x80, $0x38;
	[tilespmem:$0xA200] =	vst v63  }
0x18c: {  	s1 =	sadd.s32 s3, s1;
	s0 =	sadd.s32 $0x900, s19  }
0x18d: {  	[tilespmem:s0], [sflag:$0x1] =	stream.linear.gather [hbm4b:s1+s2], $0x80, $0x38;
	[tilespmem:$0xA200] =	vst v63  }
0x18e: {  	s0 =	sadd.s32 $0x980, s19;
	s1 =	sadd.s32 s3, s4  }
0x18f: {  	[tilespmem:s0], [sflag:$0x1] =	stream.linear.gather [hbm4b:s1+s2], $0x80, $0x38;
	[tilespmem:$0xA200] =	vst v63  }
0x190: {  	v0 =	vld [tilespmem:s20+$0x0];
	_ =	sdelay $0x4  }
0x191: {  	v0 =	vshll.u32 v0, $0x4  }
0x192: {  	(v2sf) =	vpush v0, $0x0  }
0x193: {  	(v2sf) =	vpush v0, $0x1  }
0x194: {  	(v2sf) =	vpush v0, $0x2;
	_ =	sdelay $0x1  }
0x195: {  	(v2sf) =	vpush v0, $0x4  }
.Ltmp4:
0x196: {  	(pc) =	sbr.rel @p0 .LBB2_10-.Ltmp4, $3  }
0x197: {  	(v2sf) =	vpush v0, $0x3  }
0x198: {  	(v2sf) =	vpush v0, $0x5;
	_ =	sdelay $0x1  }
0x199: {  	s19 =	sshra.s32 s22, $0x2;
	(v2sf) =	vpush v0, $0x6  }
0x19a: {  	_ =	sdelay $0x1  }
0x19b: {  	s0 =	sadd.s32 $0x280, s19;
	s22 =	sadd.s32 $0x780, s19  }
0x19c: {  	s1 =	sadd.s32 $0x580, s19;
	s20 =	sadd.s32 $0x800, s19;
	(v2sf) =	vpush v0, $0x7;
	s4 =	sadd.s32 $0x480, s19  }
0x19d: {  	s5 =	sadd.s32 $0x600, s19;
	s21 =	sadd.s32 $0x880, s19;
	s6 =	sadd.s32 $0x200, s19  }
0x19e: {  	s7 =	sadd.s32 $0x400, s19;
	s8 =	sadd.s32 $0x500, s19;
	(v2sf) =	vpush v0, $0x8;
	s9 =	spop (v2sf)  }
0x19f: {  	s23 =	sadd.s32 $0x300, s19;
	s9 =	sand.u32 $0x1FFFFFF0, s9;
	s24 =	spop (v2sf)  }
0x1a0: {  	(v2sf) =	vpush v0, $0x9;
	s9 =	sadd.s32 s3, s9;
	s24 =	sand.u32 $0x1FFFFFF0, s24;
	s25 =	spop (v2sf)  }
0x1a1: {  	[tilespmem:s6], [sflag:$0x1] =	stream.linear.gather [hbm4b:s9+s2], $0x80, $0x38;
	[tilespmem:$0xA200] =	vst v63  }
0x1a2: {  	s26 =	sadd.s32 $0x380, s19;
	(v2sf) =	vpush v0, $0xA;
	s30 =	sadd.s32 s3, s24;
	s31 =	spop (v2sf)  }
0x1a3: {  	[tilespmem:s0], [sflag:$0x1] =	stream.linear.gather [hbm4b:s30+s2], $0x80, $0x38;
	[tilespmem:$0xA200] =	vst v63  }
0x1a4: {  	s6 =	sadd.s32 $0x700, s19;
	s28 =	sand.u32 $0x1FFFFFF0, s25;
	(v2sf) =	vpush v0, $0xB;
	s29 =	spop (v2sf)  }
0x1a5: {  	s9 =	sadd.s32 s3, s28;
	s0 =	sadd.s32 $0x680, s19;
	s25 =	sand.u32 $0x1FFFFFF0, s29  }
0x1a6: {  	(v2sf) =	vpush v0, $0xC;
	[tilespmem:s23], [sflag:$0x1] =	stream.linear.gather [hbm4b:s9+s2], $0x80, $0x38;
	[tilespmem:$0xA200] =	vst v63  }
0x1a7: {  	s30 =	sand.u32 $0x1FFFFFF0, s31;
	s31 =	spop (v2sf);
	s28 =	sadd.s32 s3, s25  }
0x1a8: {  	(v2sf) =	vpush v0, $0xD;
	[tilespmem:s26], [sflag:$0x1] =	stream.linear.gather [hbm4b:s28+s2], $0x80, $0x38;
	[tilespmem:$0xA200] =	vst v63  }
0x1a9: {  	s9 =	sadd.s32 s3, s30;
	s23 =	sand.u32 $0x1FFFFFF0, s31;
	s29 =	spop (v2sf)  }
0x1aa: {  	(v2sf) =	vpush v0, $0xE;
	[tilespmem:s7], [sflag:$0x1] =	stream.linear.gather [hbm4b:s9+s2], $0x80, $0x38;
	[tilespmem:$0xA200] =	vst v63  }
0x1ab: {  	s23 =	sadd.s32 s3, s23;
	s30 =	sand.u32 $0x1FFFFFF0, s29;
	s31 =	spop (v2sf)  }
0x1ac: {  	(v2sf) =	vpush v0, $0xF;
	[tilespmem:s4], [sflag:$0x1] =	stream.linear.gather [hbm4b:s23+s2], $0x80, $0x38;
	[tilespmem:$0xA200] =	vst v63  }
0x1ad: {  	s24 =	sand.u32 $0x1FFFFFF0, s31;
	s25 =	spop (v2sf);
	s7 =	sadd.s32 s3, s30  }
0x1ae: {  	[tilespmem:s8], [sflag:$0x1] =	stream.linear.gather [hbm4b:s7+s2], $0x80, $0x38;
	[tilespmem:$0xA200] =	vst v63  }
0x1af: {  	s26 =	sand.u32 $0x1FFFFFF0, s25;
	s4 =	sadd.s32 s3, s24;
	s28 =	spop (v2sf)  }
0x1b0: {  	[tilespmem:s1], [sflag:$0x1] =	stream.linear.gather [hbm4b:s4+s2], $0x80, $0x38;
	[tilespmem:$0xA200] =	vst v63  }
0x1b1: {  	s7 =	sadd.s32 s3, s26;
	s29 =	sand.u32 $0x1FFFFFF0, s28;
	s30 =	spop (v2sf)  }
0x1b2: {  	[tilespmem:s5], [sflag:$0x1] =	stream.linear.gather [hbm4b:s7+s2], $0x80, $0x38;
	[tilespmem:$0xA200] =	vst v63  }
0x1b3: {  	s4 =	sand.u32 $0x1FFFFFF0, s30;
	s1 =	sadd.s32 s3, s29;
	s31 =	spop (v2sf)  }
0x1b4: {  	[tilespmem:s0], [sflag:$0x1] =	stream.linear.gather [hbm4b:s1+s2], $0x80, $0x38;
	[tilespmem:$0xA200] =	vst v63  }
0x1b5: {  	s4 =	sadd.s32 s3, s4;
	s7 =	sand.u32 $0x1FFFFFF0, s31;
	s8 =	spop (v2sf)  }
0x1b6: {  	[tilespmem:s6], [sflag:$0x1] =	stream.linear.gather [hbm4b:s4+s2], $0x80, $0x38;
	[tilespmem:$0xA200] =	vst v63  }
0x1b7: {  	s0 =	sadd.s32 s3, s7;
	s1 =	sand.u32 $0x1FFFFFF0, s8;
	s9 =	spop (v2sf)  }
0x1b8: {  	[tilespmem:s22], [sflag:$0x1] =	stream.linear.gather [hbm4b:s0+s2], $0x80, $0x38;
	[tilespmem:$0xA200] =	vst v63  }
0x1b9: {  	s1 =	sadd.s32 s3, s1;
	s23 =	spop (v2sf);
	s22 =	sand.u32 $0x1FFFFFF0, s9  }
0x1ba: {  	[tilespmem:s20], [sflag:$0x1] =	stream.linear.gather [hbm4b:s1+s2], $0x80, $0x38;
	[tilespmem:$0xA200] =	vst v63  }
0x1bb: {  	s24 =	sand.u32 $0x1FFFFFF0, s23;
	s25 =	spop (v2sf);
	s0 =	sadd.s32 s3, s22  }
0x1bc: {  	[tilespmem:s21], [sflag:$0x1] =	stream.linear.gather [hbm4b:s0+s2], $0x80, $0x38;
	[tilespmem:$0xA200] =	vst v63  }
0x1bd: {  	s28 =	sadd.s32 $0x900, s19;
	s26 =	sand.u32 $0x1FFFFFF0, s25;
	s1 =	sadd.s32 s3, s24  }
0x1be: {  	[tilespmem:s28], [sflag:$0x1] =	stream.linear.gather [hbm4b:s1+s2], $0x80, $0x38;
	[tilespmem:$0xA200] =	vst v63  }
0x1bf: {  	s29 =	sadd.s32 $0x980, s19;
	s0 =	sadd.s32 s3, s26  }
0x1c0: {  	[tilespmem:s29], [sflag:$0x1] =	stream.linear.gather [hbm4b:s0+s2], $0x80, $0x38;
	[tilespmem:$0xA200] =	vst v63  }
0x1c1: {  	s30 =	simm.s32 $0x0;
	s31 =	rddreg [dreg:$0x9]  }
0x1c2: {  	[tilespmem:s15], [sflag:$0x1] =	stream.linear.gather [hbm4b:s31+s30], $0x2000, $0x38;
	[tilespmem:$0xA200] =	vst v63  }
0x1c3: {  	_ =	swait.ge [sflag:s16], $0x2000  }
0x1c4: {  	[sflag:s16] =	ssyncset.done $0x0  }
0x1c5: {  	[sflag:s16] =	ssyncadd.s32 $0xFFFFE000  }
0x1c6: {  	_ =	swait.ge [sflag:s16], $0x4000  }
0x1c7: {  	[sflag:s16] =	ssyncset.done $0x0  }
0x1c8: {  	s19 =	simm.s32 $0x0;
	[sflag:s16] =	ssyncadd.s32 $0xFFFFC000  }
0x1c9: {  	s20 =	simm.s32 $0x4240;
	s21 =	simm.s32 $0x400;
	v0 =	vld [tilespmem:s19+$0x200]  }
.LBB2_12:
0x1ca: {  	p0 =	sne.s32 s21, $0xFC00;
	v1 =	vld [tilespmem:s20+$0xFFFFFFC0];
	_ =	sdelay $0x4  }
0x1cb: {  	v0 =	vadd.f32 v1, v0;
	_ =	sdelay $0x1  }
0x1cc: {  	[tilespmem:s19+$0x6200] =	vst v0;
	v0 =	vld [tilespmem:s19+$0x210]  }
0x1cd: {  	v1 =	vld [tilespmem:s20+$0xFFFFFFD0];
	_ =	sdelay $0x4  }
0x1ce: {  	v0 =	vadd.f32 v1, v0;
	_ =	sdelay $0x1  }
0x1cf: {  	[tilespmem:s19+$0x6210] =	vst v0;
	v0 =	vld [tilespmem:s19+$0x220]  }
0x1d0: {  	v1 =	vld [tilespmem:s20+$0xFFFFFFE0];
	_ =	sdelay $0x4  }
0x1d1: {  	v0 =	vadd.f32 v1, v0;
	_ =	sdelay $0x1  }
0x1d2: {  	[tilespmem:s19+$0x6220] =	vst v0;
	v0 =	vld [tilespmem:s19+$0x230]  }
0x1d3: {  	v1 =	vld [tilespmem:s20+$0xFFFFFFF0];
	_ =	sdelay $0x4  }
0x1d4: {  	v0 =	vadd.f32 v1, v0;
	_ =	sdelay $0x1  }
0x1d5: {  	[tilespmem:s19+$0x6230] =	vst v0;
	v0 =	vld [tilespmem:s19+$0x280]  }
0x1d6: {  	v1 =	vld [tilespmem:s20+$0x0];
	_ =	sdelay $0x4  }
0x1d7: {  	v0 =	vadd.f32 v1, v0;
	_ =	sdelay $0x1  }
0x1d8: {  	[tilespmem:s19+$0x6280] =	vst v0;
	v0 =	vld [tilespmem:s19+$0x290]  }
0x1d9: {  	v1 =	vld [tilespmem:s20+$0x10];
	_ =	sdelay $0x4  }
0x1da: {  	v0 =	vadd.f32 v1, v0;
	_ =	sdelay $0x1  }
0x1db: {  	[tilespmem:s19+$0x6290] =	vst v0;
	v0 =	vld [tilespmem:s19+$0x2A0]  }
0x1dc: {  	v1 =	vld [tilespmem:s20+$0x20];
	_ =	sdelay $0x4  }
0x1dd: {  	v0 =	vadd.f32 v1, v0;
	_ =	sdelay $0x1  }
0x1de: {  	[tilespmem:s19+$0x62A0] =	vst v0;
	v0 =	vld [tilespmem:s19+$0x2B0]  }
0x1df: {  	v1 =	vld [tilespmem:s20+$0x30];
	_ =	sdelay $0x2  }
.Ltmp5:
0x1e0: {  	(pc) =	sbr.rel @p0 .LBB2_12-.Ltmp5, $4  }
0x1e1: {  	_ = 	snop  }
0x1e2: {  	v1 =	vadd.f32 v1, v0  }
0x1e3: {  	s0 =	sshra.s32 s21, $0x2  }
0x1e4: {  	s21 =	sadd.s32 $0x400, s21;
	s20 =	sadd.s32 $0x80, s20;
	v0 =	vld [tilespmem:s0+$0x200];
	[tilespmem:s19+$0x62B0] =	vst v1;
	s19 =	smov.u32 s0  }
0x1e5: {  	v1 =	vld [tilespmem:s20+$0xFFFFFFC0];
	_ =	sdelay $0x4  }
0x1e6: {  	v0 =	vadd.f32 v1, v0;
	_ =	sdelay $0x1  }
0x1e7: {  	[tilespmem:s19+$0x6200] =	vst v0;
	v0 =	vld [tilespmem:s19+$0x210]  }
0x1e8: {  	v1 =	vld [tilespmem:s20+$0xFFFFFFD0];
	_ =	sdelay $0x4  }
0x1e9: {  	v0 =	vadd.f32 v1, v0;
	_ =	sdelay $0x1  }
0x1ea: {  	[tilespmem:s19+$0x6210] =	vst v0;
	v0 =	vld [tilespmem:s19+$0x220]  }
0x1eb: {  	v1 =	vld [tilespmem:s20+$0xFFFFFFE0];
	_ =	sdelay $0x4  }
0x1ec: {  	v0 =	vadd.f32 v1, v0;
	_ =	sdelay $0x1  }
0x1ed: {  	[tilespmem:s19+$0x6220] =	vst v0;
	v0 =	vld [tilespmem:s19+$0x230]  }
0x1ee: {  	v1 =	vld [tilespmem:s20+$0xFFFFFFF0];
	_ =	sdelay $0x4  }
0x1ef: {  	v0 =	vadd.f32 v1, v0;
	_ =	sdelay $0x1  }
0x1f0: {  	[tilespmem:s19+$0x6230] =	vst v0;
	v0 =	vld [tilespmem:s19+$0x280]  }
0x1f1: {  	v1 =	vld [tilespmem:s20+$0x0];
	_ =	sdelay $0x4  }
0x1f2: {  	v0 =	vadd.f32 v1, v0;
	_ =	sdelay $0x1  }
0x1f3: {  	[tilespmem:s19+$0x6280] =	vst v0;
	v0 =	vld [tilespmem:s19+$0x290]  }
0x1f4: {  	v1 =	vld [tilespmem:s20+$0x10];
	_ =	sdelay $0x4  }
0x1f5: {  	v0 =	vadd.f32 v1, v0;
	_ =	sdelay $0x1  }
0x1f6: {  	[tilespmem:s19+$0x6290] =	vst v0;
	v0 =	vld [tilespmem:s19+$0x2A0]  }
0x1f7: {  	v1 =	vld [tilespmem:s20+$0x20];
	_ =	sdelay $0x4  }
0x1f8: {  	v0 =	vadd.f32 v1, v0;
	_ =	sdelay $0x1  }
0x1f9: {  	[tilespmem:s19+$0x62A0] =	vst v0;
	v0 =	vld [tilespmem:s19+$0x2B0]  }
0x1fa: {  	v1 =	vld [tilespmem:s20+$0x30];
	_ =	sdelay $0x4  }
0x1fb: {  	v0 =	vadd.f32 v1, v0;
	_ =	sdelay $0x1  }
0x1fc: {  	s0 =	simm.s32 $0x0;
	[tilespmem:s19+$0x62B0] =	vst v0  }
0x1fd: {  	[hbm4b:s10+s0] =	stream.linear.scatter [tilespmem:s17], [sflag:$0x2], $0x4000, $0x38;
	[tilespmem:$0xA200] =	vst v63  }
0x1fe: {  	_ =	swait.ge [sflag:s14], $0x4000  }
0x1ff: {  	[sflag:s14] =	ssyncset.done $0x0  }
0x200: {  	s20 =	simm.s32 $0x180;
	[sflag:s14] =	ssyncadd.s32 $0xFFFFC000  }
0x201: {  	v0 =	vld [tilespmem:s20+$0x0];
	_ =	sdelay $0x4  }
0x202: {  	v0 =	vshll.u32 v0, $0x4  }
0x203: {  	(v2sf) =	vpush v0, $0x0  }
0x204: {  	(v2sf) =	vpush v0, $0x1  }
0x205: {  	(v2sf) =	vpush v0, $0x2;
	_ =	sdelay $0x1  }
0x206: {  	(v2sf) =	vpush v0, $0x4;
	_ =	sdelay $0x1  }
0x207: {  	(v2sf) =	vpush v0, $0x3  }
0x208: {  	(v2sf) =	vpush v0, $0x5  }
0x209: {  	s21 =	simm.s32 $0x2000;
	s19 =	simm.s32 $0x0;
	(v2sf) =	vpush v0, $0x6  }
.LBB2_14:
0x20a: {  	p0 =	sne.s32 s21, $0xE000  }
0x20b: {  	s0 =	sadd.s32 $0x280, s19;
	s25 =	sadd.s32 $0x780, s19;
	s22 =	smov.u32 s21  }
0x20c: {  	s21 =	sadd.s32 $0x2000, s21;
	s29 =	sadd.s32 $0x580, s19;
	s23 =	sadd.s32 $0x800, s19;
	(v2sf) =	vpush v0, $0x7  }
0x20d: {  	s31 =	sadd.s32 $0x480, s19;
	s28 =	sadd.s32 $0x600, s19;
	s24 =	sadd.s32 $0x880, s19  }
0x20e: {  	s1 =	sadd.s32 $0x200, s19;
	s4 =	sadd.s32 $0x400, s19;
	(v2sf) =	vpush v0, $0x8  }
0x20f: {  	s5 =	sadd.s32 $0x500, s19;
	s20 =	sadd.s32 $0x10, s20  }
0x210: {  	s6 =	sadd.s32 $0x300, s19;
	s26 =	sadd.s32 $0x700, s19;
	s7 =	spop (v2sf);
	(v2sf) =	vpush v0, $0x9  }
0x211: {  	s30 =	sadd.s32 $0x680, s19;
	s7 =	sand.u32 $0x1FFFFFF0, s7;
	s8 =	spop (v2sf)  }
0x212: {  	s7 =	sadd.s32 s3, s7;
	s8 =	sand.u32 $0x1FFFFFF0, s8;
	s9 =	spop (v2sf);
	(v2sf) =	vpush v0, $0xA  }
0x213: {  	[tilespmem:s1], [sflag:$0x1] =	stream.linear.gather [hbm4b:s7+s2], $0x80, $0x38;
	[tilespmem:$0xA200] =	vst v63  }
0x214: {  	s1 =	sadd.s32 s3, s8;
	s7 =	sadd.s32 $0x380, s19;
	s8 =	spop (v2sf);
	(v2sf) =	vpush v0, $0xB  }
0x215: {  	[tilespmem:s0], [sflag:$0x1] =	stream.linear.gather [hbm4b:s1+s2], $0x80, $0x38;
	[tilespmem:$0xA200] =	vst v63  }
0x216: {  	s0 =	sand.u32 $0x1FFFFFF0, s9;
	s1 =	sand.u32 $0x1FFFFFF0, s8;
	s8 =	spop (v2sf);
	(v2sf) =	vpush v0, $0xC  }
0x217: {  	s0 =	sadd.s32 s3, s0;
	s8 =	sand.u32 $0x1FFFFFF0, s8;
	s9 =	spop (v2sf)  }
0x218: {  	[tilespmem:s6], [sflag:$0x1] =	stream.linear.gather [hbm4b:s0+s2], $0x80, $0x38;
	(v2sf) =	vpush v0, $0xD;
	[tilespmem:$0xA200] =	vst v63  }
0x219: {  	s0 =	sadd.s32 s3, s8;
	s6 =	sand.u32 $0x1FFFFFF0, s9;
	s8 =	spop (v2sf)  }
0x21a: {  	[tilespmem:s7], [sflag:$0x1] =	stream.linear.gather [hbm4b:s0+s2], $0x80, $0x38;
	(v2sf) =	vpush v0, $0xE;
	[tilespmem:$0xA200] =	vst v63  }
0x21b: {  	s0 =	sadd.s32 s3, s1;
	s1 =	sand.u32 $0x1FFFFFF0, s8;
	s7 =	spop (v2sf)  }
0x21c: {  	[tilespmem:s4], [sflag:$0x1] =	stream.linear.gather [hbm4b:s0+s2], $0x80, $0x38;
	(v2sf) =	vpush v0, $0xF;
	[tilespmem:$0xA200] =	vst v63  }
0x21d: {  	s0 =	sadd.s32 s3, s6;
	s4 =	sand.u32 $0x1FFFFFF0, s7;
	s6 =	spop (v2sf)  }
0x21e: {  	[tilespmem:s31], [sflag:$0x1] =	stream.linear.gather [hbm4b:s0+s2], $0x80, $0x38;
	[tilespmem:$0xA200] =	vst v63  }
0x21f: {  	s0 =	sadd.s32 s3, s1;
	s1 =	sand.u32 $0x1FFFFFF0, s6;
	s6 =	spop (v2sf)  }
0x220: {  	[tilespmem:s5], [sflag:$0x1] =	stream.linear.gather [hbm4b:s0+s2], $0x80, $0x38;
	[tilespmem:$0xA200] =	vst v63  }
0x221: {  	s0 =	sadd.s32 s3, s4;
	s4 =	sand.u32 $0x1FFFFFF0, s6;
	s5 =	spop (v2sf)  }
0x222: {  	[tilespmem:s29], [sflag:$0x1] =	stream.linear.gather [hbm4b:s0+s2], $0x80, $0x38;
	[tilespmem:$0xA200] =	vst v63  }
0x223: {  	s0 =	sadd.s32 s3, s1;
	s1 =	sand.u32 $0x1FFFFFF0, s5;
	s5 =	spop (v2sf)  }
0x224: {  	[tilespmem:s28], [sflag:$0x1] =	stream.linear.gather [hbm4b:s0+s2], $0x80, $0x38;
	[tilespmem:$0xA200] =	vst v63  }
0x225: {  	s0 =	sadd.s32 s3, s4;
	s4 =	sand.u32 $0x1FFFFFF0, s5;
	s5 =	spop (v2sf)  }
0x226: {  	[tilespmem:s30], [sflag:$0x1] =	stream.linear.gather [hbm4b:s0+s2], $0x80, $0x38;
	[tilespmem:$0xA200] =	vst v63  }
0x227: {  	s0 =	sadd.s32 s3, s1;
	s1 =	sand.u32 $0x1FFFFFF0, s5;
	s5 =	spop (v2sf)  }
0x228: {  	[tilespmem:s26], [sflag:$0x1] =	stream.linear.gather [hbm4b:s0+s2], $0x80, $0x38;
	[tilespmem:$0xA200] =	vst v63  }
0x229: {  	s0 =	sadd.s32 s3, s4;
	s4 =	sand.u32 $0x1FFFFFF0, s5;
	s5 =	spop (v2sf)  }
0x22a: {  	[tilespmem:s25], [sflag:$0x1] =	stream.linear.gather [hbm4b:s0+s2], $0x80, $0x38;
	[tilespmem:$0xA200] =	vst v63  }
0x22b: {  	s0 =	sadd.s32 s3, s1;
	s1 =	sand.u32 $0x1FFFFFF0, s5;
	s5 =	spop (v2sf)  }
0x22c: {  	[tilespmem:s23], [sflag:$0x1] =	stream.linear.gather [hbm4b:s0+s2], $0x80, $0x38;
	[tilespmem:$0xA200] =	vst v63  }
0x22d: {  	s0 =	sadd.s32 s3, s4;
	s4 =	sand.u32 $0x1FFFFFF0, s5  }
0x22e: {  	[tilespmem:s24], [sflag:$0x1] =	stream.linear.gather [hbm4b:s0+s2], $0x80, $0x38;
	[tilespmem:$0xA200] =	vst v63  }
0x22f: {  	s1 =	sadd.s32 s3, s1;
	s0 =	sadd.s32 $0x900, s19  }
0x230: {  	[tilespmem:s0], [sflag:$0x1] =	stream.linear.gather [hbm4b:s1+s2], $0x80, $0x38;
	[tilespmem:$0xA200] =	vst v63  }
0x231: {  	s0 =	sadd.s32 $0x980, s19;
	s1 =	sadd.s32 s3, s4  }
0x232: {  	[tilespmem:s0], [sflag:$0x1] =	stream.linear.gather [hbm4b:s1+s2], $0x80, $0x38;
	[tilespmem:$0xA200] =	vst v63  }
0x233: {  	v0 =	vld [tilespmem:s20+$0x0];
	_ =	sdelay $0x4  }
0x234: {  	v0 =	vshll.u32 v0, $0x4  }
0x235: {  	(v2sf) =	vpush v0, $0x0  }
0x236: {  	(v2sf) =	vpush v0, $0x1  }
0x237: {  	(v2sf) =	vpush v0, $0x2;
	_ =	sdelay $0x1  }
0x238: {  	(v2sf) =	vpush v0, $0x4  }
.Ltmp6:
0x239: {  	(pc) =	sbr.rel @p0 .LBB2_14-.Ltmp6, $3  }
0x23a: {  	(v2sf) =	vpush v0, $0x3  }
0x23b: {  	(v2sf) =	vpush v0, $0x5;
	_ =	sdelay $0x1  }
0x23c: {  	s19 =	sshra.s32 s22, $0x2;
	(v2sf) =	vpush v0, $0x6  }
0x23d: {  	_ =	sdelay $0x1  }
0x23e: {  	s0 =	sadd.s32 $0x280, s19;
	s22 =	sadd.s32 $0x780, s19  }
0x23f: {  	s1 =	sadd.s32 $0x580, s19;
	s20 =	sadd.s32 $0x800, s19;
	(v2sf) =	vpush v0, $0x7;
	s4 =	sadd.s32 $0x480, s19  }
0x240: {  	s5 =	sadd.s32 $0x600, s19;
	s21 =	sadd.s32 $0x880, s19;
	s6 =	sadd.s32 $0x200, s19  }
0x241: {  	s7 =	sadd.s32 $0x400, s19;
	s8 =	sadd.s32 $0x500, s19;
	(v2sf) =	vpush v0, $0x8;
	s9 =	spop (v2sf)  }
0x242: {  	s23 =	sadd.s32 $0x300, s19;
	s9 =	sand.u32 $0x1FFFFFF0, s9;
	s24 =	spop (v2sf)  }
0x243: {  	(v2sf) =	vpush v0, $0x9;
	s9 =	sadd.s32 s3, s9;
	s24 =	sand.u32 $0x1FFFFFF0, s24;
	s25 =	spop (v2sf)  }
0x244: {  	[tilespmem:s6], [sflag:$0x1] =	stream.linear.gather [hbm4b:s9+s2], $0x80, $0x38;
	[tilespmem:$0xA200] =	vst v63  }
0x245: {  	s26 =	sadd.s32 $0x380, s19;
	(v2sf) =	vpush v0, $0xA;
	s30 =	sadd.s32 s3, s24;
	s31 =	spop (v2sf)  }
0x246: {  	[tilespmem:s0], [sflag:$0x1] =	stream.linear.gather [hbm4b:s30+s2], $0x80, $0x38;
	[tilespmem:$0xA200] =	vst v63  }
0x247: {  	s6 =	sadd.s32 $0x700, s19;
	s28 =	sand.u32 $0x1FFFFFF0, s25;
	(v2sf) =	vpush v0, $0xB;
	s29 =	spop (v2sf)  }
0x248: {  	s9 =	sadd.s32 s3, s28;
	s0 =	sadd.s32 $0x680, s19;
	s25 =	sand.u32 $0x1FFFFFF0, s29  }
0x249: {  	(v2sf) =	vpush v0, $0xC;
	[tilespmem:s23], [sflag:$0x1] =	stream.linear.gather [hbm4b:s9+s2], $0x80, $0x38;
	[tilespmem:$0xA200] =	vst v63  }
0x24a: {  	s30 =	sand.u32 $0x1FFFFFF0, s31;
	s31 =	spop (v2sf);
	s28 =	sadd.s32 s3, s25  }
0x24b: {  	(v2sf) =	vpush v0, $0xD;
	[tilespmem:s26], [sflag:$0x1] =	stream.linear.gather [hbm4b:s28+s2], $0x80, $0x38;
	[tilespmem:$0xA200] =	vst v63  }
0x24c: {  	s9 =	sadd.s32 s3, s30;
	s23 =	sand.u32 $0x1FFFFFF0, s31;
	s29 =	spop (v2sf)  }
0x24d: {  	(v2sf) =	vpush v0, $0xE;
	[tilespmem:s7], [sflag:$0x1] =	stream.linear.gather [hbm4b:s9+s2], $0x80, $0x38;
	[tilespmem:$0xA200] =	vst v63  }
0x24e: {  	s23 =	sadd.s32 s3, s23;
	s30 =	sand.u32 $0x1FFFFFF0, s29;
	s31 =	spop (v2sf)  }
0x24f: {  	(v2sf) =	vpush v0, $0xF;
	[tilespmem:s4], [sflag:$0x1] =	stream.linear.gather [hbm4b:s23+s2], $0x80, $0x38;
	[tilespmem:$0xA200] =	vst v63  }
0x250: {  	s24 =	sand.u32 $0x1FFFFFF0, s31;
	s25 =	spop (v2sf);
	s7 =	sadd.s32 s3, s30  }
0x251: {  	[tilespmem:s8], [sflag:$0x1] =	stream.linear.gather [hbm4b:s7+s2], $0x80, $0x38;
	[tilespmem:$0xA200] =	vst v63  }
0x252: {  	s26 =	sand.u32 $0x1FFFFFF0, s25;
	s4 =	sadd.s32 s3, s24;
	s28 =	spop (v2sf)  }
0x253: {  	[tilespmem:s1], [sflag:$0x1] =	stream.linear.gather [hbm4b:s4+s2], $0x80, $0x38;
	[tilespmem:$0xA200] =	vst v63  }
0x254: {  	s7 =	sadd.s32 s3, s26;
	s29 =	sand.u32 $0x1FFFFFF0, s28;
	s30 =	spop (v2sf)  }
0x255: {  	[tilespmem:s5], [sflag:$0x1] =	stream.linear.gather [hbm4b:s7+s2], $0x80, $0x38;
	[tilespmem:$0xA200] =	vst v63  }
0x256: {  	s4 =	sand.u32 $0x1FFFFFF0, s30;
	s1 =	sadd.s32 s3, s29;
	s31 =	spop (v2sf)  }
0x257: {  	[tilespmem:s0], [sflag:$0x1] =	stream.linear.gather [hbm4b:s1+s2], $0x80, $0x38;
	[tilespmem:$0xA200] =	vst v63  }
0x258: {  	s4 =	sadd.s32 s3, s4;
	s7 =	sand.u32 $0x1FFFFFF0, s31;
	s8 =	spop (v2sf)  }
0x259: {  	[tilespmem:s6], [sflag:$0x1] =	stream.linear.gather [hbm4b:s4+s2], $0x80, $0x38;
	[tilespmem:$0xA200] =	vst v63  }
0x25a: {  	s0 =	sadd.s32 s3, s7;
	s1 =	sand.u32 $0x1FFFFFF0, s8;
	s9 =	spop (v2sf)  }
0x25b: {  	[tilespmem:s22], [sflag:$0x1] =	stream.linear.gather [hbm4b:s0+s2], $0x80, $0x38;
	[tilespmem:$0xA200] =	vst v63  }
0x25c: {  	s23 =	sand.u32 $0x1FFFFFF0, s9;
	s1 =	sadd.s32 s3, s1;
	s24 =	spop (v2sf)  }
0x25d: {  	[tilespmem:s20], [sflag:$0x1] =	stream.linear.gather [hbm4b:s1+s2], $0x80, $0x38;
	[tilespmem:$0xA200] =	vst v63  }
0x25e: {  	s25 =	sand.u32 $0x1FFFFFF0, s24;
	s26 =	spop (v2sf);
	s0 =	sadd.s32 s3, s23  }
0x25f: {  	[tilespmem:s21], [sflag:$0x1] =	stream.linear.gather [hbm4b:s0+s2], $0x80, $0x38;
	[tilespmem:$0xA200] =	vst v63  }
0x260: {  	s29 =	sadd.s32 $0x900, s19;
	s28 =	sand.u32 $0x1FFFFFF0, s26;
	s1 =	sadd.s32 s3, s25  }
0x261: {  	[tilespmem:s29], [sflag:$0x1] =	stream.linear.gather [hbm4b:s1+s2], $0x80, $0x38;
	[tilespmem:$0xA200] =	vst v63  }
0x262: {  	s30 =	sadd.s32 $0x980, s19;
	s0 =	sadd.s32 s3, s28  }
0x263: {  	[tilespmem:s30], [sflag:$0x1] =	stream.linear.gather [hbm4b:s0+s2], $0x80, $0x38;
	[tilespmem:$0xA200] =	vst v63  }
0x264: {  	s31 =	simm.s32 $0x0  }
0x265: {  	[tilespmem:s15], [sflag:$0x1] =	stream.linear.gather [hbm4b:s11+s31], $0x2000, $0x38;
	[tilespmem:$0xA200] =	vst v63  }
0x266: {  	_ =	swait.ge [sflag:s16], $0x2000  }
0x267: {  	[sflag:s16] =	ssyncset.done $0x0  }
0x268: {  	[sflag:s16] =	ssyncadd.s32 $0xFFFFE000  }
0x269: {  	_ =	swait.ge [sflag:s16], $0x4000  }
0x26a: {  	[sflag:s16] =	ssyncset.done $0x0  }
0x26b: {  	s19 =	simm.s32 $0x0;
	[sflag:s16] =	ssyncadd.s32 $0xFFFFC000  }
0x26c: {  	s20 =	simm.s32 $0x4240;
	s21 =	simm.s32 $0x400;
	v0 =	vld [tilespmem:s19+$0x200]  }
.LBB2_16:
0x26d: {  	p0 =	sne.s32 s21, $0xFC00;
	v1 =	vld [tilespmem:s20+$0xFFFFFFC0];
	_ =	sdelay $0x4  }
0x26e: {  	v0 =	vadd.f32 v1, v0;
	_ =	sdelay $0x1  }
0x26f: {  	[tilespmem:s19+$0x6200] =	vst v0;
	v0 =	vld [tilespmem:s19+$0x210]  }
0x270: {  	v1 =	vld [tilespmem:s20+$0xFFFFFFD0];
	_ =	sdelay $0x4  }
0x271: {  	v0 =	vadd.f32 v1, v0;
	_ =	sdelay $0x1  }
0x272: {  	[tilespmem:s19+$0x6210] =	vst v0;
	v0 =	vld [tilespmem:s19+$0x220]  }
0x273: {  	v1 =	vld [tilespmem:s20+$0xFFFFFFE0];
	_ =	sdelay $0x4  }
0x274: {  	v0 =	vadd.f32 v1, v0;
	_ =	sdelay $0x1  }
0x275: {  	[tilespmem:s19+$0x6220] =	vst v0;
	v0 =	vld [tilespmem:s19+$0x230]  }
0x276: {  	v1 =	vld [tilespmem:s20+$0xFFFFFFF0];
	_ =	sdelay $0x4  }
0x277: {  	v0 =	vadd.f32 v1, v0;
	_ =	sdelay $0x1  }
0x278: {  	[tilespmem:s19+$0x6230] =	vst v0;
	v0 =	vld [tilespmem:s19+$0x280]  }
0x279: {  	v1 =	vld [tilespmem:s20+$0x0];
	_ =	sdelay $0x4  }
0x27a: {  	v0 =	vadd.f32 v1, v0;
	_ =	sdelay $0x1  }
0x27b: {  	[tilespmem:s19+$0x6280] =	vst v0;
	v0 =	vld [tilespmem:s19+$0x290]  }
0x27c: {  	v1 =	vld [tilespmem:s20+$0x10];
	_ =	sdelay $0x4  }
0x27d: {  	v0 =	vadd.f32 v1, v0;
	_ =	sdelay $0x1  }
0x27e: {  	[tilespmem:s19+$0x6290] =	vst v0;
	v0 =	vld [tilespmem:s19+$0x2A0]  }
0x27f: {  	v1 =	vld [tilespmem:s20+$0x20];
	_ =	sdelay $0x4  }
0x280: {  	v0 =	vadd.f32 v1, v0;
	_ =	sdelay $0x1  }
0x281: {  	[tilespmem:s19+$0x62A0] =	vst v0;
	v0 =	vld [tilespmem:s19+$0x2B0]  }
0x282: {  	v1 =	vld [tilespmem:s20+$0x30];
	_ =	sdelay $0x2  }
.Ltmp7:
0x283: {  	(pc) =	sbr.rel @p0 .LBB2_16-.Ltmp7, $4  }
0x284: {  	_ = 	snop  }
0x285: {  	v1 =	vadd.f32 v1, v0  }
0x286: {  	s0 =	sshra.s32 s21, $0x2  }
0x287: {  	s21 =	sadd.s32 $0x400, s21;
	s20 =	sadd.s32 $0x80, s20;
	v0 =	vld [tilespmem:s0+$0x200];
	[tilespmem:s19+$0x62B0] =	vst v1;
	s19 =	smov.u32 s0  }
0x288: {  	v1 =	vld [tilespmem:s20+$0xFFFFFFC0];
	_ =	sdelay $0x4  }
0x289: {  	v0 =	vadd.f32 v1, v0;
	_ =	sdelay $0x1  }
0x28a: {  	v50 =	vld [tilespmem:s19+$0x210];
	[tilespmem:s19+$0x6200] =	vst v0  }
0x28b: {  	v51 =	vld [tilespmem:s20+$0xFFFFFFD0];
	_ =	sdelay $0x4  }
0x28c: {  	v0 =	vadd.f32 v51, v50;
	_ =	sdelay $0x1  }
0x28d: {  	v52 =	vld [tilespmem:s19+$0x220];
	[tilespmem:s19+$0x6210] =	vst v0  }
0x28e: {  	v53 =	vld [tilespmem:s20+$0xFFFFFFE0];
	_ =	sdelay $0x4  }
0x28f: {  	v0 =	vadd.f32 v53, v52;
	_ =	sdelay $0x1  }
0x290: {  	v54 =	vld [tilespmem:s19+$0x230];
	[tilespmem:s19+$0x6220] =	vst v0  }
0x291: {  	v55 =	vld [tilespmem:s20+$0xFFFFFFF0];
	_ =	sdelay $0x4  }
0x292: {  	v0 =	vadd.f32 v55, v54;
	_ =	sdelay $0x1  }
0x293: {  	v56 =	vld [tilespmem:s19+$0x280];
	[tilespmem:s19+$0x6230] =	vst v0  }
0x294: {  	v57 =	vld [tilespmem:s20+$0x0];
	_ =	sdelay $0x4  }
0x295: {  	v0 =	vadd.f32 v57, v56;
	_ =	sdelay $0x1  }
0x296: {  	v58 =	vld [tilespmem:s19+$0x290];
	[tilespmem:s19+$0x6280] =	vst v0  }
0x297: {  	v59 =	vld [tilespmem:s20+$0x10];
	_ =	sdelay $0x4  }
0x298: {  	v0 =	vadd.f32 v59, v58;
	_ =	sdelay $0x1  }
0x299: {  	v60 =	vld [tilespmem:s19+$0x2A0];
	[tilespmem:s19+$0x6290] =	vst v0  }
0x29a: {  	v61 =	vld [tilespmem:s20+$0x20];
	_ =	sdelay $0x4  }
0x29b: {  	v0 =	vadd.f32 v61, v60;
	_ =	sdelay $0x1  }
0x29c: {  	v62 =	vld [tilespmem:s19+$0x2B0];
	[tilespmem:s19+$0x62A0] =	vst v0  }
0x29d: {  	v63 =	vld [tilespmem:s20+$0x30];
	_ =	sdelay $0x4  }
0x29e: {  	s18 =	sadd.s32 $0x1, s18;
	v0 =	vadd.f32 v63, v62  }
0x29f: {  	p0 =	sne.s32 s18, s13  }
.Ltmp8:
0x2a0: {  	[tilespmem:s19+$0x62B0] =	vst v0;
	(pc) =	sbr.rel @p0 .LBB2_1-.Ltmp8, $4  }
0x2a1: {  	[hbm4b:s12+s2] =	stream.linear.scatter [tilespmem:s17], [sflag:$0x2], $0x4000, $0x38;
	[tilespmem:$0xA200] =	vst v63  }
0x2a2: {  	_ =	swait.ge [sflag:s14], $0x4000  }
0x2a3: {  	[sflag:s14] =	ssyncset.done $0x0  }
0x2a4: {  	[sflag:s14] =	ssyncadd.s32 $0xFFFFC000  }
0x2a5: {  	_ =	sfence.sel $0x180000  }
0x2a6: {  	[bflag:$0x0] =	sbarrier.arrive $0xFFFF  }
0x2a7: {  	_ =	strace $0x9000004A  }
0x2a8: {  	s0 =	stileid.u32;
	[bflag:$0x2] =	sbarrier.arrive $0xFFFF  }
0x2a9: {  	p0 =	sne.s32 s0, $0x0;
	s0 =	rddreg [dreg:$0x3]  }
0x2aa: {  	s0 =	sadd.s32 @!p0 $0x100000, s0  }
0x2ab: {  	[sflag:s0] =	ssyncadd.tile.s32 @!p0 $0x1;
	_ =	shalt  }
.Lfunc_end2:
_tile_overlayer_lowered:
.L_overlay_start_2:
0x2ac: {  	(tag) =	ssettag $0x2  }
0x2ad: {  	s0 =	rddreg [dreg:$0x0];
	s2 =	stileid.u32  }
0x2ae: {  	s1 =	rddreg [dreg:$0x1];
	p0 =	sne.s32 s2, $0x0  }
0x2af: {  	s3 =	rddreg [dreg:$0x2];
	[bflag:$0x3] =	sbarrier.arrive $0xFFFF;
	s2 =	simm.s32 @!p0 $0x1C02  }
0x2b0: {  	[timem:s3], [sflag:s2] =	dma.local @!p0 [hbm:s0], s1  }
0x2b1: {  	s0 =	simm.s32 @!p0 $0x2  }
0x2b2: {  	_ =	swait.ge @!p0 [sflag:s0], s1  }
0x2b3: {  	s1 =	ssub.s32 @!p0 $0x0, s1;
	[sflag:s0] =	ssyncset.done @!p0 $0x0  }
0x2b4: {  	[sflag:s0] =	ssyncadd.s32 @!p0 s1  }
0x2b5: {  	[bflag:$0x3] =	sbarrier.arrive $0xFFFF  }
0x2b6: {  	_ =	shalt  }

</sc_bundles>
